<compile_context>
chip_gen: v7x
topology: tpu7x:2x2x1
jax: 0.10.2.dev20260603
libtpu: 0.0.44.dev20260713+nightly
codegen_flags: <defaults>
</compile_context>

<pallas_src>
import functools

import jax
import jax.numpy as jnp
from jax import lax
from jax.experimental import pallas as pl
from jax.experimental.pallas import tpu as pltpu
from jax.experimental.pallas import tpu_sc as plsc

N = 10000
E = 160000
F = 256
D1 = 512
D2 = 256
NSEG = 64

NC = 2
NS = 16
LANES = 16

PASSES = 5
HALF = 2048
NPAD = PASSES * HALF
ACCR = HALF
EPAD = 163840
BATCH = 128
NB_S = EPAD // NS // BATCH
CH = 16

RB = 1000

_f32 = jnp.float32
_i32 = jnp.int32


@functools.lru_cache(maxsize=None)
def _sc_mesh():
    return plsc.VectorSubcoreMesh(
        core_axis_name="c", subcore_axis_name="s",
        num_cores=NC, num_subcores=NS)


def _spmm_body(x_hbm, src_hbm, dst_hbm, ew_hbm, dinv_hbm, out_hbm,
               sbuf, dbuf, ewb, gidx, didxp, gidxp, norms, normsp, gidxf,
               didxf, dinvL, rows, acc, semga):
    c = lax.axis_index("c")
    s = lax.axis_index("s")
    pltpu.sync_copy(src_hbm.at[s], sbuf)
    pltpu.sync_copy(dst_hbm.at[s], dbuf)
    pltpu.sync_copy(ew_hbm.at[s], ewb)
    pltpu.sync_copy(dinv_hbm, dinvL)

    def _pre(b, _):
        for k in range(BATCH // LANES):
            sl = pl.ds(k * LANES, LANES)
            sv = sbuf[b, sl]
            dv = dbuf[b, sl]
            ev = ewb[b, sl]
            nv = plsc.load_gather(dinvL, [sv]) * ev * plsc.load_gather(dinvL, [dv])
            norms[pl.ds(b * BATCH + k * LANES, LANES)] = nv
            gidx[b, sl] = sv * 2 + c
        return 0
    lax.fori_loop(0, NB_S, _pre, 0)


    def _pass(p, _):
        def _compact(g, cnt):
            b = g // (BATCH // LANES)
            k = g - b * (BATCH // LANES)
            sl = pl.ds(k * LANES, LANES)
            fl = pl.ds(g * LANES, LANES)
            lv = dbuf[b, sl] - p * HALF
            inh = (lv >= 0) & (lv < HALF)
            plsc.store_compressed(didxf.at[pl.ds(cnt, LANES)], lv, mask=inh)
            plsc.store_compressed(gidxf.at[pl.ds(cnt, LANES)],
                                  gidx[b, sl], mask=inh)
            plsc.store_compressed(normsp.at[pl.ds(cnt, LANES)],
                                  norms[fl], mask=inh)
            npop = plsc.all_reduce_population_count(inh)
            return cnt + jnp.max(npop)
        cnt = lax.fori_loop(0, NB_S * BATCH // LANES, _compact, 0)
        nb_p = (cnt + BATCH - 1) // BATCH

        def _tail(i, _):
            fl = pl.ds(cnt + i * LANES, LANES)
            gidxf[fl] = jnp.zeros((LANES,), _i32)
            normsp[fl] = jnp.zeros((LANES,), _f32)
            didxf[fl] = jnp.zeros((LANES,), _i32)
            return 0
        lax.fori_loop(0, BATCH // LANES, _tail, 0)

        def _zrow(i, _):
            for k in range(8):
                rows[i, pl.ds(k * LANES, LANES)] = jnp.zeros((LANES,), _f32)
            return 0
        lax.fori_loop(0, 32, _zrow, 0)
        zbase = s * (ACCR // NS)

        def _zcp(i, _):
            pltpu.sync_copy(rows.at[pl.ds(0, 32)],
                            acc.at[pl.ds(zbase + i * 32, 32)])
            return 0
        lax.fori_loop(0, ACCR // NS // 32, _zcp, 0)
        plsc.subcore_barrier()

        nq = (nb_p + CH - 1) // CH

        def _chunk(q, _):
            cbase = q * CH
            ncb = jnp.minimum(nb_p - cbase, CH)

            def _relay(bb, _):
                b = cbase + bb
                for k in range(BATCH // LANES):
                    sl = pl.ds(k * LANES, LANES)
                    fl = pl.ds(b * BATCH + k * LANES, LANES)
                    didxp[bb, sl] = didxf[fl]
                    gidxp[bb, sl] = gidxf[fl]
                return 0
            lax.fori_loop(0, ncb, _relay, 0)

            def _batch(bb, _):
                pltpu.async_copy(x_hbm.at[gidxp.at[bb]], rows, semga).wait()
                ebase = (cbase + bb) * BATCH

                def _edge8(jj, _):
                    j0 = jj * 8
                    sps = [plsc.load_gather(
                        normsp, [jnp.full((LANES,), ebase + j0 + e, _i32)])
                        for e in range(8)]
                    for e in range(8):
                        for k in range(8):
                            sl = pl.ds(k * LANES, LANES)
                            rows[j0 + e, sl] = rows[j0 + e, sl] * sps[e]
                    return 0
                lax.fori_loop(0, BATCH // 8, _edge8, 0)
                pltpu.sync_copy(rows, acc.at[didxp.at[bb]], add=True)
                return 0
            lax.fori_loop(0, ncb, _batch, 0)
            return 0
        lax.fori_loop(0, nq, _chunk, 0)
        plsc.subcore_barrier()

        obase = s * (HALF // NS)

        def _ocp(i, _):
            pltpu.sync_copy(
                acc.at[pl.ds(obase + i * 32, 32)],
                out_hbm.at[c, pl.ds(p * HALF + obase + i * 32, 32)])
            return 0
        lax.fori_loop(0, HALF // NS // 32, _ocp, 0)
        plsc.subcore_barrier()
        return 0

    lax.fori_loop(0, PASSES, _pass, 0)


@functools.lru_cache(maxsize=None)
def _spmm_kernel():
    return pl.kernel(
        _spmm_body,
        out_type=jax.ShapeDtypeStruct((NC, NPAD, 128), _f32),
        mesh=_sc_mesh(),
        compiler_params=pltpu.CompilerParams(needs_layout_passes=False),
        scratch_types=[
            pltpu.VMEM((NB_S, BATCH), _i32),
            pltpu.VMEM((NB_S, BATCH), _i32),
            pltpu.VMEM((NB_S, BATCH), _f32),
            pltpu.VMEM((NB_S, BATCH), _i32),
            pltpu.VMEM((CH, BATCH), _i32),
            pltpu.VMEM((CH, BATCH), _i32),
            pltpu.VMEM((NB_S * BATCH,), _f32),
            pltpu.VMEM((NB_S * BATCH + BATCH,), _f32),
            pltpu.VMEM((NB_S * BATCH + BATCH,), _i32),
            pltpu.VMEM((NB_S * BATCH + BATCH,), _i32),
            pltpu.VMEM((N,), _f32),
            pltpu.VMEM((BATCH, 128), _f32),
            pltpu.VMEM_SHARED((ACCR, 128), _f32),
            pltpu.SemaphoreType.DMA,
        ],
    )


def _dinv_body(d0_ref, dinv_ref, dinv2_ref):
    deg = 1.0 + d0_ref[...][:, 0:1]
    r = lax.rsqrt(deg)
    dinv_ref[...] = r
    dinv2_ref[...] = r * r


def _dinv_tc(d0):
    return pl.pallas_call(
        _dinv_body,
        out_shape=(jax.ShapeDtypeStruct((N, 1), _f32),
                   jax.ShapeDtypeStruct((N, 1), _f32)),
    )(d0)


def _mm1_body(flag_ref, ua_ref, ub_ref, x_ref, dinv2_ref, W1_ref, b1_ref,
              cw1_ref, cb1_ref, W2_ref, z_ref):
    @pl.when(flag_ref[0, 0] != 0)
    def _():
        y = jnp.concatenate([ua_ref[...], ub_ref[...]], axis=1)
        y = y + dinv2_ref[...] * x_ref[...]
        h = jnp.dot(y, W1_ref[...], preferred_element_type=_f32) + b1_ref[...]
        h = jnp.maximum(h, 0.0)
        z2 = jnp.zeros((RB, 2), _f32)
        hp = jnp.concatenate([z2, h, z2], axis=1)
        acc = jnp.broadcast_to(cb1_ref[:, 0:1], (RB, D1))
        for k in range(5):
            acc = acc + hp[:, k:k + D1] * cw1_ref[:, k:k + 1]
        h1 = jnp.maximum(acc, 0.0)
        z_ref[...] = jnp.dot(h1, W2_ref[...], preferred_element_type=_f32)


def _mm1_tc(flag, uq, x, dinv2, W1, b1r, cw1p, cb1p, W2):
    return pl.pallas_call(
        _mm1_body,
        grid=(N // RB,),
        in_specs=[
            pl.BlockSpec((1, 1), lambda i: (0, 0)),
            pl.BlockSpec((RB, 128), lambda i: (i, 0)),
            pl.BlockSpec((RB, 128), lambda i: (i, 0)),
            pl.BlockSpec((RB, F), lambda i: (i, 0)),
            pl.BlockSpec((RB, 1), lambda i: (i, 0)),
            pl.BlockSpec((F, D1), lambda i: (0, 0)),
            pl.BlockSpec((1, D1), lambda i: (0, 0)),
            pl.BlockSpec((1, 8), lambda i: (0, 0)),
            pl.BlockSpec((1, 8), lambda i: (0, 0)),
            pl.BlockSpec((D1, D2), lambda i: (0, 0)),
        ],
        out_specs=pl.BlockSpec((RB, D2), lambda i: (i, 0)),
        out_shape=jax.ShapeDtypeStruct((N, D2), _f32),
    )(flag, *uq, x, dinv2, W1, b1r, cw1p, cb1p, W2)


def _mm2_body(flag_ref, ua_ref, ub_ref, z_ref, dinv2_ref, b2_ref,
              cw2_ref, cb2_ref, ib_ref, out_ref, sums_acc, cnt_acc):
    i = pl.program_id(0)

    @pl.when(flag_ref[0, 0] != 0)
    def _():
        y = jnp.concatenate([ua_ref[...], ub_ref[...]], axis=1)
        y = y + dinv2_ref[...] * z_ref[...]
        o = jnp.maximum(y + b2_ref[...], 0.0)
        z1 = jnp.zeros((RB, 1), _f32)
        op = jnp.concatenate([z1, o, z1], axis=1)
        acc = jnp.broadcast_to(cb2_ref[:, 0:1], (RB, D2))
        for k in range(3):
            acc = acc + op[:, k:k + D2] * cw2_ref[:, k:k + 1]
        h2 = jnp.maximum(acc, 0.0)

        onehot = (lax.broadcasted_iota(_i32, (NSEG, RB), 0)
                  == ib_ref[0]).astype(_f32)

        @pl.when(i == 0)
        def _():
            sums_acc[...] = jnp.zeros_like(sums_acc)
            cnt_acc[...] = jnp.zeros_like(cnt_acc)

        sums_acc[...] += jnp.dot(onehot, h2, preferred_element_type=_f32)
        cnt_acc[...] += jnp.sum(onehot, axis=1, keepdims=True)

        @pl.when(i == (N // RB) - 1)
        def _():
            out_ref[...] = sums_acc[...] / jnp.maximum(cnt_acc[:, 0:1], 1.0)


def _mm2_tc(flag, uq, z, dinv2, b2r, cw2p, cb2p, ibT):
    return pl.pallas_call(
        _mm2_body,
        grid=(N // RB,),
        in_specs=[
            pl.BlockSpec((1, 1), lambda i: (0, 0)),
            pl.BlockSpec((RB, 128), lambda i: (i, 0)),
            pl.BlockSpec((RB, 128), lambda i: (i, 0)),
            pl.BlockSpec((RB, D2), lambda i: (i, 0)),
            pl.BlockSpec((RB, 1), lambda i: (i, 0)),
            pl.BlockSpec((1, D2), lambda i: (0, 0)),
            pl.BlockSpec((1, 8), lambda i: (0, 0)),
            pl.BlockSpec((1, 8), lambda i: (0, 0)),
            pl.BlockSpec((1, 1, RB), lambda i: (i, 0, 0)),
        ],
        out_specs=pl.BlockSpec((NSEG, D2), lambda i: (0, 0)),
        out_shape=jax.ShapeDtypeStruct((NSEG, D2), _f32),
        scratch_shapes=[pltpu.VMEM((NSEG, D2), _f32),
                        pltpu.VMEM((NSEG, 128), _f32)],
    )(flag, *uq, z, dinv2, b2r, cw2p, cb2p, ibT)


def kernel(x, edge_index, edge_attr, info_batch, W1, b1, cw1, cb1, W2, b2,
           cw2, cb2):
    src = edge_index[0].astype(_i32)
    dst = edge_index[1].astype(_i32)
    ew = edge_attr.astype(_f32)

    pad = EPAD - E
    srcp = jnp.concatenate([src, jnp.zeros((pad,), _i32)])
    dstp = jnp.concatenate([dst, jnp.zeros((pad,), _i32)])
    ewp = jnp.concatenate([ew, jnp.zeros((pad,), _f32)])

    src_s = srcp.reshape(NS, NB_S, BATCH)
    dst_s = dstp.reshape(NS, NB_S, BATCH)
    ew_s = ewp.reshape(NS, NB_S, BATCH)

    b1r = b1.reshape(1, D1)
    cw1p = jnp.concatenate([cw1, jnp.zeros((3,), _f32)]).reshape(1, 8)
    cb1p = jnp.broadcast_to(cb1.reshape(1, 1), (1, 8))
    b2r = b2.reshape(1, D2)
    cw2p = jnp.concatenate([cw2, jnp.zeros((5,), _f32)]).reshape(1, 8)
    cb2p = jnp.broadcast_to(cb2.reshape(1, 1), (1, 8))
    ibT = info_batch.astype(_i32).reshape(N // RB, 1, RB)

    spmm = _spmm_kernel()
    ones2n = jnp.ones((2 * N, 128), _f32)
    ones_n = jnp.ones((N,), _f32)

    steps = 2 + (ew[0] < 0.5).astype(_i32) + (ew[0] >= 0.5).astype(_i32)

    def _step(i, carry):
        h, dinv, dinv2, pooled, flags = carry
        fdeg = flags[0]
        f1 = flags[1].reshape(1, 1)
        f2 = flags[2].reshape(1, 1)
        xin = jnp.where(fdeg == 1, ones2n, h.reshape(2 * N, 128))
        dinvin = jnp.where(fdeg == 1, ones_n, dinv.reshape(N))
        u = spmm(xin, src_s, dst_s, ew_s, dinvin)
        uq = (u[0, :N], u[1, :N])
        dinv_new, dinv2_new = _dinv_tc(u[0, :N])
        dinv = jnp.where(fdeg == 1, dinv_new, dinv)
        dinv2 = jnp.where(fdeg == 1, dinv2_new, dinv2)
        z = _mm1_tc(f1, uq, h, dinv2, W1, b1r, cw1p, cb1p, W2)
        pooled_new = _mm2_tc(f2, uq, h, dinv2, b2r, cw2p, cb2p, ibT)
        h = jnp.where(f1[0, 0] == 1, z, h)
        pooled = jnp.where(f2[0, 0] == 1, pooled_new, pooled)
        return (h, dinv, dinv2, pooled, jnp.roll(flags, 1))

    carry0 = (x, jnp.zeros((N, 1), _f32), jnp.zeros((N, 1), _f32),
              jnp.zeros((NSEG, D2), _f32),
              jnp.array([1, 0, 0], _i32))
    _, _, _, out, _ = lax.fori_loop(0, steps, _step, carry0)
    return out

# --- scband reference (transcript-rebuilt; emitter-appended) ---
"""Pipeline reference for scband-gcn-1279900254482 (READ-ONLY COPY).

The authoritative reference and input builder live on the scoring server;
editing this copy changes nothing except your own understanding.
"""

import jax, jax.numpy as jnp
import numpy as np

N = 10000
E = 160000
F = 256
D1 = 512
D2 = 256
K1 = 5
P1 = 2
K2 = 3
P2 = 1
B = 64


def setup_inputs(seed: int = 0) -> dict:
    key = jax.random.key(seed)
    ks = jax.random.split(key, 10)
    x = jax.random.normal(ks[0], (N, F), dtype=jnp.float32)
    edge_index = jax.random.randint(ks[1], (2, E), 0, N)
    edge_attr = jax.random.uniform(ks[2], (E,), dtype=jnp.float32)
    info_batch = jnp.sort(jax.random.randint(ks[3], (N,), 0, B))
    W1 = jax.random.normal(ks[4], (F, D1), dtype=jnp.float32) * 0.05
    b1 = jnp.zeros((D1,), dtype=jnp.float32)
    cw1 = jax.random.normal(ks[5], (K1,), dtype=jnp.float32) * 0.2
    cb1 = jnp.zeros((1,), dtype=jnp.float32)
    W2 = jax.random.normal(ks[6], (D1, D2), dtype=jnp.float32) * 0.05
    b2 = jnp.zeros((D2,), dtype=jnp.float32)
    cw2 = jax.random.normal(ks[7], (K2,), dtype=jnp.float32) * 0.2
    cb2 = jnp.zeros((1,), dtype=jnp.float32)
    return {"x": x, "edge_index": edge_index, "edge_attr": edge_attr,
            "info_batch": info_batch, "W1": W1, "b1": b1, "cw1": cw1, "cb1": cb1,
            "W2": W2, "b2": b2, "cw2": cw2, "cb2": cb2}


def _gcn_conv(x, src, dst, ew, W, b):
    # PyG GCNConv: x' = D^{-1/2} (A + I) D^{-1/2} (X W) + b, with edge weights
    n = x.shape[0]
    xw = x @ W
    loop = jnp.arange(n)
    s = jnp.concatenate([src, loop])
    d = jnp.concatenate([dst, loop])
    w = jnp.concatenate([ew, jnp.ones((n,), dtype=x.dtype)])
    deg = jax.ops.segment_sum(w, d, num_segments=n)
    dinv = jnp.where(deg > 0, jax.lax.rsqrt(deg), 0.0)
    norm = dinv[s] * w * dinv[d]
    msgs = xw[s] * norm[:, None]
    out = jax.ops.segment_sum(msgs, d, num_segments=n)
    return out + b


def _conv1d(h, w, b, pad):
    # nn.Conv1d(1, 1, kernel_size=K, padding=pad) applied per node row
    out = jax.lax.conv_general_dilated(h[:, None, :], w[None, None, :],
                                       window_strides=(1,), padding=[(pad, pad)])
    return out[:, 0, :] + b


def reference(x, edge_index, edge_attr, info_batch, W1, b1, cw1, cb1, W2, b2, cw2, cb2):
    src = edge_index[0]
    dst = edge_index[1]
    h = jax.nn.relu(_gcn_conv(x, src, dst, edge_attr, W1, b1))
    h = jax.nn.relu(_conv1d(h, cw1, cb1, P1))
    h = jax.nn.relu(_gcn_conv(h, src, dst, edge_attr, W2, b2))
    h = jax.nn.relu(_conv1d(h, cw2, cb2, P2))
    sums = jax.ops.segment_sum(h, info_batch, num_segments=B)
    cnt = jax.ops.segment_sum(jnp.ones((h.shape[0],), dtype=h.dtype), info_batch, num_segments=B)
    return sums / jnp.maximum(cnt, 1.0)[:, None]

if __name__ == "__main__":
    import jax
    _d = setup_inputs()
    print(jax.jit(kernel)(*tuple(_d.values())))

</pallas_src>

<mosaic_0001>
#map = affine_map<(d0, d1) -> (0, 0)>
#map1 = affine_map<(d0, d1) -> (0, 0, 0)>
#map2 = affine_map<(d0, d1) -> (0)>
module attributes {stable_mosaic.version = 14 : i64} {
  func.func @_spmm_body(%arg0: i32, %arg1: i32, %arg2: memref<20000x128xf32, #tpu.memory_space<hbm>>, %arg3: memref<16x80x128xi32, #tpu.memory_space<hbm>>, %arg4: memref<16x80x128xi32, #tpu.memory_space<hbm>>, %arg5: memref<16x80x128xf32, #tpu.memory_space<hbm>>, %arg6: memref<10000xf32, #tpu.memory_space<hbm>>, %arg7: memref<2x10240x128xf32, #tpu.memory_space<hbm>>, %arg8: memref<80x128xi32, #tpu.memory_space<vmem>>, %arg9: memref<80x128xi32, #tpu.memory_space<vmem>>, %arg10: memref<80x128xf32, #tpu.memory_space<vmem>>, %arg11: memref<80x128xi32, #tpu.memory_space<vmem>>, %arg12: memref<16x128xi32, #tpu.memory_space<vmem>>, %arg13: memref<16x128xi32, #tpu.memory_space<vmem>>, %arg14: memref<10240xf32, #tpu.memory_space<vmem>>, %arg15: memref<10368xf32, #tpu.memory_space<vmem>>, %arg16: memref<10368xi32, #tpu.memory_space<vmem>>, %arg17: memref<10368xi32, #tpu.memory_space<vmem>>, %arg18: memref<10000xf32, #tpu.memory_space<vmem>>, %arg19: memref<128x128xf32, #tpu.memory_space<vmem>>, %arg20: memref<2048x128xf32, #tpu.memory_space<vmem_shared>>, %arg21: memref<!tpu.dma_semaphore, #tpu.memory_space<semaphore_mem>>) attributes {dimension_semantics = [#tpu.dimension_semantics<core_parallel>, #tpu.dimension_semantics<subcore_parallel>], iteration_bounds = array<i64: 2, 16>, scalar_prefetch = 0 : i64, scratch_operands = 14 : i64, tpu.core_type = #tpu.core_type<sc_vector_subcore>, window_params = [{transform_indices = #map}, {transform_indices = #map1}, {transform_indices = #map1}, {transform_indices = #map1}, {transform_indices = #map2}, {transform_indices = #map1}]} {
    "tpu.region"() ({
      %run_scoped3A = tpu.sem_alloc : memref<!tpu.dma_semaphore, #tpu.memory_space<semaphore_mem>>
      %dma_start3A = arith.constant 0 : i32
      %dma_start3A_13 = arith.constant 0 : i32
      %dma_start3A_14 = tpu.memref_slice %arg3[%arg1, %dma_start3A, %dma_start3A_13] : memref<16x80x128xi32, #tpu.memory_space<hbm>> -> memref<1x80x128xi32, #tpu.memory_space<hbm>>
      %dma_start3A_15 = tpu.memref_squeeze %dma_start3A_14 : memref<1x80x128xi32, #tpu.memory_space<hbm>> -> memref<80x128xi32, #tpu.memory_space<hbm>>
      %dma_start3A_16 = arith.constant 0 : i32
      %dma_start3A_17 = arith.constant 0 : i32
      %dma_start3A_18 = tpu.memref_slice %arg3[%arg1, %dma_start3A_16, %dma_start3A_17] : memref<16x80x128xi32, #tpu.memory_space<hbm>> -> memref<1x80x128xi32, #tpu.memory_space<hbm>>
      %dma_start3A_19 = tpu.memref_squeeze %dma_start3A_18 : memref<1x80x128xi32, #tpu.memory_space<hbm>> -> memref<80x128xi32, #tpu.memory_space<hbm>>
      tpu.enqueue_dma source(%dma_start3A_19 : memref<80x128xi32, #tpu.memory_space<hbm>>) target(%arg8 : memref<80x128xi32, #tpu.memory_space<vmem>>) target_semaphore(%run_scoped3A : memref<!tpu.dma_semaphore, #tpu.memory_space<semaphore_mem>>)
      %dma_wait3A = arith.constant 0 : i32
      %dma_wait3A_20 = arith.constant 0 : i32
      %dma_wait3A_21 = tpu.memref_slice %arg3[%arg1, %dma_wait3A, %dma_wait3A_20] : memref<16x80x128xi32, #tpu.memory_space<hbm>> -> memref<1x80x128xi32, #tpu.memory_space<hbm>>
      %dma_wait3A_22 = tpu.memref_squeeze %dma_wait3A_21 : memref<1x80x128xi32, #tpu.memory_space<hbm>> -> memref<80x128xi32, #tpu.memory_space<hbm>>
      %dma_wait3A_23 = arith.constant 0 : i32
      %dma_wait3A_24 = arith.constant 0 : i32
      %dma_wait3A_25 = tpu.memref_slice %arg3[%arg1, %dma_wait3A_23, %dma_wait3A_24] : memref<16x80x128xi32, #tpu.memory_space<hbm>> -> memref<1x80x128xi32, #tpu.memory_space<hbm>>
      %dma_wait3A_26 = tpu.memref_squeeze %dma_wait3A_25 : memref<1x80x128xi32, #tpu.memory_space<hbm>> -> memref<80x128xi32, #tpu.memory_space<hbm>>
      tpu.wait_dma2 semaphore(%run_scoped3A : memref<!tpu.dma_semaphore, #tpu.memory_space<semaphore_mem>>) src(%dma_wait3A_26 : memref<80x128xi32, #tpu.memory_space<hbm>>) dst(%arg8 : memref<80x128xi32, #tpu.memory_space<vmem>>)
      tpu.yield
    }) : () -> ()
    "tpu.region"() ({
      %run_scoped3A = tpu.sem_alloc : memref<!tpu.dma_semaphore, #tpu.memory_space<semaphore_mem>>
      %dma_start3A = arith.constant 0 : i32
      %dma_start3A_13 = arith.constant 0 : i32
      %dma_start3A_14 = tpu.memref_slice %arg4[%arg1, %dma_start3A, %dma_start3A_13] : memref<16x80x128xi32, #tpu.memory_space<hbm>> -> memref<1x80x128xi32, #tpu.memory_space<hbm>>
      %dma_start3A_15 = tpu.memref_squeeze %dma_start3A_14 : memref<1x80x128xi32, #tpu.memory_space<hbm>> -> memref<80x128xi32, #tpu.memory_space<hbm>>
      %dma_start3A_16 = arith.constant 0 : i32
      %dma_start3A_17 = arith.constant 0 : i32
      %dma_start3A_18 = tpu.memref_slice %arg4[%arg1, %dma_start3A_16, %dma_start3A_17] : memref<16x80x128xi32, #tpu.memory_space<hbm>> -> memref<1x80x128xi32, #tpu.memory_space<hbm>>
      %dma_start3A_19 = tpu.memref_squeeze %dma_start3A_18 : memref<1x80x128xi32, #tpu.memory_space<hbm>> -> memref<80x128xi32, #tpu.memory_space<hbm>>
      tpu.enqueue_dma source(%dma_start3A_19 : memref<80x128xi32, #tpu.memory_space<hbm>>) target(%arg9 : memref<80x128xi32, #tpu.memory_space<vmem>>) target_semaphore(%run_scoped3A : memref<!tpu.dma_semaphore, #tpu.memory_space<semaphore_mem>>)
      %dma_wait3A = arith.constant 0 : i32
      %dma_wait3A_20 = arith.constant 0 : i32
      %dma_wait3A_21 = tpu.memref_slice %arg4[%arg1, %dma_wait3A, %dma_wait3A_20] : memref<16x80x128xi32, #tpu.memory_space<hbm>> -> memref<1x80x128xi32, #tpu.memory_space<hbm>>
      %dma_wait3A_22 = tpu.memref_squeeze %dma_wait3A_21 : memref<1x80x128xi32, #tpu.memory_space<hbm>> -> memref<80x128xi32, #tpu.memory_space<hbm>>
      %dma_wait3A_23 = arith.constant 0 : i32
      %dma_wait3A_24 = arith.constant 0 : i32
      %dma_wait3A_25 = tpu.memref_slice %arg4[%arg1, %dma_wait3A_23, %dma_wait3A_24] : memref<16x80x128xi32, #tpu.memory_space<hbm>> -> memref<1x80x128xi32, #tpu.memory_space<hbm>>
      %dma_wait3A_26 = tpu.memref_squeeze %dma_wait3A_25 : memref<1x80x128xi32, #tpu.memory_space<hbm>> -> memref<80x128xi32, #tpu.memory_space<hbm>>
      tpu.wait_dma2 semaphore(%run_scoped3A : memref<!tpu.dma_semaphore, #tpu.memory_space<semaphore_mem>>) src(%dma_wait3A_26 : memref<80x128xi32, #tpu.memory_space<hbm>>) dst(%arg9 : memref<80x128xi32, #tpu.memory_space<vmem>>)
      tpu.yield
    }) : () -> ()
    "tpu.region"() ({
      %run_scoped3A = tpu.sem_alloc : memref<!tpu.dma_semaphore, #tpu.memory_space<semaphore_mem>>
      %dma_start3A = arith.constant 0 : i32
      %dma_start3A_13 = arith.constant 0 : i32
      %dma_start3A_14 = tpu.memref_slice %arg5[%arg1, %dma_start3A, %dma_start3A_13] : memref<16x80x128xf32, #tpu.memory_space<hbm>> -> memref<1x80x128xf32, #tpu.memory_space<hbm>>
      %dma_start3A_15 = tpu.memref_squeeze %dma_start3A_14 : memref<1x80x128xf32, #tpu.memory_space<hbm>> -> memref<80x128xf32, #tpu.memory_space<hbm>>
      %dma_start3A_16 = arith.constant 0 : i32
      %dma_start3A_17 = arith.constant 0 : i32
      %dma_start3A_18 = tpu.memref_slice %arg5[%arg1, %dma_start3A_16, %dma_start3A_17] : memref<16x80x128xf32, #tpu.memory_space<hbm>> -> memref<1x80x128xf32, #tpu.memory_space<hbm>>
      %dma_start3A_19 = tpu.memref_squeeze %dma_start3A_18 : memref<1x80x128xf32, #tpu.memory_space<hbm>> -> memref<80x128xf32, #tpu.memory_space<hbm>>
      tpu.enqueue_dma source(%dma_start3A_19 : memref<80x128xf32, #tpu.memory_space<hbm>>) target(%arg10 : memref<80x128xf32, #tpu.memory_space<vmem>>) target_semaphore(%run_scoped3A : memref<!tpu.dma_semaphore, #tpu.memory_space<semaphore_mem>>)
      %dma_wait3A = arith.constant 0 : i32
      %dma_wait3A_20 = arith.constant 0 : i32
      %dma_wait3A_21 = tpu.memref_slice %arg5[%arg1, %dma_wait3A, %dma_wait3A_20] : memref<16x80x128xf32, #tpu.memory_space<hbm>> -> memref<1x80x128xf32, #tpu.memory_space<hbm>>
      %dma_wait3A_22 = tpu.memref_squeeze %dma_wait3A_21 : memref<1x80x128xf32, #tpu.memory_space<hbm>> -> memref<80x128xf32, #tpu.memory_space<hbm>>
      %dma_wait3A_23 = arith.constant 0 : i32
      %dma_wait3A_24 = arith.constant 0 : i32
      %dma_wait3A_25 = tpu.memref_slice %arg5[%arg1, %dma_wait3A_23, %dma_wait3A_24] : memref<16x80x128xf32, #tpu.memory_space<hbm>> -> memref<1x80x128xf32, #tpu.memory_space<hbm>>
      %dma_wait3A_26 = tpu.memref_squeeze %dma_wait3A_25 : memref<1x80x128xf32, #tpu.memory_space<hbm>> -> memref<80x128xf32, #tpu.memory_space<hbm>>
      tpu.wait_dma2 semaphore(%run_scoped3A : memref<!tpu.dma_semaphore, #tpu.memory_space<semaphore_mem>>) src(%dma_wait3A_26 : memref<80x128xf32, #tpu.memory_space<hbm>>) dst(%arg10 : memref<80x128xf32, #tpu.memory_space<vmem>>)
      tpu.yield
    }) : () -> ()
    "tpu.region"() ({
      %run_scoped3A = tpu.sem_alloc : memref<!tpu.dma_semaphore, #tpu.memory_space<semaphore_mem>>
      tpu.enqueue_dma source(%arg6 : memref<10000xf32, #tpu.memory_space<hbm>>) target(%arg18 : memref<10000xf32, #tpu.memory_space<vmem>>) target_semaphore(%run_scoped3A : memref<!tpu.dma_semaphore, #tpu.memory_space<semaphore_mem>>)
      tpu.wait_dma2 semaphore(%run_scoped3A : memref<!tpu.dma_semaphore, #tpu.memory_space<semaphore_mem>>) src(%arg6 : memref<10000xf32, #tpu.memory_space<hbm>>) dst(%arg18 : memref<10000xf32, #tpu.memory_space<vmem>>)
      tpu.yield
    }) : () -> ()
    %scan3A = arith.constant 0 : i32
    %scan3A_0 = arith.constant 0 : i32
    %scan3A_1 = arith.constant 80 : i32
    %scan3A_2 = arith.addi %scan3A_0, %scan3A_1 : i32
    %scan3A_3 = arith.constant 1 : i32
    %scan3A_4 = scf.for %scan3A_13 = %scan3A_0 to %scan3A_2 step %scan3A_3 iter_args(%scan3A_14 = %scan3A) -> (i32)  : i32 {
      %get3A = arith.index_cast %scan3A_13 : i32 to index
      %get3A_15 = arith.constant 0 : index
      %get3A_16 = tpu.vector_load %arg8[%get3A, %get3A_15] {strides = array<i32>} : memref<80x128xi32, #tpu.memory_space<vmem>>, vector<16xi32>,
      %get3A_17 = arith.index_cast %scan3A_13 : i32 to index
      %get3A_18 = arith.constant 0 : index
      %get3A_19 = tpu.vector_load %arg9[%get3A_17, %get3A_18] {strides = array<i32>} : memref<80x128xi32, #tpu.memory_space<vmem>>, vector<16xi32>,
      %get3A_20 = arith.index_cast %scan3A_13 : i32 to index
      %get3A_21 = arith.constant 0 : index
      %get3A_22 = tpu.vector_load %arg10[%get3A_20, %get3A_21] {strides = array<i32>} : memref<80x128xf32, #tpu.memory_space<vmem>>, vector<16xf32>,
      %gather3A = tpu.vector_load_idx %arg18[%get3A_16] : memref<10000xf32, #tpu.memory_space<vmem>>[vector<16xi32>], vector<16xf32>,
      %mul3A = arith.mulf %gather3A, %get3A_22 : vector<16xf32>
      %gather3A_23 = tpu.vector_load_idx %arg18[%get3A_19] : memref<10000xf32, #tpu.memory_space<vmem>>[vector<16xi32>], vector<16xf32>,
      %mul3A_24 = arith.mulf %mul3A, %gather3A_23 : vector<16xf32>
      %mul3A_25 = arith.constant 128 : i32
      %mul3A_26 = arith.muli %scan3A_13, %mul3A_25 : i32
      %add3A = arith.constant 0 : i32
      %add3A_27 = arith.addi %mul3A_26, %add3A : i32
      %swap3A = arith.index_cast %add3A_27 : i32 to index
      %swap3A_28 = tpu.vector_load %arg14[%swap3A] {strides = array<i32>} : memref<10240xf32, #tpu.memory_space<vmem>>, vector<16xf32>,
      tpu.vector_store %arg14[%swap3A], %mul3A_24 {strides = array<i32>} : memref<10240xf32, #tpu.memory_space<vmem>>, vector<16xf32>,
      %mul3A_29 = arith.constant 2 : i32
      %mul3A_30 = vector.broadcast %mul3A_29 : i32 to vector<16xi32>
      %mul3A_31 = arith.muli %get3A_16, %mul3A_30 : vector<16xi32>
      %add3A_32 = vector.broadcast %arg0 : i32 to vector<16xi32>
      %add3A_33 = arith.addi %mul3A_31, %add3A_32 : vector<16xi32>
      %swap3A_34 = arith.index_cast %scan3A_13 : i32 to index
      %swap3A_35 = arith.constant 0 : index
      %swap3A_36 = tpu.vector_load %arg11[%swap3A_34, %swap3A_35] {strides = array<i32>} : memref<80x128xi32, #tpu.memory_space<vmem>>, vector<16xi32>,
      tpu.vector_store %arg11[%swap3A_34, %swap3A_35], %add3A_33 {strides = array<i32>} : memref<80x128xi32, #tpu.memory_space<vmem>>, vector<16xi32>,
      %get3A_37 = arith.index_cast %scan3A_13 : i32 to index
      %get3A_38 = arith.constant 16 : index
      %get3A_39 = tpu.vector_load %arg8[%get3A_37, %get3A_38] {strides = array<i32>} : memref<80x128xi32, #tpu.memory_space<vmem>>, vector<16xi32>,
      %get3A_40 = arith.index_cast %scan3A_13 : i32 to index
      %get3A_41 = arith.constant 16 : index
      %get3A_42 = tpu.vector_load %arg9[%get3A_40, %get3A_41] {strides = array<i32>} : memref<80x128xi32, #tpu.memory_space<vmem>>, vector<16xi32>,
      %get3A_43 = arith.index_cast %scan3A_13 : i32 to index
      %get3A_44 = arith.constant 16 : index
      %get3A_45 = tpu.vector_load %arg10[%get3A_43, %get3A_44] {strides = array<i32>} : memref<80x128xf32, #tpu.memory_space<vmem>>, vector<16xf32>,
      %gather3A_46 = tpu.vector_load_idx %arg18[%get3A_39] : memref<10000xf32, #tpu.memory_space<vmem>>[vector<16xi32>], vector<16xf32>,
      %mul3A_47 = arith.mulf %gather3A_46, %get3A_45 : vector<16xf32>
      %gather3A_48 = tpu.vector_load_idx %arg18[%get3A_42] : memref<10000xf32, #tpu.memory_space<vmem>>[vector<16xi32>], vector<16xf32>,
      %mul3A_49 = arith.mulf %mul3A_47, %gather3A_48 : vector<16xf32>
      %mul3A_50 = arith.constant 128 : i32
      %mul3A_51 = arith.muli %scan3A_13, %mul3A_50 : i32
      %add3A_52 = arith.constant 16 : i32
      %add3A_53 = arith.addi %mul3A_51, %add3A_52 : i32
      %swap3A_54 = arith.index_cast %add3A_53 : i32 to index
      %swap3A_55 = tpu.vector_load %arg14[%swap3A_54] {strides = array<i32>} : memref<10240xf32, #tpu.memory_space<vmem>>, vector<16xf32>,
      tpu.vector_store %arg14[%swap3A_54], %mul3A_49 {strides = array<i32>} : memref<10240xf32, #tpu.memory_space<vmem>>, vector<16xf32>,
      %mul3A_56 = arith.constant 2 : i32
      %mul3A_57 = vector.broadcast %mul3A_56 : i32 to vector<16xi32>
      %mul3A_58 = arith.muli %get3A_39, %mul3A_57 : vector<16xi32>
      %add3A_59 = vector.broadcast %arg0 : i32 to vector<16xi32>
      %add3A_60 = arith.addi %mul3A_58, %add3A_59 : vector<16xi32>
      %swap3A_61 = arith.index_cast %scan3A_13 : i32 to index
      %swap3A_62 = arith.constant 16 : index
      %swap3A_63 = tpu.vector_load %arg11[%swap3A_61, %swap3A_62] {strides = array<i32>} : memref<80x128xi32, #tpu.memory_space<vmem>>, vector<16xi32>,
      tpu.vector_store %arg11[%swap3A_61, %swap3A_62], %add3A_60 {strides = array<i32>} : memref<80x128xi32, #tpu.memory_space<vmem>>, vector<16xi32>,
      %get3A_64 = arith.index_cast %scan3A_13 : i32 to index
      %get3A_65 = arith.constant 32 : index
      %get3A_66 = tpu.vector_load %arg8[%get3A_64, %get3A_65] {strides = array<i32>} : memref<80x128xi32, #tpu.memory_space<vmem>>, vector<16xi32>,
      %get3A_67 = arith.index_cast %scan3A_13 : i32 to index
      %get3A_68 = arith.constant 32 : index
      %get3A_69 = tpu.vector_load %arg9[%get3A_67, %get3A_68] {strides = array<i32>} : memref<80x128xi32, #tpu.memory_space<vmem>>, vector<16xi32>,
      %get3A_70 = arith.index_cast %scan3A_13 : i32 to index
      %get3A_71 = arith.constant 32 : index
      %get3A_72 = tpu.vector_load %arg10[%get3A_70, %get3A_71] {strides = array<i32>} : memref<80x128xf32, #tpu.memory_space<vmem>>, vector<16xf32>,
      %gather3A_73 = tpu.vector_load_idx %arg18[%get3A_66] : memref<10000xf32, #tpu.memory_space<vmem>>[vector<16xi32>], vector<16xf32>,
      %mul3A_74 = arith.mulf %gather3A_73, %get3A_72 : vector<16xf32>
      %gather3A_75 = tpu.vector_load_idx %arg18[%get3A_69] : memref<10000xf32, #tpu.memory_space<vmem>>[vector<16xi32>], vector<16xf32>,
      %mul3A_76 = arith.mulf %mul3A_74, %gather3A_75 : vector<16xf32>
      %mul3A_77 = arith.constant 128 : i32
      %mul3A_78 = arith.muli %scan3A_13, %mul3A_77 : i32
      %add3A_79 = arith.constant 32 : i32
      %add3A_80 = arith.addi %mul3A_78, %add3A_79 : i32
      %swap3A_81 = arith.index_cast %add3A_80 : i32 to index
      %swap3A_82 = tpu.vector_load %arg14[%swap3A_81] {strides = array<i32>} : memref<10240xf32, #tpu.memory_space<vmem>>, vector<16xf32>,
      tpu.vector_store %arg14[%swap3A_81], %mul3A_76 {strides = array<i32>} : memref<10240xf32, #tpu.memory_space<vmem>>, vector<16xf32>,
      %mul3A_83 = arith.constant 2 : i32
      %mul3A_84 = vector.broadcast %mul3A_83 : i32 to vector<16xi32>
      %mul3A_85 = arith.muli %get3A_66, %mul3A_84 : vector<16xi32>
      %add3A_86 = vector.broadcast %arg0 : i32 to vector<16xi32>
      %add3A_87 = arith.addi %mul3A_85, %add3A_86 : vector<16xi32>
      %swap3A_88 = arith.index_cast %scan3A_13 : i32 to index
      %swap3A_89 = arith.constant 32 : index
      %swap3A_90 = tpu.vector_load %arg11[%swap3A_88, %swap3A_89] {strides = array<i32>} : memref<80x128xi32, #tpu.memory_space<vmem>>, vector<16xi32>,
      tpu.vector_store %arg11[%swap3A_88, %swap3A_89], %add3A_87 {strides = array<i32>} : memref<80x128xi32, #tpu.memory_space<vmem>>, vector<16xi32>,
      %get3A_91 = arith.index_cast %scan3A_13 : i32 to index
      %get3A_92 = arith.constant 48 : index
      %get3A_93 = tpu.vector_load %arg8[%get3A_91, %get3A_92] {strides = array<i32>} : memref<80x128xi32, #tpu.memory_space<vmem>>, vector<16xi32>,
      %get3A_94 = arith.index_cast %scan3A_13 : i32 to index
      %get3A_95 = arith.constant 48 : index
      %get3A_96 = tpu.vector_load %arg9[%get3A_94, %get3A_95] {strides = array<i32>} : memref<80x128xi32, #tpu.memory_space<vmem>>, vector<16xi32>,
      %get3A_97 = arith.index_cast %scan3A_13 : i32 to index
      %get3A_98 = arith.constant 48 : index
      %get3A_99 = tpu.vector_load %arg10[%get3A_97, %get3A_98] {strides = array<i32>} : memref<80x128xf32, #tpu.memory_space<vmem>>, vector<16xf32>,
      %gather3A_100 = tpu.vector_load_idx %arg18[%get3A_93] : memref<10000xf32, #tpu.memory_space<vmem>>[vector<16xi32>], vector<16xf32>,
      %mul3A_101 = arith.mulf %gather3A_100, %get3A_99 : vector<16xf32>
      %gather3A_102 = tpu.vector_load_idx %arg18[%get3A_96] : memref<10000xf32, #tpu.memory_space<vmem>>[vector<16xi32>], vector<16xf32>,
      %mul3A_103 = arith.mulf %mul3A_101, %gather3A_102 : vector<16xf32>
      %mul3A_104 = arith.constant 128 : i32
      %mul3A_105 = arith.muli %scan3A_13, %mul3A_104 : i32
      %add3A_106 = arith.constant 48 : i32
      %add3A_107 = arith.addi %mul3A_105, %add3A_106 : i32
      %swap3A_108 = arith.index_cast %add3A_107 : i32 to index
      %swap3A_109 = tpu.vector_load %arg14[%swap3A_108] {strides = array<i32>} : memref<10240xf32, #tpu.memory_space<vmem>>, vector<16xf32>,
      tpu.vector_store %arg14[%swap3A_108], %mul3A_103 {strides = array<i32>} : memref<10240xf32, #tpu.memory_space<vmem>>, vector<16xf32>,
      %mul3A_110 = arith.constant 2 : i32
      %mul3A_111 = vector.broadcast %mul3A_110 : i32 to vector<16xi32>
      %mul3A_112 = arith.muli %get3A_93, %mul3A_111 : vector<16xi32>
      %add3A_113 = vector.broadcast %arg0 : i32 to vector<16xi32>
      %add3A_114 = arith.addi %mul3A_112, %add3A_113 : vector<16xi32>
      %swap3A_115 = arith.index_cast %scan3A_13 : i32 to index
      %swap3A_116 = arith.constant 48 : index
      %swap3A_117 = tpu.vector_load %arg11[%swap3A_115, %swap3A_116] {strides = array<i32>} : memref<80x128xi32, #tpu.memory_space<vmem>>, vector<16xi32>,
      tpu.vector_store %arg11[%swap3A_115, %swap3A_116], %add3A_114 {strides = array<i32>} : memref<80x128xi32, #tpu.memory_space<vmem>>, vector<16xi32>,
      %get3A_118 = arith.index_cast %scan3A_13 : i32 to index
      %get3A_119 = arith.constant 64 : index
      %get3A_120 = tpu.vector_load %arg8[%get3A_118, %get3A_119] {strides = array<i32>} : memref<80x128xi32, #tpu.memory_space<vmem>>, vector<16xi32>,
      %get3A_121 = arith.index_cast %scan3A_13 : i32 to index
      %get3A_122 = arith.constant 64 : index
      %get3A_123 = tpu.vector_load %arg9[%get3A_121, %get3A_122] {strides = array<i32>} : memref<80x128xi32, #tpu.memory_space<vmem>>, vector<16xi32>,
      %get3A_124 = arith.index_cast %scan3A_13 : i32 to index
      %get3A_125 = arith.constant 64 : index
      %get3A_126 = tpu.vector_load %arg10[%get3A_124, %get3A_125] {strides = array<i32>} : memref<80x128xf32, #tpu.memory_space<vmem>>, vector<16xf32>,
      %gather3A_127 = tpu.vector_load_idx %arg18[%get3A_120] : memref<10000xf32, #tpu.memory_space<vmem>>[vector<16xi32>], vector<16xf32>,
      %mul3A_128 = arith.mulf %gather3A_127, %get3A_126 : vector<16xf32>
      %gather3A_129 = tpu.vector_load_idx %arg18[%get3A_123] : memref<10000xf32, #tpu.memory_space<vmem>>[vector<16xi32>], vector<16xf32>,
      %mul3A_130 = arith.mulf %mul3A_128, %gather3A_129 : vector<16xf32>
      %mul3A_131 = arith.constant 128 : i32
      %mul3A_132 = arith.muli %scan3A_13, %mul3A_131 : i32
      %add3A_133 = arith.constant 64 : i32
      %add3A_134 = arith.addi %mul3A_132, %add3A_133 : i32
      %swap3A_135 = arith.index_cast %add3A_134 : i32 to index
      %swap3A_136 = tpu.vector_load %arg14[%swap3A_135] {strides = array<i32>} : memref<10240xf32, #tpu.memory_space<vmem>>, vector<16xf32>,
      tpu.vector_store %arg14[%swap3A_135], %mul3A_130 {strides = array<i32>} : memref<10240xf32, #tpu.memory_space<vmem>>, vector<16xf32>,
      %mul3A_137 = arith.constant 2 : i32
      %mul3A_138 = vector.broadcast %mul3A_137 : i32 to vector<16xi32>
      %mul3A_139 = arith.muli %get3A_120, %mul3A_138 : vector<16xi32>
      %add3A_140 = vector.broadcast %arg0 : i32 to vector<16xi32>
      %add3A_141 = arith.addi %mul3A_139, %add3A_140 : vector<16xi32>
      %swap3A_142 = arith.index_cast %scan3A_13 : i32 to index
      %swap3A_143 = arith.constant 64 : index
      %swap3A_144 = tpu.vector_load %arg11[%swap3A_142, %swap3A_143] {strides = array<i32>} : memref<80x128xi32, #tpu.memory_space<vmem>>, vector<16xi32>,
      tpu.vector_store %arg11[%swap3A_142, %swap3A_143], %add3A_141 {strides = array<i32>} : memref<80x128xi32, #tpu.memory_space<vmem>>, vector<16xi32>,
      %get3A_145 = arith.index_cast %scan3A_13 : i32 to index
      %get3A_146 = arith.constant 80 : index
      %get3A_147 = tpu.vector_load %arg8[%get3A_145, %get3A_146] {strides = array<i32>} : memref<80x128xi32, #tpu.memory_space<vmem>>, vector<16xi32>,
      %get3A_148 = arith.index_cast %scan3A_13 : i32 to index
      %get3A_149 = arith.constant 80 : index
      %get3A_150 = tpu.vector_load %arg9[%get3A_148, %get3A_149] {strides = array<i32>} : memref<80x128xi32, #tpu.memory_space<vmem>>, vector<16xi32>,
      %get3A_151 = arith.index_cast %scan3A_13 : i32 to index
      %get3A_152 = arith.constant 80 : index
      %get3A_153 = tpu.vector_load %arg10[%get3A_151, %get3A_152] {strides = array<i32>} : memref<80x128xf32, #tpu.memory_space<vmem>>, vector<16xf32>,
      %gather3A_154 = tpu.vector_load_idx %arg18[%get3A_147] : memref<10000xf32, #tpu.memory_space<vmem>>[vector<16xi32>], vector<16xf32>,
      %mul3A_155 = arith.mulf %gather3A_154, %get3A_153 : vector<16xf32>
      %gather3A_156 = tpu.vector_load_idx %arg18[%get3A_150] : memref<10000xf32, #tpu.memory_space<vmem>>[vector<16xi32>], vector<16xf32>,
      %mul3A_157 = arith.mulf %mul3A_155, %gather3A_156 : vector<16xf32>
      %mul3A_158 = arith.constant 128 : i32
      %mul3A_159 = arith.muli %scan3A_13, %mul3A_158 : i32
      %add3A_160 = arith.constant 80 : i32
      %add3A_161 = arith.addi %mul3A_159, %add3A_160 : i32
      %swap3A_162 = arith.index_cast %add3A_161 : i32 to index
      %swap3A_163 = tpu.vector_load %arg14[%swap3A_162] {strides = array<i32>} : memref<10240xf32, #tpu.memory_space<vmem>>, vector<16xf32>,
      tpu.vector_store %arg14[%swap3A_162], %mul3A_157 {strides = array<i32>} : memref<10240xf32, #tpu.memory_space<vmem>>, vector<16xf32>,
      %mul3A_164 = arith.constant 2 : i32
      %mul3A_165 = vector.broadcast %mul3A_164 : i32 to vector<16xi32>
      %mul3A_166 = arith.muli %get3A_147, %mul3A_165 : vector<16xi32>
      %add3A_167 = vector.broadcast %arg0 : i32 to vector<16xi32>
      %add3A_168 = arith.addi %mul3A_166, %add3A_167 : vector<16xi32>
      %swap3A_169 = arith.index_cast %scan3A_13 : i32 to index
      %swap3A_170 = arith.constant 80 : index
      %swap3A_171 = tpu.vector_load %arg11[%swap3A_169, %swap3A_170] {strides = array<i32>} : memref<80x128xi32, #tpu.memory_space<vmem>>, vector<16xi32>,
      tpu.vector_store %arg11[%swap3A_169, %swap3A_170], %add3A_168 {strides = array<i32>} : memref<80x128xi32, #tpu.memory_space<vmem>>, vector<16xi32>,
      %get3A_172 = arith.index_cast %scan3A_13 : i32 to index
      %get3A_173 = arith.constant 96 : index
      %get3A_174 = tpu.vector_load %arg8[%get3A_172, %get3A_173] {strides = array<i32>} : memref<80x128xi32, #tpu.memory_space<vmem>>, vector<16xi32>,
      %get3A_175 = arith.index_cast %scan3A_13 : i32 to index
      %get3A_176 = arith.constant 96 : index
      %get3A_177 = tpu.vector_load %arg9[%get3A_175, %get3A_176] {strides = array<i32>} : memref<80x128xi32, #tpu.memory_space<vmem>>, vector<16xi32>,
      %get3A_178 = arith.index_cast %scan3A_13 : i32 to index
      %get3A_179 = arith.constant 96 : index
      %get3A_180 = tpu.vector_load %arg10[%get3A_178, %get3A_179] {strides = array<i32>} : memref<80x128xf32, #tpu.memory_space<vmem>>, vector<16xf32>,
      %gather3A_181 = tpu.vector_load_idx %arg18[%get3A_174] : memref<10000xf32, #tpu.memory_space<vmem>>[vector<16xi32>], vector<16xf32>,
      %mul3A_182 = arith.mulf %gather3A_181, %get3A_180 : vector<16xf32>
      %gather3A_183 = tpu.vector_load_idx %arg18[%get3A_177] : memref<10000xf32, #tpu.memory_space<vmem>>[vector<16xi32>], vector<16xf32>,
      %mul3A_184 = arith.mulf %mul3A_182, %gather3A_183 : vector<16xf32>
      %mul3A_185 = arith.constant 128 : i32
      %mul3A_186 = arith.muli %scan3A_13, %mul3A_185 : i32
      %add3A_187 = arith.constant 96 : i32
      %add3A_188 = arith.addi %mul3A_186, %add3A_187 : i32
      %swap3A_189 = arith.index_cast %add3A_188 : i32 to index
      %swap3A_190 = tpu.vector_load %arg14[%swap3A_189] {strides = array<i32>} : memref<10240xf32, #tpu.memory_space<vmem>>, vector<16xf32>,
      tpu.vector_store %arg14[%swap3A_189], %mul3A_184 {strides = array<i32>} : memref<10240xf32, #tpu.memory_space<vmem>>, vector<16xf32>,
      %mul3A_191 = arith.constant 2 : i32
      %mul3A_192 = vector.broadcast %mul3A_191 : i32 to vector<16xi32>
      %mul3A_193 = arith.muli %get3A_174, %mul3A_192 : vector<16xi32>
      %add3A_194 = vector.broadcast %arg0 : i32 to vector<16xi32>
      %add3A_195 = arith.addi %mul3A_193, %add3A_194 : vector<16xi32>
      %swap3A_196 = arith.index_cast %scan3A_13 : i32 to index
      %swap3A_197 = arith.constant 96 : index
      %swap3A_198 = tpu.vector_load %arg11[%swap3A_196, %swap3A_197] {strides = array<i32>} : memref<80x128xi32, #tpu.memory_space<vmem>>, vector<16xi32>,
      tpu.vector_store %arg11[%swap3A_196, %swap3A_197], %add3A_195 {strides = array<i32>} : memref<80x128xi32, #tpu.memory_space<vmem>>, vector<16xi32>,
      %get3A_199 = arith.index_cast %scan3A_13 : i32 to index
      %get3A_200 = arith.constant 112 : index
      %get3A_201 = tpu.vector_load %arg8[%get3A_199, %get3A_200] {strides = array<i32>} : memref<80x128xi32, #tpu.memory_space<vmem>>, vector<16xi32>,
      %get3A_202 = arith.index_cast %scan3A_13 : i32 to index
      %get3A_203 = arith.constant 112 : index
      %get3A_204 = tpu.vector_load %arg9[%get3A_202, %get3A_203] {strides = array<i32>} : memref<80x128xi32, #tpu.memory_space<vmem>>, vector<16xi32>,
      %get3A_205 = arith.index_cast %scan3A_13 : i32 to index
      %get3A_206 = arith.constant 112 : index
      %get3A_207 = tpu.vector_load %arg10[%get3A_205, %get3A_206] {strides = array<i32>} : memref<80x128xf32, #tpu.memory_space<vmem>>, vector<16xf32>,
      %gather3A_208 = tpu.vector_load_idx %arg18[%get3A_201] : memref<10000xf32, #tpu.memory_space<vmem>>[vector<16xi32>], vector<16xf32>,
      %mul3A_209 = arith.mulf %gather3A_208, %get3A_207 : vector<16xf32>
      %gather3A_210 = tpu.vector_load_idx %arg18[%get3A_204] : memref<10000xf32, #tpu.memory_space<vmem>>[vector<16xi32>], vector<16xf32>,
      %mul3A_211 = arith.mulf %mul3A_209, %gather3A_210 : vector<16xf32>
      %mul3A_212 = arith.constant 128 : i32
      %mul3A_213 = arith.muli %scan3A_13, %mul3A_212 : i32
      %add3A_214 = arith.constant 112 : i32
      %add3A_215 = arith.addi %mul3A_213, %add3A_214 : i32
      %swap3A_216 = arith.index_cast %add3A_215 : i32 to index
      %swap3A_217 = tpu.vector_load %arg14[%swap3A_216] {strides = array<i32>} : memref<10240xf32, #tpu.memory_space<vmem>>, vector<16xf32>,
      tpu.vector_store %arg14[%swap3A_216], %mul3A_211 {strides = array<i32>} : memref<10240xf32, #tpu.memory_space<vmem>>, vector<16xf32>,
      %mul3A_218 = arith.constant 2 : i32
      %mul3A_219 = vector.broadcast %mul3A_218 : i32 to vector<16xi32>
      %mul3A_220 = arith.muli %get3A_201, %mul3A_219 : vector<16xi32>
      %add3A_221 = vector.broadcast %arg0 : i32 to vector<16xi32>
      %add3A_222 = arith.addi %mul3A_220, %add3A_221 : vector<16xi32>
      %swap3A_223 = arith.index_cast %scan3A_13 : i32 to index
      %swap3A_224 = arith.constant 112 : index
      %swap3A_225 = tpu.vector_load %arg11[%swap3A_223, %swap3A_224] {strides = array<i32>} : memref<80x128xi32, #tpu.memory_space<vmem>>, vector<16xi32>,
      tpu.vector_store %arg11[%swap3A_223, %swap3A_224], %add3A_222 {strides = array<i32>} : memref<80x128xi32, #tpu.memory_space<vmem>>, vector<16xi32>,
      %scan3A_226 = arith.constant 0 : i32
      scf.yield %scan3A_226 : i32
    }
    %scan3A_5 = arith.constant 80 : i32
    %scan3A_6 = arith.constant 0 : i32
    %scan3A_7 = arith.constant 0 : i32
    %scan3A_8 = arith.constant 5 : i32
    %scan3A_9 = arith.addi %scan3A_7, %scan3A_8 : i32
    %scan3A_10 = arith.constant 1 : i32
    %scan3A_11 = scf.for %scan3A_13 = %scan3A_7 to %scan3A_9 step %scan3A_10 iter_args(%scan3A_14 = %scan3A_6) -> (i32)  : i32 {
      %scan3A_15 = arith.constant 0 : i32
      %scan3A_16 = arith.constant 0 : i32
      %scan3A_17 = arith.constant 640 : i32
      %scan3A_18 = arith.addi %scan3A_16, %scan3A_17 : i32
      %scan3A_19 = arith.constant 1 : i32
      %scan3A_20 = scf.for %scan3A_114 = %scan3A_16 to %scan3A_18 step %scan3A_19 iter_args(%scan3A_115 = %scan3A_15) -> (i32)  : i32 {
        %jit3A_116 = arith.constant 8 : i32
        %div3A_117 = arith.divsi %scan3A_114, %jit3A_116 : i32
        %sign3A_118 = arith.constant 0 : i32
        %sign3A_119 = arith.cmpi sgt, %scan3A_114, %sign3A_118 : i32
        %sign3A_120 = arith.extui %sign3A_119 : i1 to i32
        %sign3A_121 = arith.constant 0 : i32
        %sign3A_122 = arith.cmpi slt, %scan3A_114, %sign3A_121 : i32
        %sign3A_123 = arith.extui %sign3A_122 : i1 to i32
        %sign3A_124 = arith.subi %sign3A_120, %sign3A_123 : i32
        %sign3A_125 = arith.constant 0 : i32
        %sign3A_126 = arith.cmpi sgt, %jit3A_116, %sign3A_125 : i32
        %sign3A_127 = arith.extui %sign3A_126 : i1 to i32
        %sign3A_128 = arith.constant 0 : i32
        %sign3A_129 = arith.cmpi slt, %jit3A_116, %sign3A_128 : i32
        %sign3A_130 = arith.extui %sign3A_129 : i1 to i32
        %sign3A_131 = arith.subi %sign3A_127, %sign3A_130 : i32
        %ne3A_132 = arith.cmpi ne, %sign3A_124, %sign3A_131 : i32
        %rem3A_133 = arith.remsi %scan3A_114, %jit3A_116 : i32
        %ne3A_134 = arith.constant 0 : i32
        %ne3A_135 = arith.cmpi ne, %rem3A_133, %ne3A_134 : i32
        %and3A_136 = arith.andi %ne3A_132, %ne3A_135 : i1
        %sub3A_137 = arith.constant 1 : i32
        %sub3A_138 = arith.subi %div3A_117, %sub3A_137 : i32
        %select_n3A_139 = arith.select %and3A_136, %sub3A_138, %div3A_117 : i32
        %mul3A_140 = arith.constant 8 : i32
        %mul3A_141 = arith.muli %select_n3A_139, %mul3A_140 : i32
        %sub3A_142 = arith.subi %scan3A_114, %mul3A_141 : i32
        %mul3A_143 = arith.constant 16 : i32
        %mul3A_144 = arith.muli %sub3A_142, %mul3A_143 : i32
        %mul3A_145 = arith.constant 16 : i32
        %mul3A_146 = arith.muli %scan3A_114, %mul3A_145 : i32
        %get3A = arith.index_cast %select_n3A_139 : i32 to index
        %get3A_147 = arith.index_cast %mul3A_144 : i32 to index
        %get3A_148 = tpu.vector_load %arg9[%get3A, %get3A_147] {strides = array<i32>} : memref<80x128xi32, #tpu.memory_space<vmem>>, vector<16xi32>,
        %mul3A_149 = arith.constant 2048 : i32
        %mul3A_150 = arith.muli %scan3A_13, %mul3A_149 : i32
        %sub3A_151 = vector.broadcast %mul3A_150 : i32 to vector<16xi32>
        %sub3A_152 = arith.subi %get3A_148, %sub3A_151 : vector<16xi32>
        %ge3A = arith.constant 0 : i32
        %ge3A_153 = vector.broadcast %ge3A : i32 to vector<16xi32>
        %ge3A_154 = arith.cmpi sge, %sub3A_152, %ge3A_153 : vector<16xi32>
        %lt3A = arith.constant 2048 : i32
        %lt3A_155 = vector.broadcast %lt3A : i32 to vector<16xi32>
        %lt3A_156 = arith.cmpi slt, %sub3A_152, %lt3A_155 : vector<16xi32>
        %and3A_157 = arith.andi %ge3A_154, %lt3A_156 : vector<16xi1>
        %swap3A = arith.index_cast %scan3A_115 : i32 to index
        %swap3A_158 = tpu.vector_load %arg17[%swap3A] masked %and3A_157 {strides = array<i32>} : memref<10368xi32, #tpu.memory_space<vmem>>, vector<16xi32>, vector<16xi1>
        tpu.vector_store %arg17[%swap3A], %sub3A_152 masked %and3A_157 {strides = array<i32>} : memref<10368xi32, #tpu.memory_space<vmem>>, vector<16xi32>, vector<16xi1>
        %get3A_159 = arith.index_cast %select_n3A_139 : i32 to index
        %get3A_160 = arith.index_cast %mul3A_144 : i32 to index
        %get3A_161 = tpu.vector_load %arg11[%get3A_159, %get3A_160] {strides = array<i32>} : memref<80x128xi32, #tpu.memory_space<vmem>>, vector<16xi32>,
        %swap3A_162 = arith.index_cast %scan3A_115 : i32 to index
        %swap3A_163 = tpu.vector_load %arg16[%swap3A_162] masked %and3A_157 {strides = array<i32>} : memref<10368xi32, #tpu.memory_space<vmem>>, vector<16xi32>, vector<16xi1>
        tpu.vector_store %arg16[%swap3A_162], %get3A_161 masked %and3A_157 {strides = array<i32>} : memref<10368xi32, #tpu.memory_space<vmem>>, vector<16xi32>, vector<16xi1>
        %get3A_164 = arith.index_cast %mul3A_146 : i32 to index
        %get3A_165 = tpu.vector_load %arg14[%get3A_164] {strides = array<i32>} : memref<10240xf32, #tpu.memory_space<vmem>>, vector<16xf32>,
        %swap3A_166 = arith.index_cast %scan3A_115 : i32 to index
        %swap3A_167 = tpu.vector_load %arg15[%swap3A_166] masked %and3A_157 {strides = array<i32>} : memref<10368xf32, #tpu.memory_space<vmem>>, vector<16xf32>, vector<16xi1>
        tpu.vector_store %arg15[%swap3A_166], %get3A_165 masked %and3A_157 {strides = array<i32>} : memref<10368xf32, #tpu.memory_space<vmem>>, vector<16xf32>, vector<16xi1>
        %all_reduce_population_count3A = tpu.all_reduce %and3A_157 {dim = 0 : i64, kind = #tpu.reduction_kind<sum>} : vector<16xi1> -> vector<16xi32>
        %reduce_max3A = arith.constant true
        %reduce_max3A_168 = vector.broadcast %reduce_max3A : i1 to vector<16xi1>
        %reduce_max3A_169 = arith.constant -2147483648 : i32
        %reduce_max3A_170 = vector.broadcast %reduce_max3A_169 : i32 to vector<16xi32>
        %reduce_max3A_171 = arith.xori %all_reduce_population_count3A, %reduce_max3A_170 : vector<16xi32>
        %reduce_max3A_172 = tpu.scan <max>, %reduce_max3A_171 masked %reduce_max3A_168 : vector<16xi32>, vector<16xi1> -> vector<16xi32>
        %reduce_max3A_173 = arith.xori %reduce_max3A_172, %reduce_max3A_170 : vector<16xi32>
        %reduce_max3A_174 = vector.extract %reduce_max3A_173[15] : i32 from vector<16xi32>
        %add3A_175 = arith.addi %scan3A_115, %reduce_max3A_174 : i32
        scf.yield %add3A_175 : i32
      }
      %scan3A_21 = arith.constant 640 : i32
      %add3A = arith.constant 128 : i32
      %add3A_22 = arith.addi %scan3A_20, %add3A : i32
      %sub3A = arith.constant 1 : i32
      %sub3A_23 = arith.subi %add3A_22, %sub3A : i32
      %jit3A = arith.constant 128 : i32
      %div3A = arith.divsi %sub3A_23, %jit3A : i32
      %sign3A = arith.constant 0 : i32
      %sign3A_24 = arith.cmpi sgt, %sub3A_23, %sign3A : i32
      %sign3A_25 = arith.extui %sign3A_24 : i1 to i32
      %sign3A_26 = arith.constant 0 : i32
      %sign3A_27 = arith.cmpi slt, %sub3A_23, %sign3A_26 : i32
      %sign3A_28 = arith.extui %sign3A_27 : i1 to i32
      %sign3A_29 = arith.subi %sign3A_25, %sign3A_28 : i32
      %sign3A_30 = arith.constant 0 : i32
      %sign3A_31 = arith.cmpi sgt, %jit3A, %sign3A_30 : i32
      %sign3A_32 = arith.extui %sign3A_31 : i1 to i32
      %sign3A_33 = arith.constant 0 : i32
      %sign3A_34 = arith.cmpi slt, %jit3A, %sign3A_33 : i32
      %sign3A_35 = arith.extui %sign3A_34 : i1 to i32
      %sign3A_36 = arith.subi %sign3A_32, %sign3A_35 : i32
      %ne3A = arith.cmpi ne, %sign3A_29, %sign3A_36 : i32
      %rem3A = arith.remsi %sub3A_23, %jit3A : i32
      %ne3A_37 = arith.constant 0 : i32
      %ne3A_38 = arith.cmpi ne, %rem3A, %ne3A_37 : i32
      %and3A = arith.andi %ne3A, %ne3A_38 : i1
      %sub3A_39 = arith.constant 1 : i32
      %sub3A_40 = arith.subi %div3A, %sub3A_39 : i32
      %select_n3A = arith.select %and3A, %sub3A_40, %div3A : i32
      %scan3A_41 = arith.constant 0 : i32
      %scan3A_42 = arith.constant 0 : i32
      %scan3A_43 = arith.constant 8 : i32
      %scan3A_44 = arith.addi %scan3A_42, %scan3A_43 : i32
      %scan3A_45 = arith.constant 1 : i32
      %scan3A_46 = scf.for %scan3A_114 = %scan3A_42 to %scan3A_44 step %scan3A_45 iter_args(%scan3A_115 = %scan3A_41) -> (i32)  : i32 {
        %mul3A_116 = arith.constant 16 : i32
        %mul3A_117 = arith.muli %scan3A_114, %mul3A_116 : i32
        %add3A_118 = arith.addi %scan3A_20, %mul3A_117 : i32
        %broadcast_in_dim3A = arith.constant 0 : i32
        %broadcast_in_dim3A_119 = vector.broadcast %broadcast_in_dim3A : i32 to vector<16xi32>
        %swap3A = arith.index_cast %add3A_118 : i32 to index
        %swap3A_120 = tpu.vector_load %arg16[%swap3A] {strides = array<i32>} : memref<10368xi32, #tpu.memory_space<vmem>>, vector<16xi32>,
        tpu.vector_store %arg16[%swap3A], %broadcast_in_dim3A_119 {strides = array<i32>} : memref<10368xi32, #tpu.memory_space<vmem>>, vector<16xi32>,
        %broadcast_in_dim3A_121 = arith.constant 0.000000e+00 : f32
        %broadcast_in_dim3A_122 = vector.broadcast %broadcast_in_dim3A_121 : f32 to vector<16xf32>
        %swap3A_123 = arith.index_cast %add3A_118 : i32 to index
        %swap3A_124 = tpu.vector_load %arg15[%swap3A_123] {strides = array<i32>} : memref<10368xf32, #tpu.memory_space<vmem>>, vector<16xf32>,
        tpu.vector_store %arg15[%swap3A_123], %broadcast_in_dim3A_122 {strides = array<i32>} : memref<10368xf32, #tpu.memory_space<vmem>>, vector<16xf32>,
        %broadcast_in_dim3A_125 = arith.constant 0 : i32
        %broadcast_in_dim3A_126 = vector.broadcast %broadcast_in_dim3A_125 : i32 to vector<16xi32>
        %swap3A_127 = arith.index_cast %add3A_118 : i32 to index
        %swap3A_128 = tpu.vector_load %arg17[%swap3A_127] {strides = array<i32>} : memref<10368xi32, #tpu.memory_space<vmem>>, vector<16xi32>,
        tpu.vector_store %arg17[%swap3A_127], %broadcast_in_dim3A_126 {strides = array<i32>} : memref<10368xi32, #tpu.memory_space<vmem>>, vector<16xi32>,
        %scan3A_129 = arith.constant 0 : i32
        scf.yield %scan3A_129 : i32
      }
      %scan3A_47 = arith.constant 8 : i32
      %scan3A_48 = arith.constant 0 : i32
      %scan3A_49 = arith.constant 0 : i32
      %scan3A_50 = arith.constant 32 : i32
      %scan3A_51 = arith.addi %scan3A_49, %scan3A_50 : i32
      %scan3A_52 = arith.constant 1 : i32
      %scan3A_53 = scf.for %scan3A_114 = %scan3A_49 to %scan3A_51 step %scan3A_52 iter_args(%scan3A_115 = %scan3A_48) -> (i32)  : i32 {
        %broadcast_in_dim3A = arith.constant 0.000000e+00 : f32
        %broadcast_in_dim3A_116 = vector.broadcast %broadcast_in_dim3A : f32 to vector<16xf32>
        %swap3A = arith.index_cast %scan3A_114 : i32 to index
        %swap3A_117 = arith.constant 0 : index
        %swap3A_118 = tpu.vector_load %arg19[%swap3A, %swap3A_117] {strides = array<i32>} : memref<128x128xf32, #tpu.memory_space<vmem>>, vector<16xf32>,
        tpu.vector_store %arg19[%swap3A, %swap3A_117], %broadcast_in_dim3A_116 {strides = array<i32>} : memref<128x128xf32, #tpu.memory_space<vmem>>, vector<16xf32>,
        %broadcast_in_dim3A_119 = arith.constant 0.000000e+00 : f32
        %broadcast_in_dim3A_120 = vector.broadcast %broadcast_in_dim3A_119 : f32 to vector<16xf32>
        %swap3A_121 = arith.index_cast %scan3A_114 : i32 to index
        %swap3A_122 = arith.constant 16 : index
        %swap3A_123 = tpu.vector_load %arg19[%swap3A_121, %swap3A_122] {strides = array<i32>} : memref<128x128xf32, #tpu.memory_space<vmem>>, vector<16xf32>,
        tpu.vector_store %arg19[%swap3A_121, %swap3A_122], %broadcast_in_dim3A_120 {strides = array<i32>} : memref<128x128xf32, #tpu.memory_space<vmem>>, vector<16xf32>,
        %broadcast_in_dim3A_124 = arith.constant 0.000000e+00 : f32
        %broadcast_in_dim3A_125 = vector.broadcast %broadcast_in_dim3A_124 : f32 to vector<16xf32>
        %swap3A_126 = arith.index_cast %scan3A_114 : i32 to index
        %swap3A_127 = arith.constant 32 : index
        %swap3A_128 = tpu.vector_load %arg19[%swap3A_126, %swap3A_127] {strides = array<i32>} : memref<128x128xf32, #tpu.memory_space<vmem>>, vector<16xf32>,
        tpu.vector_store %arg19[%swap3A_126, %swap3A_127], %broadcast_in_dim3A_125 {strides = array<i32>} : memref<128x128xf32, #tpu.memory_space<vmem>>, vector<16xf32>,
        %broadcast_in_dim3A_129 = arith.constant 0.000000e+00 : f32
        %broadcast_in_dim3A_130 = vector.broadcast %broadcast_in_dim3A_129 : f32 to vector<16xf32>
        %swap3A_131 = arith.index_cast %scan3A_114 : i32 to index
        %swap3A_132 = arith.constant 48 : index
        %swap3A_133 = tpu.vector_load %arg19[%swap3A_131, %swap3A_132] {strides = array<i32>} : memref<128x128xf32, #tpu.memory_space<vmem>>, vector<16xf32>,
        tpu.vector_store %arg19[%swap3A_131, %swap3A_132], %broadcast_in_dim3A_130 {strides = array<i32>} : memref<128x128xf32, #tpu.memory_space<vmem>>, vector<16xf32>,
        %broadcast_in_dim3A_134 = arith.constant 0.000000e+00 : f32
        %broadcast_in_dim3A_135 = vector.broadcast %broadcast_in_dim3A_134 : f32 to vector<16xf32>
        %swap3A_136 = arith.index_cast %scan3A_114 : i32 to index
        %swap3A_137 = arith.constant 64 : index
        %swap3A_138 = tpu.vector_load %arg19[%swap3A_136, %swap3A_137] {strides = array<i32>} : memref<128x128xf32, #tpu.memory_space<vmem>>, vector<16xf32>,
        tpu.vector_store %arg19[%swap3A_136, %swap3A_137], %broadcast_in_dim3A_135 {strides = array<i32>} : memref<128x128xf32, #tpu.memory_space<vmem>>, vector<16xf32>,
        %broadcast_in_dim3A_139 = arith.constant 0.000000e+00 : f32
        %broadcast_in_dim3A_140 = vector.broadcast %broadcast_in_dim3A_139 : f32 to vector<16xf32>
        %swap3A_141 = arith.index_cast %scan3A_114 : i32 to index
        %swap3A_142 = arith.constant 80 : index
        %swap3A_143 = tpu.vector_load %arg19[%swap3A_141, %swap3A_142] {strides = array<i32>} : memref<128x128xf32, #tpu.memory_space<vmem>>, vector<16xf32>,
        tpu.vector_store %arg19[%swap3A_141, %swap3A_142], %broadcast_in_dim3A_140 {strides = array<i32>} : memref<128x128xf32, #tpu.memory_space<vmem>>, vector<16xf32>,
        %broadcast_in_dim3A_144 = arith.constant 0.000000e+00 : f32
        %broadcast_in_dim3A_145 = vector.broadcast %broadcast_in_dim3A_144 : f32 to vector<16xf32>
        %swap3A_146 = arith.index_cast %scan3A_114 : i32 to index
        %swap3A_147 = arith.constant 96 : index
        %swap3A_148 = tpu.vector_load %arg19[%swap3A_146, %swap3A_147] {strides = array<i32>} : memref<128x128xf32, #tpu.memory_space<vmem>>, vector<16xf32>,
        tpu.vector_store %arg19[%swap3A_146, %swap3A_147], %broadcast_in_dim3A_145 {strides = array<i32>} : memref<128x128xf32, #tpu.memory_space<vmem>>, vector<16xf32>,
        %broadcast_in_dim3A_149 = arith.constant 0.000000e+00 : f32
        %broadcast_in_dim3A_150 = vector.broadcast %broadcast_in_dim3A_149 : f32 to vector<16xf32>
        %swap3A_151 = arith.index_cast %scan3A_114 : i32 to index
        %swap3A_152 = arith.constant 112 : index
        %swap3A_153 = tpu.vector_load %arg19[%swap3A_151, %swap3A_152] {strides = array<i32>} : memref<128x128xf32, #tpu.memory_space<vmem>>, vector<16xf32>,
        tpu.vector_store %arg19[%swap3A_151, %swap3A_152], %broadcast_in_dim3A_150 {strides = array<i32>} : memref<128x128xf32, #tpu.memory_space<vmem>>, vector<16xf32>,
        %scan3A_154 = arith.constant 0 : i32
        scf.yield %scan3A_154 : i32
      }
      %scan3A_54 = arith.constant 32 : i32
      %mul3A = arith.constant 128 : i32
      %mul3A_55 = arith.muli %arg1, %mul3A : i32
      %scan3A_56 = arith.constant 0 : i32
      %scan3A_57 = arith.constant 0 : i32
      %scan3A_58 = arith.constant 4 : i32
      %scan3A_59 = arith.addi %scan3A_57, %scan3A_58 : i32
      %scan3A_60 = arith.constant 1 : i32
      %scan3A_61 = scf.for %scan3A_114 = %scan3A_57 to %scan3A_59 step %scan3A_60 iter_args(%scan3A_115 = %scan3A_56) -> (i32)  : i32 {
        %mul3A_116 = arith.constant 32 : i32
        %mul3A_117 = arith.muli %scan3A_114, %mul3A_116 : i32
        %add3A_118 = arith.addi %mul3A_55, %mul3A_117 : i32
        "tpu.region"() ({
          %run_scoped3A = tpu.sem_alloc : memref<!tpu.dma_semaphore, #tpu.memory_space<semaphore_mem>>
          %dma_start3A = arith.constant 0 : i32
          %dma_start3A_120 = arith.constant 0 : i32
          %dma_start3A_121 = tpu.memref_slice %arg19[%dma_start3A, %dma_start3A_120] : memref<128x128xf32, #tpu.memory_space<vmem>> -> memref<32x128xf32, #tpu.memory_space<vmem>>
          %dma_start3A_122 = arith.constant 0 : i32
          %dma_start3A_123 = tpu.memref_slice %arg20[%add3A_118, %dma_start3A_122] : memref<2048x128xf32, #tpu.memory_space<vmem_shared>> -> memref<32x128xf32, #tpu.memory_space<vmem_shared>>
          %dma_start3A_124 = arith.constant 0 : i32
          %dma_start3A_125 = tpu.memref_slice %arg20[%add3A_118, %dma_start3A_124] : memref<2048x128xf32, #tpu.memory_space<vmem_shared>> -> memref<32x128xf32, #tpu.memory_space<vmem_shared>>
          %dma_start3A_126 = arith.constant 0 : i32
          %dma_start3A_127 = arith.constant 0 : i32
          %dma_start3A_128 = tpu.memref_slice %arg19[%dma_start3A_126, %dma_start3A_127] : memref<128x128xf32, #tpu.memory_space<vmem>> -> memref<32x128xf32, #tpu.memory_space<vmem>>
          tpu.enqueue_dma source(%dma_start3A_128 : memref<32x128xf32, #tpu.memory_space<vmem>>) target(%dma_start3A_125 : memref<32x128xf32, #tpu.memory_space<vmem_shared>>) target_semaphore(%run_scoped3A : memref<!tpu.dma_semaphore, #tpu.memory_space<semaphore_mem>>)
          %dma_wait3A = arith.constant 0 : i32
          %dma_wait3A_129 = arith.constant 0 : i32
          %dma_wait3A_130 = tpu.memref_slice %arg19[%dma_wait3A, %dma_wait3A_129] : memref<128x128xf32, #tpu.memory_space<vmem>> -> memref<32x128xf32, #tpu.memory_space<vmem>>
          %dma_wait3A_131 = arith.constant 0 : i32
          %dma_wait3A_132 = tpu.memref_slice %arg20[%add3A_118, %dma_wait3A_131] : memref<2048x128xf32, #tpu.memory_space<vmem_shared>> -> memref<32x128xf32, #tpu.memory_space<vmem_shared>>
          %dma_wait3A_133 = arith.constant 0 : i32
          %dma_wait3A_134 = tpu.memref_slice %arg20[%add3A_118, %dma_wait3A_133] : memref<2048x128xf32, #tpu.memory_space<vmem_shared>> -> memref<32x128xf32, #tpu.memory_space<vmem_shared>>
          %dma_wait3A_135 = arith.constant 0 : i32
          %dma_wait3A_136 = arith.constant 0 : i32
          %dma_wait3A_137 = tpu.memref_slice %arg19[%dma_wait3A_135, %dma_wait3A_136] : memref<128x128xf32, #tpu.memory_space<vmem>> -> memref<32x128xf32, #tpu.memory_space<vmem>>
          tpu.wait_dma2 semaphore(%run_scoped3A : memref<!tpu.dma_semaphore, #tpu.memory_space<semaphore_mem>>) src(%dma_wait3A_137 : memref<32x128xf32, #tpu.memory_space<vmem>>) dst(%dma_wait3A_134 : memref<32x128xf32, #tpu.memory_space<vmem_shared>>)
          tpu.yield
        }) : () -> ()
        %scan3A_119 = arith.constant 0 : i32
        scf.yield %scan3A_119 : i32
      }
      %scan3A_62 = arith.constant 4 : i32
      %barrier3A = arith.constant 0 : index
      tpu.barrier barrier_id(%barrier3A)
      %add3A_63 = arith.constant 16 : i32
      %add3A_64 = arith.addi %select_n3A, %add3A_63 : i32
      %sub3A_65 = arith.constant 1 : i32
      %sub3A_66 = arith.subi %add3A_64, %sub3A_65 : i32
      %jit3A_67 = arith.constant 16 : i32
      %div3A_68 = arith.divsi %sub3A_66, %jit3A_67 : i32
      %sign3A_69 = arith.constant 0 : i32
      %sign3A_70 = arith.cmpi sgt, %sub3A_66, %sign3A_69 : i32
      %sign3A_71 = arith.extui %sign3A_70 : i1 to i32
      %sign3A_72 = arith.constant 0 : i32
      %sign3A_73 = arith.cmpi slt, %sub3A_66, %sign3A_72 : i32
      %sign3A_74 = arith.extui %sign3A_73 : i1 to i32
      %sign3A_75 = arith.subi %sign3A_71, %sign3A_74 : i32
      %sign3A_76 = arith.constant 0 : i32
      %sign3A_77 = arith.cmpi sgt, %jit3A_67, %sign3A_76 : i32
      %sign3A_78 = arith.extui %sign3A_77 : i1 to i32
      %sign3A_79 = arith.constant 0 : i32
      %sign3A_80 = arith.cmpi slt, %jit3A_67, %sign3A_79 : i32
      %sign3A_81 = arith.extui %sign3A_80 : i1 to i32
      %sign3A_82 = arith.subi %sign3A_78, %sign3A_81 : i32
      %ne3A_83 = arith.cmpi ne, %sign3A_75, %sign3A_82 : i32
      %rem3A_84 = arith.remsi %sub3A_66, %jit3A_67 : i32
      %ne3A_85 = arith.constant 0 : i32
      %ne3A_86 = arith.cmpi ne, %rem3A_84, %ne3A_85 : i32
      %and3A_87 = arith.andi %ne3A_83, %ne3A_86 : i1
      %sub3A_88 = arith.constant 1 : i32
      %sub3A_89 = arith.subi %div3A_68, %sub3A_88 : i32
      %select_n3A_90 = arith.select %and3A_87, %sub3A_89, %div3A_68 : i32
      %while3A = arith.constant 0 : i32
      %while3A_91 = arith.constant 0 : i32
      %while3A_92 = arith.subi %select_n3A_90, %while3A : i32
      %while3A_93 = arith.addi %while3A, %while3A_92 : i32
      %while3A_94 = arith.constant 1 : i32
      %while3A_95 = arith.divsi %while3A_92, %while3A_94 : i32
      %while3A_96 = arith.muli %while3A_95, %while3A_94 : i32
      %while3A_97 = arith.addi %while3A, %while3A_96 : i32
      %while3A_98 = arith.constant 1 : i32
      %while3A_99 = scf.for %while3A_114 = %while3A to %while3A_97 step %while3A_98 iter_args(%while3A_115 = %while3A_91) -> (i32)  : i32 {
        %mul3A_116 = arith.constant 16 : i32
        %mul3A_117 = arith.muli %while3A_114, %mul3A_116 : i32
        %sub3A_118 = arith.subi %select_n3A, %mul3A_117 : i32
        %min3A = arith.constant 16 : i32
        %min3A_119 = arith.minsi %sub3A_118, %min3A : i32
        %while3A_120 = arith.constant 0 : i32
        %while3A_121 = arith.constant 0 : i32
        %while3A_122 = arith.subi %min3A_119, %while3A_120 : i32
        %while3A_123 = arith.addi %while3A_120, %while3A_122 : i32
        %while3A_124 = arith.constant 1 : i32
        %while3A_125 = arith.divsi %while3A_122, %while3A_124 : i32
        %while3A_126 = arith.muli %while3A_125, %while3A_124 : i32
        %while3A_127 = arith.addi %while3A_120, %while3A_126 : i32
        %while3A_128 = arith.constant 1 : i32
        %while3A_129 = scf.for %while3A_145 = %while3A_120 to %while3A_127 step %while3A_128 iter_args(%while3A_146 = %while3A_121) -> (i32)  : i32 {
          %add3A_147 = arith.addi %mul3A_117, %while3A_145 : i32
          %mul3A_148 = arith.constant 128 : i32
          %mul3A_149 = arith.muli %add3A_147, %mul3A_148 : i32
          %add3A_150 = arith.constant 0 : i32
          %add3A_151 = arith.addi %mul3A_149, %add3A_150 : i32
          %get3A = arith.index_cast %add3A_151 : i32 to index
          %get3A_152 = tpu.vector_load %arg17[%get3A] {strides = array<i32>} : memref<10368xi32, #tpu.memory_space<vmem>>, vector<16xi32>,
          %swap3A = arith.index_cast %while3A_145 : i32 to index
          %swap3A_153 = arith.constant 0 : index
          %swap3A_154 = tpu.vector_load %arg12[%swap3A, %swap3A_153] {strides = array<i32>} : memref<16x128xi32, #tpu.memory_space<vmem>>, vector<16xi32>,
          tpu.vector_store %arg12[%swap3A, %swap3A_153], %get3A_152 {strides = array<i32>} : memref<16x128xi32, #tpu.memory_space<vmem>>, vector<16xi32>,
          %get3A_155 = arith.index_cast %add3A_151 : i32 to index
          %get3A_156 = tpu.vector_load %arg16[%get3A_155] {strides = array<i32>} : memref<10368xi32, #tpu.memory_space<vmem>>, vector<16xi32>,
          %swap3A_157 = arith.index_cast %while3A_145 : i32 to index
          %swap3A_158 = arith.constant 0 : index
          %swap3A_159 = tpu.vector_load %arg13[%swap3A_157, %swap3A_158] {strides = array<i32>} : memref<16x128xi32, #tpu.memory_space<vmem>>, vector<16xi32>,
          tpu.vector_store %arg13[%swap3A_157, %swap3A_158], %get3A_156 {strides = array<i32>} : memref<16x128xi32, #tpu.memory_space<vmem>>, vector<16xi32>,
          %mul3A_160 = arith.constant 128 : i32
          %mul3A_161 = arith.muli %add3A_147, %mul3A_160 : i32
          %add3A_162 = arith.constant 16 : i32
          %add3A_163 = arith.addi %mul3A_161, %add3A_162 : i32
          %get3A_164 = arith.index_cast %add3A_163 : i32 to index
          %get3A_165 = tpu.vector_load %arg17[%get3A_164] {strides = array<i32>} : memref<10368xi32, #tpu.memory_space<vmem>>, vector<16xi32>,
          %swap3A_166 = arith.index_cast %while3A_145 : i32 to index
          %swap3A_167 = arith.constant 16 : index
          %swap3A_168 = tpu.vector_load %arg12[%swap3A_166, %swap3A_167] {strides = array<i32>} : memref<16x128xi32, #tpu.memory_space<vmem>>, vector<16xi32>,
          tpu.vector_store %arg12[%swap3A_166, %swap3A_167], %get3A_165 {strides = array<i32>} : memref<16x128xi32, #tpu.memory_space<vmem>>, vector<16xi32>,
          %get3A_169 = arith.index_cast %add3A_163 : i32 to index
          %get3A_170 = tpu.vector_load %arg16[%get3A_169] {strides = array<i32>} : memref<10368xi32, #tpu.memory_space<vmem>>, vector<16xi32>,
          %swap3A_171 = arith.index_cast %while3A_145 : i32 to index
          %swap3A_172 = arith.constant 16 : index
          %swap3A_173 = tpu.vector_load %arg13[%swap3A_171, %swap3A_172] {strides = array<i32>} : memref<16x128xi32, #tpu.memory_space<vmem>>, vector<16xi32>,
          tpu.vector_store %arg13[%swap3A_171, %swap3A_172], %get3A_170 {strides = array<i32>} : memref<16x128xi32, #tpu.memory_space<vmem>>, vector<16xi32>,
          %mul3A_174 = arith.constant 128 : i32
          %mul3A_175 = arith.muli %add3A_147, %mul3A_174 : i32
          %add3A_176 = arith.constant 32 : i32
          %add3A_177 = arith.addi %mul3A_175, %add3A_176 : i32
          %get3A_178 = arith.index_cast %add3A_177 : i32 to index
          %get3A_179 = tpu.vector_load %arg17[%get3A_178] {strides = array<i32>} : memref<10368xi32, #tpu.memory_space<vmem>>, vector<16xi32>,
          %swap3A_180 = arith.index_cast %while3A_145 : i32 to index
          %swap3A_181 = arith.constant 32 : index
          %swap3A_182 = tpu.vector_load %arg12[%swap3A_180, %swap3A_181] {strides = array<i32>} : memref<16x128xi32, #tpu.memory_space<vmem>>, vector<16xi32>,
          tpu.vector_store %arg12[%swap3A_180, %swap3A_181], %get3A_179 {strides = array<i32>} : memref<16x128xi32, #tpu.memory_space<vmem>>, vector<16xi32>,
          %get3A_183 = arith.index_cast %add3A_177 : i32 to index
          %get3A_184 = tpu.vector_load %arg16[%get3A_183] {strides = array<i32>} : memref<10368xi32, #tpu.memory_space<vmem>>, vector<16xi32>,
          %swap3A_185 = arith.index_cast %while3A_145 : i32 to index
          %swap3A_186 = arith.constant 32 : index
          %swap3A_187 = tpu.vector_load %arg13[%swap3A_185, %swap3A_186] {strides = array<i32>} : memref<16x128xi32, #tpu.memory_space<vmem>>, vector<16xi32>,
          tpu.vector_store %arg13[%swap3A_185, %swap3A_186], %get3A_184 {strides = array<i32>} : memref<16x128xi32, #tpu.memory_space<vmem>>, vector<16xi32>,
          %mul3A_188 = arith.constant 128 : i32
          %mul3A_189 = arith.muli %add3A_147, %mul3A_188 : i32
          %add3A_190 = arith.constant 48 : i32
          %add3A_191 = arith.addi %mul3A_189, %add3A_190 : i32
          %get3A_192 = arith.index_cast %add3A_191 : i32 to index
          %get3A_193 = tpu.vector_load %arg17[%get3A_192] {strides = array<i32>} : memref<10368xi32, #tpu.memory_space<vmem>>, vector<16xi32>,
          %swap3A_194 = arith.index_cast %while3A_145 : i32 to index
          %swap3A_195 = arith.constant 48 : index
          %swap3A_196 = tpu.vector_load %arg12[%swap3A_194, %swap3A_195] {strides = array<i32>} : memref<16x128xi32, #tpu.memory_space<vmem>>, vector<16xi32>,
          tpu.vector_store %arg12[%swap3A_194, %swap3A_195], %get3A_193 {strides = array<i32>} : memref<16x128xi32, #tpu.memory_space<vmem>>, vector<16xi32>,
          %get3A_197 = arith.index_cast %add3A_191 : i32 to index
          %get3A_198 = tpu.vector_load %arg16[%get3A_197] {strides = array<i32>} : memref<10368xi32, #tpu.memory_space<vmem>>, vector<16xi32>,
          %swap3A_199 = arith.index_cast %while3A_145 : i32 to index
          %swap3A_200 = arith.constant 48 : index
          %swap3A_201 = tpu.vector_load %arg13[%swap3A_199, %swap3A_200] {strides = array<i32>} : memref<16x128xi32, #tpu.memory_space<vmem>>, vector<16xi32>,
          tpu.vector_store %arg13[%swap3A_199, %swap3A_200], %get3A_198 {strides = array<i32>} : memref<16x128xi32, #tpu.memory_space<vmem>>, vector<16xi32>,
          %mul3A_202 = arith.constant 128 : i32
          %mul3A_203 = arith.muli %add3A_147, %mul3A_202 : i32
          %add3A_204 = arith.constant 64 : i32
          %add3A_205 = arith.addi %mul3A_203, %add3A_204 : i32
          %get3A_206 = arith.index_cast %add3A_205 : i32 to index
          %get3A_207 = tpu.vector_load %arg17[%get3A_206] {strides = array<i32>} : memref<10368xi32, #tpu.memory_space<vmem>>, vector<16xi32>,
          %swap3A_208 = arith.index_cast %while3A_145 : i32 to index
          %swap3A_209 = arith.constant 64 : index
          %swap3A_210 = tpu.vector_load %arg12[%swap3A_208, %swap3A_209] {strides = array<i32>} : memref<16x128xi32, #tpu.memory_space<vmem>>, vector<16xi32>,
          tpu.vector_store %arg12[%swap3A_208, %swap3A_209], %get3A_207 {strides = array<i32>} : memref<16x128xi32, #tpu.memory_space<vmem>>, vector<16xi32>,
          %get3A_211 = arith.index_cast %add3A_205 : i32 to index
          %get3A_212 = tpu.vector_load %arg16[%get3A_211] {strides = array<i32>} : memref<10368xi32, #tpu.memory_space<vmem>>, vector<16xi32>,
          %swap3A_213 = arith.index_cast %while3A_145 : i32 to index
          %swap3A_214 = arith.constant 64 : index
          %swap3A_215 = tpu.vector_load %arg13[%swap3A_213, %swap3A_214] {strides = array<i32>} : memref<16x128xi32, #tpu.memory_space<vmem>>, vector<16xi32>,
          tpu.vector_store %arg13[%swap3A_213, %swap3A_214], %get3A_212 {strides = array<i32>} : memref<16x128xi32, #tpu.memory_space<vmem>>, vector<16xi32>,
          %mul3A_216 = arith.constant 128 : i32
          %mul3A_217 = arith.muli %add3A_147, %mul3A_216 : i32
          %add3A_218 = arith.constant 80 : i32
          %add3A_219 = arith.addi %mul3A_217, %add3A_218 : i32
          %get3A_220 = arith.index_cast %add3A_219 : i32 to index
          %get3A_221 = tpu.vector_load %arg17[%get3A_220] {strides = array<i32>} : memref<10368xi32, #tpu.memory_space<vmem>>, vector<16xi32>,
          %swap3A_222 = arith.index_cast %while3A_145 : i32 to index
          %swap3A_223 = arith.constant 80 : index
          %swap3A_224 = tpu.vector_load %arg12[%swap3A_222, %swap3A_223] {strides = array<i32>} : memref<16x128xi32, #tpu.memory_space<vmem>>, vector<16xi32>,
          tpu.vector_store %arg12[%swap3A_222, %swap3A_223], %get3A_221 {strides = array<i32>} : memref<16x128xi32, #tpu.memory_space<vmem>>, vector<16xi32>,
          %get3A_225 = arith.index_cast %add3A_219 : i32 to index
          %get3A_226 = tpu.vector_load %arg16[%get3A_225] {strides = array<i32>} : memref<10368xi32, #tpu.memory_space<vmem>>, vector<16xi32>,
          %swap3A_227 = arith.index_cast %while3A_145 : i32 to index
          %swap3A_228 = arith.constant 80 : index
          %swap3A_229 = tpu.vector_load %arg13[%swap3A_227, %swap3A_228] {strides = array<i32>} : memref<16x128xi32, #tpu.memory_space<vmem>>, vector<16xi32>,
          tpu.vector_store %arg13[%swap3A_227, %swap3A_228], %get3A_226 {strides = array<i32>} : memref<16x128xi32, #tpu.memory_space<vmem>>, vector<16xi32>,
          %mul3A_230 = arith.constant 128 : i32
          %mul3A_231 = arith.muli %add3A_147, %mul3A_230 : i32
          %add3A_232 = arith.constant 96 : i32
          %add3A_233 = arith.addi %mul3A_231, %add3A_232 : i32
          %get3A_234 = arith.index_cast %add3A_233 : i32 to index
          %get3A_235 = tpu.vector_load %arg17[%get3A_234] {strides = array<i32>} : memref<10368xi32, #tpu.memory_space<vmem>>, vector<16xi32>,
          %swap3A_236 = arith.index_cast %while3A_145 : i32 to index
          %swap3A_237 = arith.constant 96 : index
          %swap3A_238 = tpu.vector_load %arg12[%swap3A_236, %swap3A_237] {strides = array<i32>} : memref<16x128xi32, #tpu.memory_space<vmem>>, vector<16xi32>,
          tpu.vector_store %arg12[%swap3A_236, %swap3A_237], %get3A_235 {strides = array<i32>} : memref<16x128xi32, #tpu.memory_space<vmem>>, vector<16xi32>,
          %get3A_239 = arith.index_cast %add3A_233 : i32 to index
          %get3A_240 = tpu.vector_load %arg16[%get3A_239] {strides = array<i32>} : memref<10368xi32, #tpu.memory_space<vmem>>, vector<16xi32>,
          %swap3A_241 = arith.index_cast %while3A_145 : i32 to index
          %swap3A_242 = arith.constant 96 : index
          %swap3A_243 = tpu.vector_load %arg13[%swap3A_241, %swap3A_242] {strides = array<i32>} : memref<16x128xi32, #tpu.memory_space<vmem>>, vector<16xi32>,
          tpu.vector_store %arg13[%swap3A_241, %swap3A_242], %get3A_240 {strides = array<i32>} : memref<16x128xi32, #tpu.memory_space<vmem>>, vector<16xi32>,
          %mul3A_244 = arith.constant 128 : i32
          %mul3A_245 = arith.muli %add3A_147, %mul3A_244 : i32
          %add3A_246 = arith.constant 112 : i32
          %add3A_247 = arith.addi %mul3A_245, %add3A_246 : i32
          %get3A_248 = arith.index_cast %add3A_247 : i32 to index
          %get3A_249 = tpu.vector_load %arg17[%get3A_248] {strides = array<i32>} : memref<10368xi32, #tpu.memory_space<vmem>>, vector<16xi32>,
          %swap3A_250 = arith.index_cast %while3A_145 : i32 to index
          %swap3A_251 = arith.constant 112 : index
          %swap3A_252 = tpu.vector_load %arg12[%swap3A_250, %swap3A_251] {strides = array<i32>} : memref<16x128xi32, #tpu.memory_space<vmem>>, vector<16xi32>,
          tpu.vector_store %arg12[%swap3A_250, %swap3A_251], %get3A_249 {strides = array<i32>} : memref<16x128xi32, #tpu.memory_space<vmem>>, vector<16xi32>,
          %get3A_253 = arith.index_cast %add3A_247 : i32 to index
          %get3A_254 = tpu.vector_load %arg16[%get3A_253] {strides = array<i32>} : memref<10368xi32, #tpu.memory_space<vmem>>, vector<16xi32>,
          %swap3A_255 = arith.index_cast %while3A_145 : i32 to index
          %swap3A_256 = arith.constant 112 : index
          %swap3A_257 = tpu.vector_load %arg13[%swap3A_255, %swap3A_256] {strides = array<i32>} : memref<16x128xi32, #tpu.memory_space<vmem>>, vector<16xi32>,
          tpu.vector_store %arg13[%swap3A_255, %swap3A_256], %get3A_254 {strides = array<i32>} : memref<16x128xi32, #tpu.memory_space<vmem>>, vector<16xi32>,
          %while3A_258 = arith.constant 0 : i32
          scf.yield %while3A_258 : i32
        }
        %while3A_130 = arith.constant 1 : i32
        %while3A_131 = scf.for %while3A_145 = %while3A_127 to %while3A_123 step %while3A_130 iter_args(%while3A_146 = %while3A_129) -> (i32)  : i32 {
          %add3A_147 = arith.addi %mul3A_117, %while3A_145 : i32
          %mul3A_148 = arith.constant 128 : i32
          %mul3A_149 = arith.muli %add3A_147, %mul3A_148 : i32
          %add3A_150 = arith.constant 0 : i32
          %add3A_151 = arith.addi %mul3A_149, %add3A_150 : i32
          %get3A = arith.index_cast %add3A_151 : i32 to index
          %get3A_152 = tpu.vector_load %arg17[%get3A] {strides = array<i32>} : memref<10368xi32, #tpu.memory_space<vmem>>, vector<16xi32>,
          %swap3A = arith.index_cast %while3A_145 : i32 to index
          %swap3A_153 = arith.constant 0 : index
          %swap3A_154 = tpu.vector_load %arg12[%swap3A, %swap3A_153] {strides = array<i32>} : memref<16x128xi32, #tpu.memory_space<vmem>>, vector<16xi32>,
          tpu.vector_store %arg12[%swap3A, %swap3A_153], %get3A_152 {strides = array<i32>} : memref<16x128xi32, #tpu.memory_space<vmem>>, vector<16xi32>,
          %get3A_155 = arith.index_cast %add3A_151 : i32 to index
          %get3A_156 = tpu.vector_load %arg16[%get3A_155] {strides = array<i32>} : memref<10368xi32, #tpu.memory_space<vmem>>, vector<16xi32>,
          %swap3A_157 = arith.index_cast %while3A_145 : i32 to index
          %swap3A_158 = arith.constant 0 : index
          %swap3A_159 = tpu.vector_load %arg13[%swap3A_157, %swap3A_158] {strides = array<i32>} : memref<16x128xi32, #tpu.memory_space<vmem>>, vector<16xi32>,
          tpu.vector_store %arg13[%swap3A_157, %swap3A_158], %get3A_156 {strides = array<i32>} : memref<16x128xi32, #tpu.memory_space<vmem>>, vector<16xi32>,
          %mul3A_160 = arith.constant 128 : i32
          %mul3A_161 = arith.muli %add3A_147, %mul3A_160 : i32
          %add3A_162 = arith.constant 16 : i32
          %add3A_163 = arith.addi %mul3A_161, %add3A_162 : i32
          %get3A_164 = arith.index_cast %add3A_163 : i32 to index
          %get3A_165 = tpu.vector_load %arg17[%get3A_164] {strides = array<i32>} : memref<10368xi32, #tpu.memory_space<vmem>>, vector<16xi32>,
          %swap3A_166 = arith.index_cast %while3A_145 : i32 to index
          %swap3A_167 = arith.constant 16 : index
          %swap3A_168 = tpu.vector_load %arg12[%swap3A_166, %swap3A_167] {strides = array<i32>} : memref<16x128xi32, #tpu.memory_space<vmem>>, vector<16xi32>,
          tpu.vector_store %arg12[%swap3A_166, %swap3A_167], %get3A_165 {strides = array<i32>} : memref<16x128xi32, #tpu.memory_space<vmem>>, vector<16xi32>,
          %get3A_169 = arith.index_cast %add3A_163 : i32 to index
          %get3A_170 = tpu.vector_load %arg16[%get3A_169] {strides = array<i32>} : memref<10368xi32, #tpu.memory_space<vmem>>, vector<16xi32>,
          %swap3A_171 = arith.index_cast %while3A_145 : i32 to index
          %swap3A_172 = arith.constant 16 : index
          %swap3A_173 = tpu.vector_load %arg13[%swap3A_171, %swap3A_172] {strides = array<i32>} : memref<16x128xi32, #tpu.memory_space<vmem>>, vector<16xi32>,
          tpu.vector_store %arg13[%swap3A_171, %swap3A_172], %get3A_170 {strides = array<i32>} : memref<16x128xi32, #tpu.memory_space<vmem>>, vector<16xi32>,
          %mul3A_174 = arith.constant 128 : i32
          %mul3A_175 = arith.muli %add3A_147, %mul3A_174 : i32
          %add3A_176 = arith.constant 32 : i32
          %add3A_177 = arith.addi %mul3A_175, %add3A_176 : i32
          %get3A_178 = arith.index_cast %add3A_177 : i32 to index
          %get3A_179 = tpu.vector_load %arg17[%get3A_178] {strides = array<i32>} : memref<10368xi32, #tpu.memory_space<vmem>>, vector<16xi32>,
          %swap3A_180 = arith.index_cast %while3A_145 : i32 to index
          %swap3A_181 = arith.constant 32 : index
          %swap3A_182 = tpu.vector_load %arg12[%swap3A_180, %swap3A_181] {strides = array<i32>} : memref<16x128xi32, #tpu.memory_space<vmem>>, vector<16xi32>,
          tpu.vector_store %arg12[%swap3A_180, %swap3A_181], %get3A_179 {strides = array<i32>} : memref<16x128xi32, #tpu.memory_space<vmem>>, vector<16xi32>,
          %get3A_183 = arith.index_cast %add3A_177 : i32 to index
          %get3A_184 = tpu.vector_load %arg16[%get3A_183] {strides = array<i32>} : memref<10368xi32, #tpu.memory_space<vmem>>, vector<16xi32>,
          %swap3A_185 = arith.index_cast %while3A_145 : i32 to index
          %swap3A_186 = arith.constant 32 : index
          %swap3A_187 = tpu.vector_load %arg13[%swap3A_185, %swap3A_186] {strides = array<i32>} : memref<16x128xi32, #tpu.memory_space<vmem>>, vector<16xi32>,
          tpu.vector_store %arg13[%swap3A_185, %swap3A_186], %get3A_184 {strides = array<i32>} : memref<16x128xi32, #tpu.memory_space<vmem>>, vector<16xi32>,
          %mul3A_188 = arith.constant 128 : i32
          %mul3A_189 = arith.muli %add3A_147, %mul3A_188 : i32
          %add3A_190 = arith.constant 48 : i32
          %add3A_191 = arith.addi %mul3A_189, %add3A_190 : i32
          %get3A_192 = arith.index_cast %add3A_191 : i32 to index
          %get3A_193 = tpu.vector_load %arg17[%get3A_192] {strides = array<i32>} : memref<10368xi32, #tpu.memory_space<vmem>>, vector<16xi32>,
          %swap3A_194 = arith.index_cast %while3A_145 : i32 to index
          %swap3A_195 = arith.constant 48 : index
          %swap3A_196 = tpu.vector_load %arg12[%swap3A_194, %swap3A_195] {strides = array<i32>} : memref<16x128xi32, #tpu.memory_space<vmem>>, vector<16xi32>,
          tpu.vector_store %arg12[%swap3A_194, %swap3A_195], %get3A_193 {strides = array<i32>} : memref<16x128xi32, #tpu.memory_space<vmem>>, vector<16xi32>,
          %get3A_197 = arith.index_cast %add3A_191 : i32 to index
          %get3A_198 = tpu.vector_load %arg16[%get3A_197] {strides = array<i32>} : memref<10368xi32, #tpu.memory_space<vmem>>, vector<16xi32>,
          %swap3A_199 = arith.index_cast %while3A_145 : i32 to index
          %swap3A_200 = arith.constant 48 : index
          %swap3A_201 = tpu.vector_load %arg13[%swap3A_199, %swap3A_200] {strides = array<i32>} : memref<16x128xi32, #tpu.memory_space<vmem>>, vector<16xi32>,
          tpu.vector_store %arg13[%swap3A_199, %swap3A_200], %get3A_198 {strides = array<i32>} : memref<16x128xi32, #tpu.memory_space<vmem>>, vector<16xi32>,
          %mul3A_202 = arith.constant 128 : i32
          %mul3A_203 = arith.muli %add3A_147, %mul3A_202 : i32
          %add3A_204 = arith.constant 64 : i32
          %add3A_205 = arith.addi %mul3A_203, %add3A_204 : i32
          %get3A_206 = arith.index_cast %add3A_205 : i32 to index
          %get3A_207 = tpu.vector_load %arg17[%get3A_206] {strides = array<i32>} : memref<10368xi32, #tpu.memory_space<vmem>>, vector<16xi32>,
          %swap3A_208 = arith.index_cast %while3A_145 : i32 to index
          %swap3A_209 = arith.constant 64 : index
          %swap3A_210 = tpu.vector_load %arg12[%swap3A_208, %swap3A_209] {strides = array<i32>} : memref<16x128xi32, #tpu.memory_space<vmem>>, vector<16xi32>,
          tpu.vector_store %arg12[%swap3A_208, %swap3A_209], %get3A_207 {strides = array<i32>} : memref<16x128xi32, #tpu.memory_space<vmem>>, vector<16xi32>,
          %get3A_211 = arith.index_cast %add3A_205 : i32 to index
          %get3A_212 = tpu.vector_load %arg16[%get3A_211] {strides = array<i32>} : memref<10368xi32, #tpu.memory_space<vmem>>, vector<16xi32>,
          %swap3A_213 = arith.index_cast %while3A_145 : i32 to index
          %swap3A_214 = arith.constant 64 : index
          %swap3A_215 = tpu.vector_load %arg13[%swap3A_213, %swap3A_214] {strides = array<i32>} : memref<16x128xi32, #tpu.memory_space<vmem>>, vector<16xi32>,
          tpu.vector_store %arg13[%swap3A_213, %swap3A_214], %get3A_212 {strides = array<i32>} : memref<16x128xi32, #tpu.memory_space<vmem>>, vector<16xi32>,
          %mul3A_216 = arith.constant 128 : i32
          %mul3A_217 = arith.muli %add3A_147, %mul3A_216 : i32
          %add3A_218 = arith.constant 80 : i32
          %add3A_219 = arith.addi %mul3A_217, %add3A_218 : i32
          %get3A_220 = arith.index_cast %add3A_219 : i32 to index
          %get3A_221 = tpu.vector_load %arg17[%get3A_220] {strides = array<i32>} : memref<10368xi32, #tpu.memory_space<vmem>>, vector<16xi32>,
          %swap3A_222 = arith.index_cast %while3A_145 : i32 to index
          %swap3A_223 = arith.constant 80 : index
          %swap3A_224 = tpu.vector_load %arg12[%swap3A_222, %swap3A_223] {strides = array<i32>} : memref<16x128xi32, #tpu.memory_space<vmem>>, vector<16xi32>,
          tpu.vector_store %arg12[%swap3A_222, %swap3A_223], %get3A_221 {strides = array<i32>} : memref<16x128xi32, #tpu.memory_space<vmem>>, vector<16xi32>,
          %get3A_225 = arith.index_cast %add3A_219 : i32 to index
          %get3A_226 = tpu.vector_load %arg16[%get3A_225] {strides = array<i32>} : memref<10368xi32, #tpu.memory_space<vmem>>, vector<16xi32>,
          %swap3A_227 = arith.index_cast %while3A_145 : i32 to index
          %swap3A_228 = arith.constant 80 : index
          %swap3A_229 = tpu.vector_load %arg13[%swap3A_227, %swap3A_228] {strides = array<i32>} : memref<16x128xi32, #tpu.memory_space<vmem>>, vector<16xi32>,
          tpu.vector_store %arg13[%swap3A_227, %swap3A_228], %get3A_226 {strides = array<i32>} : memref<16x128xi32, #tpu.memory_space<vmem>>, vector<16xi32>,
          %mul3A_230 = arith.constant 128 : i32
          %mul3A_231 = arith.muli %add3A_147, %mul3A_230 : i32
          %add3A_232 = arith.constant 96 : i32
          %add3A_233 = arith.addi %mul3A_231, %add3A_232 : i32
          %get3A_234 = arith.index_cast %add3A_233 : i32 to index
          %get3A_235 = tpu.vector_load %arg17[%get3A_234] {strides = array<i32>} : memref<10368xi32, #tpu.memory_space<vmem>>, vector<16xi32>,
          %swap3A_236 = arith.index_cast %while3A_145 : i32 to index
          %swap3A_237 = arith.constant 96 : index
          %swap3A_238 = tpu.vector_load %arg12[%swap3A_236, %swap3A_237] {strides = array<i32>} : memref<16x128xi32, #tpu.memory_space<vmem>>, vector<16xi32>,
          tpu.vector_store %arg12[%swap3A_236, %swap3A_237], %get3A_235 {strides = array<i32>} : memref<16x128xi32, #tpu.memory_space<vmem>>, vector<16xi32>,
          %get3A_239 = arith.index_cast %add3A_233 : i32 to index
          %get3A_240 = tpu.vector_load %arg16[%get3A_239] {strides = array<i32>} : memref<10368xi32, #tpu.memory_space<vmem>>, vector<16xi32>,
          %swap3A_241 = arith.index_cast %while3A_145 : i32 to index
          %swap3A_242 = arith.constant 96 : index
          %swap3A_243 = tpu.vector_load %arg13[%swap3A_241, %swap3A_242] {strides = array<i32>} : memref<16x128xi32, #tpu.memory_space<vmem>>, vector<16xi32>,
          tpu.vector_store %arg13[%swap3A_241, %swap3A_242], %get3A_240 {strides = array<i32>} : memref<16x128xi32, #tpu.memory_space<vmem>>, vector<16xi32>,
          %mul3A_244 = arith.constant 128 : i32
          %mul3A_245 = arith.muli %add3A_147, %mul3A_244 : i32
          %add3A_246 = arith.constant 112 : i32
          %add3A_247 = arith.addi %mul3A_245, %add3A_246 : i32
          %get3A_248 = arith.index_cast %add3A_247 : i32 to index
          %get3A_249 = tpu.vector_load %arg17[%get3A_248] {strides = array<i32>} : memref<10368xi32, #tpu.memory_space<vmem>>, vector<16xi32>,
          %swap3A_250 = arith.index_cast %while3A_145 : i32 to index
          %swap3A_251 = arith.constant 112 : index
          %swap3A_252 = tpu.vector_load %arg12[%swap3A_250, %swap3A_251] {strides = array<i32>} : memref<16x128xi32, #tpu.memory_space<vmem>>, vector<16xi32>,
          tpu.vector_store %arg12[%swap3A_250, %swap3A_251], %get3A_249 {strides = array<i32>} : memref<16x128xi32, #tpu.memory_space<vmem>>, vector<16xi32>,
          %get3A_253 = arith.index_cast %add3A_247 : i32 to index
          %get3A_254 = tpu.vector_load %arg16[%get3A_253] {strides = array<i32>} : memref<10368xi32, #tpu.memory_space<vmem>>, vector<16xi32>,
          %swap3A_255 = arith.index_cast %while3A_145 : i32 to index
          %swap3A_256 = arith.constant 112 : index
          %swap3A_257 = tpu.vector_load %arg13[%swap3A_255, %swap3A_256] {strides = array<i32>} : memref<16x128xi32, #tpu.memory_space<vmem>>, vector<16xi32>,
          tpu.vector_store %arg13[%swap3A_255, %swap3A_256], %get3A_254 {strides = array<i32>} : memref<16x128xi32, #tpu.memory_space<vmem>>, vector<16xi32>,
          %while3A_258 = arith.constant 0 : i32
          scf.yield %while3A_258 : i32
        }
        %while3A_132 = arith.constant 0 : i32
        %while3A_133 = arith.constant 0 : i32
        %while3A_134 = arith.subi %min3A_119, %while3A_132 : i32
        %while3A_135 = arith.addi %while3A_132, %while3A_134 : i32
        %while3A_136 = arith.constant 1 : i32
        %while3A_137 = arith.divsi %while3A_134, %while3A_136 : i32
        %while3A_138 = arith.muli %while3A_137, %while3A_136 : i32
        %while3A_139 = arith.addi %while3A_132, %while3A_138 : i32
        %while3A_140 = arith.constant 1 : i32
        %while3A_141 = scf.for %while3A_145 = %while3A_132 to %while3A_139 step %while3A_140 iter_args(%while3A_146 = %while3A_133) -> (i32)  : i32 {
          %dma_start3A = arith.constant 0 : i32
          %dma_start3A_147 = tpu.memref_slice %arg13[%while3A_145, %dma_start3A] : memref<16x128xi32, #tpu.memory_space<vmem>> -> memref<1x128xi32, #tpu.memory_space<vmem>>
          %dma_start3A_148 = tpu.memref_squeeze %dma_start3A_147 : memref<1x128xi32, #tpu.memory_space<vmem>> -> memref<128xi32, #tpu.memory_space<vmem>>
          %dma_start3A_149 = arith.constant 0 : i32
          %dma_start3A_150 = arith.constant 0 : i32
          %dma_start3A_151 = tpu.memref_slice %arg2[%dma_start3A_149, %dma_start3A_150] : memref<20000x128xf32, #tpu.memory_space<hbm>> -> memref<20000x128xf32, #tpu.memory_space<hbm>>
          tpu.enqueue_indirect_dma source(%dma_start3A_151 : memref<20000x128xf32, #tpu.memory_space<hbm>>) target(%arg19 : memref<128x128xf32, #tpu.memory_space<vmem>>) offsets(%dma_start3A_148 : memref<128xi32, #tpu.memory_space<vmem>>) semaphore(%arg21 : memref<!tpu.dma_semaphore, #tpu.memory_space<semaphore_mem>>)
          %dma_wait3A = arith.constant 0 : i32
          %dma_wait3A_152 = tpu.memref_slice %arg13[%while3A_145, %dma_wait3A] : memref<16x128xi32, #tpu.memory_space<vmem>> -> memref<1x128xi32, #tpu.memory_space<vmem>>
          %dma_wait3A_153 = tpu.memref_squeeze %dma_wait3A_152 : memref<1x128xi32, #tpu.memory_space<vmem>> -> memref<128xi32, #tpu.memory_space<vmem>>
          %dma_wait3A_154 = arith.constant 0 : i32
          %dma_wait3A_155 = arith.constant 0 : i32
          %dma_wait3A_156 = tpu.memref_slice %arg2[%dma_wait3A_154, %dma_wait3A_155] : memref<20000x128xf32, #tpu.memory_space<hbm>> -> memref<20000x128xf32, #tpu.memory_space<hbm>>
          tpu.wait_indirect_dma semaphore(%arg21 : memref<!tpu.dma_semaphore, #tpu.memory_space<semaphore_mem>>) src(%dma_wait3A_156 : memref<20000x128xf32, #tpu.memory_space<hbm>>) dst(%arg19 : memref<128x128xf32, #tpu.memory_space<vmem>>)
          %add3A_157 = arith.addi %mul3A_117, %while3A_145 : i32
          %mul3A_158 = arith.constant 128 : i32
          %mul3A_159 = arith.muli %add3A_157, %mul3A_158 : i32
          %scan3A_160 = arith.constant 0 : i32
          %scan3A_161 = arith.constant 0 : i32
          %scan3A_162 = arith.constant 16 : i32
          %scan3A_163 = arith.addi %scan3A_161, %scan3A_162 : i32
          %scan3A_164 = arith.constant 1 : i32
          %scan3A_165 = scf.for %scan3A_168 = %scan3A_161 to %scan3A_163 step %scan3A_164 iter_args(%scan3A_169 = %scan3A_160) -> (i32)  : i32 {
            %mul3A_170 = arith.constant 8 : i32
            %mul3A_171 = arith.muli %scan3A_168, %mul3A_170 : i32
            %add3A_172 = arith.addi %mul3A_159, %mul3A_171 : i32
            %add3A_173 = arith.constant 0 : i32
            %add3A_174 = arith.addi %add3A_172, %add3A_173 : i32
            %broadcast_in_dim3A = vector.broadcast %add3A_174 : i32 to vector<16xi32>
            %gather3A = tpu.vector_load_idx %arg15[%broadcast_in_dim3A] : memref<10368xf32, #tpu.memory_space<vmem>>[vector<16xi32>], vector<16xf32>,
            %add3A_175 = arith.addi %mul3A_159, %mul3A_171 : i32
            %add3A_176 = arith.constant 1 : i32
            %add3A_177 = arith.addi %add3A_175, %add3A_176 : i32
            %broadcast_in_dim3A_178 = vector.broadcast %add3A_177 : i32 to vector<16xi32>
            %gather3A_179 = tpu.vector_load_idx %arg15[%broadcast_in_dim3A_178] : memref<10368xf32, #tpu.memory_space<vmem>>[vector<16xi32>], vector<16xf32>,
            %add3A_180 = arith.addi %mul3A_159, %mul3A_171 : i32
            %add3A_181 = arith.constant 2 : i32
            %add3A_182 = arith.addi %add3A_180, %add3A_181 : i32
            %broadcast_in_dim3A_183 = vector.broadcast %add3A_182 : i32 to vector<16xi32>
            %gather3A_184 = tpu.vector_load_idx %arg15[%broadcast_in_dim3A_183] : memref<10368xf32, #tpu.memory_space<vmem>>[vector<16xi32>], vector<16xf32>,
            %add3A_185 = arith.addi %mul3A_159, %mul3A_171 : i32
            %add3A_186 = arith.constant 3 : i32
            %add3A_187 = arith.addi %add3A_185, %add3A_186 : i32
            %broadcast_in_dim3A_188 = vector.broadcast %add3A_187 : i32 to vector<16xi32>
            %gather3A_189 = tpu.vector_load_idx %arg15[%broadcast_in_dim3A_188] : memref<10368xf32, #tpu.memory_space<vmem>>[vector<16xi32>], vector<16xf32>,
            %add3A_190 = arith.addi %mul3A_159, %mul3A_171 : i32
            %add3A_191 = arith.constant 4 : i32
            %add3A_192 = arith.addi %add3A_190, %add3A_191 : i32
            %broadcast_in_dim3A_193 = vector.broadcast %add3A_192 : i32 to vector<16xi32>
            %gather3A_194 = tpu.vector_load_idx %arg15[%broadcast_in_dim3A_193] : memref<10368xf32, #tpu.memory_space<vmem>>[vector<16xi32>], vector<16xf32>,
            %add3A_195 = arith.addi %mul3A_159, %mul3A_171 : i32
            %add3A_196 = arith.constant 5 : i32
            %add3A_197 = arith.addi %add3A_195, %add3A_196 : i32
            %broadcast_in_dim3A_198 = vector.broadcast %add3A_197 : i32 to vector<16xi32>
            %gather3A_199 = tpu.vector_load_idx %arg15[%broadcast_in_dim3A_198] : memref<10368xf32, #tpu.memory_space<vmem>>[vector<16xi32>], vector<16xf32>,
            %add3A_200 = arith.addi %mul3A_159, %mul3A_171 : i32
            %add3A_201 = arith.constant 6 : i32
            %add3A_202 = arith.addi %add3A_200, %add3A_201 : i32
            %broadcast_in_dim3A_203 = vector.broadcast %add3A_202 : i32 to vector<16xi32>
            %gather3A_204 = tpu.vector_load_idx %arg15[%broadcast_in_dim3A_203] : memref<10368xf32, #tpu.memory_space<vmem>>[vector<16xi32>], vector<16xf32>,
            %add3A_205 = arith.addi %mul3A_159, %mul3A_171 : i32
            %add3A_206 = arith.constant 7 : i32
            %add3A_207 = arith.addi %add3A_205, %add3A_206 : i32
            %broadcast_in_dim3A_208 = vector.broadcast %add3A_207 : i32 to vector<16xi32>
            %gather3A_209 = tpu.vector_load_idx %arg15[%broadcast_in_dim3A_208] : memref<10368xf32, #tpu.memory_space<vmem>>[vector<16xi32>], vector<16xf32>,
            %add3A_210 = arith.constant 0 : i32
            %add3A_211 = arith.addi %mul3A_171, %add3A_210 : i32
            %get3A = arith.index_cast %add3A_211 : i32 to index
            %get3A_212 = arith.constant 0 : index
            %get3A_213 = tpu.vector_load %arg19[%get3A, %get3A_212] {strides = array<i32>} : memref<128x128xf32, #tpu.memory_space<vmem>>, vector<16xf32>,
            %mul3A_214 = arith.mulf %get3A_213, %gather3A : vector<16xf32>
            %add3A_215 = arith.constant 0 : i32
            %add3A_216 = arith.addi %mul3A_171, %add3A_215 : i32
            %swap3A = arith.index_cast %add3A_216 : i32 to index
            %swap3A_217 = arith.constant 0 : index
            %swap3A_218 = tpu.vector_load %arg19[%swap3A, %swap3A_217] {strides = array<i32>} : memref<128x128xf32, #tpu.memory_space<vmem>>, vector<16xf32>,
            tpu.vector_store %arg19[%swap3A, %swap3A_217], %mul3A_214 {strides = array<i32>} : memref<128x128xf32, #tpu.memory_space<vmem>>, vector<16xf32>,
            %add3A_219 = arith.constant 0 : i32
            %add3A_220 = arith.addi %mul3A_171, %add3A_219 : i32
            %get3A_221 = arith.index_cast %add3A_220 : i32 to index
            %get3A_222 = arith.constant 16 : index
            %get3A_223 = tpu.vector_load %arg19[%get3A_221, %get3A_222] {strides = array<i32>} : memref<128x128xf32, #tpu.memory_space<vmem>>, vector<16xf32>,
            %mul3A_224 = arith.mulf %get3A_223, %gather3A : vector<16xf32>
            %add3A_225 = arith.constant 0 : i32
            %add3A_226 = arith.addi %mul3A_171, %add3A_225 : i32
            %swap3A_227 = arith.index_cast %add3A_226 : i32 to index
            %swap3A_228 = arith.constant 16 : index
            %swap3A_229 = tpu.vector_load %arg19[%swap3A_227, %swap3A_228] {strides = array<i32>} : memref<128x128xf32, #tpu.memory_space<vmem>>, vector<16xf32>,
            tpu.vector_store %arg19[%swap3A_227, %swap3A_228], %mul3A_224 {strides = array<i32>} : memref<128x128xf32, #tpu.memory_space<vmem>>, vector<16xf32>,
            %add3A_230 = arith.constant 0 : i32
            %add3A_231 = arith.addi %mul3A_171, %add3A_230 : i32
            %get3A_232 = arith.index_cast %add3A_231 : i32 to index
            %get3A_233 = arith.constant 32 : index
            %get3A_234 = tpu.vector_load %arg19[%get3A_232, %get3A_233] {strides = array<i32>} : memref<128x128xf32, #tpu.memory_space<vmem>>, vector<16xf32>,
            %mul3A_235 = arith.mulf %get3A_234, %gather3A : vector<16xf32>
            %add3A_236 = arith.constant 0 : i32
            %add3A_237 = arith.addi %mul3A_171, %add3A_236 : i32
            %swap3A_238 = arith.index_cast %add3A_237 : i32 to index
            %swap3A_239 = arith.constant 32 : index
            %swap3A_240 = tpu.vector_load %arg19[%swap3A_238, %swap3A_239] {strides = array<i32>} : memref<128x128xf32, #tpu.memory_space<vmem>>, vector<16xf32>,
            tpu.vector_store %arg19[%swap3A_238, %swap3A_239], %mul3A_235 {strides = array<i32>} : memref<128x128xf32, #tpu.memory_space<vmem>>, vector<16xf32>,
            %add3A_241 = arith.constant 0 : i32
            %add3A_242 = arith.addi %mul3A_171, %add3A_241 : i32
            %get3A_243 = arith.index_cast %add3A_242 : i32 to index
            %get3A_244 = arith.constant 48 : index
            %get3A_245 = tpu.vector_load %arg19[%get3A_243, %get3A_244] {strides = array<i32>} : memref<128x128xf32, #tpu.memory_space<vmem>>, vector<16xf32>,
            %mul3A_246 = arith.mulf %get3A_245, %gather3A : vector<16xf32>
            %add3A_247 = arith.constant 0 : i32
            %add3A_248 = arith.addi %mul3A_171, %add3A_247 : i32
            %swap3A_249 = arith.index_cast %add3A_248 : i32 to index
            %swap3A_250 = arith.constant 48 : index
            %swap3A_251 = tpu.vector_load %arg19[%swap3A_249, %swap3A_250] {strides = array<i32>} : memref<128x128xf32, #tpu.memory_space<vmem>>, vector<16xf32>,
            tpu.vector_store %arg19[%swap3A_249, %swap3A_250], %mul3A_246 {strides = array<i32>} : memref<128x128xf32, #tpu.memory_space<vmem>>, vector<16xf32>,
            %add3A_252 = arith.constant 0 : i32
            %add3A_253 = arith.addi %mul3A_171, %add3A_252 : i32
            %get3A_254 = arith.index_cast %add3A_253 : i32 to index
            %get3A_255 = arith.constant 64 : index
            %get3A_256 = tpu.vector_load %arg19[%get3A_254, %get3A_255] {strides = array<i32>} : memref<128x128xf32, #tpu.memory_space<vmem>>, vector<16xf32>,
            %mul3A_257 = arith.mulf %get3A_256, %gather3A : vector<16xf32>
            %add3A_258 = arith.constant 0 : i32
            %add3A_259 = arith.addi %mul3A_171, %add3A_258 : i32
            %swap3A_260 = arith.index_cast %add3A_259 : i32 to index
            %swap3A_261 = arith.constant 64 : index
            %swap3A_262 = tpu.vector_load %arg19[%swap3A_260, %swap3A_261] {strides = array<i32>} : memref<128x128xf32, #tpu.memory_space<vmem>>, vector<16xf32>,
            tpu.vector_store %arg19[%swap3A_260, %swap3A_261], %mul3A_257 {strides = array<i32>} : memref<128x128xf32, #tpu.memory_space<vmem>>, vector<16xf32>,
            %add3A_263 = arith.constant 0 : i32
            %add3A_264 = arith.addi %mul3A_171, %add3A_263 : i32
            %get3A_265 = arith.index_cast %add3A_264 : i32 to index
            %get3A_266 = arith.constant 80 : index
            %get3A_267 = tpu.vector_load %arg19[%get3A_265, %get3A_266] {strides = array<i32>} : memref<128x128xf32, #tpu.memory_space<vmem>>, vector<16xf32>,
            %mul3A_268 = arith.mulf %get3A_267, %gather3A : vector<16xf32>
            %add3A_269 = arith.constant 0 : i32
            %add3A_270 = arith.addi %mul3A_171, %add3A_269 : i32
            %swap3A_271 = arith.index_cast %add3A_270 : i32 to index
            %swap3A_272 = arith.constant 80 : index
            %swap3A_273 = tpu.vector_load %arg19[%swap3A_271, %swap3A_272] {strides = array<i32>} : memref<128x128xf32, #tpu.memory_space<vmem>>, vector<16xf32>,
            tpu.vector_store %arg19[%swap3A_271, %swap3A_272], %mul3A_268 {strides = array<i32>} : memref<128x128xf32, #tpu.memory_space<vmem>>, vector<16xf32>,
            %add3A_274 = arith.constant 0 : i32
            %add3A_275 = arith.addi %mul3A_171, %add3A_274 : i32
            %get3A_276 = arith.index_cast %add3A_275 : i32 to index
            %get3A_277 = arith.constant 96 : index
            %get3A_278 = tpu.vector_load %arg19[%get3A_276, %get3A_277] {strides = array<i32>} : memref<128x128xf32, #tpu.memory_space<vmem>>, vector<16xf32>,
            %mul3A_279 = arith.mulf %get3A_278, %gather3A : vector<16xf32>
            %add3A_280 = arith.constant 0 : i32
            %add3A_281 = arith.addi %mul3A_171, %add3A_280 : i32
            %swap3A_282 = arith.index_cast %add3A_281 : i32 to index
            %swap3A_283 = arith.constant 96 : index
            %swap3A_284 = tpu.vector_load %arg19[%swap3A_282, %swap3A_283] {strides = array<i32>} : memref<128x128xf32, #tpu.memory_space<vmem>>, vector<16xf32>,
            tpu.vector_store %arg19[%swap3A_282, %swap3A_283], %mul3A_279 {strides = array<i32>} : memref<128x128xf32, #tpu.memory_space<vmem>>, vector<16xf32>,
            %add3A_285 = arith.constant 0 : i32
            %add3A_286 = arith.addi %mul3A_171, %add3A_285 : i32
            %get3A_287 = arith.index_cast %add3A_286 : i32 to index
            %get3A_288 = arith.constant 112 : index
            %get3A_289 = tpu.vector_load %arg19[%get3A_287, %get3A_288] {strides = array<i32>} : memref<128x128xf32, #tpu.memory_space<vmem>>, vector<16xf32>,
            %mul3A_290 = arith.mulf %get3A_289, %gather3A : vector<16xf32>
            %add3A_291 = arith.constant 0 : i32
            %add3A_292 = arith.addi %mul3A_171, %add3A_291 : i32
            %swap3A_293 = arith.index_cast %add3A_292 : i32 to index
            %swap3A_294 = arith.constant 112 : index
            %swap3A_295 = tpu.vector_load %arg19[%swap3A_293, %swap3A_294] {strides = array<i32>} : memref<128x128xf32, #tpu.memory_space<vmem>>, vector<16xf32>,
            tpu.vector_store %arg19[%swap3A_293, %swap3A_294], %mul3A_290 {strides = array<i32>} : memref<128x128xf32, #tpu.memory_space<vmem>>, vector<16xf32>,
            %add3A_296 = arith.constant 1 : i32
            %add3A_297 = arith.addi %mul3A_171, %add3A_296 : i32
            %get3A_298 = arith.index_cast %add3A_297 : i32 to index
            %get3A_299 = arith.constant 0 : index
            %get3A_300 = tpu.vector_load %arg19[%get3A_298, %get3A_299] {strides = array<i32>} : memref<128x128xf32, #tpu.memory_space<vmem>>, vector<16xf32>,
            %mul3A_301 = arith.mulf %get3A_300, %gather3A_179 : vector<16xf32>
            %add3A_302 = arith.constant 1 : i32
            %add3A_303 = arith.addi %mul3A_171, %add3A_302 : i32
            %swap3A_304 = arith.index_cast %add3A_303 : i32 to index
            %swap3A_305 = arith.constant 0 : index
            %swap3A_306 = tpu.vector_load %arg19[%swap3A_304, %swap3A_305] {strides = array<i32>} : memref<128x128xf32, #tpu.memory_space<vmem>>, vector<16xf32>,
            tpu.vector_store %arg19[%swap3A_304, %swap3A_305], %mul3A_301 {strides = array<i32>} : memref<128x128xf32, #tpu.memory_space<vmem>>, vector<16xf32>,
            %add3A_307 = arith.constant 1 : i32
            %add3A_308 = arith.addi %mul3A_171, %add3A_307 : i32
            %get3A_309 = arith.index_cast %add3A_308 : i32 to index
            %get3A_310 = arith.constant 16 : index
            %get3A_311 = tpu.vector_load %arg19[%get3A_309, %get3A_310] {strides = array<i32>} : memref<128x128xf32, #tpu.memory_space<vmem>>, vector<16xf32>,
            %mul3A_312 = arith.mulf %get3A_311, %gather3A_179 : vector<16xf32>
            %add3A_313 = arith.constant 1 : i32
            %add3A_314 = arith.addi %mul3A_171, %add3A_313 : i32
            %swap3A_315 = arith.index_cast %add3A_314 : i32 to index
            %swap3A_316 = arith.constant 16 : index
            %swap3A_317 = tpu.vector_load %arg19[%swap3A_315, %swap3A_316] {strides = array<i32>} : memref<128x128xf32, #tpu.memory_space<vmem>>, vector<16xf32>,
            tpu.vector_store %arg19[%swap3A_315, %swap3A_316], %mul3A_312 {strides = array<i32>} : memref<128x128xf32, #tpu.memory_space<vmem>>, vector<16xf32>,
            %add3A_318 = arith.constant 1 : i32
            %add3A_319 = arith.addi %mul3A_171, %add3A_318 : i32
            %get3A_320 = arith.index_cast %add3A_319 : i32 to index
            %get3A_321 = arith.constant 32 : index
            %get3A_322 = tpu.vector_load %arg19[%get3A_320, %get3A_321] {strides = array<i32>} : memref<128x128xf32, #tpu.memory_space<vmem>>, vector<16xf32>,
            %mul3A_323 = arith.mulf %get3A_322, %gather3A_179 : vector<16xf32>
            %add3A_324 = arith.constant 1 : i32
            %add3A_325 = arith.addi %mul3A_171, %add3A_324 : i32
            %swap3A_326 = arith.index_cast %add3A_325 : i32 to index
            %swap3A_327 = arith.constant 32 : index
            %swap3A_328 = tpu.vector_load %arg19[%swap3A_326, %swap3A_327] {strides = array<i32>} : memref<128x128xf32, #tpu.memory_space<vmem>>, vector<16xf32>,
            tpu.vector_store %arg19[%swap3A_326, %swap3A_327], %mul3A_323 {strides = array<i32>} : memref<128x128xf32, #tpu.memory_space<vmem>>, vector<16xf32>,
            %add3A_329 = arith.constant 1 : i32
            %add3A_330 = arith.addi %mul3A_171, %add3A_329 : i32
            %get3A_331 = arith.index_cast %add3A_330 : i32 to index
            %get3A_332 = arith.constant 48 : index
            %get3A_333 = tpu.vector_load %arg19[%get3A_331, %get3A_332] {strides = array<i32>} : memref<128x128xf32, #tpu.memory_space<vmem>>, vector<16xf32>,
            %mul3A_334 = arith.mulf %get3A_333, %gather3A_179 : vector<16xf32>
            %add3A_335 = arith.constant 1 : i32
            %add3A_336 = arith.addi %mul3A_171, %add3A_335 : i32
            %swap3A_337 = arith.index_cast %add3A_336 : i32 to index
            %swap3A_338 = arith.constant 48 : index
            %swap3A_339 = tpu.vector_load %arg19[%swap3A_337, %swap3A_338] {strides = array<i32>} : memref<128x128xf32, #tpu.memory_space<vmem>>, vector<16xf32>,
            tpu.vector_store %arg19[%swap3A_337, %swap3A_338], %mul3A_334 {strides = array<i32>} : memref<128x128xf32, #tpu.memory_space<vmem>>, vector<16xf32>,
            %add3A_340 = arith.constant 1 : i32
            %add3A_341 = arith.addi %mul3A_171, %add3A_340 : i32
            %get3A_342 = arith.index_cast %add3A_341 : i32 to index
            %get3A_343 = arith.constant 64 : index
            %get3A_344 = tpu.vector_load %arg19[%get3A_342, %get3A_343] {strides = array<i32>} : memref<128x128xf32, #tpu.memory_space<vmem>>, vector<16xf32>,
            %mul3A_345 = arith.mulf %get3A_344, %gather3A_179 : vector<16xf32>
            %add3A_346 = arith.constant 1 : i32
            %add3A_347 = arith.addi %mul3A_171, %add3A_346 : i32
            %swap3A_348 = arith.index_cast %add3A_347 : i32 to index
            %swap3A_349 = arith.constant 64 : index
            %swap3A_350 = tpu.vector_load %arg19[%swap3A_348, %swap3A_349] {strides = array<i32>} : memref<128x128xf32, #tpu.memory_space<vmem>>, vector<16xf32>,
            tpu.vector_store %arg19[%swap3A_348, %swap3A_349], %mul3A_345 {strides = array<i32>} : memref<128x128xf32, #tpu.memory_space<vmem>>, vector<16xf32>,
            %add3A_351 = arith.constant 1 : i32
            %add3A_352 = arith.addi %mul3A_171, %add3A_351 : i32
            %get3A_353 = arith.index_cast %add3A_352 : i32 to index
            %get3A_354 = arith.constant 80 : index
            %get3A_355 = tpu.vector_load %arg19[%get3A_353, %get3A_354] {strides = array<i32>} : memref<128x128xf32, #tpu.memory_space<vmem>>, vector<16xf32>,
            %mul3A_356 = arith.mulf %get3A_355, %gather3A_179 : vector<16xf32>
            %add3A_357 = arith.constant 1 : i32
            %add3A_358 = arith.addi %mul3A_171, %add3A_357 : i32
            %swap3A_359 = arith.index_cast %add3A_358 : i32 to index
            %swap3A_360 = arith.constant 80 : index
            %swap3A_361 = tpu.vector_load %arg19[%swap3A_359, %swap3A_360] {strides = array<i32>} : memref<128x128xf32, #tpu.memory_space<vmem>>, vector<16xf32>,
            tpu.vector_store %arg19[%swap3A_359, %swap3A_360], %mul3A_356 {strides = array<i32>} : memref<128x128xf32, #tpu.memory_space<vmem>>, vector<16xf32>,
            %add3A_362 = arith.constant 1 : i32
            %add3A_363 = arith.addi %mul3A_171, %add3A_362 : i32
            %get3A_364 = arith.index_cast %add3A_363 : i32 to index
            %get3A_365 = arith.constant 96 : index
            %get3A_366 = tpu.vector_load %arg19[%get3A_364, %get3A_365] {strides = array<i32>} : memref<128x128xf32, #tpu.memory_space<vmem>>, vector<16xf32>,
            %mul3A_367 = arith.mulf %get3A_366, %gather3A_179 : vector<16xf32>
            %add3A_368 = arith.constant 1 : i32
            %add3A_369 = arith.addi %mul3A_171, %add3A_368 : i32
            %swap3A_370 = arith.index_cast %add3A_369 : i32 to index
            %swap3A_371 = arith.constant 96 : index
            %swap3A_372 = tpu.vector_load %arg19[%swap3A_370, %swap3A_371] {strides = array<i32>} : memref<128x128xf32, #tpu.memory_space<vmem>>, vector<16xf32>,
            tpu.vector_store %arg19[%swap3A_370, %swap3A_371], %mul3A_367 {strides = array<i32>} : memref<128x128xf32, #tpu.memory_space<vmem>>, vector<16xf32>,
            %add3A_373 = arith.constant 1 : i32
            %add3A_374 = arith.addi %mul3A_171, %add3A_373 : i32
            %get3A_375 = arith.index_cast %add3A_374 : i32 to index
            %get3A_376 = arith.constant 112 : index
            %get3A_377 = tpu.vector_load %arg19[%get3A_375, %get3A_376] {strides = array<i32>} : memref<128x128xf32, #tpu.memory_space<vmem>>, vector<16xf32>,
            %mul3A_378 = arith.mulf %get3A_377, %gather3A_179 : vector<16xf32>
            %add3A_379 = arith.constant 1 : i32
            %add3A_380 = arith.addi %mul3A_171, %add3A_379 : i32
            %swap3A_381 = arith.index_cast %add3A_380 : i32 to index
            %swap3A_382 = arith.constant 112 : index
            %swap3A_383 = tpu.vector_load %arg19[%swap3A_381, %swap3A_382] {strides = array<i32>} : memref<128x128xf32, #tpu.memory_space<vmem>>, vector<16xf32>,
            tpu.vector_store %arg19[%swap3A_381, %swap3A_382], %mul3A_378 {strides = array<i32>} : memref<128x128xf32, #tpu.memory_space<vmem>>, vector<16xf32>,
            %add3A_384 = arith.constant 2 : i32
            %add3A_385 = arith.addi %mul3A_171, %add3A_384 : i32
            %get3A_386 = arith.index_cast %add3A_385 : i32 to index
            %get3A_387 = arith.constant 0 : index
            %get3A_388 = tpu.vector_load %arg19[%get3A_386, %get3A_387] {strides = array<i32>} : memref<128x128xf32, #tpu.memory_space<vmem>>, vector<16xf32>,
            %mul3A_389 = arith.mulf %get3A_388, %gather3A_184 : vector<16xf32>
            %add3A_390 = arith.constant 2 : i32
            %add3A_391 = arith.addi %mul3A_171, %add3A_390 : i32
            %swap3A_392 = arith.index_cast %add3A_391 : i32 to index
            %swap3A_393 = arith.constant 0 : index
            %swap3A_394 = tpu.vector_load %arg19[%swap3A_392, %swap3A_393] {strides = array<i32>} : memref<128x128xf32, #tpu.memory_space<vmem>>, vector<16xf32>,
            tpu.vector_store %arg19[%swap3A_392, %swap3A_393], %mul3A_389 {strides = array<i32>} : memref<128x128xf32, #tpu.memory_space<vmem>>, vector<16xf32>,
            %add3A_395 = arith.constant 2 : i32
            %add3A_396 = arith.addi %mul3A_171, %add3A_395 : i32
            %get3A_397 = arith.index_cast %add3A_396 : i32 to index
            %get3A_398 = arith.constant 16 : index
            %get3A_399 = tpu.vector_load %arg19[%get3A_397, %get3A_398] {strides = array<i32>} : memref<128x128xf32, #tpu.memory_space<vmem>>, vector<16xf32>,
            %mul3A_400 = arith.mulf %get3A_399, %gather3A_184 : vector<16xf32>
            %add3A_401 = arith.constant 2 : i32
            %add3A_402 = arith.addi %mul3A_171, %add3A_401 : i32
            %swap3A_403 = arith.index_cast %add3A_402 : i32 to index
            %swap3A_404 = arith.constant 16 : index
            %swap3A_405 = tpu.vector_load %arg19[%swap3A_403, %swap3A_404] {strides = array<i32>} : memref<128x128xf32, #tpu.memory_space<vmem>>, vector<16xf32>,
            tpu.vector_store %arg19[%swap3A_403, %swap3A_404], %mul3A_400 {strides = array<i32>} : memref<128x128xf32, #tpu.memory_space<vmem>>, vector<16xf32>,
            %add3A_406 = arith.constant 2 : i32
            %add3A_407 = arith.addi %mul3A_171, %add3A_406 : i32
            %get3A_408 = arith.index_cast %add3A_407 : i32 to index
            %get3A_409 = arith.constant 32 : index
            %get3A_410 = tpu.vector_load %arg19[%get3A_408, %get3A_409] {strides = array<i32>} : memref<128x128xf32, #tpu.memory_space<vmem>>, vector<16xf32>,
            %mul3A_411 = arith.mulf %get3A_410, %gather3A_184 : vector<16xf32>
            %add3A_412 = arith.constant 2 : i32
            %add3A_413 = arith.addi %mul3A_171, %add3A_412 : i32
            %swap3A_414 = arith.index_cast %add3A_413 : i32 to index
            %swap3A_415 = arith.constant 32 : index
            %swap3A_416 = tpu.vector_load %arg19[%swap3A_414, %swap3A_415] {strides = array<i32>} : memref<128x128xf32, #tpu.memory_space<vmem>>, vector<16xf32>,
            tpu.vector_store %arg19[%swap3A_414, %swap3A_415], %mul3A_411 {strides = array<i32>} : memref<128x128xf32, #tpu.memory_space<vmem>>, vector<16xf32>,
            %add3A_417 = arith.constant 2 : i32
            %add3A_418 = arith.addi %mul3A_171, %add3A_417 : i32
            %get3A_419 = arith.index_cast %add3A_418 : i32 to index
            %get3A_420 = arith.constant 48 : index
            %get3A_421 = tpu.vector_load %arg19[%get3A_419, %get3A_420] {strides = array<i32>} : memref<128x128xf32, #tpu.memory_space<vmem>>, vector<16xf32>,
            %mul3A_422 = arith.mulf %get3A_421, %gather3A_184 : vector<16xf32>
            %add3A_423 = arith.constant 2 : i32
            %add3A_424 = arith.addi %mul3A_171, %add3A_423 : i32
            %swap3A_425 = arith.index_cast %add3A_424 : i32 to index
            %swap3A_426 = arith.constant 48 : index
            %swap3A_427 = tpu.vector_load %arg19[%swap3A_425, %swap3A_426] {strides = array<i32>} : memref<128x128xf32, #tpu.memory_space<vmem>>, vector<16xf32>,
            tpu.vector_store %arg19[%swap3A_425, %swap3A_426], %mul3A_422 {strides = array<i32>} : memref<128x128xf32, #tpu.memory_space<vmem>>, vector<16xf32>,
            %add3A_428 = arith.constant 2 : i32
            %add3A_429 = arith.addi %mul3A_171, %add3A_428 : i32
            %get3A_430 = arith.index_cast %add3A_429 : i32 to index
            %get3A_431 = arith.constant 64 : index
            %get3A_432 = tpu.vector_load %arg19[%get3A_430, %get3A_431] {strides = array<i32>} : memref<128x128xf32, #tpu.memory_space<vmem>>, vector<16xf32>,
            %mul3A_433 = arith.mulf %get3A_432, %gather3A_184 : vector<16xf32>
            %add3A_434 = arith.constant 2 : i32
            %add3A_435 = arith.addi %mul3A_171, %add3A_434 : i32
            %swap3A_436 = arith.index_cast %add3A_435 : i32 to index
            %swap3A_437 = arith.constant 64 : index
            %swap3A_438 = tpu.vector_load %arg19[%swap3A_436, %swap3A_437] {strides = array<i32>} : memref<128x128xf32, #tpu.memory_space<vmem>>, vector<16xf32>,
            tpu.vector_store %arg19[%swap3A_436, %swap3A_437], %mul3A_433 {strides = array<i32>} : memref<128x128xf32, #tpu.memory_space<vmem>>, vector<16xf32>,
            %add3A_439 = arith.constant 2 : i32
            %add3A_440 = arith.addi %mul3A_171, %add3A_439 : i32
            %get3A_441 = arith.index_cast %add3A_440 : i32 to index
            %get3A_442 = arith.constant 80 : index
            %get3A_443 = tpu.vector_load %arg19[%get3A_441, %get3A_442] {strides = array<i32>} : memref<128x128xf32, #tpu.memory_space<vmem>>, vector<16xf32>,
            %mul3A_444 = arith.mulf %get3A_443, %gather3A_184 : vector<16xf32>
            %add3A_445 = arith.constant 2 : i32
            %add3A_446 = arith.addi %mul3A_171, %add3A_445 : i32
            %swap3A_447 = arith.index_cast %add3A_446 : i32 to index
            %swap3A_448 = arith.constant 80 : index
            %swap3A_449 = tpu.vector_load %arg19[%swap3A_447, %swap3A_448] {strides = array<i32>} : memref<128x128xf32, #tpu.memory_space<vmem>>, vector<16xf32>,
            tpu.vector_store %arg19[%swap3A_447, %swap3A_448], %mul3A_444 {strides = array<i32>} : memref<128x128xf32, #tpu.memory_space<vmem>>, vector<16xf32>,
            %add3A_450 = arith.constant 2 : i32
            %add3A_451 = arith.addi %mul3A_171, %add3A_450 : i32
            %get3A_452 = arith.index_cast %add3A_451 : i32 to index
            %get3A_453 = arith.constant 96 : index
            %get3A_454 = tpu.vector_load %arg19[%get3A_452, %get3A_453] {strides = array<i32>} : memref<128x128xf32, #tpu.memory_space<vmem>>, vector<16xf32>,
            %mul3A_455 = arith.mulf %get3A_454, %gather3A_184 : vector<16xf32>
            %add3A_456 = arith.constant 2 : i32
            %add3A_457 = arith.addi %mul3A_171, %add3A_456 : i32
            %swap3A_458 = arith.index_cast %add3A_457 : i32 to index
            %swap3A_459 = arith.constant 96 : index
            %swap3A_460 = tpu.vector_load %arg19[%swap3A_458, %swap3A_459] {strides = array<i32>} : memref<128x128xf32, #tpu.memory_space<vmem>>, vector<16xf32>,
            tpu.vector_store %arg19[%swap3A_458, %swap3A_459], %mul3A_455 {strides = array<i32>} : memref<128x128xf32, #tpu.memory_space<vmem>>, vector<16xf32>,
            %add3A_461 = arith.constant 2 : i32
            %add3A_462 = arith.addi %mul3A_171, %add3A_461 : i32
            %get3A_463 = arith.index_cast %add3A_462 : i32 to index
            %get3A_464 = arith.constant 112 : index
            %get3A_465 = tpu.vector_load %arg19[%get3A_463, %get3A_464] {strides = array<i32>} : memref<128x128xf32, #tpu.memory_space<vmem>>, vector<16xf32>,
            %mul3A_466 = arith.mulf %get3A_465, %gather3A_184 : vector<16xf32>
            %add3A_467 = arith.constant 2 : i32
            %add3A_468 = arith.addi %mul3A_171, %add3A_467 : i32
            %swap3A_469 = arith.index_cast %add3A_468 : i32 to index
            %swap3A_470 = arith.constant 112 : index
            %swap3A_471 = tpu.vector_load %arg19[%swap3A_469, %swap3A_470] {strides = array<i32>} : memref<128x128xf32, #tpu.memory_space<vmem>>, vector<16xf32>,
            tpu.vector_store %arg19[%swap3A_469, %swap3A_470], %mul3A_466 {strides = array<i32>} : memref<128x128xf32, #tpu.memory_space<vmem>>, vector<16xf32>,
            %add3A_472 = arith.constant 3 : i32
            %add3A_473 = arith.addi %mul3A_171, %add3A_472 : i32
            %get3A_474 = arith.index_cast %add3A_473 : i32 to index
            %get3A_475 = arith.constant 0 : index
            %get3A_476 = tpu.vector_load %arg19[%get3A_474, %get3A_475] {strides = array<i32>} : memref<128x128xf32, #tpu.memory_space<vmem>>, vector<16xf32>,
            %mul3A_477 = arith.mulf %get3A_476, %gather3A_189 : vector<16xf32>
            %add3A_478 = arith.constant 3 : i32
            %add3A_479 = arith.addi %mul3A_171, %add3A_478 : i32
            %swap3A_480 = arith.index_cast %add3A_479 : i32 to index
            %swap3A_481 = arith.constant 0 : index
            %swap3A_482 = tpu.vector_load %arg19[%swap3A_480, %swap3A_481] {strides = array<i32>} : memref<128x128xf32, #tpu.memory_space<vmem>>, vector<16xf32>,
            tpu.vector_store %arg19[%swap3A_480, %swap3A_481], %mul3A_477 {strides = array<i32>} : memref<128x128xf32, #tpu.memory_space<vmem>>, vector<16xf32>,
            %add3A_483 = arith.constant 3 : i32
            %add3A_484 = arith.addi %mul3A_171, %add3A_483 : i32
            %get3A_485 = arith.index_cast %add3A_484 : i32 to index
            %get3A_486 = arith.constant 16 : index
            %get3A_487 = tpu.vector_load %arg19[%get3A_485, %get3A_486] {strides = array<i32>} : memref<128x128xf32, #tpu.memory_space<vmem>>, vector<16xf32>,
            %mul3A_488 = arith.mulf %get3A_487, %gather3A_189 : vector<16xf32>
            %add3A_489 = arith.constant 3 : i32
            %add3A_490 = arith.addi %mul3A_171, %add3A_489 : i32
            %swap3A_491 = arith.index_cast %add3A_490 : i32 to index
            %swap3A_492 = arith.constant 16 : index
            %swap3A_493 = tpu.vector_load %arg19[%swap3A_491, %swap3A_492] {strides = array<i32>} : memref<128x128xf32, #tpu.memory_space<vmem>>, vector<16xf32>,
            tpu.vector_store %arg19[%swap3A_491, %swap3A_492], %mul3A_488 {strides = array<i32>} : memref<128x128xf32, #tpu.memory_space<vmem>>, vector<16xf32>,
            %add3A_494 = arith.constant 3 : i32
            %add3A_495 = arith.addi %mul3A_171, %add3A_494 : i32
            %get3A_496 = arith.index_cast %add3A_495 : i32 to index
            %get3A_497 = arith.constant 32 : index
            %get3A_498 = tpu.vector_load %arg19[%get3A_496, %get3A_497] {strides = array<i32>} : memref<128x128xf32, #tpu.memory_space<vmem>>, vector<16xf32>,
            %mul3A_499 = arith.mulf %get3A_498, %gather3A_189 : vector<16xf32>
            %add3A_500 = arith.constant 3 : i32
            %add3A_501 = arith.addi %mul3A_171, %add3A_500 : i32
            %swap3A_502 = arith.index_cast %add3A_501 : i32 to index
            %swap3A_503 = arith.constant 32 : index
            %swap3A_504 = tpu.vector_load %arg19[%swap3A_502, %swap3A_503] {strides = array<i32>} : memref<128x128xf32, #tpu.memory_space<vmem>>, vector<16xf32>,
            tpu.vector_store %arg19[%swap3A_502, %swap3A_503], %mul3A_499 {strides = array<i32>} : memref<128x128xf32, #tpu.memory_space<vmem>>, vector<16xf32>,
            %add3A_505 = arith.constant 3 : i32
            %add3A_506 = arith.addi %mul3A_171, %add3A_505 : i32
            %get3A_507 = arith.index_cast %add3A_506 : i32 to index
            %get3A_508 = arith.constant 48 : index
            %get3A_509 = tpu.vector_load %arg19[%get3A_507, %get3A_508] {strides = array<i32>} : memref<128x128xf32, #tpu.memory_space<vmem>>, vector<16xf32>,
            %mul3A_510 = arith.mulf %get3A_509, %gather3A_189 : vector<16xf32>
            %add3A_511 = arith.constant 3 : i32
            %add3A_512 = arith.addi %mul3A_171, %add3A_511 : i32
            %swap3A_513 = arith.index_cast %add3A_512 : i32 to index
            %swap3A_514 = arith.constant 48 : index
            %swap3A_515 = tpu.vector_load %arg19[%swap3A_513, %swap3A_514] {strides = array<i32>} : memref<128x128xf32, #tpu.memory_space<vmem>>, vector<16xf32>,
            tpu.vector_store %arg19[%swap3A_513, %swap3A_514], %mul3A_510 {strides = array<i32>} : memref<128x128xf32, #tpu.memory_space<vmem>>, vector<16xf32>,
            %add3A_516 = arith.constant 3 : i32
            %add3A_517 = arith.addi %mul3A_171, %add3A_516 : i32
            %get3A_518 = arith.index_cast %add3A_517 : i32 to index
            %get3A_519 = arith.constant 64 : index
            %get3A_520 = tpu.vector_load %arg19[%get3A_518, %get3A_519] {strides = array<i32>} : memref<128x128xf32, #tpu.memory_space<vmem>>, vector<16xf32>,
            %mul3A_521 = arith.mulf %get3A_520, %gather3A_189 : vector<16xf32>
            %add3A_522 = arith.constant 3 : i32
            %add3A_523 = arith.addi %mul3A_171, %add3A_522 : i32
            %swap3A_524 = arith.index_cast %add3A_523 : i32 to index
            %swap3A_525 = arith.constant 64 : index
            %swap3A_526 = tpu.vector_load %arg19[%swap3A_524, %swap3A_525] {strides = array<i32>} : memref<128x128xf32, #tpu.memory_space<vmem>>, vector<16xf32>,
            tpu.vector_store %arg19[%swap3A_524, %swap3A_525], %mul3A_521 {strides = array<i32>} : memref<128x128xf32, #tpu.memory_space<vmem>>, vector<16xf32>,
            %add3A_527 = arith.constant 3 : i32
            %add3A_528 = arith.addi %mul3A_171, %add3A_527 : i32
            %get3A_529 = arith.index_cast %add3A_528 : i32 to index
            %get3A_530 = arith.constant 80 : index
            %get3A_531 = tpu.vector_load %arg19[%get3A_529, %get3A_530] {strides = array<i32>} : memref<128x128xf32, #tpu.memory_space<vmem>>, vector<16xf32>,
            %mul3A_532 = arith.mulf %get3A_531, %gather3A_189 : vector<16xf32>
            %add3A_533 = arith.constant 3 : i32
            %add3A_534 = arith.addi %mul3A_171, %add3A_533 : i32
            %swap3A_535 = arith.index_cast %add3A_534 : i32 to index
            %swap3A_536 = arith.constant 80 : index
            %swap3A_537 = tpu.vector_load %arg19[%swap3A_535, %swap3A_536] {strides = array<i32>} : memref<128x128xf32, #tpu.memory_space<vmem>>, vector<16xf32>,
            tpu.vector_store %arg19[%swap3A_535, %swap3A_536], %mul3A_532 {strides = array<i32>} : memref<128x128xf32, #tpu.memory_space<vmem>>, vector<16xf32>,
            %add3A_538 = arith.constant 3 : i32
            %add3A_539 = arith.addi %mul3A_171, %add3A_538 : i32
            %get3A_540 = arith.index_cast %add3A_539 : i32 to index
            %get3A_541 = arith.constant 96 : index
            %get3A_542 = tpu.vector_load %arg19[%get3A_540, %get3A_541] {strides = array<i32>} : memref<128x128xf32, #tpu.memory_space<vmem>>, vector<16xf32>,
            %mul3A_543 = arith.mulf %get3A_542, %gather3A_189 : vector<16xf32>
            %add3A_544 = arith.constant 3 : i32
            %add3A_545 = arith.addi %mul3A_171, %add3A_544 : i32
            %swap3A_546 = arith.index_cast %add3A_545 : i32 to index
            %swap3A_547 = arith.constant 96 : index
            %swap3A_548 = tpu.vector_load %arg19[%swap3A_546, %swap3A_547] {strides = array<i32>} : memref<128x128xf32, #tpu.memory_space<vmem>>, vector<16xf32>,
            tpu.vector_store %arg19[%swap3A_546, %swap3A_547], %mul3A_543 {strides = array<i32>} : memref<128x128xf32, #tpu.memory_space<vmem>>, vector<16xf32>,
            %add3A_549 = arith.constant 3 : i32
            %add3A_550 = arith.addi %mul3A_171, %add3A_549 : i32
            %get3A_551 = arith.index_cast %add3A_550 : i32 to index
            %get3A_552 = arith.constant 112 : index
            %get3A_553 = tpu.vector_load %arg19[%get3A_551, %get3A_552] {strides = array<i32>} : memref<128x128xf32, #tpu.memory_space<vmem>>, vector<16xf32>,
            %mul3A_554 = arith.mulf %get3A_553, %gather3A_189 : vector<16xf32>
            %add3A_555 = arith.constant 3 : i32
            %add3A_556 = arith.addi %mul3A_171, %add3A_555 : i32
            %swap3A_557 = arith.index_cast %add3A_556 : i32 to index
            %swap3A_558 = arith.constant 112 : index
            %swap3A_559 = tpu.vector_load %arg19[%swap3A_557, %swap3A_558] {strides = array<i32>} : memref<128x128xf32, #tpu.memory_space<vmem>>, vector<16xf32>,
            tpu.vector_store %arg19[%swap3A_557, %swap3A_558], %mul3A_554 {strides = array<i32>} : memref<128x128xf32, #tpu.memory_space<vmem>>, vector<16xf32>,
            %add3A_560 = arith.constant 4 : i32
            %add3A_561 = arith.addi %mul3A_171, %add3A_560 : i32
            %get3A_562 = arith.index_cast %add3A_561 : i32 to index
            %get3A_563 = arith.constant 0 : index
            %get3A_564 = tpu.vector_load %arg19[%get3A_562, %get3A_563] {strides = array<i32>} : memref<128x128xf32, #tpu.memory_space<vmem>>, vector<16xf32>,
            %mul3A_565 = arith.mulf %get3A_564, %gather3A_194 : vector<16xf32>
            %add3A_566 = arith.constant 4 : i32
            %add3A_567 = arith.addi %mul3A_171, %add3A_566 : i32
            %swap3A_568 = arith.index_cast %add3A_567 : i32 to index
            %swap3A_569 = arith.constant 0 : index
            %swap3A_570 = tpu.vector_load %arg19[%swap3A_568, %swap3A_569] {strides = array<i32>} : memref<128x128xf32, #tpu.memory_space<vmem>>, vector<16xf32>,
            tpu.vector_store %arg19[%swap3A_568, %swap3A_569], %mul3A_565 {strides = array<i32>} : memref<128x128xf32, #tpu.memory_space<vmem>>, vector<16xf32>,
            %add3A_571 = arith.constant 4 : i32
            %add3A_572 = arith.addi %mul3A_171, %add3A_571 : i32
            %get3A_573 = arith.index_cast %add3A_572 : i32 to index
            %get3A_574 = arith.constant 16 : index
            %get3A_575 = tpu.vector_load %arg19[%get3A_573, %get3A_574] {strides = array<i32>} : memref<128x128xf32, #tpu.memory_space<vmem>>, vector<16xf32>,
            %mul3A_576 = arith.mulf %get3A_575, %gather3A_194 : vector<16xf32>
            %add3A_577 = arith.constant 4 : i32
            %add3A_578 = arith.addi %mul3A_171, %add3A_577 : i32
            %swap3A_579 = arith.index_cast %add3A_578 : i32 to index
            %swap3A_580 = arith.constant 16 : index
            %swap3A_581 = tpu.vector_load %arg19[%swap3A_579, %swap3A_580] {strides = array<i32>} : memref<128x128xf32, #tpu.memory_space<vmem>>, vector<16xf32>,
            tpu.vector_store %arg19[%swap3A_579, %swap3A_580], %mul3A_576 {strides = array<i32>} : memref<128x128xf32, #tpu.memory_space<vmem>>, vector<16xf32>,
            %add3A_582 = arith.constant 4 : i32
            %add3A_583 = arith.addi %mul3A_171, %add3A_582 : i32
            %get3A_584 = arith.index_cast %add3A_583 : i32 to index
            %get3A_585 = arith.constant 32 : index
            %get3A_586 = tpu.vector_load %arg19[%get3A_584, %get3A_585] {strides = array<i32>} : memref<128x128xf32, #tpu.memory_space<vmem>>, vector<16xf32>,
            %mul3A_587 = arith.mulf %get3A_586, %gather3A_194 : vector<16xf32>
            %add3A_588 = arith.constant 4 : i32
            %add3A_589 = arith.addi %mul3A_171, %add3A_588 : i32
            %swap3A_590 = arith.index_cast %add3A_589 : i32 to index
            %swap3A_591 = arith.constant 32 : index
            %swap3A_592 = tpu.vector_load %arg19[%swap3A_590, %swap3A_591] {strides = array<i32>} : memref<128x128xf32, #tpu.memory_space<vmem>>, vector<16xf32>,
            tpu.vector_store %arg19[%swap3A_590, %swap3A_591], %mul3A_587 {strides = array<i32>} : memref<128x128xf32, #tpu.memory_space<vmem>>, vector<16xf32>,
            %add3A_593 = arith.constant 4 : i32
            %add3A_594 = arith.addi %mul3A_171, %add3A_593 : i32
            %get3A_595 = arith.index_cast %add3A_594 : i32 to index
            %get3A_596 = arith.constant 48 : index
            %get3A_597 = tpu.vector_load %arg19[%get3A_595, %get3A_596] {strides = array<i32>} : memref<128x128xf32, #tpu.memory_space<vmem>>, vector<16xf32>,
            %mul3A_598 = arith.mulf %get3A_597, %gather3A_194 : vector<16xf32>
            %add3A_599 = arith.constant 4 : i32
            %add3A_600 = arith.addi %mul3A_171, %add3A_599 : i32
            %swap3A_601 = arith.index_cast %add3A_600 : i32 to index
            %swap3A_602 = arith.constant 48 : index
            %swap3A_603 = tpu.vector_load %arg19[%swap3A_601, %swap3A_602] {strides = array<i32>} : memref<128x128xf32, #tpu.memory_space<vmem>>, vector<16xf32>,
            tpu.vector_store %arg19[%swap3A_601, %swap3A_602], %mul3A_598 {strides = array<i32>} : memref<128x128xf32, #tpu.memory_space<vmem>>, vector<16xf32>,
            %add3A_604 = arith.constant 4 : i32
            %add3A_605 = arith.addi %mul3A_171, %add3A_604 : i32
            %get3A_606 = arith.index_cast %add3A_605 : i32 to index
            %get3A_607 = arith.constant 64 : index
            %get3A_608 = tpu.vector_load %arg19[%get3A_606, %get3A_607] {strides = array<i32>} : memref<128x128xf32, #tpu.memory_space<vmem>>, vector<16xf32>,
            %mul3A_609 = arith.mulf %get3A_608, %gather3A_194 : vector<16xf32>
            %add3A_610 = arith.constant 4 : i32
            %add3A_611 = arith.addi %mul3A_171, %add3A_610 : i32
            %swap3A_612 = arith.index_cast %add3A_611 : i32 to index
            %swap3A_613 = arith.constant 64 : index
            %swap3A_614 = tpu.vector_load %arg19[%swap3A_612, %swap3A_613] {strides = array<i32>} : memref<128x128xf32, #tpu.memory_space<vmem>>, vector<16xf32>,
            tpu.vector_store %arg19[%swap3A_612, %swap3A_613], %mul3A_609 {strides = array<i32>} : memref<128x128xf32, #tpu.memory_space<vmem>>, vector<16xf32>,
            %add3A_615 = arith.constant 4 : i32
            %add3A_616 = arith.addi %mul3A_171, %add3A_615 : i32
            %get3A_617 = arith.index_cast %add3A_616 : i32 to index
            %get3A_618 = arith.constant 80 : index
            %get3A_619 = tpu.vector_load %arg19[%get3A_617, %get3A_618] {strides = array<i32>} : memref<128x128xf32, #tpu.memory_space<vmem>>, vector<16xf32>,
            %mul3A_620 = arith.mulf %get3A_619, %gather3A_194 : vector<16xf32>
            %add3A_621 = arith.constant 4 : i32
            %add3A_622 = arith.addi %mul3A_171, %add3A_621 : i32
            %swap3A_623 = arith.index_cast %add3A_622 : i32 to index
            %swap3A_624 = arith.constant 80 : index
            %swap3A_625 = tpu.vector_load %arg19[%swap3A_623, %swap3A_624] {strides = array<i32>} : memref<128x128xf32, #tpu.memory_space<vmem>>, vector<16xf32>,
            tpu.vector_store %arg19[%swap3A_623, %swap3A_624], %mul3A_620 {strides = array<i32>} : memref<128x128xf32, #tpu.memory_space<vmem>>, vector<16xf32>,
            %add3A_626 = arith.constant 4 : i32
            %add3A_627 = arith.addi %mul3A_171, %add3A_626 : i32
            %get3A_628 = arith.index_cast %add3A_627 : i32 to index
            %get3A_629 = arith.constant 96 : index
            %get3A_630 = tpu.vector_load %arg19[%get3A_628, %get3A_629] {strides = array<i32>} : memref<128x128xf32, #tpu.memory_space<vmem>>, vector<16xf32>,
            %mul3A_631 = arith.mulf %get3A_630, %gather3A_194 : vector<16xf32>
            %add3A_632 = arith.constant 4 : i32
            %add3A_633 = arith.addi %mul3A_171, %add3A_632 : i32
            %swap3A_634 = arith.index_cast %add3A_633 : i32 to index
            %swap3A_635 = arith.constant 96 : index
            %swap3A_636 = tpu.vector_load %arg19[%swap3A_634, %swap3A_635] {strides = array<i32>} : memref<128x128xf32, #tpu.memory_space<vmem>>, vector<16xf32>,
            tpu.vector_store %arg19[%swap3A_634, %swap3A_635], %mul3A_631 {strides = array<i32>} : memref<128x128xf32, #tpu.memory_space<vmem>>, vector<16xf32>,
            %add3A_637 = arith.constant 4 : i32
            %add3A_638 = arith.addi %mul3A_171, %add3A_637 : i32
            %get3A_639 = arith.index_cast %add3A_638 : i32 to index
            %get3A_640 = arith.constant 112 : index
            %get3A_641 = tpu.vector_load %arg19[%get3A_639, %get3A_640] {strides = array<i32>} : memref<128x128xf32, #tpu.memory_space<vmem>>, vector<16xf32>,
            %mul3A_642 = arith.mulf %get3A_641, %gather3A_194 : vector<16xf32>
            %add3A_643 = arith.constant 4 : i32
            %add3A_644 = arith.addi %mul3A_171, %add3A_643 : i32
            %swap3A_645 = arith.index_cast %add3A_644 : i32 to index
            %swap3A_646 = arith.constant 112 : index
            %swap3A_647 = tpu.vector_load %arg19[%swap3A_645, %swap3A_646] {strides = array<i32>} : memref<128x128xf32, #tpu.memory_space<vmem>>, vector<16xf32>,
            tpu.vector_store %arg19[%swap3A_645, %swap3A_646], %mul3A_642 {strides = array<i32>} : memref<128x128xf32, #tpu.memory_space<vmem>>, vector<16xf32>,
            %add3A_648 = arith.constant 5 : i32
            %add3A_649 = arith.addi %mul3A_171, %add3A_648 : i32
            %get3A_650 = arith.index_cast %add3A_649 : i32 to index
            %get3A_651 = arith.constant 0 : index
            %get3A_652 = tpu.vector_load %arg19[%get3A_650, %get3A_651] {strides = array<i32>} : memref<128x128xf32, #tpu.memory_space<vmem>>, vector<16xf32>,
            %mul3A_653 = arith.mulf %get3A_652, %gather3A_199 : vector<16xf32>
            %add3A_654 = arith.constant 5 : i32
            %add3A_655 = arith.addi %mul3A_171, %add3A_654 : i32
            %swap3A_656 = arith.index_cast %add3A_655 : i32 to index
            %swap3A_657 = arith.constant 0 : index
            %swap3A_658 = tpu.vector_load %arg19[%swap3A_656, %swap3A_657] {strides = array<i32>} : memref<128x128xf32, #tpu.memory_space<vmem>>, vector<16xf32>,
            tpu.vector_store %arg19[%swap3A_656, %swap3A_657], %mul3A_653 {strides = array<i32>} : memref<128x128xf32, #tpu.memory_space<vmem>>, vector<16xf32>,
            %add3A_659 = arith.constant 5 : i32
            %add3A_660 = arith.addi %mul3A_171, %add3A_659 : i32
            %get3A_661 = arith.index_cast %add3A_660 : i32 to index
            %get3A_662 = arith.constant 16 : index
            %get3A_663 = tpu.vector_load %arg19[%get3A_661, %get3A_662] {strides = array<i32>} : memref<128x128xf32, #tpu.memory_space<vmem>>, vector<16xf32>,
            %mul3A_664 = arith.mulf %get3A_663, %gather3A_199 : vector<16xf32>
            %add3A_665 = arith.constant 5 : i32
            %add3A_666 = arith.addi %mul3A_171, %add3A_665 : i32
            %swap3A_667 = arith.index_cast %add3A_666 : i32 to index
            %swap3A_668 = arith.constant 16 : index
            %swap3A_669 = tpu.vector_load %arg19[%swap3A_667, %swap3A_668] {strides = array<i32>} : memref<128x128xf32, #tpu.memory_space<vmem>>, vector<16xf32>,
            tpu.vector_store %arg19[%swap3A_667, %swap3A_668], %mul3A_664 {strides = array<i32>} : memref<128x128xf32, #tpu.memory_space<vmem>>, vector<16xf32>,
            %add3A_670 = arith.constant 5 : i32
            %add3A_671 = arith.addi %mul3A_171, %add3A_670 : i32
            %get3A_672 = arith.index_cast %add3A_671 : i32 to index
            %get3A_673 = arith.constant 32 : index
            %get3A_674 = tpu.vector_load %arg19[%get3A_672, %get3A_673] {strides = array<i32>} : memref<128x128xf32, #tpu.memory_space<vmem>>, vector<16xf32>,
            %mul3A_675 = arith.mulf %get3A_674, %gather3A_199 : vector<16xf32>
            %add3A_676 = arith.constant 5 : i32
            %add3A_677 = arith.addi %mul3A_171, %add3A_676 : i32
            %swap3A_678 = arith.index_cast %add3A_677 : i32 to index
            %swap3A_679 = arith.constant 32 : index
            %swap3A_680 = tpu.vector_load %arg19[%swap3A_678, %swap3A_679] {strides = array<i32>} : memref<128x128xf32, #tpu.memory_space<vmem>>, vector<16xf32>,
            tpu.vector_store %arg19[%swap3A_678, %swap3A_679], %mul3A_675 {strides = array<i32>} : memref<128x128xf32, #tpu.memory_space<vmem>>, vector<16xf32>,
            %add3A_681 = arith.constant 5 : i32
            %add3A_682 = arith.addi %mul3A_171, %add3A_681 : i32
            %get3A_683 = arith.index_cast %add3A_682 : i32 to index
            %get3A_684 = arith.constant 48 : index
            %get3A_685 = tpu.vector_load %arg19[%get3A_683, %get3A_684] {strides = array<i32>} : memref<128x128xf32, #tpu.memory_space<vmem>>, vector<16xf32>,
            %mul3A_686 = arith.mulf %get3A_685, %gather3A_199 : vector<16xf32>
            %add3A_687 = arith.constant 5 : i32
            %add3A_688 = arith.addi %mul3A_171, %add3A_687 : i32
            %swap3A_689 = arith.index_cast %add3A_688 : i32 to index
            %swap3A_690 = arith.constant 48 : index
            %swap3A_691 = tpu.vector_load %arg19[%swap3A_689, %swap3A_690] {strides = array<i32>} : memref<128x128xf32, #tpu.memory_space<vmem>>, vector<16xf32>,
            tpu.vector_store %arg19[%swap3A_689, %swap3A_690], %mul3A_686 {strides = array<i32>} : memref<128x128xf32, #tpu.memory_space<vmem>>, vector<16xf32>,
            %add3A_692 = arith.constant 5 : i32
            %add3A_693 = arith.addi %mul3A_171, %add3A_692 : i32
            %get3A_694 = arith.index_cast %add3A_693 : i32 to index
            %get3A_695 = arith.constant 64 : index
            %get3A_696 = tpu.vector_load %arg19[%get3A_694, %get3A_695] {strides = array<i32>} : memref<128x128xf32, #tpu.memory_space<vmem>>, vector<16xf32>,
            %mul3A_697 = arith.mulf %get3A_696, %gather3A_199 : vector<16xf32>
            %add3A_698 = arith.constant 5 : i32
            %add3A_699 = arith.addi %mul3A_171, %add3A_698 : i32
            %swap3A_700 = arith.index_cast %add3A_699 : i32 to index
            %swap3A_701 = arith.constant 64 : index
            %swap3A_702 = tpu.vector_load %arg19[%swap3A_700, %swap3A_701] {strides = array<i32>} : memref<128x128xf32, #tpu.memory_space<vmem>>, vector<16xf32>,
            tpu.vector_store %arg19[%swap3A_700, %swap3A_701], %mul3A_697 {strides = array<i32>} : memref<128x128xf32, #tpu.memory_space<vmem>>, vector<16xf32>,
            %add3A_703 = arith.constant 5 : i32
            %add3A_704 = arith.addi %mul3A_171, %add3A_703 : i32
            %get3A_705 = arith.index_cast %add3A_704 : i32 to index
            %get3A_706 = arith.constant 80 : index
            %get3A_707 = tpu.vector_load %arg19[%get3A_705, %get3A_706] {strides = array<i32>} : memref<128x128xf32, #tpu.memory_space<vmem>>, vector<16xf32>,
            %mul3A_708 = arith.mulf %get3A_707, %gather3A_199 : vector<16xf32>
            %add3A_709 = arith.constant 5 : i32
            %add3A_710 = arith.addi %mul3A_171, %add3A_709 : i32
            %swap3A_711 = arith.index_cast %add3A_710 : i32 to index
            %swap3A_712 = arith.constant 80 : index
            %swap3A_713 = tpu.vector_load %arg19[%swap3A_711, %swap3A_712] {strides = array<i32>} : memref<128x128xf32, #tpu.memory_space<vmem>>, vector<16xf32>,
            tpu.vector_store %arg19[%swap3A_711, %swap3A_712], %mul3A_708 {strides = array<i32>} : memref<128x128xf32, #tpu.memory_space<vmem>>, vector<16xf32>,
            %add3A_714 = arith.constant 5 : i32
            %add3A_715 = arith.addi %mul3A_171, %add3A_714 : i32
            %get3A_716 = arith.index_cast %add3A_715 : i32 to index
            %get3A_717 = arith.constant 96 : index
            %get3A_718 = tpu.vector_load %arg19[%get3A_716, %get3A_717] {strides = array<i32>} : memref<128x128xf32, #tpu.memory_space<vmem>>, vector<16xf32>,
            %mul3A_719 = arith.mulf %get3A_718, %gather3A_199 : vector<16xf32>
            %add3A_720 = arith.constant 5 : i32
            %add3A_721 = arith.addi %mul3A_171, %add3A_720 : i32
            %swap3A_722 = arith.index_cast %add3A_721 : i32 to index
            %swap3A_723 = arith.constant 96 : index
            %swap3A_724 = tpu.vector_load %arg19[%swap3A_722, %swap3A_723] {strides = array<i32>} : memref<128x128xf32, #tpu.memory_space<vmem>>, vector<16xf32>,
            tpu.vector_store %arg19[%swap3A_722, %swap3A_723], %mul3A_719 {strides = array<i32>} : memref<128x128xf32, #tpu.memory_space<vmem>>, vector<16xf32>,
            %add3A_725 = arith.constant 5 : i32
            %add3A_726 = arith.addi %mul3A_171, %add3A_725 : i32
            %get3A_727 = arith.index_cast %add3A_726 : i32 to index
            %get3A_728 = arith.constant 112 : index
            %get3A_729 = tpu.vector_load %arg19[%get3A_727, %get3A_728] {strides = array<i32>} : memref<128x128xf32, #tpu.memory_space<vmem>>, vector<16xf32>,
            %mul3A_730 = arith.mulf %get3A_729, %gather3A_199 : vector<16xf32>
            %add3A_731 = arith.constant 5 : i32
            %add3A_732 = arith.addi %mul3A_171, %add3A_731 : i32
            %swap3A_733 = arith.index_cast %add3A_732 : i32 to index
            %swap3A_734 = arith.constant 112 : index
            %swap3A_735 = tpu.vector_load %arg19[%swap3A_733, %swap3A_734] {strides = array<i32>} : memref<128x128xf32, #tpu.memory_space<vmem>>, vector<16xf32>,
            tpu.vector_store %arg19[%swap3A_733, %swap3A_734], %mul3A_730 {strides = array<i32>} : memref<128x128xf32, #tpu.memory_space<vmem>>, vector<16xf32>,
            %add3A_736 = arith.constant 6 : i32
            %add3A_737 = arith.addi %mul3A_171, %add3A_736 : i32
            %get3A_738 = arith.index_cast %add3A_737 : i32 to index
            %get3A_739 = arith.constant 0 : index
            %get3A_740 = tpu.vector_load %arg19[%get3A_738, %get3A_739] {strides = array<i32>} : memref<128x128xf32, #tpu.memory_space<vmem>>, vector<16xf32>,
            %mul3A_741 = arith.mulf %get3A_740, %gather3A_204 : vector<16xf32>
            %add3A_742 = arith.constant 6 : i32
            %add3A_743 = arith.addi %mul3A_171, %add3A_742 : i32
            %swap3A_744 = arith.index_cast %add3A_743 : i32 to index
            %swap3A_745 = arith.constant 0 : index
            %swap3A_746 = tpu.vector_load %arg19[%swap3A_744, %swap3A_745] {strides = array<i32>} : memref<128x128xf32, #tpu.memory_space<vmem>>, vector<16xf32>,
            tpu.vector_store %arg19[%swap3A_744, %swap3A_745], %mul3A_741 {strides = array<i32>} : memref<128x128xf32, #tpu.memory_space<vmem>>, vector<16xf32>,
            %add3A_747 = arith.constant 6 : i32
            %add3A_748 = arith.addi %mul3A_171, %add3A_747 : i32
            %get3A_749 = arith.index_cast %add3A_748 : i32 to index
            %get3A_750 = arith.constant 16 : index
            %get3A_751 = tpu.vector_load %arg19[%get3A_749, %get3A_750] {strides = array<i32>} : memref<128x128xf32, #tpu.memory_space<vmem>>, vector<16xf32>,
            %mul3A_752 = arith.mulf %get3A_751, %gather3A_204 : vector<16xf32>
            %add3A_753 = arith.constant 6 : i32
            %add3A_754 = arith.addi %mul3A_171, %add3A_753 : i32
            %swap3A_755 = arith.index_cast %add3A_754 : i32 to index
            %swap3A_756 = arith.constant 16 : index
            %swap3A_757 = tpu.vector_load %arg19[%swap3A_755, %swap3A_756] {strides = array<i32>} : memref<128x128xf32, #tpu.memory_space<vmem>>, vector<16xf32>,
            tpu.vector_store %arg19[%swap3A_755, %swap3A_756], %mul3A_752 {strides = array<i32>} : memref<128x128xf32, #tpu.memory_space<vmem>>, vector<16xf32>,
            %add3A_758 = arith.constant 6 : i32
            %add3A_759 = arith.addi %mul3A_171, %add3A_758 : i32
            %get3A_760 = arith.index_cast %add3A_759 : i32 to index
            %get3A_761 = arith.constant 32 : index
            %get3A_762 = tpu.vector_load %arg19[%get3A_760, %get3A_761] {strides = array<i32>} : memref<128x128xf32, #tpu.memory_space<vmem>>, vector<16xf32>,
            %mul3A_763 = arith.mulf %get3A_762, %gather3A_204 : vector<16xf32>
            %add3A_764 = arith.constant 6 : i32
            %add3A_765 = arith.addi %mul3A_171, %add3A_764 : i32
            %swap3A_766 = arith.index_cast %add3A_765 : i32 to index
            %swap3A_767 = arith.constant 32 : index
            %swap3A_768 = tpu.vector_load %arg19[%swap3A_766, %swap3A_767] {strides = array<i32>} : memref<128x128xf32, #tpu.memory_space<vmem>>, vector<16xf32>,
            tpu.vector_store %arg19[%swap3A_766, %swap3A_767], %mul3A_763 {strides = array<i32>} : memref<128x128xf32, #tpu.memory_space<vmem>>, vector<16xf32>,
            %add3A_769 = arith.constant 6 : i32
            %add3A_770 = arith.addi %mul3A_171, %add3A_769 : i32
            %get3A_771 = arith.index_cast %add3A_770 : i32 to index
            %get3A_772 = arith.constant 48 : index
            %get3A_773 = tpu.vector_load %arg19[%get3A_771, %get3A_772] {strides = array<i32>} : memref<128x128xf32, #tpu.memory_space<vmem>>, vector<16xf32>,
            %mul3A_774 = arith.mulf %get3A_773, %gather3A_204 : vector<16xf32>
            %add3A_775 = arith.constant 6 : i32
            %add3A_776 = arith.addi %mul3A_171, %add3A_775 : i32
            %swap3A_777 = arith.index_cast %add3A_776 : i32 to index
            %swap3A_778 = arith.constant 48 : index
            %swap3A_779 = tpu.vector_load %arg19[%swap3A_777, %swap3A_778] {strides = array<i32>} : memref<128x128xf32, #tpu.memory_space<vmem>>, vector<16xf32>,
            tpu.vector_store %arg19[%swap3A_777, %swap3A_778], %mul3A_774 {strides = array<i32>} : memref<128x128xf32, #tpu.memory_space<vmem>>, vector<16xf32>,
            %add3A_780 = arith.constant 6 : i32
            %add3A_781 = arith.addi %mul3A_171, %add3A_780 : i32
            %get3A_782 = arith.index_cast %add3A_781 : i32 to index
            %get3A_783 = arith.constant 64 : index
            %get3A_784 = tpu.vector_load %arg19[%get3A_782, %get3A_783] {strides = array<i32>} : memref<128x128xf32, #tpu.memory_space<vmem>>, vector<16xf32>,
            %mul3A_785 = arith.mulf %get3A_784, %gather3A_204 : vector<16xf32>
            %add3A_786 = arith.constant 6 : i32
            %add3A_787 = arith.addi %mul3A_171, %add3A_786 : i32
            %swap3A_788 = arith.index_cast %add3A_787 : i32 to index
            %swap3A_789 = arith.constant 64 : index
            %swap3A_790 = tpu.vector_load %arg19[%swap3A_788, %swap3A_789] {strides = array<i32>} : memref<128x128xf32, #tpu.memory_space<vmem>>, vector<16xf32>,
            tpu.vector_store %arg19[%swap3A_788, %swap3A_789], %mul3A_785 {strides = array<i32>} : memref<128x128xf32, #tpu.memory_space<vmem>>, vector<16xf32>,
            %add3A_791 = arith.constant 6 : i32
            %add3A_792 = arith.addi %mul3A_171, %add3A_791 : i32
            %get3A_793 = arith.index_cast %add3A_792 : i32 to index
            %get3A_794 = arith.constant 80 : index
            %get3A_795 = tpu.vector_load %arg19[%get3A_793, %get3A_794] {strides = array<i32>} : memref<128x128xf32, #tpu.memory_space<vmem>>, vector<16xf32>,
            %mul3A_796 = arith.mulf %get3A_795, %gather3A_204 : vector<16xf32>
            %add3A_797 = arith.constant 6 : i32
            %add3A_798 = arith.addi %mul3A_171, %add3A_797 : i32
            %swap3A_799 = arith.index_cast %add3A_798 : i32 to index
            %swap3A_800 = arith.constant 80 : index
            %swap3A_801 = tpu.vector_load %arg19[%swap3A_799, %swap3A_800] {strides = array<i32>} : memref<128x128xf32, #tpu.memory_space<vmem>>, vector<16xf32>,
            tpu.vector_store %arg19[%swap3A_799, %swap3A_800], %mul3A_796 {strides = array<i32>} : memref<128x128xf32, #tpu.memory_space<vmem>>, vector<16xf32>,
            %add3A_802 = arith.constant 6 : i32
            %add3A_803 = arith.addi %mul3A_171, %add3A_802 : i32
            %get3A_804 = arith.index_cast %add3A_803 : i32 to index
            %get3A_805 = arith.constant 96 : index
            %get3A_806 = tpu.vector_load %arg19[%get3A_804, %get3A_805] {strides = array<i32>} : memref<128x128xf32, #tpu.memory_space<vmem>>, vector<16xf32>,
            %mul3A_807 = arith.mulf %get3A_806, %gather3A_204 : vector<16xf32>
            %add3A_808 = arith.constant 6 : i32
            %add3A_809 = arith.addi %mul3A_171, %add3A_808 : i32
            %swap3A_810 = arith.index_cast %add3A_809 : i32 to index
            %swap3A_811 = arith.constant 96 : index
            %swap3A_812 = tpu.vector_load %arg19[%swap3A_810, %swap3A_811] {strides = array<i32>} : memref<128x128xf32, #tpu.memory_space<vmem>>, vector<16xf32>,
            tpu.vector_store %arg19[%swap3A_810, %swap3A_811], %mul3A_807 {strides = array<i32>} : memref<128x128xf32, #tpu.memory_space<vmem>>, vector<16xf32>,
            %add3A_813 = arith.constant 6 : i32
            %add3A_814 = arith.addi %mul3A_171, %add3A_813 : i32
            %get3A_815 = arith.index_cast %add3A_814 : i32 to index
            %get3A_816 = arith.constant 112 : index
            %get3A_817 = tpu.vector_load %arg19[%get3A_815, %get3A_816] {strides = array<i32>} : memref<128x128xf32, #tpu.memory_space<vmem>>, vector<16xf32>,
            %mul3A_818 = arith.mulf %get3A_817, %gather3A_204 : vector<16xf32>
            %add3A_819 = arith.constant 6 : i32
            %add3A_820 = arith.addi %mul3A_171, %add3A_819 : i32
            %swap3A_821 = arith.index_cast %add3A_820 : i32 to index
            %swap3A_822 = arith.constant 112 : index
            %swap3A_823 = tpu.vector_load %arg19[%swap3A_821, %swap3A_822] {strides = array<i32>} : memref<128x128xf32, #tpu.memory_space<vmem>>, vector<16xf32>,
            tpu.vector_store %arg19[%swap3A_821, %swap3A_822], %mul3A_818 {strides = array<i32>} : memref<128x128xf32, #tpu.memory_space<vmem>>, vector<16xf32>,
            %add3A_824 = arith.constant 7 : i32
            %add3A_825 = arith.addi %mul3A_171, %add3A_824 : i32
            %get3A_826 = arith.index_cast %add3A_825 : i32 to index
            %get3A_827 = arith.constant 0 : index
            %get3A_828 = tpu.vector_load %arg19[%get3A_826, %get3A_827] {strides = array<i32>} : memref<128x128xf32, #tpu.memory_space<vmem>>, vector<16xf32>,
            %mul3A_829 = arith.mulf %get3A_828, %gather3A_209 : vector<16xf32>
            %add3A_830 = arith.constant 7 : i32
            %add3A_831 = arith.addi %mul3A_171, %add3A_830 : i32
            %swap3A_832 = arith.index_cast %add3A_831 : i32 to index
            %swap3A_833 = arith.constant 0 : index
            %swap3A_834 = tpu.vector_load %arg19[%swap3A_832, %swap3A_833] {strides = array<i32>} : memref<128x128xf32, #tpu.memory_space<vmem>>, vector<16xf32>,
            tpu.vector_store %arg19[%swap3A_832, %swap3A_833], %mul3A_829 {strides = array<i32>} : memref<128x128xf32, #tpu.memory_space<vmem>>, vector<16xf32>,
            %add3A_835 = arith.constant 7 : i32
            %add3A_836 = arith.addi %mul3A_171, %add3A_835 : i32
            %get3A_837 = arith.index_cast %add3A_836 : i32 to index
            %get3A_838 = arith.constant 16 : index
            %get3A_839 = tpu.vector_load %arg19[%get3A_837, %get3A_838] {strides = array<i32>} : memref<128x128xf32, #tpu.memory_space<vmem>>, vector<16xf32>,
            %mul3A_840 = arith.mulf %get3A_839, %gather3A_209 : vector<16xf32>
            %add3A_841 = arith.constant 7 : i32
            %add3A_842 = arith.addi %mul3A_171, %add3A_841 : i32
            %swap3A_843 = arith.index_cast %add3A_842 : i32 to index
            %swap3A_844 = arith.constant 16 : index
            %swap3A_845 = tpu.vector_load %arg19[%swap3A_843, %swap3A_844] {strides = array<i32>} : memref<128x128xf32, #tpu.memory_space<vmem>>, vector<16xf32>,
            tpu.vector_store %arg19[%swap3A_843, %swap3A_844], %mul3A_840 {strides = array<i32>} : memref<128x128xf32, #tpu.memory_space<vmem>>, vector<16xf32>,
            %add3A_846 = arith.constant 7 : i32
            %add3A_847 = arith.addi %mul3A_171, %add3A_846 : i32
            %get3A_848 = arith.index_cast %add3A_847 : i32 to index
            %get3A_849 = arith.constant 32 : index
            %get3A_850 = tpu.vector_load %arg19[%get3A_848, %get3A_849] {strides = array<i32>} : memref<128x128xf32, #tpu.memory_space<vmem>>, vector<16xf32>,
            %mul3A_851 = arith.mulf %get3A_850, %gather3A_209 : vector<16xf32>
            %add3A_852 = arith.constant 7 : i32
            %add3A_853 = arith.addi %mul3A_171, %add3A_852 : i32
            %swap3A_854 = arith.index_cast %add3A_853 : i32 to index
            %swap3A_855 = arith.constant 32 : index
            %swap3A_856 = tpu.vector_load %arg19[%swap3A_854, %swap3A_855] {strides = array<i32>} : memref<128x128xf32, #tpu.memory_space<vmem>>, vector<16xf32>,
            tpu.vector_store %arg19[%swap3A_854, %swap3A_855], %mul3A_851 {strides = array<i32>} : memref<128x128xf32, #tpu.memory_space<vmem>>, vector<16xf32>,
            %add3A_857 = arith.constant 7 : i32
            %add3A_858 = arith.addi %mul3A_171, %add3A_857 : i32
            %get3A_859 = arith.index_cast %add3A_858 : i32 to index
            %get3A_860 = arith.constant 48 : index
            %get3A_861 = tpu.vector_load %arg19[%get3A_859, %get3A_860] {strides = array<i32>} : memref<128x128xf32, #tpu.memory_space<vmem>>, vector<16xf32>,
            %mul3A_862 = arith.mulf %get3A_861, %gather3A_209 : vector<16xf32>
            %add3A_863 = arith.constant 7 : i32
            %add3A_864 = arith.addi %mul3A_171, %add3A_863 : i32
            %swap3A_865 = arith.index_cast %add3A_864 : i32 to index
            %swap3A_866 = arith.constant 48 : index
            %swap3A_867 = tpu.vector_load %arg19[%swap3A_865, %swap3A_866] {strides = array<i32>} : memref<128x128xf32, #tpu.memory_space<vmem>>, vector<16xf32>,
            tpu.vector_store %arg19[%swap3A_865, %swap3A_866], %mul3A_862 {strides = array<i32>} : memref<128x128xf32, #tpu.memory_space<vmem>>, vector<16xf32>,
            %add3A_868 = arith.constant 7 : i32
            %add3A_869 = arith.addi %mul3A_171, %add3A_868 : i32
            %get3A_870 = arith.index_cast %add3A_869 : i32 to index
            %get3A_871 = arith.constant 64 : index
            %get3A_872 = tpu.vector_load %arg19[%get3A_870, %get3A_871] {strides = array<i32>} : memref<128x128xf32, #tpu.memory_space<vmem>>, vector<16xf32>,
            %mul3A_873 = arith.mulf %get3A_872, %gather3A_209 : vector<16xf32>
            %add3A_874 = arith.constant 7 : i32
            %add3A_875 = arith.addi %mul3A_171, %add3A_874 : i32
            %swap3A_876 = arith.index_cast %add3A_875 : i32 to index
            %swap3A_877 = arith.constant 64 : index
            %swap3A_878 = tpu.vector_load %arg19[%swap3A_876, %swap3A_877] {strides = array<i32>} : memref<128x128xf32, #tpu.memory_space<vmem>>, vector<16xf32>,
            tpu.vector_store %arg19[%swap3A_876, %swap3A_877], %mul3A_873 {strides = array<i32>} : memref<128x128xf32, #tpu.memory_space<vmem>>, vector<16xf32>,
            %add3A_879 = arith.constant 7 : i32
            %add3A_880 = arith.addi %mul3A_171, %add3A_879 : i32
            %get3A_881 = arith.index_cast %add3A_880 : i32 to index
            %get3A_882 = arith.constant 80 : index
            %get3A_883 = tpu.vector_load %arg19[%get3A_881, %get3A_882] {strides = array<i32>} : memref<128x128xf32, #tpu.memory_space<vmem>>, vector<16xf32>,
            %mul3A_884 = arith.mulf %get3A_883, %gather3A_209 : vector<16xf32>
            %add3A_885 = arith.constant 7 : i32
            %add3A_886 = arith.addi %mul3A_171, %add3A_885 : i32
            %swap3A_887 = arith.index_cast %add3A_886 : i32 to index
            %swap3A_888 = arith.constant 80 : index
            %swap3A_889 = tpu.vector_load %arg19[%swap3A_887, %swap3A_888] {strides = array<i32>} : memref<128x128xf32, #tpu.memory_space<vmem>>, vector<16xf32>,
            tpu.vector_store %arg19[%swap3A_887, %swap3A_888], %mul3A_884 {strides = array<i32>} : memref<128x128xf32, #tpu.memory_space<vmem>>, vector<16xf32>,
            %add3A_890 = arith.constant 7 : i32
            %add3A_891 = arith.addi %mul3A_171, %add3A_890 : i32
            %get3A_892 = arith.index_cast %add3A_891 : i32 to index
            %get3A_893 = arith.constant 96 : index
            %get3A_894 = tpu.vector_load %arg19[%get3A_892, %get3A_893] {strides = array<i32>} : memref<128x128xf32, #tpu.memory_space<vmem>>, vector<16xf32>,
            %mul3A_895 = arith.mulf %get3A_894, %gather3A_209 : vector<16xf32>
            %add3A_896 = arith.constant 7 : i32
            %add3A_897 = arith.addi %mul3A_171, %add3A_896 : i32
            %swap3A_898 = arith.index_cast %add3A_897 : i32 to index
            %swap3A_899 = arith.constant 96 : index
            %swap3A_900 = tpu.vector_load %arg19[%swap3A_898, %swap3A_899] {strides = array<i32>} : memref<128x128xf32, #tpu.memory_space<vmem>>, vector<16xf32>,
            tpu.vector_store %arg19[%swap3A_898, %swap3A_899], %mul3A_895 {strides = array<i32>} : memref<128x128xf32, #tpu.memory_space<vmem>>, vector<16xf32>,
            %add3A_901 = arith.constant 7 : i32
            %add3A_902 = arith.addi %mul3A_171, %add3A_901 : i32
            %get3A_903 = arith.index_cast %add3A_902 : i32 to index
            %get3A_904 = arith.constant 112 : index
            %get3A_905 = tpu.vector_load %arg19[%get3A_903, %get3A_904] {strides = array<i32>} : memref<128x128xf32, #tpu.memory_space<vmem>>, vector<16xf32>,
            %mul3A_906 = arith.mulf %get3A_905, %gather3A_209 : vector<16xf32>
            %add3A_907 = arith.constant 7 : i32
            %add3A_908 = arith.addi %mul3A_171, %add3A_907 : i32
            %swap3A_909 = arith.index_cast %add3A_908 : i32 to index
            %swap3A_910 = arith.constant 112 : index
            %swap3A_911 = tpu.vector_load %arg19[%swap3A_909, %swap3A_910] {strides = array<i32>} : memref<128x128xf32, #tpu.memory_space<vmem>>, vector<16xf32>,
            tpu.vector_store %arg19[%swap3A_909, %swap3A_910], %mul3A_906 {strides = array<i32>} : memref<128x128xf32, #tpu.memory_space<vmem>>, vector<16xf32>,
            %scan3A_912 = arith.constant 0 : i32
            scf.yield %scan3A_912 : i32
          }
          %scan3A_166 = arith.constant 16 : i32
          "tpu.region"() ({
            %run_scoped3A = tpu.sem_alloc : memref<!tpu.dma_semaphore, #tpu.memory_space<semaphore_mem>>
            %dma_start3A_168 = arith.constant 0 : i32
            %dma_start3A_169 = tpu.memref_slice %arg12[%while3A_145, %dma_start3A_168] : memref<16x128xi32, #tpu.memory_space<vmem>> -> memref<1x128xi32, #tpu.memory_space<vmem>>
            %dma_start3A_170 = tpu.memref_squeeze %dma_start3A_169 : memref<1x128xi32, #tpu.memory_space<vmem>> -> memref<128xi32, #tpu.memory_space<vmem>>
            %dma_start3A_171 = arith.constant 0 : i32
            %dma_start3A_172 = arith.constant 0 : i32
            %dma_start3A_173 = tpu.memref_slice %arg20[%dma_start3A_171, %dma_start3A_172] : memref<2048x128xf32, #tpu.memory_space<vmem_shared>> -> memref<2048x128xf32, #tpu.memory_space<vmem_shared>>
            tpu.enqueue_indirect_dma source(%arg19 : memref<128x128xf32, #tpu.memory_space<vmem>>) target(%dma_start3A_173 : memref<2048x128xf32, #tpu.memory_space<vmem_shared>>) offsets(%dma_start3A_170 : memref<128xi32, #tpu.memory_space<vmem>>) semaphore(%run_scoped3A : memref<!tpu.dma_semaphore, #tpu.memory_space<semaphore_mem>>) {add = true}
            %dma_wait3A_174 = arith.constant 0 : i32
            %dma_wait3A_175 = tpu.memref_slice %arg12[%while3A_145, %dma_wait3A_174] : memref<16x128xi32, #tpu.memory_space<vmem>> -> memref<1x128xi32, #tpu.memory_space<vmem>>
            %dma_wait3A_176 = tpu.memref_squeeze %dma_wait3A_175 : memref<1x128xi32, #tpu.memory_space<vmem>> -> memref<128xi32, #tpu.memory_space<vmem>>
            %dma_wait3A_177 = arith.constant 0 : i32
            %dma_wait3A_178 = arith.constant 0 : i32
            %dma_wait3A_179 = tpu.memref_slice %arg20[%dma_wait3A_177, %dma_wait3A_178] : memref<2048x128xf32, #tpu.memory_space<vmem_shared>> -> memref<2048x128xf32, #tpu.memory_space<vmem_shared>>
            tpu.wait_indirect_dma semaphore(%run_scoped3A : memref<!tpu.dma_semaphore, #tpu.memory_space<semaphore_mem>>) src(%arg19 : memref<128x128xf32, #tpu.memory_space<vmem>>) dst(%dma_wait3A_179 : memref<2048x128xf32, #tpu.memory_space<vmem_shared>>)
            tpu.yield
          }) : () -> ()
          %while3A_167 = arith.constant 0 : i32
          scf.yield %while3A_167 : i32
        }
        %while3A_142 = arith.constant 1 : i32
        %while3A_143 = scf.for %while3A_145 = %while3A_139 to %while3A_135 step %while3A_142 iter_args(%while3A_146 = %while3A_141) -> (i32)  : i32 {
          %dma_start3A = arith.constant 0 : i32
          %dma_start3A_147 = tpu.memref_slice %arg13[%while3A_145, %dma_start3A] : memref<16x128xi32, #tpu.memory_space<vmem>> -> memref<1x128xi32, #tpu.memory_space<vmem>>
          %dma_start3A_148 = tpu.memref_squeeze %dma_start3A_147 : memref<1x128xi32, #tpu.memory_space<vmem>> -> memref<128xi32, #tpu.memory_space<vmem>>
          %dma_start3A_149 = arith.constant 0 : i32
          %dma_start3A_150 = arith.constant 0 : i32
          %dma_start3A_151 = tpu.memref_slice %arg2[%dma_start3A_149, %dma_start3A_150] : memref<20000x128xf32, #tpu.memory_space<hbm>> -> memref<20000x128xf32, #tpu.memory_space<hbm>>
          tpu.enqueue_indirect_dma source(%dma_start3A_151 : memref<20000x128xf32, #tpu.memory_space<hbm>>) target(%arg19 : memref<128x128xf32, #tpu.memory_space<vmem>>) offsets(%dma_start3A_148 : memref<128xi32, #tpu.memory_space<vmem>>) semaphore(%arg21 : memref<!tpu.dma_semaphore, #tpu.memory_space<semaphore_mem>>)
          %dma_wait3A = arith.constant 0 : i32
          %dma_wait3A_152 = tpu.memref_slice %arg13[%while3A_145, %dma_wait3A] : memref<16x128xi32, #tpu.memory_space<vmem>> -> memref<1x128xi32, #tpu.memory_space<vmem>>
          %dma_wait3A_153 = tpu.memref_squeeze %dma_wait3A_152 : memref<1x128xi32, #tpu.memory_space<vmem>> -> memref<128xi32, #tpu.memory_space<vmem>>
          %dma_wait3A_154 = arith.constant 0 : i32
          %dma_wait3A_155 = arith.constant 0 : i32
          %dma_wait3A_156 = tpu.memref_slice %arg2[%dma_wait3A_154, %dma_wait3A_155] : memref<20000x128xf32, #tpu.memory_space<hbm>> -> memref<20000x128xf32, #tpu.memory_space<hbm>>
          tpu.wait_indirect_dma semaphore(%arg21 : memref<!tpu.dma_semaphore, #tpu.memory_space<semaphore_mem>>) src(%dma_wait3A_156 : memref<20000x128xf32, #tpu.memory_space<hbm>>) dst(%arg19 : memref<128x128xf32, #tpu.memory_space<vmem>>)
          %add3A_157 = arith.addi %mul3A_117, %while3A_145 : i32
          %mul3A_158 = arith.constant 128 : i32
          %mul3A_159 = arith.muli %add3A_157, %mul3A_158 : i32
          %scan3A_160 = arith.constant 0 : i32
          %scan3A_161 = arith.constant 0 : i32
          %scan3A_162 = arith.constant 16 : i32
          %scan3A_163 = arith.addi %scan3A_161, %scan3A_162 : i32
          %scan3A_164 = arith.constant 1 : i32
          %scan3A_165 = scf.for %scan3A_168 = %scan3A_161 to %scan3A_163 step %scan3A_164 iter_args(%scan3A_169 = %scan3A_160) -> (i32)  : i32 {
            %mul3A_170 = arith.constant 8 : i32
            %mul3A_171 = arith.muli %scan3A_168, %mul3A_170 : i32
            %add3A_172 = arith.addi %mul3A_159, %mul3A_171 : i32
            %add3A_173 = arith.constant 0 : i32
            %add3A_174 = arith.addi %add3A_172, %add3A_173 : i32
            %broadcast_in_dim3A = vector.broadcast %add3A_174 : i32 to vector<16xi32>
            %gather3A = tpu.vector_load_idx %arg15[%broadcast_in_dim3A] : memref<10368xf32, #tpu.memory_space<vmem>>[vector<16xi32>], vector<16xf32>,
            %add3A_175 = arith.addi %mul3A_159, %mul3A_171 : i32
            %add3A_176 = arith.constant 1 : i32
            %add3A_177 = arith.addi %add3A_175, %add3A_176 : i32
            %broadcast_in_dim3A_178 = vector.broadcast %add3A_177 : i32 to vector<16xi32>
            %gather3A_179 = tpu.vector_load_idx %arg15[%broadcast_in_dim3A_178] : memref<10368xf32, #tpu.memory_space<vmem>>[vector<16xi32>], vector<16xf32>,
            %add3A_180 = arith.addi %mul3A_159, %mul3A_171 : i32
            %add3A_181 = arith.constant 2 : i32
            %add3A_182 = arith.addi %add3A_180, %add3A_181 : i32
            %broadcast_in_dim3A_183 = vector.broadcast %add3A_182 : i32 to vector<16xi32>
            %gather3A_184 = tpu.vector_load_idx %arg15[%broadcast_in_dim3A_183] : memref<10368xf32, #tpu.memory_space<vmem>>[vector<16xi32>], vector<16xf32>,
            %add3A_185 = arith.addi %mul3A_159, %mul3A_171 : i32
            %add3A_186 = arith.constant 3 : i32
            %add3A_187 = arith.addi %add3A_185, %add3A_186 : i32
            %broadcast_in_dim3A_188 = vector.broadcast %add3A_187 : i32 to vector<16xi32>
            %gather3A_189 = tpu.vector_load_idx %arg15[%broadcast_in_dim3A_188] : memref<10368xf32, #tpu.memory_space<vmem>>[vector<16xi32>], vector<16xf32>,
            %add3A_190 = arith.addi %mul3A_159, %mul3A_171 : i32
            %add3A_191 = arith.constant 4 : i32
            %add3A_192 = arith.addi %add3A_190, %add3A_191 : i32
            %broadcast_in_dim3A_193 = vector.broadcast %add3A_192 : i32 to vector<16xi32>
            %gather3A_194 = tpu.vector_load_idx %arg15[%broadcast_in_dim3A_193] : memref<10368xf32, #tpu.memory_space<vmem>>[vector<16xi32>], vector<16xf32>,
            %add3A_195 = arith.addi %mul3A_159, %mul3A_171 : i32
            %add3A_196 = arith.constant 5 : i32
            %add3A_197 = arith.addi %add3A_195, %add3A_196 : i32
            %broadcast_in_dim3A_198 = vector.broadcast %add3A_197 : i32 to vector<16xi32>
            %gather3A_199 = tpu.vector_load_idx %arg15[%broadcast_in_dim3A_198] : memref<10368xf32, #tpu.memory_space<vmem>>[vector<16xi32>], vector<16xf32>,
            %add3A_200 = arith.addi %mul3A_159, %mul3A_171 : i32
            %add3A_201 = arith.constant 6 : i32
            %add3A_202 = arith.addi %add3A_200, %add3A_201 : i32
            %broadcast_in_dim3A_203 = vector.broadcast %add3A_202 : i32 to vector<16xi32>
            %gather3A_204 = tpu.vector_load_idx %arg15[%broadcast_in_dim3A_203] : memref<10368xf32, #tpu.memory_space<vmem>>[vector<16xi32>], vector<16xf32>,
            %add3A_205 = arith.addi %mul3A_159, %mul3A_171 : i32
            %add3A_206 = arith.constant 7 : i32
            %add3A_207 = arith.addi %add3A_205, %add3A_206 : i32
            %broadcast_in_dim3A_208 = vector.broadcast %add3A_207 : i32 to vector<16xi32>
            %gather3A_209 = tpu.vector_load_idx %arg15[%broadcast_in_dim3A_208] : memref<10368xf32, #tpu.memory_space<vmem>>[vector<16xi32>], vector<16xf32>,
            %add3A_210 = arith.constant 0 : i32
            %add3A_211 = arith.addi %mul3A_171, %add3A_210 : i32
            %get3A = arith.index_cast %add3A_211 : i32 to index
            %get3A_212 = arith.constant 0 : index
            %get3A_213 = tpu.vector_load %arg19[%get3A, %get3A_212] {strides = array<i32>} : memref<128x128xf32, #tpu.memory_space<vmem>>, vector<16xf32>,
            %mul3A_214 = arith.mulf %get3A_213, %gather3A : vector<16xf32>
            %add3A_215 = arith.constant 0 : i32
            %add3A_216 = arith.addi %mul3A_171, %add3A_215 : i32
            %swap3A = arith.index_cast %add3A_216 : i32 to index
            %swap3A_217 = arith.constant 0 : index
            %swap3A_218 = tpu.vector_load %arg19[%swap3A, %swap3A_217] {strides = array<i32>} : memref<128x128xf32, #tpu.memory_space<vmem>>, vector<16xf32>,
            tpu.vector_store %arg19[%swap3A, %swap3A_217], %mul3A_214 {strides = array<i32>} : memref<128x128xf32, #tpu.memory_space<vmem>>, vector<16xf32>,
            %add3A_219 = arith.constant 0 : i32
            %add3A_220 = arith.addi %mul3A_171, %add3A_219 : i32
            %get3A_221 = arith.index_cast %add3A_220 : i32 to index
            %get3A_222 = arith.constant 16 : index
            %get3A_223 = tpu.vector_load %arg19[%get3A_221, %get3A_222] {strides = array<i32>} : memref<128x128xf32, #tpu.memory_space<vmem>>, vector<16xf32>,
            %mul3A_224 = arith.mulf %get3A_223, %gather3A : vector<16xf32>
            %add3A_225 = arith.constant 0 : i32
            %add3A_226 = arith.addi %mul3A_171, %add3A_225 : i32
            %swap3A_227 = arith.index_cast %add3A_226 : i32 to index
            %swap3A_228 = arith.constant 16 : index
            %swap3A_229 = tpu.vector_load %arg19[%swap3A_227, %swap3A_228] {strides = array<i32>} : memref<128x128xf32, #tpu.memory_space<vmem>>, vector<16xf32>,
            tpu.vector_store %arg19[%swap3A_227, %swap3A_228], %mul3A_224 {strides = array<i32>} : memref<128x128xf32, #tpu.memory_space<vmem>>, vector<16xf32>,
            %add3A_230 = arith.constant 0 : i32
            %add3A_231 = arith.addi %mul3A_171, %add3A_230 : i32
            %get3A_232 = arith.index_cast %add3A_231 : i32 to index
            %get3A_233 = arith.constant 32 : index
            %get3A_234 = tpu.vector_load %arg19[%get3A_232, %get3A_233] {strides = array<i32>} : memref<128x128xf32, #tpu.memory_space<vmem>>, vector<16xf32>,
            %mul3A_235 = arith.mulf %get3A_234, %gather3A : vector<16xf32>
            %add3A_236 = arith.constant 0 : i32
            %add3A_237 = arith.addi %mul3A_171, %add3A_236 : i32
            %swap3A_238 = arith.index_cast %add3A_237 : i32 to index
            %swap3A_239 = arith.constant 32 : index
            %swap3A_240 = tpu.vector_load %arg19[%swap3A_238, %swap3A_239] {strides = array<i32>} : memref<128x128xf32, #tpu.memory_space<vmem>>, vector<16xf32>,
            tpu.vector_store %arg19[%swap3A_238, %swap3A_239], %mul3A_235 {strides = array<i32>} : memref<128x128xf32, #tpu.memory_space<vmem>>, vector<16xf32>,
            %add3A_241 = arith.constant 0 : i32
            %add3A_242 = arith.addi %mul3A_171, %add3A_241 : i32
            %get3A_243 = arith.index_cast %add3A_242 : i32 to index
            %get3A_244 = arith.constant 48 : index
            %get3A_245 = tpu.vector_load %arg19[%get3A_243, %get3A_244] {strides = array<i32>} : memref<128x128xf32, #tpu.memory_space<vmem>>, vector<16xf32>,
            %mul3A_246 = arith.mulf %get3A_245, %gather3A : vector<16xf32>
            %add3A_247 = arith.constant 0 : i32
            %add3A_248 = arith.addi %mul3A_171, %add3A_247 : i32
            %swap3A_249 = arith.index_cast %add3A_248 : i32 to index
            %swap3A_250 = arith.constant 48 : index
            %swap3A_251 = tpu.vector_load %arg19[%swap3A_249, %swap3A_250] {strides = array<i32>} : memref<128x128xf32, #tpu.memory_space<vmem>>, vector<16xf32>,
            tpu.vector_store %arg19[%swap3A_249, %swap3A_250], %mul3A_246 {strides = array<i32>} : memref<128x128xf32, #tpu.memory_space<vmem>>, vector<16xf32>,
            %add3A_252 = arith.constant 0 : i32
            %add3A_253 = arith.addi %mul3A_171, %add3A_252 : i32
            %get3A_254 = arith.index_cast %add3A_253 : i32 to index
            %get3A_255 = arith.constant 64 : index
            %get3A_256 = tpu.vector_load %arg19[%get3A_254, %get3A_255] {strides = array<i32>} : memref<128x128xf32, #tpu.memory_space<vmem>>, vector<16xf32>,
            %mul3A_257 = arith.mulf %get3A_256, %gather3A : vector<16xf32>
            %add3A_258 = arith.constant 0 : i32
            %add3A_259 = arith.addi %mul3A_171, %add3A_258 : i32
            %swap3A_260 = arith.index_cast %add3A_259 : i32 to index
            %swap3A_261 = arith.constant 64 : index
            %swap3A_262 = tpu.vector_load %arg19[%swap3A_260, %swap3A_261] {strides = array<i32>} : memref<128x128xf32, #tpu.memory_space<vmem>>, vector<16xf32>,
            tpu.vector_store %arg19[%swap3A_260, %swap3A_261], %mul3A_257 {strides = array<i32>} : memref<128x128xf32, #tpu.memory_space<vmem>>, vector<16xf32>,
            %add3A_263 = arith.constant 0 : i32
            %add3A_264 = arith.addi %mul3A_171, %add3A_263 : i32
            %get3A_265 = arith.index_cast %add3A_264 : i32 to index
            %get3A_266 = arith.constant 80 : index
            %get3A_267 = tpu.vector_load %arg19[%get3A_265, %get3A_266] {strides = array<i32>} : memref<128x128xf32, #tpu.memory_space<vmem>>, vector<16xf32>,
            %mul3A_268 = arith.mulf %get3A_267, %gather3A : vector<16xf32>
            %add3A_269 = arith.constant 0 : i32
            %add3A_270 = arith.addi %mul3A_171, %add3A_269 : i32
            %swap3A_271 = arith.index_cast %add3A_270 : i32 to index
            %swap3A_272 = arith.constant 80 : index
            %swap3A_273 = tpu.vector_load %arg19[%swap3A_271, %swap3A_272] {strides = array<i32>} : memref<128x128xf32, #tpu.memory_space<vmem>>, vector<16xf32>,
            tpu.vector_store %arg19[%swap3A_271, %swap3A_272], %mul3A_268 {strides = array<i32>} : memref<128x128xf32, #tpu.memory_space<vmem>>, vector<16xf32>,
            %add3A_274 = arith.constant 0 : i32
            %add3A_275 = arith.addi %mul3A_171, %add3A_274 : i32
            %get3A_276 = arith.index_cast %add3A_275 : i32 to index
            %get3A_277 = arith.constant 96 : index
            %get3A_278 = tpu.vector_load %arg19[%get3A_276, %get3A_277] {strides = array<i32>} : memref<128x128xf32, #tpu.memory_space<vmem>>, vector<16xf32>,
            %mul3A_279 = arith.mulf %get3A_278, %gather3A : vector<16xf32>
            %add3A_280 = arith.constant 0 : i32
            %add3A_281 = arith.addi %mul3A_171, %add3A_280 : i32
            %swap3A_282 = arith.index_cast %add3A_281 : i32 to index
            %swap3A_283 = arith.constant 96 : index
            %swap3A_284 = tpu.vector_load %arg19[%swap3A_282, %swap3A_283] {strides = array<i32>} : memref<128x128xf32, #tpu.memory_space<vmem>>, vector<16xf32>,
            tpu.vector_store %arg19[%swap3A_282, %swap3A_283], %mul3A_279 {strides = array<i32>} : memref<128x128xf32, #tpu.memory_space<vmem>>, vector<16xf32>,
            %add3A_285 = arith.constant 0 : i32
            %add3A_286 = arith.addi %mul3A_171, %add3A_285 : i32
            %get3A_287 = arith.index_cast %add3A_286 : i32 to index
            %get3A_288 = arith.constant 112 : index
            %get3A_289 = tpu.vector_load %arg19[%get3A_287, %get3A_288] {strides = array<i32>} : memref<128x128xf32, #tpu.memory_space<vmem>>, vector<16xf32>,
            %mul3A_290 = arith.mulf %get3A_289, %gather3A : vector<16xf32>
            %add3A_291 = arith.constant 0 : i32
            %add3A_292 = arith.addi %mul3A_171, %add3A_291 : i32
            %swap3A_293 = arith.index_cast %add3A_292 : i32 to index
            %swap3A_294 = arith.constant 112 : index
            %swap3A_295 = tpu.vector_load %arg19[%swap3A_293, %swap3A_294] {strides = array<i32>} : memref<128x128xf32, #tpu.memory_space<vmem>>, vector<16xf32>,
            tpu.vector_store %arg19[%swap3A_293, %swap3A_294], %mul3A_290 {strides = array<i32>} : memref<128x128xf32, #tpu.memory_space<vmem>>, vector<16xf32>,
            %add3A_296 = arith.constant 1 : i32
            %add3A_297 = arith.addi %mul3A_171, %add3A_296 : i32
            %get3A_298 = arith.index_cast %add3A_297 : i32 to index
            %get3A_299 = arith.constant 0 : index
            %get3A_300 = tpu.vector_load %arg19[%get3A_298, %get3A_299] {strides = array<i32>} : memref<128x128xf32, #tpu.memory_space<vmem>>, vector<16xf32>,
            %mul3A_301 = arith.mulf %get3A_300, %gather3A_179 : vector<16xf32>
            %add3A_302 = arith.constant 1 : i32
            %add3A_303 = arith.addi %mul3A_171, %add3A_302 : i32
            %swap3A_304 = arith.index_cast %add3A_303 : i32 to index
            %swap3A_305 = arith.constant 0 : index
            %swap3A_306 = tpu.vector_load %arg19[%swap3A_304, %swap3A_305] {strides = array<i32>} : memref<128x128xf32, #tpu.memory_space<vmem>>, vector<16xf32>,
            tpu.vector_store %arg19[%swap3A_304, %swap3A_305], %mul3A_301 {strides = array<i32>} : memref<128x128xf32, #tpu.memory_space<vmem>>, vector<16xf32>,
            %add3A_307 = arith.constant 1 : i32
            %add3A_308 = arith.addi %mul3A_171, %add3A_307 : i32
            %get3A_309 = arith.index_cast %add3A_308 : i32 to index
            %get3A_310 = arith.constant 16 : index
            %get3A_311 = tpu.vector_load %arg19[%get3A_309, %get3A_310] {strides = array<i32>} : memref<128x128xf32, #tpu.memory_space<vmem>>, vector<16xf32>,
            %mul3A_312 = arith.mulf %get3A_311, %gather3A_179 : vector<16xf32>
            %add3A_313 = arith.constant 1 : i32
            %add3A_314 = arith.addi %mul3A_171, %add3A_313 : i32
            %swap3A_315 = arith.index_cast %add3A_314 : i32 to index
            %swap3A_316 = arith.constant 16 : index
            %swap3A_317 = tpu.vector_load %arg19[%swap3A_315, %swap3A_316] {strides = array<i32>} : memref<128x128xf32, #tpu.memory_space<vmem>>, vector<16xf32>,
            tpu.vector_store %arg19[%swap3A_315, %swap3A_316], %mul3A_312 {strides = array<i32>} : memref<128x128xf32, #tpu.memory_space<vmem>>, vector<16xf32>,
            %add3A_318 = arith.constant 1 : i32
            %add3A_319 = arith.addi %mul3A_171, %add3A_318 : i32
            %get3A_320 = arith.index_cast %add3A_319 : i32 to index
            %get3A_321 = arith.constant 32 : index
            %get3A_322 = tpu.vector_load %arg19[%get3A_320, %get3A_321] {strides = array<i32>} : memref<128x128xf32, #tpu.memory_space<vmem>>, vector<16xf32>,
            %mul3A_323 = arith.mulf %get3A_322, %gather3A_179 : vector<16xf32>
            %add3A_324 = arith.constant 1 : i32
            %add3A_325 = arith.addi %mul3A_171, %add3A_324 : i32
            %swap3A_326 = arith.index_cast %add3A_325 : i32 to index
            %swap3A_327 = arith.constant 32 : index
            %swap3A_328 = tpu.vector_load %arg19[%swap3A_326, %swap3A_327] {strides = array<i32>} : memref<128x128xf32, #tpu.memory_space<vmem>>, vector<16xf32>,
            tpu.vector_store %arg19[%swap3A_326, %swap3A_327], %mul3A_323 {strides = array<i32>} : memref<128x128xf32, #tpu.memory_space<vmem>>, vector<16xf32>,
            %add3A_329 = arith.constant 1 : i32
            %add3A_330 = arith.addi %mul3A_171, %add3A_329 : i32
            %get3A_331 = arith.index_cast %add3A_330 : i32 to index
            %get3A_332 = arith.constant 48 : index
            %get3A_333 = tpu.vector_load %arg19[%get3A_331, %get3A_332] {strides = array<i32>} : memref<128x128xf32, #tpu.memory_space<vmem>>, vector<16xf32>,
            %mul3A_334 = arith.mulf %get3A_333, %gather3A_179 : vector<16xf32>
            %add3A_335 = arith.constant 1 : i32
            %add3A_336 = arith.addi %mul3A_171, %add3A_335 : i32
            %swap3A_337 = arith.index_cast %add3A_336 : i32 to index
            %swap3A_338 = arith.constant 48 : index
            %swap3A_339 = tpu.vector_load %arg19[%swap3A_337, %swap3A_338] {strides = array<i32>} : memref<128x128xf32, #tpu.memory_space<vmem>>, vector<16xf32>,
            tpu.vector_store %arg19[%swap3A_337, %swap3A_338], %mul3A_334 {strides = array<i32>} : memref<128x128xf32, #tpu.memory_space<vmem>>, vector<16xf32>,
            %add3A_340 = arith.constant 1 : i32
            %add3A_341 = arith.addi %mul3A_171, %add3A_340 : i32
            %get3A_342 = arith.index_cast %add3A_341 : i32 to index
            %get3A_343 = arith.constant 64 : index
            %get3A_344 = tpu.vector_load %arg19[%get3A_342, %get3A_343] {strides = array<i32>} : memref<128x128xf32, #tpu.memory_space<vmem>>, vector<16xf32>,
            %mul3A_345 = arith.mulf %get3A_344, %gather3A_179 : vector<16xf32>
            %add3A_346 = arith.constant 1 : i32
            %add3A_347 = arith.addi %mul3A_171, %add3A_346 : i32
            %swap3A_348 = arith.index_cast %add3A_347 : i32 to index
            %swap3A_349 = arith.constant 64 : index
            %swap3A_350 = tpu.vector_load %arg19[%swap3A_348, %swap3A_349] {strides = array<i32>} : memref<128x128xf32, #tpu.memory_space<vmem>>, vector<16xf32>,
            tpu.vector_store %arg19[%swap3A_348, %swap3A_349], %mul3A_345 {strides = array<i32>} : memref<128x128xf32, #tpu.memory_space<vmem>>, vector<16xf32>,
            %add3A_351 = arith.constant 1 : i32
            %add3A_352 = arith.addi %mul3A_171, %add3A_351 : i32
            %get3A_353 = arith.index_cast %add3A_352 : i32 to index
            %get3A_354 = arith.constant 80 : index
            %get3A_355 = tpu.vector_load %arg19[%get3A_353, %get3A_354] {strides = array<i32>} : memref<128x128xf32, #tpu.memory_space<vmem>>, vector<16xf32>,
            %mul3A_356 = arith.mulf %get3A_355, %gather3A_179 : vector<16xf32>
            %add3A_357 = arith.constant 1 : i32
            %add3A_358 = arith.addi %mul3A_171, %add3A_357 : i32
            %swap3A_359 = arith.index_cast %add3A_358 : i32 to index
            %swap3A_360 = arith.constant 80 : index
            %swap3A_361 = tpu.vector_load %arg19[%swap3A_359, %swap3A_360] {strides = array<i32>} : memref<128x128xf32, #tpu.memory_space<vmem>>, vector<16xf32>,
            tpu.vector_store %arg19[%swap3A_359, %swap3A_360], %mul3A_356 {strides = array<i32>} : memref<128x128xf32, #tpu.memory_space<vmem>>, vector<16xf32>,
            %add3A_362 = arith.constant 1 : i32
            %add3A_363 = arith.addi %mul3A_171, %add3A_362 : i32
            %get3A_364 = arith.index_cast %add3A_363 : i32 to index
            %get3A_365 = arith.constant 96 : index
            %get3A_366 = tpu.vector_load %arg19[%get3A_364, %get3A_365] {strides = array<i32>} : memref<128x128xf32, #tpu.memory_space<vmem>>, vector<16xf32>,
            %mul3A_367 = arith.mulf %get3A_366, %gather3A_179 : vector<16xf32>
            %add3A_368 = arith.constant 1 : i32
            %add3A_369 = arith.addi %mul3A_171, %add3A_368 : i32
            %swap3A_370 = arith.index_cast %add3A_369 : i32 to index
            %swap3A_371 = arith.constant 96 : index
            %swap3A_372 = tpu.vector_load %arg19[%swap3A_370, %swap3A_371] {strides = array<i32>} : memref<128x128xf32, #tpu.memory_space<vmem>>, vector<16xf32>,
            tpu.vector_store %arg19[%swap3A_370, %swap3A_371], %mul3A_367 {strides = array<i32>} : memref<128x128xf32, #tpu.memory_space<vmem>>, vector<16xf32>,
            %add3A_373 = arith.constant 1 : i32
            %add3A_374 = arith.addi %mul3A_171, %add3A_373 : i32
            %get3A_375 = arith.index_cast %add3A_374 : i32 to index
            %get3A_376 = arith.constant 112 : index
            %get3A_377 = tpu.vector_load %arg19[%get3A_375, %get3A_376] {strides = array<i32>} : memref<128x128xf32, #tpu.memory_space<vmem>>, vector<16xf32>,
            %mul3A_378 = arith.mulf %get3A_377, %gather3A_179 : vector<16xf32>
            %add3A_379 = arith.constant 1 : i32
            %add3A_380 = arith.addi %mul3A_171, %add3A_379 : i32
            %swap3A_381 = arith.index_cast %add3A_380 : i32 to index
            %swap3A_382 = arith.constant 112 : index
            %swap3A_383 = tpu.vector_load %arg19[%swap3A_381, %swap3A_382] {strides = array<i32>} : memref<128x128xf32, #tpu.memory_space<vmem>>, vector<16xf32>,
            tpu.vector_store %arg19[%swap3A_381, %swap3A_382], %mul3A_378 {strides = array<i32>} : memref<128x128xf32, #tpu.memory_space<vmem>>, vector<16xf32>,
            %add3A_384 = arith.constant 2 : i32
            %add3A_385 = arith.addi %mul3A_171, %add3A_384 : i32
            %get3A_386 = arith.index_cast %add3A_385 : i32 to index
            %get3A_387 = arith.constant 0 : index
            %get3A_388 = tpu.vector_load %arg19[%get3A_386, %get3A_387] {strides = array<i32>} : memref<128x128xf32, #tpu.memory_space<vmem>>, vector<16xf32>,
            %mul3A_389 = arith.mulf %get3A_388, %gather3A_184 : vector<16xf32>
            %add3A_390 = arith.constant 2 : i32
            %add3A_391 = arith.addi %mul3A_171, %add3A_390 : i32
            %swap3A_392 = arith.index_cast %add3A_391 : i32 to index
            %swap3A_393 = arith.constant 0 : index
            %swap3A_394 = tpu.vector_load %arg19[%swap3A_392, %swap3A_393] {strides = array<i32>} : memref<128x128xf32, #tpu.memory_space<vmem>>, vector<16xf32>,
            tpu.vector_store %arg19[%swap3A_392, %swap3A_393], %mul3A_389 {strides = array<i32>} : memref<128x128xf32, #tpu.memory_space<vmem>>, vector<16xf32>,
            %add3A_395 = arith.constant 2 : i32
            %add3A_396 = arith.addi %mul3A_171, %add3A_395 : i32
            %get3A_397 = arith.index_cast %add3A_396 : i32 to index
            %get3A_398 = arith.constant 16 : index
            %get3A_399 = tpu.vector_load %arg19[%get3A_397, %get3A_398] {strides = array<i32>} : memref<128x128xf32, #tpu.memory_space<vmem>>, vector<16xf32>,
            %mul3A_400 = arith.mulf %get3A_399, %gather3A_184 : vector<16xf32>
            %add3A_401 = arith.constant 2 : i32
            %add3A_402 = arith.addi %mul3A_171, %add3A_401 : i32
            %swap3A_403 = arith.index_cast %add3A_402 : i32 to index
            %swap3A_404 = arith.constant 16 : index
            %swap3A_405 = tpu.vector_load %arg19[%swap3A_403, %swap3A_404] {strides = array<i32>} : memref<128x128xf32, #tpu.memory_space<vmem>>, vector<16xf32>,
            tpu.vector_store %arg19[%swap3A_403, %swap3A_404], %mul3A_400 {strides = array<i32>} : memref<128x128xf32, #tpu.memory_space<vmem>>, vector<16xf32>,
            %add3A_406 = arith.constant 2 : i32
            %add3A_407 = arith.addi %mul3A_171, %add3A_406 : i32
            %get3A_408 = arith.index_cast %add3A_407 : i32 to index
            %get3A_409 = arith.constant 32 : index
            %get3A_410 = tpu.vector_load %arg19[%get3A_408, %get3A_409] {strides = array<i32>} : memref<128x128xf32, #tpu.memory_space<vmem>>, vector<16xf32>,
            %mul3A_411 = arith.mulf %get3A_410, %gather3A_184 : vector<16xf32>
            %add3A_412 = arith.constant 2 : i32
            %add3A_413 = arith.addi %mul3A_171, %add3A_412 : i32
            %swap3A_414 = arith.index_cast %add3A_413 : i32 to index
            %swap3A_415 = arith.constant 32 : index
            %swap3A_416 = tpu.vector_load %arg19[%swap3A_414, %swap3A_415] {strides = array<i32>} : memref<128x128xf32, #tpu.memory_space<vmem>>, vector<16xf32>,
            tpu.vector_store %arg19[%swap3A_414, %swap3A_415], %mul3A_411 {strides = array<i32>} : memref<128x128xf32, #tpu.memory_space<vmem>>, vector<16xf32>,
            %add3A_417 = arith.constant 2 : i32
            %add3A_418 = arith.addi %mul3A_171, %add3A_417 : i32
            %get3A_419 = arith.index_cast %add3A_418 : i32 to index
            %get3A_420 = arith.constant 48 : index
            %get3A_421 = tpu.vector_load %arg19[%get3A_419, %get3A_420] {strides = array<i32>} : memref<128x128xf32, #tpu.memory_space<vmem>>, vector<16xf32>,
            %mul3A_422 = arith.mulf %get3A_421, %gather3A_184 : vector<16xf32>
            %add3A_423 = arith.constant 2 : i32
            %add3A_424 = arith.addi %mul3A_171, %add3A_423 : i32
            %swap3A_425 = arith.index_cast %add3A_424 : i32 to index
            %swap3A_426 = arith.constant 48 : index
            %swap3A_427 = tpu.vector_load %arg19[%swap3A_425, %swap3A_426] {strides = array<i32>} : memref<128x128xf32, #tpu.memory_space<vmem>>, vector<16xf32>,
            tpu.vector_store %arg19[%swap3A_425, %swap3A_426], %mul3A_422 {strides = array<i32>} : memref<128x128xf32, #tpu.memory_space<vmem>>, vector<16xf32>,
            %add3A_428 = arith.constant 2 : i32
            %add3A_429 = arith.addi %mul3A_171, %add3A_428 : i32
            %get3A_430 = arith.index_cast %add3A_429 : i32 to index
            %get3A_431 = arith.constant 64 : index
            %get3A_432 = tpu.vector_load %arg19[%get3A_430, %get3A_431] {strides = array<i32>} : memref<128x128xf32, #tpu.memory_space<vmem>>, vector<16xf32>,
            %mul3A_433 = arith.mulf %get3A_432, %gather3A_184 : vector<16xf32>
            %add3A_434 = arith.constant 2 : i32
            %add3A_435 = arith.addi %mul3A_171, %add3A_434 : i32
            %swap3A_436 = arith.index_cast %add3A_435 : i32 to index
            %swap3A_437 = arith.constant 64 : index
            %swap3A_438 = tpu.vector_load %arg19[%swap3A_436, %swap3A_437] {strides = array<i32>} : memref<128x128xf32, #tpu.memory_space<vmem>>, vector<16xf32>,
            tpu.vector_store %arg19[%swap3A_436, %swap3A_437], %mul3A_433 {strides = array<i32>} : memref<128x128xf32, #tpu.memory_space<vmem>>, vector<16xf32>,
            %add3A_439 = arith.constant 2 : i32
            %add3A_440 = arith.addi %mul3A_171, %add3A_439 : i32
            %get3A_441 = arith.index_cast %add3A_440 : i32 to index
            %get3A_442 = arith.constant 80 : index
            %get3A_443 = tpu.vector_load %arg19[%get3A_441, %get3A_442] {strides = array<i32>} : memref<128x128xf32, #tpu.memory_space<vmem>>, vector<16xf32>,
            %mul3A_444 = arith.mulf %get3A_443, %gather3A_184 : vector<16xf32>
            %add3A_445 = arith.constant 2 : i32
            %add3A_446 = arith.addi %mul3A_171, %add3A_445 : i32
            %swap3A_447 = arith.index_cast %add3A_446 : i32 to index
            %swap3A_448 = arith.constant 80 : index
            %swap3A_449 = tpu.vector_load %arg19[%swap3A_447, %swap3A_448] {strides = array<i32>} : memref<128x128xf32, #tpu.memory_space<vmem>>, vector<16xf32>,
            tpu.vector_store %arg19[%swap3A_447, %swap3A_448], %mul3A_444 {strides = array<i32>} : memref<128x128xf32, #tpu.memory_space<vmem>>, vector<16xf32>,
            %add3A_450 = arith.constant 2 : i32
            %add3A_451 = arith.addi %mul3A_171, %add3A_450 : i32
            %get3A_452 = arith.index_cast %add3A_451 : i32 to index
            %get3A_453 = arith.constant 96 : index
            %get3A_454 = tpu.vector_load %arg19[%get3A_452, %get3A_453] {strides = array<i32>} : memref<128x128xf32, #tpu.memory_space<vmem>>, vector<16xf32>,
            %mul3A_455 = arith.mulf %get3A_454, %gather3A_184 : vector<16xf32>
            %add3A_456 = arith.constant 2 : i32
            %add3A_457 = arith.addi %mul3A_171, %add3A_456 : i32
            %swap3A_458 = arith.index_cast %add3A_457 : i32 to index
            %swap3A_459 = arith.constant 96 : index
            %swap3A_460 = tpu.vector_load %arg19[%swap3A_458, %swap3A_459] {strides = array<i32>} : memref<128x128xf32, #tpu.memory_space<vmem>>, vector<16xf32>,
            tpu.vector_store %arg19[%swap3A_458, %swap3A_459], %mul3A_455 {strides = array<i32>} : memref<128x128xf32, #tpu.memory_space<vmem>>, vector<16xf32>,
            %add3A_461 = arith.constant 2 : i32
            %add3A_462 = arith.addi %mul3A_171, %add3A_461 : i32
            %get3A_463 = arith.index_cast %add3A_462 : i32 to index
            %get3A_464 = arith.constant 112 : index
            %get3A_465 = tpu.vector_load %arg19[%get3A_463, %get3A_464] {strides = array<i32>} : memref<128x128xf32, #tpu.memory_space<vmem>>, vector<16xf32>,
            %mul3A_466 = arith.mulf %get3A_465, %gather3A_184 : vector<16xf32>
            %add3A_467 = arith.constant 2 : i32
            %add3A_468 = arith.addi %mul3A_171, %add3A_467 : i32
            %swap3A_469 = arith.index_cast %add3A_468 : i32 to index
            %swap3A_470 = arith.constant 112 : index
            %swap3A_471 = tpu.vector_load %arg19[%swap3A_469, %swap3A_470] {strides = array<i32>} : memref<128x128xf32, #tpu.memory_space<vmem>>, vector<16xf32>,
            tpu.vector_store %arg19[%swap3A_469, %swap3A_470], %mul3A_466 {strides = array<i32>} : memref<128x128xf32, #tpu.memory_space<vmem>>, vector<16xf32>,
            %add3A_472 = arith.constant 3 : i32
            %add3A_473 = arith.addi %mul3A_171, %add3A_472 : i32
            %get3A_474 = arith.index_cast %add3A_473 : i32 to index
            %get3A_475 = arith.constant 0 : index
            %get3A_476 = tpu.vector_load %arg19[%get3A_474, %get3A_475] {strides = array<i32>} : memref<128x128xf32, #tpu.memory_space<vmem>>, vector<16xf32>,
            %mul3A_477 = arith.mulf %get3A_476, %gather3A_189 : vector<16xf32>
            %add3A_478 = arith.constant 3 : i32
            %add3A_479 = arith.addi %mul3A_171, %add3A_478 : i32
            %swap3A_480 = arith.index_cast %add3A_479 : i32 to index
            %swap3A_481 = arith.constant 0 : index
            %swap3A_482 = tpu.vector_load %arg19[%swap3A_480, %swap3A_481] {strides = array<i32>} : memref<128x128xf32, #tpu.memory_space<vmem>>, vector<16xf32>,
            tpu.vector_store %arg19[%swap3A_480, %swap3A_481], %mul3A_477 {strides = array<i32>} : memref<128x128xf32, #tpu.memory_space<vmem>>, vector<16xf32>,
            %add3A_483 = arith.constant 3 : i32
            %add3A_484 = arith.addi %mul3A_171, %add3A_483 : i32
            %get3A_485 = arith.index_cast %add3A_484 : i32 to index
            %get3A_486 = arith.constant 16 : index
            %get3A_487 = tpu.vector_load %arg19[%get3A_485, %get3A_486] {strides = array<i32>} : memref<128x128xf32, #tpu.memory_space<vmem>>, vector<16xf32>,
            %mul3A_488 = arith.mulf %get3A_487, %gather3A_189 : vector<16xf32>
            %add3A_489 = arith.constant 3 : i32
            %add3A_490 = arith.addi %mul3A_171, %add3A_489 : i32
            %swap3A_491 = arith.index_cast %add3A_490 : i32 to index
            %swap3A_492 = arith.constant 16 : index
            %swap3A_493 = tpu.vector_load %arg19[%swap3A_491, %swap3A_492] {strides = array<i32>} : memref<128x128xf32, #tpu.memory_space<vmem>>, vector<16xf32>,
            tpu.vector_store %arg19[%swap3A_491, %swap3A_492], %mul3A_488 {strides = array<i32>} : memref<128x128xf32, #tpu.memory_space<vmem>>, vector<16xf32>,
            %add3A_494 = arith.constant 3 : i32
            %add3A_495 = arith.addi %mul3A_171, %add3A_494 : i32
            %get3A_496 = arith.index_cast %add3A_495 : i32 to index
            %get3A_497 = arith.constant 32 : index
            %get3A_498 = tpu.vector_load %arg19[%get3A_496, %get3A_497] {strides = array<i32>} : memref<128x128xf32, #tpu.memory_space<vmem>>, vector<16xf32>,
            %mul3A_499 = arith.mulf %get3A_498, %gather3A_189 : vector<16xf32>
            %add3A_500 = arith.constant 3 : i32
            %add3A_501 = arith.addi %mul3A_171, %add3A_500 : i32
            %swap3A_502 = arith.index_cast %add3A_501 : i32 to index
            %swap3A_503 = arith.constant 32 : index
            %swap3A_504 = tpu.vector_load %arg19[%swap3A_502, %swap3A_503] {strides = array<i32>} : memref<128x128xf32, #tpu.memory_space<vmem>>, vector<16xf32>,
            tpu.vector_store %arg19[%swap3A_502, %swap3A_503], %mul3A_499 {strides = array<i32>} : memref<128x128xf32, #tpu.memory_space<vmem>>, vector<16xf32>,
            %add3A_505 = arith.constant 3 : i32
            %add3A_506 = arith.addi %mul3A_171, %add3A_505 : i32
            %get3A_507 = arith.index_cast %add3A_506 : i32 to index
            %get3A_508 = arith.constant 48 : index
            %get3A_509 = tpu.vector_load %arg19[%get3A_507, %get3A_508] {strides = array<i32>} : memref<128x128xf32, #tpu.memory_space<vmem>>, vector<16xf32>,
            %mul3A_510 = arith.mulf %get3A_509, %gather3A_189 : vector<16xf32>
            %add3A_511 = arith.constant 3 : i32
            %add3A_512 = arith.addi %mul3A_171, %add3A_511 : i32
            %swap3A_513 = arith.index_cast %add3A_512 : i32 to index
            %swap3A_514 = arith.constant 48 : index
            %swap3A_515 = tpu.vector_load %arg19[%swap3A_513, %swap3A_514] {strides = array<i32>} : memref<128x128xf32, #tpu.memory_space<vmem>>, vector<16xf32>,
            tpu.vector_store %arg19[%swap3A_513, %swap3A_514], %mul3A_510 {strides = array<i32>} : memref<128x128xf32, #tpu.memory_space<vmem>>, vector<16xf32>,
            %add3A_516 = arith.constant 3 : i32
            %add3A_517 = arith.addi %mul3A_171, %add3A_516 : i32
            %get3A_518 = arith.index_cast %add3A_517 : i32 to index
            %get3A_519 = arith.constant 64 : index
            %get3A_520 = tpu.vector_load %arg19[%get3A_518, %get3A_519] {strides = array<i32>} : memref<128x128xf32, #tpu.memory_space<vmem>>, vector<16xf32>,
            %mul3A_521 = arith.mulf %get3A_520, %gather3A_189 : vector<16xf32>
            %add3A_522 = arith.constant 3 : i32
            %add3A_523 = arith.addi %mul3A_171, %add3A_522 : i32
            %swap3A_524 = arith.index_cast %add3A_523 : i32 to index
            %swap3A_525 = arith.constant 64 : index
            %swap3A_526 = tpu.vector_load %arg19[%swap3A_524, %swap3A_525] {strides = array<i32>} : memref<128x128xf32, #tpu.memory_space<vmem>>, vector<16xf32>,
            tpu.vector_store %arg19[%swap3A_524, %swap3A_525], %mul3A_521 {strides = array<i32>} : memref<128x128xf32, #tpu.memory_space<vmem>>, vector<16xf32>,
            %add3A_527 = arith.constant 3 : i32
            %add3A_528 = arith.addi %mul3A_171, %add3A_527 : i32
            %get3A_529 = arith.index_cast %add3A_528 : i32 to index
            %get3A_530 = arith.constant 80 : index
            %get3A_531 = tpu.vector_load %arg19[%get3A_529, %get3A_530] {strides = array<i32>} : memref<128x128xf32, #tpu.memory_space<vmem>>, vector<16xf32>,
            %mul3A_532 = arith.mulf %get3A_531, %gather3A_189 : vector<16xf32>
            %add3A_533 = arith.constant 3 : i32
            %add3A_534 = arith.addi %mul3A_171, %add3A_533 : i32
            %swap3A_535 = arith.index_cast %add3A_534 : i32 to index
            %swap3A_536 = arith.constant 80 : index
            %swap3A_537 = tpu.vector_load %arg19[%swap3A_535, %swap3A_536] {strides = array<i32>} : memref<128x128xf32, #tpu.memory_space<vmem>>, vector<16xf32>,
            tpu.vector_store %arg19[%swap3A_535, %swap3A_536], %mul3A_532 {strides = array<i32>} : memref<128x128xf32, #tpu.memory_space<vmem>>, vector<16xf32>,
            %add3A_538 = arith.constant 3 : i32
            %add3A_539 = arith.addi %mul3A_171, %add3A_538 : i32
            %get3A_540 = arith.index_cast %add3A_539 : i32 to index
            %get3A_541 = arith.constant 96 : index
            %get3A_542 = tpu.vector_load %arg19[%get3A_540, %get3A_541] {strides = array<i32>} : memref<128x128xf32, #tpu.memory_space<vmem>>, vector<16xf32>,
            %mul3A_543 = arith.mulf %get3A_542, %gather3A_189 : vector<16xf32>
            %add3A_544 = arith.constant 3 : i32
            %add3A_545 = arith.addi %mul3A_171, %add3A_544 : i32
            %swap3A_546 = arith.index_cast %add3A_545 : i32 to index
            %swap3A_547 = arith.constant 96 : index
            %swap3A_548 = tpu.vector_load %arg19[%swap3A_546, %swap3A_547] {strides = array<i32>} : memref<128x128xf32, #tpu.memory_space<vmem>>, vector<16xf32>,
            tpu.vector_store %arg19[%swap3A_546, %swap3A_547], %mul3A_543 {strides = array<i32>} : memref<128x128xf32, #tpu.memory_space<vmem>>, vector<16xf32>,
            %add3A_549 = arith.constant 3 : i32
            %add3A_550 = arith.addi %mul3A_171, %add3A_549 : i32
            %get3A_551 = arith.index_cast %add3A_550 : i32 to index
            %get3A_552 = arith.constant 112 : index
            %get3A_553 = tpu.vector_load %arg19[%get3A_551, %get3A_552] {strides = array<i32>} : memref<128x128xf32, #tpu.memory_space<vmem>>, vector<16xf32>,
            %mul3A_554 = arith.mulf %get3A_553, %gather3A_189 : vector<16xf32>
            %add3A_555 = arith.constant 3 : i32
            %add3A_556 = arith.addi %mul3A_171, %add3A_555 : i32
            %swap3A_557 = arith.index_cast %add3A_556 : i32 to index
            %swap3A_558 = arith.constant 112 : index
            %swap3A_559 = tpu.vector_load %arg19[%swap3A_557, %swap3A_558] {strides = array<i32>} : memref<128x128xf32, #tpu.memory_space<vmem>>, vector<16xf32>,
            tpu.vector_store %arg19[%swap3A_557, %swap3A_558], %mul3A_554 {strides = array<i32>} : memref<128x128xf32, #tpu.memory_space<vmem>>, vector<16xf32>,
            %add3A_560 = arith.constant 4 : i32
            %add3A_561 = arith.addi %mul3A_171, %add3A_560 : i32
            %get3A_562 = arith.index_cast %add3A_561 : i32 to index
            %get3A_563 = arith.constant 0 : index
            %get3A_564 = tpu.vector_load %arg19[%get3A_562, %get3A_563] {strides = array<i32>} : memref<128x128xf32, #tpu.memory_space<vmem>>, vector<16xf32>,
            %mul3A_565 = arith.mulf %get3A_564, %gather3A_194 : vector<16xf32>
            %add3A_566 = arith.constant 4 : i32
            %add3A_567 = arith.addi %mul3A_171, %add3A_566 : i32
            %swap3A_568 = arith.index_cast %add3A_567 : i32 to index
            %swap3A_569 = arith.constant 0 : index
            %swap3A_570 = tpu.vector_load %arg19[%swap3A_568, %swap3A_569] {strides = array<i32>} : memref<128x128xf32, #tpu.memory_space<vmem>>, vector<16xf32>,
            tpu.vector_store %arg19[%swap3A_568, %swap3A_569], %mul3A_565 {strides = array<i32>} : memref<128x128xf32, #tpu.memory_space<vmem>>, vector<16xf32>,
            %add3A_571 = arith.constant 4 : i32
            %add3A_572 = arith.addi %mul3A_171, %add3A_571 : i32
            %get3A_573 = arith.index_cast %add3A_572 : i32 to index
            %get3A_574 = arith.constant 16 : index
            %get3A_575 = tpu.vector_load %arg19[%get3A_573, %get3A_574] {strides = array<i32>} : memref<128x128xf32, #tpu.memory_space<vmem>>, vector<16xf32>,
            %mul3A_576 = arith.mulf %get3A_575, %gather3A_194 : vector<16xf32>
            %add3A_577 = arith.constant 4 : i32
            %add3A_578 = arith.addi %mul3A_171, %add3A_577 : i32
            %swap3A_579 = arith.index_cast %add3A_578 : i32 to index
            %swap3A_580 = arith.constant 16 : index
            %swap3A_581 = tpu.vector_load %arg19[%swap3A_579, %swap3A_580] {strides = array<i32>} : memref<128x128xf32, #tpu.memory_space<vmem>>, vector<16xf32>,
            tpu.vector_store %arg19[%swap3A_579, %swap3A_580], %mul3A_576 {strides = array<i32>} : memref<128x128xf32, #tpu.memory_space<vmem>>, vector<16xf32>,
            %add3A_582 = arith.constant 4 : i32
            %add3A_583 = arith.addi %mul3A_171, %add3A_582 : i32
            %get3A_584 = arith.index_cast %add3A_583 : i32 to index
            %get3A_585 = arith.constant 32 : index
            %get3A_586 = tpu.vector_load %arg19[%get3A_584, %get3A_585] {strides = array<i32>} : memref<128x128xf32, #tpu.memory_space<vmem>>, vector<16xf32>,
            %mul3A_587 = arith.mulf %get3A_586, %gather3A_194 : vector<16xf32>
            %add3A_588 = arith.constant 4 : i32
            %add3A_589 = arith.addi %mul3A_171, %add3A_588 : i32
            %swap3A_590 = arith.index_cast %add3A_589 : i32 to index
            %swap3A_591 = arith.constant 32 : index
            %swap3A_592 = tpu.vector_load %arg19[%swap3A_590, %swap3A_591] {strides = array<i32>} : memref<128x128xf32, #tpu.memory_space<vmem>>, vector<16xf32>,
            tpu.vector_store %arg19[%swap3A_590, %swap3A_591], %mul3A_587 {strides = array<i32>} : memref<128x128xf32, #tpu.memory_space<vmem>>, vector<16xf32>,
            %add3A_593 = arith.constant 4 : i32
            %add3A_594 = arith.addi %mul3A_171, %add3A_593 : i32
            %get3A_595 = arith.index_cast %add3A_594 : i32 to index
            %get3A_596 = arith.constant 48 : index
            %get3A_597 = tpu.vector_load %arg19[%get3A_595, %get3A_596] {strides = array<i32>} : memref<128x128xf32, #tpu.memory_space<vmem>>, vector<16xf32>,
            %mul3A_598 = arith.mulf %get3A_597, %gather3A_194 : vector<16xf32>
            %add3A_599 = arith.constant 4 : i32
            %add3A_600 = arith.addi %mul3A_171, %add3A_599 : i32
            %swap3A_601 = arith.index_cast %add3A_600 : i32 to index
            %swap3A_602 = arith.constant 48 : index
            %swap3A_603 = tpu.vector_load %arg19[%swap3A_601, %swap3A_602] {strides = array<i32>} : memref<128x128xf32, #tpu.memory_space<vmem>>, vector<16xf32>,
            tpu.vector_store %arg19[%swap3A_601, %swap3A_602], %mul3A_598 {strides = array<i32>} : memref<128x128xf32, #tpu.memory_space<vmem>>, vector<16xf32>,
            %add3A_604 = arith.constant 4 : i32
            %add3A_605 = arith.addi %mul3A_171, %add3A_604 : i32
            %get3A_606 = arith.index_cast %add3A_605 : i32 to index
            %get3A_607 = arith.constant 64 : index
            %get3A_608 = tpu.vector_load %arg19[%get3A_606, %get3A_607] {strides = array<i32>} : memref<128x128xf32, #tpu.memory_space<vmem>>, vector<16xf32>,
            %mul3A_609 = arith.mulf %get3A_608, %gather3A_194 : vector<16xf32>
            %add3A_610 = arith.constant 4 : i32
            %add3A_611 = arith.addi %mul3A_171, %add3A_610 : i32
            %swap3A_612 = arith.index_cast %add3A_611 : i32 to index
            %swap3A_613 = arith.constant 64 : index
            %swap3A_614 = tpu.vector_load %arg19[%swap3A_612, %swap3A_613] {strides = array<i32>} : memref<128x128xf32, #tpu.memory_space<vmem>>, vector<16xf32>,
            tpu.vector_store %arg19[%swap3A_612, %swap3A_613], %mul3A_609 {strides = array<i32>} : memref<128x128xf32, #tpu.memory_space<vmem>>, vector<16xf32>,
            %add3A_615 = arith.constant 4 : i32
            %add3A_616 = arith.addi %mul3A_171, %add3A_615 : i32
            %get3A_617 = arith.index_cast %add3A_616 : i32 to index
            %get3A_618 = arith.constant 80 : index
            %get3A_619 = tpu.vector_load %arg19[%get3A_617, %get3A_618] {strides = array<i32>} : memref<128x128xf32, #tpu.memory_space<vmem>>, vector<16xf32>,
            %mul3A_620 = arith.mulf %get3A_619, %gather3A_194 : vector<16xf32>
            %add3A_621 = arith.constant 4 : i32
            %add3A_622 = arith.addi %mul3A_171, %add3A_621 : i32
            %swap3A_623 = arith.index_cast %add3A_622 : i32 to index
            %swap3A_624 = arith.constant 80 : index
            %swap3A_625 = tpu.vector_load %arg19[%swap3A_623, %swap3A_624] {strides = array<i32>} : memref<128x128xf32, #tpu.memory_space<vmem>>, vector<16xf32>,
            tpu.vector_store %arg19[%swap3A_623, %swap3A_624], %mul3A_620 {strides = array<i32>} : memref<128x128xf32, #tpu.memory_space<vmem>>, vector<16xf32>,
            %add3A_626 = arith.constant 4 : i32
            %add3A_627 = arith.addi %mul3A_171, %add3A_626 : i32
            %get3A_628 = arith.index_cast %add3A_627 : i32 to index
            %get3A_629 = arith.constant 96 : index
            %get3A_630 = tpu.vector_load %arg19[%get3A_628, %get3A_629] {strides = array<i32>} : memref<128x128xf32, #tpu.memory_space<vmem>>, vector<16xf32>,
            %mul3A_631 = arith.mulf %get3A_630, %gather3A_194 : vector<16xf32>
            %add3A_632 = arith.constant 4 : i32
            %add3A_633 = arith.addi %mul3A_171, %add3A_632 : i32
            %swap3A_634 = arith.index_cast %add3A_633 : i32 to index
            %swap3A_635 = arith.constant 96 : index
            %swap3A_636 = tpu.vector_load %arg19[%swap3A_634, %swap3A_635] {strides = array<i32>} : memref<128x128xf32, #tpu.memory_space<vmem>>, vector<16xf32>,
            tpu.vector_store %arg19[%swap3A_634, %swap3A_635], %mul3A_631 {strides = array<i32>} : memref<128x128xf32, #tpu.memory_space<vmem>>, vector<16xf32>,
            %add3A_637 = arith.constant 4 : i32
            %add3A_638 = arith.addi %mul3A_171, %add3A_637 : i32
            %get3A_639 = arith.index_cast %add3A_638 : i32 to index
            %get3A_640 = arith.constant 112 : index
            %get3A_641 = tpu.vector_load %arg19[%get3A_639, %get3A_640] {strides = array<i32>} : memref<128x128xf32, #tpu.memory_space<vmem>>, vector<16xf32>,
            %mul3A_642 = arith.mulf %get3A_641, %gather3A_194 : vector<16xf32>
            %add3A_643 = arith.constant 4 : i32
            %add3A_644 = arith.addi %mul3A_171, %add3A_643 : i32
            %swap3A_645 = arith.index_cast %add3A_644 : i32 to index
            %swap3A_646 = arith.constant 112 : index
            %swap3A_647 = tpu.vector_load %arg19[%swap3A_645, %swap3A_646] {strides = array<i32>} : memref<128x128xf32, #tpu.memory_space<vmem>>, vector<16xf32>,
            tpu.vector_store %arg19[%swap3A_645, %swap3A_646], %mul3A_642 {strides = array<i32>} : memref<128x128xf32, #tpu.memory_space<vmem>>, vector<16xf32>,
            %add3A_648 = arith.constant 5 : i32
            %add3A_649 = arith.addi %mul3A_171, %add3A_648 : i32
            %get3A_650 = arith.index_cast %add3A_649 : i32 to index
            %get3A_651 = arith.constant 0 : index
            %get3A_652 = tpu.vector_load %arg19[%get3A_650, %get3A_651] {strides = array<i32>} : memref<128x128xf32, #tpu.memory_space<vmem>>, vector<16xf32>,
            %mul3A_653 = arith.mulf %get3A_652, %gather3A_199 : vector<16xf32>
            %add3A_654 = arith.constant 5 : i32
            %add3A_655 = arith.addi %mul3A_171, %add3A_654 : i32
            %swap3A_656 = arith.index_cast %add3A_655 : i32 to index
            %swap3A_657 = arith.constant 0 : index
            %swap3A_658 = tpu.vector_load %arg19[%swap3A_656, %swap3A_657] {strides = array<i32>} : memref<128x128xf32, #tpu.memory_space<vmem>>, vector<16xf32>,
            tpu.vector_store %arg19[%swap3A_656, %swap3A_657], %mul3A_653 {strides = array<i32>} : memref<128x128xf32, #tpu.memory_space<vmem>>, vector<16xf32>,
            %add3A_659 = arith.constant 5 : i32
            %add3A_660 = arith.addi %mul3A_171, %add3A_659 : i32
            %get3A_661 = arith.index_cast %add3A_660 : i32 to index
            %get3A_662 = arith.constant 16 : index
            %get3A_663 = tpu.vector_load %arg19[%get3A_661, %get3A_662] {strides = array<i32>} : memref<128x128xf32, #tpu.memory_space<vmem>>, vector<16xf32>,
            %mul3A_664 = arith.mulf %get3A_663, %gather3A_199 : vector<16xf32>
            %add3A_665 = arith.constant 5 : i32
            %add3A_666 = arith.addi %mul3A_171, %add3A_665 : i32
            %swap3A_667 = arith.index_cast %add3A_666 : i32 to index
            %swap3A_668 = arith.constant 16 : index
            %swap3A_669 = tpu.vector_load %arg19[%swap3A_667, %swap3A_668] {strides = array<i32>} : memref<128x128xf32, #tpu.memory_space<vmem>>, vector<16xf32>,
            tpu.vector_store %arg19[%swap3A_667, %swap3A_668], %mul3A_664 {strides = array<i32>} : memref<128x128xf32, #tpu.memory_space<vmem>>, vector<16xf32>,
            %add3A_670 = arith.constant 5 : i32
            %add3A_671 = arith.addi %mul3A_171, %add3A_670 : i32
            %get3A_672 = arith.index_cast %add3A_671 : i32 to index
            %get3A_673 = arith.constant 32 : index
            %get3A_674 = tpu.vector_load %arg19[%get3A_672, %get3A_673] {strides = array<i32>} : memref<128x128xf32, #tpu.memory_space<vmem>>, vector<16xf32>,
            %mul3A_675 = arith.mulf %get3A_674, %gather3A_199 : vector<16xf32>
            %add3A_676 = arith.constant 5 : i32
            %add3A_677 = arith.addi %mul3A_171, %add3A_676 : i32
            %swap3A_678 = arith.index_cast %add3A_677 : i32 to index
            %swap3A_679 = arith.constant 32 : index
            %swap3A_680 = tpu.vector_load %arg19[%swap3A_678, %swap3A_679] {strides = array<i32>} : memref<128x128xf32, #tpu.memory_space<vmem>>, vector<16xf32>,
            tpu.vector_store %arg19[%swap3A_678, %swap3A_679], %mul3A_675 {strides = array<i32>} : memref<128x128xf32, #tpu.memory_space<vmem>>, vector<16xf32>,
            %add3A_681 = arith.constant 5 : i32
            %add3A_682 = arith.addi %mul3A_171, %add3A_681 : i32
            %get3A_683 = arith.index_cast %add3A_682 : i32 to index
            %get3A_684 = arith.constant 48 : index
            %get3A_685 = tpu.vector_load %arg19[%get3A_683, %get3A_684] {strides = array<i32>} : memref<128x128xf32, #tpu.memory_space<vmem>>, vector<16xf32>,
            %mul3A_686 = arith.mulf %get3A_685, %gather3A_199 : vector<16xf32>
            %add3A_687 = arith.constant 5 : i32
            %add3A_688 = arith.addi %mul3A_171, %add3A_687 : i32
            %swap3A_689 = arith.index_cast %add3A_688 : i32 to index
            %swap3A_690 = arith.constant 48 : index
            %swap3A_691 = tpu.vector_load %arg19[%swap3A_689, %swap3A_690] {strides = array<i32>} : memref<128x128xf32, #tpu.memory_space<vmem>>, vector<16xf32>,
            tpu.vector_store %arg19[%swap3A_689, %swap3A_690], %mul3A_686 {strides = array<i32>} : memref<128x128xf32, #tpu.memory_space<vmem>>, vector<16xf32>,
            %add3A_692 = arith.constant 5 : i32
            %add3A_693 = arith.addi %mul3A_171, %add3A_692 : i32
            %get3A_694 = arith.index_cast %add3A_693 : i32 to index
            %get3A_695 = arith.constant 64 : index
            %get3A_696 = tpu.vector_load %arg19[%get3A_694, %get3A_695] {strides = array<i32>} : memref<128x128xf32, #tpu.memory_space<vmem>>, vector<16xf32>,
            %mul3A_697 = arith.mulf %get3A_696, %gather3A_199 : vector<16xf32>
            %add3A_698 = arith.constant 5 : i32
            %add3A_699 = arith.addi %mul3A_171, %add3A_698 : i32
            %swap3A_700 = arith.index_cast %add3A_699 : i32 to index
            %swap3A_701 = arith.constant 64 : index
            %swap3A_702 = tpu.vector_load %arg19[%swap3A_700, %swap3A_701] {strides = array<i32>} : memref<128x128xf32, #tpu.memory_space<vmem>>, vector<16xf32>,
            tpu.vector_store %arg19[%swap3A_700, %swap3A_701], %mul3A_697 {strides = array<i32>} : memref<128x128xf32, #tpu.memory_space<vmem>>, vector<16xf32>,
            %add3A_703 = arith.constant 5 : i32
            %add3A_704 = arith.addi %mul3A_171, %add3A_703 : i32
            %get3A_705 = arith.index_cast %add3A_704 : i32 to index
            %get3A_706 = arith.constant 80 : index
            %get3A_707 = tpu.vector_load %arg19[%get3A_705, %get3A_706] {strides = array<i32>} : memref<128x128xf32, #tpu.memory_space<vmem>>, vector<16xf32>,
            %mul3A_708 = arith.mulf %get3A_707, %gather3A_199 : vector<16xf32>
            %add3A_709 = arith.constant 5 : i32
            %add3A_710 = arith.addi %mul3A_171, %add3A_709 : i32
            %swap3A_711 = arith.index_cast %add3A_710 : i32 to index
            %swap3A_712 = arith.constant 80 : index
            %swap3A_713 = tpu.vector_load %arg19[%swap3A_711, %swap3A_712] {strides = array<i32>} : memref<128x128xf32, #tpu.memory_space<vmem>>, vector<16xf32>,
            tpu.vector_store %arg19[%swap3A_711, %swap3A_712], %mul3A_708 {strides = array<i32>} : memref<128x128xf32, #tpu.memory_space<vmem>>, vector<16xf32>,
            %add3A_714 = arith.constant 5 : i32
            %add3A_715 = arith.addi %mul3A_171, %add3A_714 : i32
            %get3A_716 = arith.index_cast %add3A_715 : i32 to index
            %get3A_717 = arith.constant 96 : index
            %get3A_718 = tpu.vector_load %arg19[%get3A_716, %get3A_717] {strides = array<i32>} : memref<128x128xf32, #tpu.memory_space<vmem>>, vector<16xf32>,
            %mul3A_719 = arith.mulf %get3A_718, %gather3A_199 : vector<16xf32>
            %add3A_720 = arith.constant 5 : i32
            %add3A_721 = arith.addi %mul3A_171, %add3A_720 : i32
            %swap3A_722 = arith.index_cast %add3A_721 : i32 to index
            %swap3A_723 = arith.constant 96 : index
            %swap3A_724 = tpu.vector_load %arg19[%swap3A_722, %swap3A_723] {strides = array<i32>} : memref<128x128xf32, #tpu.memory_space<vmem>>, vector<16xf32>,
            tpu.vector_store %arg19[%swap3A_722, %swap3A_723], %mul3A_719 {strides = array<i32>} : memref<128x128xf32, #tpu.memory_space<vmem>>, vector<16xf32>,
            %add3A_725 = arith.constant 5 : i32
            %add3A_726 = arith.addi %mul3A_171, %add3A_725 : i32
            %get3A_727 = arith.index_cast %add3A_726 : i32 to index
            %get3A_728 = arith.constant 112 : index
            %get3A_729 = tpu.vector_load %arg19[%get3A_727, %get3A_728] {strides = array<i32>} : memref<128x128xf32, #tpu.memory_space<vmem>>, vector<16xf32>,
            %mul3A_730 = arith.mulf %get3A_729, %gather3A_199 : vector<16xf32>
            %add3A_731 = arith.constant 5 : i32
            %add3A_732 = arith.addi %mul3A_171, %add3A_731 : i32
            %swap3A_733 = arith.index_cast %add3A_732 : i32 to index
            %swap3A_734 = arith.constant 112 : index
            %swap3A_735 = tpu.vector_load %arg19[%swap3A_733, %swap3A_734] {strides = array<i32>} : memref<128x128xf32, #tpu.memory_space<vmem>>, vector<16xf32>,
            tpu.vector_store %arg19[%swap3A_733, %swap3A_734], %mul3A_730 {strides = array<i32>} : memref<128x128xf32, #tpu.memory_space<vmem>>, vector<16xf32>,
            %add3A_736 = arith.constant 6 : i32
            %add3A_737 = arith.addi %mul3A_171, %add3A_736 : i32
            %get3A_738 = arith.index_cast %add3A_737 : i32 to index
            %get3A_739 = arith.constant 0 : index
            %get3A_740 = tpu.vector_load %arg19[%get3A_738, %get3A_739] {strides = array<i32>} : memref<128x128xf32, #tpu.memory_space<vmem>>, vector<16xf32>,
            %mul3A_741 = arith.mulf %get3A_740, %gather3A_204 : vector<16xf32>
            %add3A_742 = arith.constant 6 : i32
            %add3A_743 = arith.addi %mul3A_171, %add3A_742 : i32
            %swap3A_744 = arith.index_cast %add3A_743 : i32 to index
            %swap3A_745 = arith.constant 0 : index
            %swap3A_746 = tpu.vector_load %arg19[%swap3A_744, %swap3A_745] {strides = array<i32>} : memref<128x128xf32, #tpu.memory_space<vmem>>, vector<16xf32>,
            tpu.vector_store %arg19[%swap3A_744, %swap3A_745], %mul3A_741 {strides = array<i32>} : memref<128x128xf32, #tpu.memory_space<vmem>>, vector<16xf32>,
            %add3A_747 = arith.constant 6 : i32
            %add3A_748 = arith.addi %mul3A_171, %add3A_747 : i32
            %get3A_749 = arith.index_cast %add3A_748 : i32 to index
            %get3A_750 = arith.constant 16 : index
            %get3A_751 = tpu.vector_load %arg19[%get3A_749, %get3A_750] {strides = array<i32>} : memref<128x128xf32, #tpu.memory_space<vmem>>, vector<16xf32>,
            %mul3A_752 = arith.mulf %get3A_751, %gather3A_204 : vector<16xf32>
            %add3A_753 = arith.constant 6 : i32
            %add3A_754 = arith.addi %mul3A_171, %add3A_753 : i32
            %swap3A_755 = arith.index_cast %add3A_754 : i32 to index
            %swap3A_756 = arith.constant 16 : index
            %swap3A_757 = tpu.vector_load %arg19[%swap3A_755, %swap3A_756] {strides = array<i32>} : memref<128x128xf32, #tpu.memory_space<vmem>>, vector<16xf32>,
            tpu.vector_store %arg19[%swap3A_755, %swap3A_756], %mul3A_752 {strides = array<i32>} : memref<128x128xf32, #tpu.memory_space<vmem>>, vector<16xf32>,
            %add3A_758 = arith.constant 6 : i32
            %add3A_759 = arith.addi %mul3A_171, %add3A_758 : i32
            %get3A_760 = arith.index_cast %add3A_759 : i32 to index
            %get3A_761 = arith.constant 32 : index
            %get3A_762 = tpu.vector_load %arg19[%get3A_760, %get3A_761] {strides = array<i32>} : memref<128x128xf32, #tpu.memory_space<vmem>>, vector<16xf32>,
            %mul3A_763 = arith.mulf %get3A_762, %gather3A_204 : vector<16xf32>
            %add3A_764 = arith.constant 6 : i32
            %add3A_765 = arith.addi %mul3A_171, %add3A_764 : i32
            %swap3A_766 = arith.index_cast %add3A_765 : i32 to index
            %swap3A_767 = arith.constant 32 : index
            %swap3A_768 = tpu.vector_load %arg19[%swap3A_766, %swap3A_767] {strides = array<i32>} : memref<128x128xf32, #tpu.memory_space<vmem>>, vector<16xf32>,
            tpu.vector_store %arg19[%swap3A_766, %swap3A_767], %mul3A_763 {strides = array<i32>} : memref<128x128xf32, #tpu.memory_space<vmem>>, vector<16xf32>,
            %add3A_769 = arith.constant 6 : i32
            %add3A_770 = arith.addi %mul3A_171, %add3A_769 : i32
            %get3A_771 = arith.index_cast %add3A_770 : i32 to index
            %get3A_772 = arith.constant 48 : index
            %get3A_773 = tpu.vector_load %arg19[%get3A_771, %get3A_772] {strides = array<i32>} : memref<128x128xf32, #tpu.memory_space<vmem>>, vector<16xf32>,
            %mul3A_774 = arith.mulf %get3A_773, %gather3A_204 : vector<16xf32>
            %add3A_775 = arith.constant 6 : i32
            %add3A_776 = arith.addi %mul3A_171, %add3A_775 : i32
            %swap3A_777 = arith.index_cast %add3A_776 : i32 to index
            %swap3A_778 = arith.constant 48 : index
            %swap3A_779 = tpu.vector_load %arg19[%swap3A_777, %swap3A_778] {strides = array<i32>} : memref<128x128xf32, #tpu.memory_space<vmem>>, vector<16xf32>,
            tpu.vector_store %arg19[%swap3A_777, %swap3A_778], %mul3A_774 {strides = array<i32>} : memref<128x128xf32, #tpu.memory_space<vmem>>, vector<16xf32>,
            %add3A_780 = arith.constant 6 : i32
            %add3A_781 = arith.addi %mul3A_171, %add3A_780 : i32
            %get3A_782 = arith.index_cast %add3A_781 : i32 to index
            %get3A_783 = arith.constant 64 : index
            %get3A_784 = tpu.vector_load %arg19[%get3A_782, %get3A_783] {strides = array<i32>} : memref<128x128xf32, #tpu.memory_space<vmem>>, vector<16xf32>,
            %mul3A_785 = arith.mulf %get3A_784, %gather3A_204 : vector<16xf32>
            %add3A_786 = arith.constant 6 : i32
            %add3A_787 = arith.addi %mul3A_171, %add3A_786 : i32
            %swap3A_788 = arith.index_cast %add3A_787 : i32 to index
            %swap3A_789 = arith.constant 64 : index
            %swap3A_790 = tpu.vector_load %arg19[%swap3A_788, %swap3A_789] {strides = array<i32>} : memref<128x128xf32, #tpu.memory_space<vmem>>, vector<16xf32>,
            tpu.vector_store %arg19[%swap3A_788, %swap3A_789], %mul3A_785 {strides = array<i32>} : memref<128x128xf32, #tpu.memory_space<vmem>>, vector<16xf32>,
            %add3A_791 = arith.constant 6 : i32
            %add3A_792 = arith.addi %mul3A_171, %add3A_791 : i32
            %get3A_793 = arith.index_cast %add3A_792 : i32 to index
            %get3A_794 = arith.constant 80 : index
            %get3A_795 = tpu.vector_load %arg19[%get3A_793, %get3A_794] {strides = array<i32>} : memref<128x128xf32, #tpu.memory_space<vmem>>, vector<16xf32>,
            %mul3A_796 = arith.mulf %get3A_795, %gather3A_204 : vector<16xf32>
            %add3A_797 = arith.constant 6 : i32
            %add3A_798 = arith.addi %mul3A_171, %add3A_797 : i32
            %swap3A_799 = arith.index_cast %add3A_798 : i32 to index
            %swap3A_800 = arith.constant 80 : index
            %swap3A_801 = tpu.vector_load %arg19[%swap3A_799, %swap3A_800] {strides = array<i32>} : memref<128x128xf32, #tpu.memory_space<vmem>>, vector<16xf32>,
            tpu.vector_store %arg19[%swap3A_799, %swap3A_800], %mul3A_796 {strides = array<i32>} : memref<128x128xf32, #tpu.memory_space<vmem>>, vector<16xf32>,
            %add3A_802 = arith.constant 6 : i32
            %add3A_803 = arith.addi %mul3A_171, %add3A_802 : i32
            %get3A_804 = arith.index_cast %add3A_803 : i32 to index
            %get3A_805 = arith.constant 96 : index
            %get3A_806 = tpu.vector_load %arg19[%get3A_804, %get3A_805] {strides = array<i32>} : memref<128x128xf32, #tpu.memory_space<vmem>>, vector<16xf32>,
            %mul3A_807 = arith.mulf %get3A_806, %gather3A_204 : vector<16xf32>
            %add3A_808 = arith.constant 6 : i32
            %add3A_809 = arith.addi %mul3A_171, %add3A_808 : i32
            %swap3A_810 = arith.index_cast %add3A_809 : i32 to index
            %swap3A_811 = arith.constant 96 : index
            %swap3A_812 = tpu.vector_load %arg19[%swap3A_810, %swap3A_811] {strides = array<i32>} : memref<128x128xf32, #tpu.memory_space<vmem>>, vector<16xf32>,
            tpu.vector_store %arg19[%swap3A_810, %swap3A_811], %mul3A_807 {strides = array<i32>} : memref<128x128xf32, #tpu.memory_space<vmem>>, vector<16xf32>,
            %add3A_813 = arith.constant 6 : i32
            %add3A_814 = arith.addi %mul3A_171, %add3A_813 : i32
            %get3A_815 = arith.index_cast %add3A_814 : i32 to index
            %get3A_816 = arith.constant 112 : index
            %get3A_817 = tpu.vector_load %arg19[%get3A_815, %get3A_816] {strides = array<i32>} : memref<128x128xf32, #tpu.memory_space<vmem>>, vector<16xf32>,
            %mul3A_818 = arith.mulf %get3A_817, %gather3A_204 : vector<16xf32>
            %add3A_819 = arith.constant 6 : i32
            %add3A_820 = arith.addi %mul3A_171, %add3A_819 : i32
            %swap3A_821 = arith.index_cast %add3A_820 : i32 to index
            %swap3A_822 = arith.constant 112 : index
            %swap3A_823 = tpu.vector_load %arg19[%swap3A_821, %swap3A_822] {strides = array<i32>} : memref<128x128xf32, #tpu.memory_space<vmem>>, vector<16xf32>,
            tpu.vector_store %arg19[%swap3A_821, %swap3A_822], %mul3A_818 {strides = array<i32>} : memref<128x128xf32, #tpu.memory_space<vmem>>, vector<16xf32>,
            %add3A_824 = arith.constant 7 : i32
            %add3A_825 = arith.addi %mul3A_171, %add3A_824 : i32
            %get3A_826 = arith.index_cast %add3A_825 : i32 to index
            %get3A_827 = arith.constant 0 : index
            %get3A_828 = tpu.vector_load %arg19[%get3A_826, %get3A_827] {strides = array<i32>} : memref<128x128xf32, #tpu.memory_space<vmem>>, vector<16xf32>,
            %mul3A_829 = arith.mulf %get3A_828, %gather3A_209 : vector<16xf32>
            %add3A_830 = arith.constant 7 : i32
            %add3A_831 = arith.addi %mul3A_171, %add3A_830 : i32
            %swap3A_832 = arith.index_cast %add3A_831 : i32 to index
            %swap3A_833 = arith.constant 0 : index
            %swap3A_834 = tpu.vector_load %arg19[%swap3A_832, %swap3A_833] {strides = array<i32>} : memref<128x128xf32, #tpu.memory_space<vmem>>, vector<16xf32>,
            tpu.vector_store %arg19[%swap3A_832, %swap3A_833], %mul3A_829 {strides = array<i32>} : memref<128x128xf32, #tpu.memory_space<vmem>>, vector<16xf32>,
            %add3A_835 = arith.constant 7 : i32
            %add3A_836 = arith.addi %mul3A_171, %add3A_835 : i32
            %get3A_837 = arith.index_cast %add3A_836 : i32 to index
            %get3A_838 = arith.constant 16 : index
            %get3A_839 = tpu.vector_load %arg19[%get3A_837, %get3A_838] {strides = array<i32>} : memref<128x128xf32, #tpu.memory_space<vmem>>, vector<16xf32>,
            %mul3A_840 = arith.mulf %get3A_839, %gather3A_209 : vector<16xf32>
            %add3A_841 = arith.constant 7 : i32
            %add3A_842 = arith.addi %mul3A_171, %add3A_841 : i32
            %swap3A_843 = arith.index_cast %add3A_842 : i32 to index
            %swap3A_844 = arith.constant 16 : index
            %swap3A_845 = tpu.vector_load %arg19[%swap3A_843, %swap3A_844] {strides = array<i32>} : memref<128x128xf32, #tpu.memory_space<vmem>>, vector<16xf32>,
            tpu.vector_store %arg19[%swap3A_843, %swap3A_844], %mul3A_840 {strides = array<i32>} : memref<128x128xf32, #tpu.memory_space<vmem>>, vector<16xf32>,
            %add3A_846 = arith.constant 7 : i32
            %add3A_847 = arith.addi %mul3A_171, %add3A_846 : i32
            %get3A_848 = arith.index_cast %add3A_847 : i32 to index
            %get3A_849 = arith.constant 32 : index
            %get3A_850 = tpu.vector_load %arg19[%get3A_848, %get3A_849] {strides = array<i32>} : memref<128x128xf32, #tpu.memory_space<vmem>>, vector<16xf32>,
            %mul3A_851 = arith.mulf %get3A_850, %gather3A_209 : vector<16xf32>
            %add3A_852 = arith.constant 7 : i32
            %add3A_853 = arith.addi %mul3A_171, %add3A_852 : i32
            %swap3A_854 = arith.index_cast %add3A_853 : i32 to index
            %swap3A_855 = arith.constant 32 : index
            %swap3A_856 = tpu.vector_load %arg19[%swap3A_854, %swap3A_855] {strides = array<i32>} : memref<128x128xf32, #tpu.memory_space<vmem>>, vector<16xf32>,
            tpu.vector_store %arg19[%swap3A_854, %swap3A_855], %mul3A_851 {strides = array<i32>} : memref<128x128xf32, #tpu.memory_space<vmem>>, vector<16xf32>,
            %add3A_857 = arith.constant 7 : i32
            %add3A_858 = arith.addi %mul3A_171, %add3A_857 : i32
            %get3A_859 = arith.index_cast %add3A_858 : i32 to index
            %get3A_860 = arith.constant 48 : index
            %get3A_861 = tpu.vector_load %arg19[%get3A_859, %get3A_860] {strides = array<i32>} : memref<128x128xf32, #tpu.memory_space<vmem>>, vector<16xf32>,
            %mul3A_862 = arith.mulf %get3A_861, %gather3A_209 : vector<16xf32>
            %add3A_863 = arith.constant 7 : i32
            %add3A_864 = arith.addi %mul3A_171, %add3A_863 : i32
            %swap3A_865 = arith.index_cast %add3A_864 : i32 to index
            %swap3A_866 = arith.constant 48 : index
            %swap3A_867 = tpu.vector_load %arg19[%swap3A_865, %swap3A_866] {strides = array<i32>} : memref<128x128xf32, #tpu.memory_space<vmem>>, vector<16xf32>,
            tpu.vector_store %arg19[%swap3A_865, %swap3A_866], %mul3A_862 {strides = array<i32>} : memref<128x128xf32, #tpu.memory_space<vmem>>, vector<16xf32>,
            %add3A_868 = arith.constant 7 : i32
            %add3A_869 = arith.addi %mul3A_171, %add3A_868 : i32
            %get3A_870 = arith.index_cast %add3A_869 : i32 to index
            %get3A_871 = arith.constant 64 : index
            %get3A_872 = tpu.vector_load %arg19[%get3A_870, %get3A_871] {strides = array<i32>} : memref<128x128xf32, #tpu.memory_space<vmem>>, vector<16xf32>,
            %mul3A_873 = arith.mulf %get3A_872, %gather3A_209 : vector<16xf32>
            %add3A_874 = arith.constant 7 : i32
            %add3A_875 = arith.addi %mul3A_171, %add3A_874 : i32
            %swap3A_876 = arith.index_cast %add3A_875 : i32 to index
            %swap3A_877 = arith.constant 64 : index
            %swap3A_878 = tpu.vector_load %arg19[%swap3A_876, %swap3A_877] {strides = array<i32>} : memref<128x128xf32, #tpu.memory_space<vmem>>, vector<16xf32>,
            tpu.vector_store %arg19[%swap3A_876, %swap3A_877], %mul3A_873 {strides = array<i32>} : memref<128x128xf32, #tpu.memory_space<vmem>>, vector<16xf32>,
            %add3A_879 = arith.constant 7 : i32
            %add3A_880 = arith.addi %mul3A_171, %add3A_879 : i32
            %get3A_881 = arith.index_cast %add3A_880 : i32 to index
            %get3A_882 = arith.constant 80 : index
            %get3A_883 = tpu.vector_load %arg19[%get3A_881, %get3A_882] {strides = array<i32>} : memref<128x128xf32, #tpu.memory_space<vmem>>, vector<16xf32>,
            %mul3A_884 = arith.mulf %get3A_883, %gather3A_209 : vector<16xf32>
            %add3A_885 = arith.constant 7 : i32
            %add3A_886 = arith.addi %mul3A_171, %add3A_885 : i32
            %swap3A_887 = arith.index_cast %add3A_886 : i32 to index
            %swap3A_888 = arith.constant 80 : index
            %swap3A_889 = tpu.vector_load %arg19[%swap3A_887, %swap3A_888] {strides = array<i32>} : memref<128x128xf32, #tpu.memory_space<vmem>>, vector<16xf32>,
            tpu.vector_store %arg19[%swap3A_887, %swap3A_888], %mul3A_884 {strides = array<i32>} : memref<128x128xf32, #tpu.memory_space<vmem>>, vector<16xf32>,
            %add3A_890 = arith.constant 7 : i32
            %add3A_891 = arith.addi %mul3A_171, %add3A_890 : i32
            %get3A_892 = arith.index_cast %add3A_891 : i32 to index
            %get3A_893 = arith.constant 96 : index
            %get3A_894 = tpu.vector_load %arg19[%get3A_892, %get3A_893] {strides = array<i32>} : memref<128x128xf32, #tpu.memory_space<vmem>>, vector<16xf32>,
            %mul3A_895 = arith.mulf %get3A_894, %gather3A_209 : vector<16xf32>
            %add3A_896 = arith.constant 7 : i32
            %add3A_897 = arith.addi %mul3A_171, %add3A_896 : i32
            %swap3A_898 = arith.index_cast %add3A_897 : i32 to index
            %swap3A_899 = arith.constant 96 : index
            %swap3A_900 = tpu.vector_load %arg19[%swap3A_898, %swap3A_899] {strides = array<i32>} : memref<128x128xf32, #tpu.memory_space<vmem>>, vector<16xf32>,
            tpu.vector_store %arg19[%swap3A_898, %swap3A_899], %mul3A_895 {strides = array<i32>} : memref<128x128xf32, #tpu.memory_space<vmem>>, vector<16xf32>,
            %add3A_901 = arith.constant 7 : i32
            %add3A_902 = arith.addi %mul3A_171, %add3A_901 : i32
            %get3A_903 = arith.index_cast %add3A_902 : i32 to index
            %get3A_904 = arith.constant 112 : index
            %get3A_905 = tpu.vector_load %arg19[%get3A_903, %get3A_904] {strides = array<i32>} : memref<128x128xf32, #tpu.memory_space<vmem>>, vector<16xf32>,
            %mul3A_906 = arith.mulf %get3A_905, %gather3A_209 : vector<16xf32>
            %add3A_907 = arith.constant 7 : i32
            %add3A_908 = arith.addi %mul3A_171, %add3A_907 : i32
            %swap3A_909 = arith.index_cast %add3A_908 : i32 to index
            %swap3A_910 = arith.constant 112 : index
            %swap3A_911 = tpu.vector_load %arg19[%swap3A_909, %swap3A_910] {strides = array<i32>} : memref<128x128xf32, #tpu.memory_space<vmem>>, vector<16xf32>,
            tpu.vector_store %arg19[%swap3A_909, %swap3A_910], %mul3A_906 {strides = array<i32>} : memref<128x128xf32, #tpu.memory_space<vmem>>, vector<16xf32>,
            %scan3A_912 = arith.constant 0 : i32
            scf.yield %scan3A_912 : i32
          }
          %scan3A_166 = arith.constant 16 : i32
          "tpu.region"() ({
            %run_scoped3A = tpu.sem_alloc : memref<!tpu.dma_semaphore, #tpu.memory_space<semaphore_mem>>
            %dma_start3A_168 = arith.constant 0 : i32
            %dma_start3A_169 = tpu.memref_slice %arg12[%while3A_145, %dma_start3A_168] : memref<16x128xi32, #tpu.memory_space<vmem>> -> memref<1x128xi32, #tpu.memory_space<vmem>>
            %dma_start3A_170 = tpu.memref_squeeze %dma_start3A_169 : memref<1x128xi32, #tpu.memory_space<vmem>> -> memref<128xi32, #tpu.memory_space<vmem>>
            %dma_start3A_171 = arith.constant 0 : i32
            %dma_start3A_172 = arith.constant 0 : i32
            %dma_start3A_173 = tpu.memref_slice %arg20[%dma_start3A_171, %dma_start3A_172] : memref<2048x128xf32, #tpu.memory_space<vmem_shared>> -> memref<2048x128xf32, #tpu.memory_space<vmem_shared>>
            tpu.enqueue_indirect_dma source(%arg19 : memref<128x128xf32, #tpu.memory_space<vmem>>) target(%dma_start3A_173 : memref<2048x128xf32, #tpu.memory_space<vmem_shared>>) offsets(%dma_start3A_170 : memref<128xi32, #tpu.memory_space<vmem>>) semaphore(%run_scoped3A : memref<!tpu.dma_semaphore, #tpu.memory_space<semaphore_mem>>) {add = true}
            %dma_wait3A_174 = arith.constant 0 : i32
            %dma_wait3A_175 = tpu.memref_slice %arg12[%while3A_145, %dma_wait3A_174] : memref<16x128xi32, #tpu.memory_space<vmem>> -> memref<1x128xi32, #tpu.memory_space<vmem>>
            %dma_wait3A_176 = tpu.memref_squeeze %dma_wait3A_175 : memref<1x128xi32, #tpu.memory_space<vmem>> -> memref<128xi32, #tpu.memory_space<vmem>>
            %dma_wait3A_177 = arith.constant 0 : i32
            %dma_wait3A_178 = arith.constant 0 : i32
            %dma_wait3A_179 = tpu.memref_slice %arg20[%dma_wait3A_177, %dma_wait3A_178] : memref<2048x128xf32, #tpu.memory_space<vmem_shared>> -> memref<2048x128xf32, #tpu.memory_space<vmem_shared>>
            tpu.wait_indirect_dma semaphore(%run_scoped3A : memref<!tpu.dma_semaphore, #tpu.memory_space<semaphore_mem>>) src(%arg19 : memref<128x128xf32, #tpu.memory_space<vmem>>) dst(%dma_wait3A_179 : memref<2048x128xf32, #tpu.memory_space<vmem_shared>>)
            tpu.yield
          }) : () -> ()
          %while3A_167 = arith.constant 0 : i32
          scf.yield %while3A_167 : i32
        }
        %while3A_144 = arith.constant 0 : i32
        scf.yield %while3A_144 : i32
      }
      %while3A_100 = arith.constant 1 : i32
      %while3A_101 = scf.for %while3A_114 = %while3A_97 to %while3A_93 step %while3A_100 iter_args(%while3A_115 = %while3A_99) -> (i32)  : i32 {
        %mul3A_116 = arith.constant 16 : i32
        %mul3A_117 = arith.muli %while3A_114, %mul3A_116 : i32
        %sub3A_118 = arith.subi %select_n3A, %mul3A_117 : i32
        %min3A = arith.constant 16 : i32
        %min3A_119 = arith.minsi %sub3A_118, %min3A : i32
        %while3A_120 = arith.constant 0 : i32
        %while3A_121 = arith.constant 0 : i32
        %while3A_122 = arith.subi %min3A_119, %while3A_120 : i32
        %while3A_123 = arith.addi %while3A_120, %while3A_122 : i32
        %while3A_124 = arith.constant 1 : i32
        %while3A_125 = arith.divsi %while3A_122, %while3A_124 : i32
        %while3A_126 = arith.muli %while3A_125, %while3A_124 : i32
        %while3A_127 = arith.addi %while3A_120, %while3A_126 : i32
        %while3A_128 = arith.constant 1 : i32
        %while3A_129 = scf.for %while3A_145 = %while3A_120 to %while3A_127 step %while3A_128 iter_args(%while3A_146 = %while3A_121) -> (i32)  : i32 {
          %add3A_147 = arith.addi %mul3A_117, %while3A_145 : i32
          %mul3A_148 = arith.constant 128 : i32
          %mul3A_149 = arith.muli %add3A_147, %mul3A_148 : i32
          %add3A_150 = arith.constant 0 : i32
          %add3A_151 = arith.addi %mul3A_149, %add3A_150 : i32
          %get3A = arith.index_cast %add3A_151 : i32 to index
          %get3A_152 = tpu.vector_load %arg17[%get3A] {strides = array<i32>} : memref<10368xi32, #tpu.memory_space<vmem>>, vector<16xi32>,
          %swap3A = arith.index_cast %while3A_145 : i32 to index
          %swap3A_153 = arith.constant 0 : index
          %swap3A_154 = tpu.vector_load %arg12[%swap3A, %swap3A_153] {strides = array<i32>} : memref<16x128xi32, #tpu.memory_space<vmem>>, vector<16xi32>,
          tpu.vector_store %arg12[%swap3A, %swap3A_153], %get3A_152 {strides = array<i32>} : memref<16x128xi32, #tpu.memory_space<vmem>>, vector<16xi32>,
          %get3A_155 = arith.index_cast %add3A_151 : i32 to index
          %get3A_156 = tpu.vector_load %arg16[%get3A_155] {strides = array<i32>} : memref<10368xi32, #tpu.memory_space<vmem>>, vector<16xi32>,
          %swap3A_157 = arith.index_cast %while3A_145 : i32 to index
          %swap3A_158 = arith.constant 0 : index
          %swap3A_159 = tpu.vector_load %arg13[%swap3A_157, %swap3A_158] {strides = array<i32>} : memref<16x128xi32, #tpu.memory_space<vmem>>, vector<16xi32>,
          tpu.vector_store %arg13[%swap3A_157, %swap3A_158], %get3A_156 {strides = array<i32>} : memref<16x128xi32, #tpu.memory_space<vmem>>, vector<16xi32>,
          %mul3A_160 = arith.constant 128 : i32
          %mul3A_161 = arith.muli %add3A_147, %mul3A_160 : i32
          %add3A_162 = arith.constant 16 : i32
          %add3A_163 = arith.addi %mul3A_161, %add3A_162 : i32
          %get3A_164 = arith.index_cast %add3A_163 : i32 to index
          %get3A_165 = tpu.vector_load %arg17[%get3A_164] {strides = array<i32>} : memref<10368xi32, #tpu.memory_space<vmem>>, vector<16xi32>,
          %swap3A_166 = arith.index_cast %while3A_145 : i32 to index
          %swap3A_167 = arith.constant 16 : index
          %swap3A_168 = tpu.vector_load %arg12[%swap3A_166, %swap3A_167] {strides = array<i32>} : memref<16x128xi32, #tpu.memory_space<vmem>>, vector<16xi32>,
          tpu.vector_store %arg12[%swap3A_166, %swap3A_167], %get3A_165 {strides = array<i32>} : memref<16x128xi32, #tpu.memory_space<vmem>>, vector<16xi32>,
          %get3A_169 = arith.index_cast %add3A_163 : i32 to index
          %get3A_170 = tpu.vector_load %arg16[%get3A_169] {strides = array<i32>} : memref<10368xi32, #tpu.memory_space<vmem>>, vector<16xi32>,
          %swap3A_171 = arith.index_cast %while3A_145 : i32 to index
          %swap3A_172 = arith.constant 16 : index
          %swap3A_173 = tpu.vector_load %arg13[%swap3A_171, %swap3A_172] {strides = array<i32>} : memref<16x128xi32, #tpu.memory_space<vmem>>, vector<16xi32>,
          tpu.vector_store %arg13[%swap3A_171, %swap3A_172], %get3A_170 {strides = array<i32>} : memref<16x128xi32, #tpu.memory_space<vmem>>, vector<16xi32>,
          %mul3A_174 = arith.constant 128 : i32
          %mul3A_175 = arith.muli %add3A_147, %mul3A_174 : i32
          %add3A_176 = arith.constant 32 : i32
          %add3A_177 = arith.addi %mul3A_175, %add3A_176 : i32
          %get3A_178 = arith.index_cast %add3A_177 : i32 to index
          %get3A_179 = tpu.vector_load %arg17[%get3A_178] {strides = array<i32>} : memref<10368xi32, #tpu.memory_space<vmem>>, vector<16xi32>,
          %swap3A_180 = arith.index_cast %while3A_145 : i32 to index
          %swap3A_181 = arith.constant 32 : index
          %swap3A_182 = tpu.vector_load %arg12[%swap3A_180, %swap3A_181] {strides = array<i32>} : memref<16x128xi32, #tpu.memory_space<vmem>>, vector<16xi32>,
          tpu.vector_store %arg12[%swap3A_180, %swap3A_181], %get3A_179 {strides = array<i32>} : memref<16x128xi32, #tpu.memory_space<vmem>>, vector<16xi32>,
          %get3A_183 = arith.index_cast %add3A_177 : i32 to index
          %get3A_184 = tpu.vector_load %arg16[%get3A_183] {strides = array<i32>} : memref<10368xi32, #tpu.memory_space<vmem>>, vector<16xi32>,
          %swap3A_185 = arith.index_cast %while3A_145 : i32 to index
          %swap3A_186 = arith.constant 32 : index
          %swap3A_187 = tpu.vector_load %arg13[%swap3A_185, %swap3A_186] {strides = array<i32>} : memref<16x128xi32, #tpu.memory_space<vmem>>, vector<16xi32>,
          tpu.vector_store %arg13[%swap3A_185, %swap3A_186], %get3A_184 {strides = array<i32>} : memref<16x128xi32, #tpu.memory_space<vmem>>, vector<16xi32>,
          %mul3A_188 = arith.constant 128 : i32
          %mul3A_189 = arith.muli %add3A_147, %mul3A_188 : i32
          %add3A_190 = arith.constant 48 : i32
          %add3A_191 = arith.addi %mul3A_189, %add3A_190 : i32
          %get3A_192 = arith.index_cast %add3A_191 : i32 to index
          %get3A_193 = tpu.vector_load %arg17[%get3A_192] {strides = array<i32>} : memref<10368xi32, #tpu.memory_space<vmem>>, vector<16xi32>,
          %swap3A_194 = arith.index_cast %while3A_145 : i32 to index
          %swap3A_195 = arith.constant 48 : index
          %swap3A_196 = tpu.vector_load %arg12[%swap3A_194, %swap3A_195] {strides = array<i32>} : memref<16x128xi32, #tpu.memory_space<vmem>>, vector<16xi32>,
          tpu.vector_store %arg12[%swap3A_194, %swap3A_195], %get3A_193 {strides = array<i32>} : memref<16x128xi32, #tpu.memory_space<vmem>>, vector<16xi32>,
          %get3A_197 = arith.index_cast %add3A_191 : i32 to index
          %get3A_198 = tpu.vector_load %arg16[%get3A_197] {strides = array<i32>} : memref<10368xi32, #tpu.memory_space<vmem>>, vector<16xi32>,
          %swap3A_199 = arith.index_cast %while3A_145 : i32 to index
          %swap3A_200 = arith.constant 48 : index
          %swap3A_201 = tpu.vector_load %arg13[%swap3A_199, %swap3A_200] {strides = array<i32>} : memref<16x128xi32, #tpu.memory_space<vmem>>, vector<16xi32>,
          tpu.vector_store %arg13[%swap3A_199, %swap3A_200], %get3A_198 {strides = array<i32>} : memref<16x128xi32, #tpu.memory_space<vmem>>, vector<16xi32>,
          %mul3A_202 = arith.constant 128 : i32
          %mul3A_203 = arith.muli %add3A_147, %mul3A_202 : i32
          %add3A_204 = arith.constant 64 : i32
          %add3A_205 = arith.addi %mul3A_203, %add3A_204 : i32
          %get3A_206 = arith.index_cast %add3A_205 : i32 to index
          %get3A_207 = tpu.vector_load %arg17[%get3A_206] {strides = array<i32>} : memref<10368xi32, #tpu.memory_space<vmem>>, vector<16xi32>,
          %swap3A_208 = arith.index_cast %while3A_145 : i32 to index
          %swap3A_209 = arith.constant 64 : index
          %swap3A_210 = tpu.vector_load %arg12[%swap3A_208, %swap3A_209] {strides = array<i32>} : memref<16x128xi32, #tpu.memory_space<vmem>>, vector<16xi32>,
          tpu.vector_store %arg12[%swap3A_208, %swap3A_209], %get3A_207 {strides = array<i32>} : memref<16x128xi32, #tpu.memory_space<vmem>>, vector<16xi32>,
          %get3A_211 = arith.index_cast %add3A_205 : i32 to index
          %get3A_212 = tpu.vector_load %arg16[%get3A_211] {strides = array<i32>} : memref<10368xi32, #tpu.memory_space<vmem>>, vector<16xi32>,
          %swap3A_213 = arith.index_cast %while3A_145 : i32 to index
          %swap3A_214 = arith.constant 64 : index
          %swap3A_215 = tpu.vector_load %arg13[%swap3A_213, %swap3A_214] {strides = array<i32>} : memref<16x128xi32, #tpu.memory_space<vmem>>, vector<16xi32>,
          tpu.vector_store %arg13[%swap3A_213, %swap3A_214], %get3A_212 {strides = array<i32>} : memref<16x128xi32, #tpu.memory_space<vmem>>, vector<16xi32>,
          %mul3A_216 = arith.constant 128 : i32
          %mul3A_217 = arith.muli %add3A_147, %mul3A_216 : i32
          %add3A_218 = arith.constant 80 : i32
          %add3A_219 = arith.addi %mul3A_217, %add3A_218 : i32
          %get3A_220 = arith.index_cast %add3A_219 : i32 to index
          %get3A_221 = tpu.vector_load %arg17[%get3A_220] {strides = array<i32>} : memref<10368xi32, #tpu.memory_space<vmem>>, vector<16xi32>,
          %swap3A_222 = arith.index_cast %while3A_145 : i32 to index
          %swap3A_223 = arith.constant 80 : index
          %swap3A_224 = tpu.vector_load %arg12[%swap3A_222, %swap3A_223] {strides = array<i32>} : memref<16x128xi32, #tpu.memory_space<vmem>>, vector<16xi32>,
          tpu.vector_store %arg12[%swap3A_222, %swap3A_223], %get3A_221 {strides = array<i32>} : memref<16x128xi32, #tpu.memory_space<vmem>>, vector<16xi32>,
          %get3A_225 = arith.index_cast %add3A_219 : i32 to index
          %get3A_226 = tpu.vector_load %arg16[%get3A_225] {strides = array<i32>} : memref<10368xi32, #tpu.memory_space<vmem>>, vector<16xi32>,
          %swap3A_227 = arith.index_cast %while3A_145 : i32 to index
          %swap3A_228 = arith.constant 80 : index
          %swap3A_229 = tpu.vector_load %arg13[%swap3A_227, %swap3A_228] {strides = array<i32>} : memref<16x128xi32, #tpu.memory_space<vmem>>, vector<16xi32>,
          tpu.vector_store %arg13[%swap3A_227, %swap3A_228], %get3A_226 {strides = array<i32>} : memref<16x128xi32, #tpu.memory_space<vmem>>, vector<16xi32>,
          %mul3A_230 = arith.constant 128 : i32
          %mul3A_231 = arith.muli %add3A_147, %mul3A_230 : i32
          %add3A_232 = arith.constant 96 : i32
          %add3A_233 = arith.addi %mul3A_231, %add3A_232 : i32
          %get3A_234 = arith.index_cast %add3A_233 : i32 to index
          %get3A_235 = tpu.vector_load %arg17[%get3A_234] {strides = array<i32>} : memref<10368xi32, #tpu.memory_space<vmem>>, vector<16xi32>,
          %swap3A_236 = arith.index_cast %while3A_145 : i32 to index
          %swap3A_237 = arith.constant 96 : index
          %swap3A_238 = tpu.vector_load %arg12[%swap3A_236, %swap3A_237] {strides = array<i32>} : memref<16x128xi32, #tpu.memory_space<vmem>>, vector<16xi32>,
          tpu.vector_store %arg12[%swap3A_236, %swap3A_237], %get3A_235 {strides = array<i32>} : memref<16x128xi32, #tpu.memory_space<vmem>>, vector<16xi32>,
          %get3A_239 = arith.index_cast %add3A_233 : i32 to index
          %get3A_240 = tpu.vector_load %arg16[%get3A_239] {strides = array<i32>} : memref<10368xi32, #tpu.memory_space<vmem>>, vector<16xi32>,
          %swap3A_241 = arith.index_cast %while3A_145 : i32 to index
          %swap3A_242 = arith.constant 96 : index
          %swap3A_243 = tpu.vector_load %arg13[%swap3A_241, %swap3A_242] {strides = array<i32>} : memref<16x128xi32, #tpu.memory_space<vmem>>, vector<16xi32>,
          tpu.vector_store %arg13[%swap3A_241, %swap3A_242], %get3A_240 {strides = array<i32>} : memref<16x128xi32, #tpu.memory_space<vmem>>, vector<16xi32>,
          %mul3A_244 = arith.constant 128 : i32
          %mul3A_245 = arith.muli %add3A_147, %mul3A_244 : i32
          %add3A_246 = arith.constant 112 : i32
          %add3A_247 = arith.addi %mul3A_245, %add3A_246 : i32
          %get3A_248 = arith.index_cast %add3A_247 : i32 to index
          %get3A_249 = tpu.vector_load %arg17[%get3A_248] {strides = array<i32>} : memref<10368xi32, #tpu.memory_space<vmem>>, vector<16xi32>,
          %swap3A_250 = arith.index_cast %while3A_145 : i32 to index
          %swap3A_251 = arith.constant 112 : index
          %swap3A_252 = tpu.vector_load %arg12[%swap3A_250, %swap3A_251] {strides = array<i32>} : memref<16x128xi32, #tpu.memory_space<vmem>>, vector<16xi32>,
          tpu.vector_store %arg12[%swap3A_250, %swap3A_251], %get3A_249 {strides = array<i32>} : memref<16x128xi32, #tpu.memory_space<vmem>>, vector<16xi32>,
          %get3A_253 = arith.index_cast %add3A_247 : i32 to index
          %get3A_254 = tpu.vector_load %arg16[%get3A_253] {strides = array<i32>} : memref<10368xi32, #tpu.memory_space<vmem>>, vector<16xi32>,
          %swap3A_255 = arith.index_cast %while3A_145 : i32 to index
          %swap3A_256 = arith.constant 112 : index
          %swap3A_257 = tpu.vector_load %arg13[%swap3A_255, %swap3A_256] {strides = array<i32>} : memref<16x128xi32, #tpu.memory_space<vmem>>, vector<16xi32>,
          tpu.vector_store %arg13[%swap3A_255, %swap3A_256], %get3A_254 {strides = array<i32>} : memref<16x128xi32, #tpu.memory_space<vmem>>, vector<16xi32>,
          %while3A_258 = arith.constant 0 : i32
          scf.yield %while3A_258 : i32
        }
        %while3A_130 = arith.constant 1 : i32
        %while3A_131 = scf.for %while3A_145 = %while3A_127 to %while3A_123 step %while3A_130 iter_args(%while3A_146 = %while3A_129) -> (i32)  : i32 {
          %add3A_147 = arith.addi %mul3A_117, %while3A_145 : i32
          %mul3A_148 = arith.constant 128 : i32
          %mul3A_149 = arith.muli %add3A_147, %mul3A_148 : i32
          %add3A_150 = arith.constant 0 : i32
          %add3A_151 = arith.addi %mul3A_149, %add3A_150 : i32
          %get3A = arith.index_cast %add3A_151 : i32 to index
          %get3A_152 = tpu.vector_load %arg17[%get3A] {strides = array<i32>} : memref<10368xi32, #tpu.memory_space<vmem>>, vector<16xi32>,
          %swap3A = arith.index_cast %while3A_145 : i32 to index
          %swap3A_153 = arith.constant 0 : index
          %swap3A_154 = tpu.vector_load %arg12[%swap3A, %swap3A_153] {strides = array<i32>} : memref<16x128xi32, #tpu.memory_space<vmem>>, vector<16xi32>,
          tpu.vector_store %arg12[%swap3A, %swap3A_153], %get3A_152 {strides = array<i32>} : memref<16x128xi32, #tpu.memory_space<vmem>>, vector<16xi32>,
          %get3A_155 = arith.index_cast %add3A_151 : i32 to index
          %get3A_156 = tpu.vector_load %arg16[%get3A_155] {strides = array<i32>} : memref<10368xi32, #tpu.memory_space<vmem>>, vector<16xi32>,
          %swap3A_157 = arith.index_cast %while3A_145 : i32 to index
          %swap3A_158 = arith.constant 0 : index
          %swap3A_159 = tpu.vector_load %arg13[%swap3A_157, %swap3A_158] {strides = array<i32>} : memref<16x128xi32, #tpu.memory_space<vmem>>, vector<16xi32>,
          tpu.vector_store %arg13[%swap3A_157, %swap3A_158], %get3A_156 {strides = array<i32>} : memref<16x128xi32, #tpu.memory_space<vmem>>, vector<16xi32>,
          %mul3A_160 = arith.constant 128 : i32
          %mul3A_161 = arith.muli %add3A_147, %mul3A_160 : i32
          %add3A_162 = arith.constant 16 : i32
          %add3A_163 = arith.addi %mul3A_161, %add3A_162 : i32
          %get3A_164 = arith.index_cast %add3A_163 : i32 to index
          %get3A_165 = tpu.vector_load %arg17[%get3A_164] {strides = array<i32>} : memref<10368xi32, #tpu.memory_space<vmem>>, vector<16xi32>,
          %swap3A_166 = arith.index_cast %while3A_145 : i32 to index
          %swap3A_167 = arith.constant 16 : index
          %swap3A_168 = tpu.vector_load %arg12[%swap3A_166, %swap3A_167] {strides = array<i32>} : memref<16x128xi32, #tpu.memory_space<vmem>>, vector<16xi32>,
          tpu.vector_store %arg12[%swap3A_166, %swap3A_167], %get3A_165 {strides = array<i32>} : memref<16x128xi32, #tpu.memory_space<vmem>>, vector<16xi32>,
          %get3A_169 = arith.index_cast %add3A_163 : i32 to index
          %get3A_170 = tpu.vector_load %arg16[%get3A_169] {strides = array<i32>} : memref<10368xi32, #tpu.memory_space<vmem>>, vector<16xi32>,
          %swap3A_171 = arith.index_cast %while3A_145 : i32 to index
          %swap3A_172 = arith.constant 16 : index
          %swap3A_173 = tpu.vector_load %arg13[%swap3A_171, %swap3A_172] {strides = array<i32>} : memref<16x128xi32, #tpu.memory_space<vmem>>, vector<16xi32>,
          tpu.vector_store %arg13[%swap3A_171, %swap3A_172], %get3A_170 {strides = array<i32>} : memref<16x128xi32, #tpu.memory_space<vmem>>, vector<16xi32>,
          %mul3A_174 = arith.constant 128 : i32
          %mul3A_175 = arith.muli %add3A_147, %mul3A_174 : i32
          %add3A_176 = arith.constant 32 : i32
          %add3A_177 = arith.addi %mul3A_175, %add3A_176 : i32
          %get3A_178 = arith.index_cast %add3A_177 : i32 to index
          %get3A_179 = tpu.vector_load %arg17[%get3A_178] {strides = array<i32>} : memref<10368xi32, #tpu.memory_space<vmem>>, vector<16xi32>,
          %swap3A_180 = arith.index_cast %while3A_145 : i32 to index
          %swap3A_181 = arith.constant 32 : index
          %swap3A_182 = tpu.vector_load %arg12[%swap3A_180, %swap3A_181] {strides = array<i32>} : memref<16x128xi32, #tpu.memory_space<vmem>>, vector<16xi32>,
          tpu.vector_store %arg12[%swap3A_180, %swap3A_181], %get3A_179 {strides = array<i32>} : memref<16x128xi32, #tpu.memory_space<vmem>>, vector<16xi32>,
          %get3A_183 = arith.index_cast %add3A_177 : i32 to index
          %get3A_184 = tpu.vector_load %arg16[%get3A_183] {strides = array<i32>} : memref<10368xi32, #tpu.memory_space<vmem>>, vector<16xi32>,
          %swap3A_185 = arith.index_cast %while3A_145 : i32 to index
          %swap3A_186 = arith.constant 32 : index
          %swap3A_187 = tpu.vector_load %arg13[%swap3A_185, %swap3A_186] {strides = array<i32>} : memref<16x128xi32, #tpu.memory_space<vmem>>, vector<16xi32>,
          tpu.vector_store %arg13[%swap3A_185, %swap3A_186], %get3A_184 {strides = array<i32>} : memref<16x128xi32, #tpu.memory_space<vmem>>, vector<16xi32>,
          %mul3A_188 = arith.constant 128 : i32
          %mul3A_189 = arith.muli %add3A_147, %mul3A_188 : i32
          %add3A_190 = arith.constant 48 : i32
          %add3A_191 = arith.addi %mul3A_189, %add3A_190 : i32
          %get3A_192 = arith.index_cast %add3A_191 : i32 to index
          %get3A_193 = tpu.vector_load %arg17[%get3A_192] {strides = array<i32>} : memref<10368xi32, #tpu.memory_space<vmem>>, vector<16xi32>,
          %swap3A_194 = arith.index_cast %while3A_145 : i32 to index
          %swap3A_195 = arith.constant 48 : index
          %swap3A_196 = tpu.vector_load %arg12[%swap3A_194, %swap3A_195] {strides = array<i32>} : memref<16x128xi32, #tpu.memory_space<vmem>>, vector<16xi32>,
          tpu.vector_store %arg12[%swap3A_194, %swap3A_195], %get3A_193 {strides = array<i32>} : memref<16x128xi32, #tpu.memory_space<vmem>>, vector<16xi32>,
          %get3A_197 = arith.index_cast %add3A_191 : i32 to index
          %get3A_198 = tpu.vector_load %arg16[%get3A_197] {strides = array<i32>} : memref<10368xi32, #tpu.memory_space<vmem>>, vector<16xi32>,
          %swap3A_199 = arith.index_cast %while3A_145 : i32 to index
          %swap3A_200 = arith.constant 48 : index
          %swap3A_201 = tpu.vector_load %arg13[%swap3A_199, %swap3A_200] {strides = array<i32>} : memref<16x128xi32, #tpu.memory_space<vmem>>, vector<16xi32>,
          tpu.vector_store %arg13[%swap3A_199, %swap3A_200], %get3A_198 {strides = array<i32>} : memref<16x128xi32, #tpu.memory_space<vmem>>, vector<16xi32>,
          %mul3A_202 = arith.constant 128 : i32
          %mul3A_203 = arith.muli %add3A_147, %mul3A_202 : i32
          %add3A_204 = arith.constant 64 : i32
          %add3A_205 = arith.addi %mul3A_203, %add3A_204 : i32
          %get3A_206 = arith.index_cast %add3A_205 : i32 to index
          %get3A_207 = tpu.vector_load %arg17[%get3A_206] {strides = array<i32>} : memref<10368xi32, #tpu.memory_space<vmem>>, vector<16xi32>,
          %swap3A_208 = arith.index_cast %while3A_145 : i32 to index
          %swap3A_209 = arith.constant 64 : index
          %swap3A_210 = tpu.vector_load %arg12[%swap3A_208, %swap3A_209] {strides = array<i32>} : memref<16x128xi32, #tpu.memory_space<vmem>>, vector<16xi32>,
          tpu.vector_store %arg12[%swap3A_208, %swap3A_209], %get3A_207 {strides = array<i32>} : memref<16x128xi32, #tpu.memory_space<vmem>>, vector<16xi32>,
          %get3A_211 = arith.index_cast %add3A_205 : i32 to index
          %get3A_212 = tpu.vector_load %arg16[%get3A_211] {strides = array<i32>} : memref<10368xi32, #tpu.memory_space<vmem>>, vector<16xi32>,
          %swap3A_213 = arith.index_cast %while3A_145 : i32 to index
          %swap3A_214 = arith.constant 64 : index
          %swap3A_215 = tpu.vector_load %arg13[%swap3A_213, %swap3A_214] {strides = array<i32>} : memref<16x128xi32, #tpu.memory_space<vmem>>, vector<16xi32>,
          tpu.vector_store %arg13[%swap3A_213, %swap3A_214], %get3A_212 {strides = array<i32>} : memref<16x128xi32, #tpu.memory_space<vmem>>, vector<16xi32>,
          %mul3A_216 = arith.constant 128 : i32
          %mul3A_217 = arith.muli %add3A_147, %mul3A_216 : i32
          %add3A_218 = arith.constant 80 : i32
          %add3A_219 = arith.addi %mul3A_217, %add3A_218 : i32
          %get3A_220 = arith.index_cast %add3A_219 : i32 to index
          %get3A_221 = tpu.vector_load %arg17[%get3A_220] {strides = array<i32>} : memref<10368xi32, #tpu.memory_space<vmem>>, vector<16xi32>,
          %swap3A_222 = arith.index_cast %while3A_145 : i32 to index
          %swap3A_223 = arith.constant 80 : index
          %swap3A_224 = tpu.vector_load %arg12[%swap3A_222, %swap3A_223] {strides = array<i32>} : memref<16x128xi32, #tpu.memory_space<vmem>>, vector<16xi32>,
          tpu.vector_store %arg12[%swap3A_222, %swap3A_223], %get3A_221 {strides = array<i32>} : memref<16x128xi32, #tpu.memory_space<vmem>>, vector<16xi32>,
          %get3A_225 = arith.index_cast %add3A_219 : i32 to index
          %get3A_226 = tpu.vector_load %arg16[%get3A_225] {strides = array<i32>} : memref<10368xi32, #tpu.memory_space<vmem>>, vector<16xi32>,
          %swap3A_227 = arith.index_cast %while3A_145 : i32 to index
          %swap3A_228 = arith.constant 80 : index
          %swap3A_229 = tpu.vector_load %arg13[%swap3A_227, %swap3A_228] {strides = array<i32>} : memref<16x128xi32, #tpu.memory_space<vmem>>, vector<16xi32>,
          tpu.vector_store %arg13[%swap3A_227, %swap3A_228], %get3A_226 {strides = array<i32>} : memref<16x128xi32, #tpu.memory_space<vmem>>, vector<16xi32>,
          %mul3A_230 = arith.constant 128 : i32
          %mul3A_231 = arith.muli %add3A_147, %mul3A_230 : i32
          %add3A_232 = arith.constant 96 : i32
          %add3A_233 = arith.addi %mul3A_231, %add3A_232 : i32
          %get3A_234 = arith.index_cast %add3A_233 : i32 to index
          %get3A_235 = tpu.vector_load %arg17[%get3A_234] {strides = array<i32>} : memref<10368xi32, #tpu.memory_space<vmem>>, vector<16xi32>,
          %swap3A_236 = arith.index_cast %while3A_145 : i32 to index
          %swap3A_237 = arith.constant 96 : index
          %swap3A_238 = tpu.vector_load %arg12[%swap3A_236, %swap3A_237] {strides = array<i32>} : memref<16x128xi32, #tpu.memory_space<vmem>>, vector<16xi32>,
          tpu.vector_store %arg12[%swap3A_236, %swap3A_237], %get3A_235 {strides = array<i32>} : memref<16x128xi32, #tpu.memory_space<vmem>>, vector<16xi32>,
          %get3A_239 = arith.index_cast %add3A_233 : i32 to index
          %get3A_240 = tpu.vector_load %arg16[%get3A_239] {strides = array<i32>} : memref<10368xi32, #tpu.memory_space<vmem>>, vector<16xi32>,
          %swap3A_241 = arith.index_cast %while3A_145 : i32 to index
          %swap3A_242 = arith.constant 96 : index
          %swap3A_243 = tpu.vector_load %arg13[%swap3A_241, %swap3A_242] {strides = array<i32>} : memref<16x128xi32, #tpu.memory_space<vmem>>, vector<16xi32>,
          tpu.vector_store %arg13[%swap3A_241, %swap3A_242], %get3A_240 {strides = array<i32>} : memref<16x128xi32, #tpu.memory_space<vmem>>, vector<16xi32>,
          %mul3A_244 = arith.constant 128 : i32
          %mul3A_245 = arith.muli %add3A_147, %mul3A_244 : i32
          %add3A_246 = arith.constant 112 : i32
          %add3A_247 = arith.addi %mul3A_245, %add3A_246 : i32
          %get3A_248 = arith.index_cast %add3A_247 : i32 to index
          %get3A_249 = tpu.vector_load %arg17[%get3A_248] {strides = array<i32>} : memref<10368xi32, #tpu.memory_space<vmem>>, vector<16xi32>,
          %swap3A_250 = arith.index_cast %while3A_145 : i32 to index
          %swap3A_251 = arith.constant 112 : index
          %swap3A_252 = tpu.vector_load %arg12[%swap3A_250, %swap3A_251] {strides = array<i32>} : memref<16x128xi32, #tpu.memory_space<vmem>>, vector<16xi32>,
          tpu.vector_store %arg12[%swap3A_250, %swap3A_251], %get3A_249 {strides = array<i32>} : memref<16x128xi32, #tpu.memory_space<vmem>>, vector<16xi32>,
          %get3A_253 = arith.index_cast %add3A_247 : i32 to index
          %get3A_254 = tpu.vector_load %arg16[%get3A_253] {strides = array<i32>} : memref<10368xi32, #tpu.memory_space<vmem>>, vector<16xi32>,
          %swap3A_255 = arith.index_cast %while3A_145 : i32 to index
          %swap3A_256 = arith.constant 112 : index
          %swap3A_257 = tpu.vector_load %arg13[%swap3A_255, %swap3A_256] {strides = array<i32>} : memref<16x128xi32, #tpu.memory_space<vmem>>, vector<16xi32>,
          tpu.vector_store %arg13[%swap3A_255, %swap3A_256], %get3A_254 {strides = array<i32>} : memref<16x128xi32, #tpu.memory_space<vmem>>, vector<16xi32>,
          %while3A_258 = arith.constant 0 : i32
          scf.yield %while3A_258 : i32
        }
        %while3A_132 = arith.constant 0 : i32
        %while3A_133 = arith.constant 0 : i32
        %while3A_134 = arith.subi %min3A_119, %while3A_132 : i32
        %while3A_135 = arith.addi %while3A_132, %while3A_134 : i32
        %while3A_136 = arith.constant 1 : i32
        %while3A_137 = arith.divsi %while3A_134, %while3A_136 : i32
        %while3A_138 = arith.muli %while3A_137, %while3A_136 : i32
        %while3A_139 = arith.addi %while3A_132, %while3A_138 : i32
        %while3A_140 = arith.constant 1 : i32
        %while3A_141 = scf.for %while3A_145 = %while3A_132 to %while3A_139 step %while3A_140 iter_args(%while3A_146 = %while3A_133) -> (i32)  : i32 {
          %dma_start3A = arith.constant 0 : i32
          %dma_start3A_147 = tpu.memref_slice %arg13[%while3A_145, %dma_start3A] : memref<16x128xi32, #tpu.memory_space<vmem>> -> memref<1x128xi32, #tpu.memory_space<vmem>>
          %dma_start3A_148 = tpu.memref_squeeze %dma_start3A_147 : memref<1x128xi32, #tpu.memory_space<vmem>> -> memref<128xi32, #tpu.memory_space<vmem>>
          %dma_start3A_149 = arith.constant 0 : i32
          %dma_start3A_150 = arith.constant 0 : i32
          %dma_start3A_151 = tpu.memref_slice %arg2[%dma_start3A_149, %dma_start3A_150] : memref<20000x128xf32, #tpu.memory_space<hbm>> -> memref<20000x128xf32, #tpu.memory_space<hbm>>
          tpu.enqueue_indirect_dma source(%dma_start3A_151 : memref<20000x128xf32, #tpu.memory_space<hbm>>) target(%arg19 : memref<128x128xf32, #tpu.memory_space<vmem>>) offsets(%dma_start3A_148 : memref<128xi32, #tpu.memory_space<vmem>>) semaphore(%arg21 : memref<!tpu.dma_semaphore, #tpu.memory_space<semaphore_mem>>)
          %dma_wait3A = arith.constant 0 : i32
          %dma_wait3A_152 = tpu.memref_slice %arg13[%while3A_145, %dma_wait3A] : memref<16x128xi32, #tpu.memory_space<vmem>> -> memref<1x128xi32, #tpu.memory_space<vmem>>
          %dma_wait3A_153 = tpu.memref_squeeze %dma_wait3A_152 : memref<1x128xi32, #tpu.memory_space<vmem>> -> memref<128xi32, #tpu.memory_space<vmem>>
          %dma_wait3A_154 = arith.constant 0 : i32
          %dma_wait3A_155 = arith.constant 0 : i32
          %dma_wait3A_156 = tpu.memref_slice %arg2[%dma_wait3A_154, %dma_wait3A_155] : memref<20000x128xf32, #tpu.memory_space<hbm>> -> memref<20000x128xf32, #tpu.memory_space<hbm>>
          tpu.wait_indirect_dma semaphore(%arg21 : memref<!tpu.dma_semaphore, #tpu.memory_space<semaphore_mem>>) src(%dma_wait3A_156 : memref<20000x128xf32, #tpu.memory_space<hbm>>) dst(%arg19 : memref<128x128xf32, #tpu.memory_space<vmem>>)
          %add3A_157 = arith.addi %mul3A_117, %while3A_145 : i32
          %mul3A_158 = arith.constant 128 : i32
          %mul3A_159 = arith.muli %add3A_157, %mul3A_158 : i32
          %scan3A_160 = arith.constant 0 : i32
          %scan3A_161 = arith.constant 0 : i32
          %scan3A_162 = arith.constant 16 : i32
          %scan3A_163 = arith.addi %scan3A_161, %scan3A_162 : i32
          %scan3A_164 = arith.constant 1 : i32
          %scan3A_165 = scf.for %scan3A_168 = %scan3A_161 to %scan3A_163 step %scan3A_164 iter_args(%scan3A_169 = %scan3A_160) -> (i32)  : i32 {
            %mul3A_170 = arith.constant 8 : i32
            %mul3A_171 = arith.muli %scan3A_168, %mul3A_170 : i32
            %add3A_172 = arith.addi %mul3A_159, %mul3A_171 : i32
            %add3A_173 = arith.constant 0 : i32
            %add3A_174 = arith.addi %add3A_172, %add3A_173 : i32
            %broadcast_in_dim3A = vector.broadcast %add3A_174 : i32 to vector<16xi32>
            %gather3A = tpu.vector_load_idx %arg15[%broadcast_in_dim3A] : memref<10368xf32, #tpu.memory_space<vmem>>[vector<16xi32>], vector<16xf32>,
            %add3A_175 = arith.addi %mul3A_159, %mul3A_171 : i32
            %add3A_176 = arith.constant 1 : i32
            %add3A_177 = arith.addi %add3A_175, %add3A_176 : i32
            %broadcast_in_dim3A_178 = vector.broadcast %add3A_177 : i32 to vector<16xi32>
            %gather3A_179 = tpu.vector_load_idx %arg15[%broadcast_in_dim3A_178] : memref<10368xf32, #tpu.memory_space<vmem>>[vector<16xi32>], vector<16xf32>,
            %add3A_180 = arith.addi %mul3A_159, %mul3A_171 : i32
            %add3A_181 = arith.constant 2 : i32
            %add3A_182 = arith.addi %add3A_180, %add3A_181 : i32
            %broadcast_in_dim3A_183 = vector.broadcast %add3A_182 : i32 to vector<16xi32>
            %gather3A_184 = tpu.vector_load_idx %arg15[%broadcast_in_dim3A_183] : memref<10368xf32, #tpu.memory_space<vmem>>[vector<16xi32>], vector<16xf32>,
            %add3A_185 = arith.addi %mul3A_159, %mul3A_171 : i32
            %add3A_186 = arith.constant 3 : i32
            %add3A_187 = arith.addi %add3A_185, %add3A_186 : i32
            %broadcast_in_dim3A_188 = vector.broadcast %add3A_187 : i32 to vector<16xi32>
            %gather3A_189 = tpu.vector_load_idx %arg15[%broadcast_in_dim3A_188] : memref<10368xf32, #tpu.memory_space<vmem>>[vector<16xi32>], vector<16xf32>,
            %add3A_190 = arith.addi %mul3A_159, %mul3A_171 : i32
            %add3A_191 = arith.constant 4 : i32
            %add3A_192 = arith.addi %add3A_190, %add3A_191 : i32
            %broadcast_in_dim3A_193 = vector.broadcast %add3A_192 : i32 to vector<16xi32>
            %gather3A_194 = tpu.vector_load_idx %arg15[%broadcast_in_dim3A_193] : memref<10368xf32, #tpu.memory_space<vmem>>[vector<16xi32>], vector<16xf32>,
            %add3A_195 = arith.addi %mul3A_159, %mul3A_171 : i32
            %add3A_196 = arith.constant 5 : i32
            %add3A_197 = arith.addi %add3A_195, %add3A_196 : i32
            %broadcast_in_dim3A_198 = vector.broadcast %add3A_197 : i32 to vector<16xi32>
            %gather3A_199 = tpu.vector_load_idx %arg15[%broadcast_in_dim3A_198] : memref<10368xf32, #tpu.memory_space<vmem>>[vector<16xi32>], vector<16xf32>,
            %add3A_200 = arith.addi %mul3A_159, %mul3A_171 : i32
            %add3A_201 = arith.constant 6 : i32
            %add3A_202 = arith.addi %add3A_200, %add3A_201 : i32
            %broadcast_in_dim3A_203 = vector.broadcast %add3A_202 : i32 to vector<16xi32>
            %gather3A_204 = tpu.vector_load_idx %arg15[%broadcast_in_dim3A_203] : memref<10368xf32, #tpu.memory_space<vmem>>[vector<16xi32>], vector<16xf32>,
            %add3A_205 = arith.addi %mul3A_159, %mul3A_171 : i32
            %add3A_206 = arith.constant 7 : i32
            %add3A_207 = arith.addi %add3A_205, %add3A_206 : i32
            %broadcast_in_dim3A_208 = vector.broadcast %add3A_207 : i32 to vector<16xi32>
            %gather3A_209 = tpu.vector_load_idx %arg15[%broadcast_in_dim3A_208] : memref<10368xf32, #tpu.memory_space<vmem>>[vector<16xi32>], vector<16xf32>,
            %add3A_210 = arith.constant 0 : i32
            %add3A_211 = arith.addi %mul3A_171, %add3A_210 : i32
            %get3A = arith.index_cast %add3A_211 : i32 to index
            %get3A_212 = arith.constant 0 : index
            %get3A_213 = tpu.vector_load %arg19[%get3A, %get3A_212] {strides = array<i32>} : memref<128x128xf32, #tpu.memory_space<vmem>>, vector<16xf32>,
            %mul3A_214 = arith.mulf %get3A_213, %gather3A : vector<16xf32>
            %add3A_215 = arith.constant 0 : i32
            %add3A_216 = arith.addi %mul3A_171, %add3A_215 : i32
            %swap3A = arith.index_cast %add3A_216 : i32 to index
            %swap3A_217 = arith.constant 0 : index
            %swap3A_218 = tpu.vector_load %arg19[%swap3A, %swap3A_217] {strides = array<i32>} : memref<128x128xf32, #tpu.memory_space<vmem>>, vector<16xf32>,
            tpu.vector_store %arg19[%swap3A, %swap3A_217], %mul3A_214 {strides = array<i32>} : memref<128x128xf32, #tpu.memory_space<vmem>>, vector<16xf32>,
            %add3A_219 = arith.constant 0 : i32
            %add3A_220 = arith.addi %mul3A_171, %add3A_219 : i32
            %get3A_221 = arith.index_cast %add3A_220 : i32 to index
            %get3A_222 = arith.constant 16 : index
            %get3A_223 = tpu.vector_load %arg19[%get3A_221, %get3A_222] {strides = array<i32>} : memref<128x128xf32, #tpu.memory_space<vmem>>, vector<16xf32>,
            %mul3A_224 = arith.mulf %get3A_223, %gather3A : vector<16xf32>
            %add3A_225 = arith.constant 0 : i32
            %add3A_226 = arith.addi %mul3A_171, %add3A_225 : i32
            %swap3A_227 = arith.index_cast %add3A_226 : i32 to index
            %swap3A_228 = arith.constant 16 : index
            %swap3A_229 = tpu.vector_load %arg19[%swap3A_227, %swap3A_228] {strides = array<i32>} : memref<128x128xf32, #tpu.memory_space<vmem>>, vector<16xf32>,
            tpu.vector_store %arg19[%swap3A_227, %swap3A_228], %mul3A_224 {strides = array<i32>} : memref<128x128xf32, #tpu.memory_space<vmem>>, vector<16xf32>,
            %add3A_230 = arith.constant 0 : i32
            %add3A_231 = arith.addi %mul3A_171, %add3A_230 : i32
            %get3A_232 = arith.index_cast %add3A_231 : i32 to index
            %get3A_233 = arith.constant 32 : index
            %get3A_234 = tpu.vector_load %arg19[%get3A_232, %get3A_233] {strides = array<i32>} : memref<128x128xf32, #tpu.memory_space<vmem>>, vector<16xf32>,
            %mul3A_235 = arith.mulf %get3A_234, %gather3A : vector<16xf32>
            %add3A_236 = arith.constant 0 : i32
            %add3A_237 = arith.addi %mul3A_171, %add3A_236 : i32
            %swap3A_238 = arith.index_cast %add3A_237 : i32 to index
            %swap3A_239 = arith.constant 32 : index
            %swap3A_240 = tpu.vector_load %arg19[%swap3A_238, %swap3A_239] {strides = array<i32>} : memref<128x128xf32, #tpu.memory_space<vmem>>, vector<16xf32>,
            tpu.vector_store %arg19[%swap3A_238, %swap3A_239], %mul3A_235 {strides = array<i32>} : memref<128x128xf32, #tpu.memory_space<vmem>>, vector<16xf32>,
            %add3A_241 = arith.constant 0 : i32
            %add3A_242 = arith.addi %mul3A_171, %add3A_241 : i32
            %get3A_243 = arith.index_cast %add3A_242 : i32 to index
            %get3A_244 = arith.constant 48 : index
            %get3A_245 = tpu.vector_load %arg19[%get3A_243, %get3A_244] {strides = array<i32>} : memref<128x128xf32, #tpu.memory_space<vmem>>, vector<16xf32>,
            %mul3A_246 = arith.mulf %get3A_245, %gather3A : vector<16xf32>
            %add3A_247 = arith.constant 0 : i32
            %add3A_248 = arith.addi %mul3A_171, %add3A_247 : i32
            %swap3A_249 = arith.index_cast %add3A_248 : i32 to index
            %swap3A_250 = arith.constant 48 : index
            %swap3A_251 = tpu.vector_load %arg19[%swap3A_249, %swap3A_250] {strides = array<i32>} : memref<128x128xf32, #tpu.memory_space<vmem>>, vector<16xf32>,
            tpu.vector_store %arg19[%swap3A_249, %swap3A_250], %mul3A_246 {strides = array<i32>} : memref<128x128xf32, #tpu.memory_space<vmem>>, vector<16xf32>,
            %add3A_252 = arith.constant 0 : i32
            %add3A_253 = arith.addi %mul3A_171, %add3A_252 : i32
            %get3A_254 = arith.index_cast %add3A_253 : i32 to index
            %get3A_255 = arith.constant 64 : index
            %get3A_256 = tpu.vector_load %arg19[%get3A_254, %get3A_255] {strides = array<i32>} : memref<128x128xf32, #tpu.memory_space<vmem>>, vector<16xf32>,
            %mul3A_257 = arith.mulf %get3A_256, %gather3A : vector<16xf32>
            %add3A_258 = arith.constant 0 : i32
            %add3A_259 = arith.addi %mul3A_171, %add3A_258 : i32
            %swap3A_260 = arith.index_cast %add3A_259 : i32 to index
            %swap3A_261 = arith.constant 64 : index
            %swap3A_262 = tpu.vector_load %arg19[%swap3A_260, %swap3A_261] {strides = array<i32>} : memref<128x128xf32, #tpu.memory_space<vmem>>, vector<16xf32>,
            tpu.vector_store %arg19[%swap3A_260, %swap3A_261], %mul3A_257 {strides = array<i32>} : memref<128x128xf32, #tpu.memory_space<vmem>>, vector<16xf32>,
            %add3A_263 = arith.constant 0 : i32
            %add3A_264 = arith.addi %mul3A_171, %add3A_263 : i32
            %get3A_265 = arith.index_cast %add3A_264 : i32 to index
            %get3A_266 = arith.constant 80 : index
            %get3A_267 = tpu.vector_load %arg19[%get3A_265, %get3A_266] {strides = array<i32>} : memref<128x128xf32, #tpu.memory_space<vmem>>, vector<16xf32>,
            %mul3A_268 = arith.mulf %get3A_267, %gather3A : vector<16xf32>
            %add3A_269 = arith.constant 0 : i32
            %add3A_270 = arith.addi %mul3A_171, %add3A_269 : i32
            %swap3A_271 = arith.index_cast %add3A_270 : i32 to index
            %swap3A_272 = arith.constant 80 : index
            %swap3A_273 = tpu.vector_load %arg19[%swap3A_271, %swap3A_272] {strides = array<i32>} : memref<128x128xf32, #tpu.memory_space<vmem>>, vector<16xf32>,
            tpu.vector_store %arg19[%swap3A_271, %swap3A_272], %mul3A_268 {strides = array<i32>} : memref<128x128xf32, #tpu.memory_space<vmem>>, vector<16xf32>,
            %add3A_274 = arith.constant 0 : i32
            %add3A_275 = arith.addi %mul3A_171, %add3A_274 : i32
            %get3A_276 = arith.index_cast %add3A_275 : i32 to index
            %get3A_277 = arith.constant 96 : index
            %get3A_278 = tpu.vector_load %arg19[%get3A_276, %get3A_277] {strides = array<i32>} : memref<128x128xf32, #tpu.memory_space<vmem>>, vector<16xf32>,
            %mul3A_279 = arith.mulf %get3A_278, %gather3A : vector<16xf32>
            %add3A_280 = arith.constant 0 : i32
            %add3A_281 = arith.addi %mul3A_171, %add3A_280 : i32
            %swap3A_282 = arith.index_cast %add3A_281 : i32 to index
            %swap3A_283 = arith.constant 96 : index
            %swap3A_284 = tpu.vector_load %arg19[%swap3A_282, %swap3A_283] {strides = array<i32>} : memref<128x128xf32, #tpu.memory_space<vmem>>, vector<16xf32>,
            tpu.vector_store %arg19[%swap3A_282, %swap3A_283], %mul3A_279 {strides = array<i32>} : memref<128x128xf32, #tpu.memory_space<vmem>>, vector<16xf32>,
            %add3A_285 = arith.constant 0 : i32
            %add3A_286 = arith.addi %mul3A_171, %add3A_285 : i32
            %get3A_287 = arith.index_cast %add3A_286 : i32 to index
            %get3A_288 = arith.constant 112 : index
            %get3A_289 = tpu.vector_load %arg19[%get3A_287, %get3A_288] {strides = array<i32>} : memref<128x128xf32, #tpu.memory_space<vmem>>, vector<16xf32>,
            %mul3A_290 = arith.mulf %get3A_289, %gather3A : vector<16xf32>
            %add3A_291 = arith.constant 0 : i32
            %add3A_292 = arith.addi %mul3A_171, %add3A_291 : i32
            %swap3A_293 = arith.index_cast %add3A_292 : i32 to index
            %swap3A_294 = arith.constant 112 : index
            %swap3A_295 = tpu.vector_load %arg19[%swap3A_293, %swap3A_294] {strides = array<i32>} : memref<128x128xf32, #tpu.memory_space<vmem>>, vector<16xf32>,
            tpu.vector_store %arg19[%swap3A_293, %swap3A_294], %mul3A_290 {strides = array<i32>} : memref<128x128xf32, #tpu.memory_space<vmem>>, vector<16xf32>,
            %add3A_296 = arith.constant 1 : i32
            %add3A_297 = arith.addi %mul3A_171, %add3A_296 : i32
            %get3A_298 = arith.index_cast %add3A_297 : i32 to index
            %get3A_299 = arith.constant 0 : index
            %get3A_300 = tpu.vector_load %arg19[%get3A_298, %get3A_299] {strides = array<i32>} : memref<128x128xf32, #tpu.memory_space<vmem>>, vector<16xf32>,
            %mul3A_301 = arith.mulf %get3A_300, %gather3A_179 : vector<16xf32>
            %add3A_302 = arith.constant 1 : i32
            %add3A_303 = arith.addi %mul3A_171, %add3A_302 : i32
            %swap3A_304 = arith.index_cast %add3A_303 : i32 to index
            %swap3A_305 = arith.constant 0 : index
            %swap3A_306 = tpu.vector_load %arg19[%swap3A_304, %swap3A_305] {strides = array<i32>} : memref<128x128xf32, #tpu.memory_space<vmem>>, vector<16xf32>,
            tpu.vector_store %arg19[%swap3A_304, %swap3A_305], %mul3A_301 {strides = array<i32>} : memref<128x128xf32, #tpu.memory_space<vmem>>, vector<16xf32>,
            %add3A_307 = arith.constant 1 : i32
            %add3A_308 = arith.addi %mul3A_171, %add3A_307 : i32
            %get3A_309 = arith.index_cast %add3A_308 : i32 to index
            %get3A_310 = arith.constant 16 : index
            %get3A_311 = tpu.vector_load %arg19[%get3A_309, %get3A_310] {strides = array<i32>} : memref<128x128xf32, #tpu.memory_space<vmem>>, vector<16xf32>,
            %mul3A_312 = arith.mulf %get3A_311, %gather3A_179 : vector<16xf32>
            %add3A_313 = arith.constant 1 : i32
            %add3A_314 = arith.addi %mul3A_171, %add3A_313 : i32
            %swap3A_315 = arith.index_cast %add3A_314 : i32 to index
            %swap3A_316 = arith.constant 16 : index
            %swap3A_317 = tpu.vector_load %arg19[%swap3A_315, %swap3A_316] {strides = array<i32>} : memref<128x128xf32, #tpu.memory_space<vmem>>, vector<16xf32>,
            tpu.vector_store %arg19[%swap3A_315, %swap3A_316], %mul3A_312 {strides = array<i32>} : memref<128x128xf32, #tpu.memory_space<vmem>>, vector<16xf32>,
            %add3A_318 = arith.constant 1 : i32
            %add3A_319 = arith.addi %mul3A_171, %add3A_318 : i32
            %get3A_320 = arith.index_cast %add3A_319 : i32 to index
            %get3A_321 = arith.constant 32 : index
            %get3A_322 = tpu.vector_load %arg19[%get3A_320, %get3A_321] {strides = array<i32>} : memref<128x128xf32, #tpu.memory_space<vmem>>, vector<16xf32>,
            %mul3A_323 = arith.mulf %get3A_322, %gather3A_179 : vector<16xf32>
            %add3A_324 = arith.constant 1 : i32
            %add3A_325 = arith.addi %mul3A_171, %add3A_324 : i32
            %swap3A_326 = arith.index_cast %add3A_325 : i32 to index
            %swap3A_327 = arith.constant 32 : index
            %swap3A_328 = tpu.vector_load %arg19[%swap3A_326, %swap3A_327] {strides = array<i32>} : memref<128x128xf32, #tpu.memory_space<vmem>>, vector<16xf32>,
            tpu.vector_store %arg19[%swap3A_326, %swap3A_327], %mul3A_323 {strides = array<i32>} : memref<128x128xf32, #tpu.memory_space<vmem>>, vector<16xf32>,
            %add3A_329 = arith.constant 1 : i32
            %add3A_330 = arith.addi %mul3A_171, %add3A_329 : i32
            %get3A_331 = arith.index_cast %add3A_330 : i32 to index
            %get3A_332 = arith.constant 48 : index
            %get3A_333 = tpu.vector_load %arg19[%get3A_331, %get3A_332] {strides = array<i32>} : memref<128x128xf32, #tpu.memory_space<vmem>>, vector<16xf32>,
            %mul3A_334 = arith.mulf %get3A_333, %gather3A_179 : vector<16xf32>
            %add3A_335 = arith.constant 1 : i32
            %add3A_336 = arith.addi %mul3A_171, %add3A_335 : i32
            %swap3A_337 = arith.index_cast %add3A_336 : i32 to index
            %swap3A_338 = arith.constant 48 : index
            %swap3A_339 = tpu.vector_load %arg19[%swap3A_337, %swap3A_338] {strides = array<i32>} : memref<128x128xf32, #tpu.memory_space<vmem>>, vector<16xf32>,
            tpu.vector_store %arg19[%swap3A_337, %swap3A_338], %mul3A_334 {strides = array<i32>} : memref<128x128xf32, #tpu.memory_space<vmem>>, vector<16xf32>,
            %add3A_340 = arith.constant 1 : i32
            %add3A_341 = arith.addi %mul3A_171, %add3A_340 : i32
            %get3A_342 = arith.index_cast %add3A_341 : i32 to index
            %get3A_343 = arith.constant 64 : index
            %get3A_344 = tpu.vector_load %arg19[%get3A_342, %get3A_343] {strides = array<i32>} : memref<128x128xf32, #tpu.memory_space<vmem>>, vector<16xf32>,
            %mul3A_345 = arith.mulf %get3A_344, %gather3A_179 : vector<16xf32>
            %add3A_346 = arith.constant 1 : i32
            %add3A_347 = arith.addi %mul3A_171, %add3A_346 : i32
            %swap3A_348 = arith.index_cast %add3A_347 : i32 to index
            %swap3A_349 = arith.constant 64 : index
            %swap3A_350 = tpu.vector_load %arg19[%swap3A_348, %swap3A_349] {strides = array<i32>} : memref<128x128xf32, #tpu.memory_space<vmem>>, vector<16xf32>,
            tpu.vector_store %arg19[%swap3A_348, %swap3A_349], %mul3A_345 {strides = array<i32>} : memref<128x128xf32, #tpu.memory_space<vmem>>, vector<16xf32>,
            %add3A_351 = arith.constant 1 : i32
            %add3A_352 = arith.addi %mul3A_171, %add3A_351 : i32
            %get3A_353 = arith.index_cast %add3A_352 : i32 to index
            %get3A_354 = arith.constant 80 : index
            %get3A_355 = tpu.vector_load %arg19[%get3A_353, %get3A_354] {strides = array<i32>} : memref<128x128xf32, #tpu.memory_space<vmem>>, vector<16xf32>,
            %mul3A_356 = arith.mulf %get3A_355, %gather3A_179 : vector<16xf32>
            %add3A_357 = arith.constant 1 : i32
            %add3A_358 = arith.addi %mul3A_171, %add3A_357 : i32
            %swap3A_359 = arith.index_cast %add3A_358 : i32 to index
            %swap3A_360 = arith.constant 80 : index
            %swap3A_361 = tpu.vector_load %arg19[%swap3A_359, %swap3A_360] {strides = array<i32>} : memref<128x128xf32, #tpu.memory_space<vmem>>, vector<16xf32>,
            tpu.vector_store %arg19[%swap3A_359, %swap3A_360], %mul3A_356 {strides = array<i32>} : memref<128x128xf32, #tpu.memory_space<vmem>>, vector<16xf32>,
            %add3A_362 = arith.constant 1 : i32
            %add3A_363 = arith.addi %mul3A_171, %add3A_362 : i32
            %get3A_364 = arith.index_cast %add3A_363 : i32 to index
            %get3A_365 = arith.constant 96 : index
            %get3A_366 = tpu.vector_load %arg19[%get3A_364, %get3A_365] {strides = array<i32>} : memref<128x128xf32, #tpu.memory_space<vmem>>, vector<16xf32>,
            %mul3A_367 = arith.mulf %get3A_366, %gather3A_179 : vector<16xf32>
            %add3A_368 = arith.constant 1 : i32
            %add3A_369 = arith.addi %mul3A_171, %add3A_368 : i32
            %swap3A_370 = arith.index_cast %add3A_369 : i32 to index
            %swap3A_371 = arith.constant 96 : index
            %swap3A_372 = tpu.vector_load %arg19[%swap3A_370, %swap3A_371] {strides = array<i32>} : memref<128x128xf32, #tpu.memory_space<vmem>>, vector<16xf32>,
            tpu.vector_store %arg19[%swap3A_370, %swap3A_371], %mul3A_367 {strides = array<i32>} : memref<128x128xf32, #tpu.memory_space<vmem>>, vector<16xf32>,
            %add3A_373 = arith.constant 1 : i32
            %add3A_374 = arith.addi %mul3A_171, %add3A_373 : i32
            %get3A_375 = arith.index_cast %add3A_374 : i32 to index
            %get3A_376 = arith.constant 112 : index
            %get3A_377 = tpu.vector_load %arg19[%get3A_375, %get3A_376] {strides = array<i32>} : memref<128x128xf32, #tpu.memory_space<vmem>>, vector<16xf32>,
            %mul3A_378 = arith.mulf %get3A_377, %gather3A_179 : vector<16xf32>
            %add3A_379 = arith.constant 1 : i32
            %add3A_380 = arith.addi %mul3A_171, %add3A_379 : i32
            %swap3A_381 = arith.index_cast %add3A_380 : i32 to index
            %swap3A_382 = arith.constant 112 : index
            %swap3A_383 = tpu.vector_load %arg19[%swap3A_381, %swap3A_382] {strides = array<i32>} : memref<128x128xf32, #tpu.memory_space<vmem>>, vector<16xf32>,
            tpu.vector_store %arg19[%swap3A_381, %swap3A_382], %mul3A_378 {strides = array<i32>} : memref<128x128xf32, #tpu.memory_space<vmem>>, vector<16xf32>,
            %add3A_384 = arith.constant 2 : i32
            %add3A_385 = arith.addi %mul3A_171, %add3A_384 : i32
            %get3A_386 = arith.index_cast %add3A_385 : i32 to index
            %get3A_387 = arith.constant 0 : index
            %get3A_388 = tpu.vector_load %arg19[%get3A_386, %get3A_387] {strides = array<i32>} : memref<128x128xf32, #tpu.memory_space<vmem>>, vector<16xf32>,
            %mul3A_389 = arith.mulf %get3A_388, %gather3A_184 : vector<16xf32>
            %add3A_390 = arith.constant 2 : i32
            %add3A_391 = arith.addi %mul3A_171, %add3A_390 : i32
            %swap3A_392 = arith.index_cast %add3A_391 : i32 to index
            %swap3A_393 = arith.constant 0 : index
            %swap3A_394 = tpu.vector_load %arg19[%swap3A_392, %swap3A_393] {strides = array<i32>} : memref<128x128xf32, #tpu.memory_space<vmem>>, vector<16xf32>,
            tpu.vector_store %arg19[%swap3A_392, %swap3A_393], %mul3A_389 {strides = array<i32>} : memref<128x128xf32, #tpu.memory_space<vmem>>, vector<16xf32>,
            %add3A_395 = arith.constant 2 : i32
            %add3A_396 = arith.addi %mul3A_171, %add3A_395 : i32
            %get3A_397 = arith.index_cast %add3A_396 : i32 to index
            %get3A_398 = arith.constant 16 : index
            %get3A_399 = tpu.vector_load %arg19[%get3A_397, %get3A_398] {strides = array<i32>} : memref<128x128xf32, #tpu.memory_space<vmem>>, vector<16xf32>,
            %mul3A_400 = arith.mulf %get3A_399, %gather3A_184 : vector<16xf32>
            %add3A_401 = arith.constant 2 : i32
            %add3A_402 = arith.addi %mul3A_171, %add3A_401 : i32
            %swap3A_403 = arith.index_cast %add3A_402 : i32 to index
            %swap3A_404 = arith.constant 16 : index
            %swap3A_405 = tpu.vector_load %arg19[%swap3A_403, %swap3A_404] {strides = array<i32>} : memref<128x128xf32, #tpu.memory_space<vmem>>, vector<16xf32>,
            tpu.vector_store %arg19[%swap3A_403, %swap3A_404], %mul3A_400 {strides = array<i32>} : memref<128x128xf32, #tpu.memory_space<vmem>>, vector<16xf32>,
            %add3A_406 = arith.constant 2 : i32
            %add3A_407 = arith.addi %mul3A_171, %add3A_406 : i32
            %get3A_408 = arith.index_cast %add3A_407 : i32 to index
            %get3A_409 = arith.constant 32 : index
            %get3A_410 = tpu.vector_load %arg19[%get3A_408, %get3A_409] {strides = array<i32>} : memref<128x128xf32, #tpu.memory_space<vmem>>, vector<16xf32>,
            %mul3A_411 = arith.mulf %get3A_410, %gather3A_184 : vector<16xf32>
            %add3A_412 = arith.constant 2 : i32
            %add3A_413 = arith.addi %mul3A_171, %add3A_412 : i32
            %swap3A_414 = arith.index_cast %add3A_413 : i32 to index
            %swap3A_415 = arith.constant 32 : index
            %swap3A_416 = tpu.vector_load %arg19[%swap3A_414, %swap3A_415] {strides = array<i32>} : memref<128x128xf32, #tpu.memory_space<vmem>>, vector<16xf32>,
            tpu.vector_store %arg19[%swap3A_414, %swap3A_415], %mul3A_411 {strides = array<i32>} : memref<128x128xf32, #tpu.memory_space<vmem>>, vector<16xf32>,
            %add3A_417 = arith.constant 2 : i32
            %add3A_418 = arith.addi %mul3A_171, %add3A_417 : i32
            %get3A_419 = arith.index_cast %add3A_418 : i32 to index
            %get3A_420 = arith.constant 48 : index
            %get3A_421 = tpu.vector_load %arg19[%get3A_419, %get3A_420] {strides = array<i32>} : memref<128x128xf32, #tpu.memory_space<vmem>>, vector<16xf32>,
            %mul3A_422 = arith.mulf %get3A_421, %gather3A_184 : vector<16xf32>
            %add3A_423 = arith.constant 2 : i32
            %add3A_424 = arith.addi %mul3A_171, %add3A_423 : i32
            %swap3A_425 = arith.index_cast %add3A_424 : i32 to index
            %swap3A_426 = arith.constant 48 : index
            %swap3A_427 = tpu.vector_load %arg19[%swap3A_425, %swap3A_426] {strides = array<i32>} : memref<128x128xf32, #tpu.memory_space<vmem>>, vector<16xf32>,
            tpu.vector_store %arg19[%swap3A_425, %swap3A_426], %mul3A_422 {strides = array<i32>} : memref<128x128xf32, #tpu.memory_space<vmem>>, vector<16xf32>,
            %add3A_428 = arith.constant 2 : i32
            %add3A_429 = arith.addi %mul3A_171, %add3A_428 : i32
            %get3A_430 = arith.index_cast %add3A_429 : i32 to index
            %get3A_431 = arith.constant 64 : index
            %get3A_432 = tpu.vector_load %arg19[%get3A_430, %get3A_431] {strides = array<i32>} : memref<128x128xf32, #tpu.memory_space<vmem>>, vector<16xf32>,
            %mul3A_433 = arith.mulf %get3A_432, %gather3A_184 : vector<16xf32>
            %add3A_434 = arith.constant 2 : i32
            %add3A_435 = arith.addi %mul3A_171, %add3A_434 : i32
            %swap3A_436 = arith.index_cast %add3A_435 : i32 to index
            %swap3A_437 = arith.constant 64 : index
            %swap3A_438 = tpu.vector_load %arg19[%swap3A_436, %swap3A_437] {strides = array<i32>} : memref<128x128xf32, #tpu.memory_space<vmem>>, vector<16xf32>,
            tpu.vector_store %arg19[%swap3A_436, %swap3A_437], %mul3A_433 {strides = array<i32>} : memref<128x128xf32, #tpu.memory_space<vmem>>, vector<16xf32>,
            %add3A_439 = arith.constant 2 : i32
            %add3A_440 = arith.addi %mul3A_171, %add3A_439 : i32
            %get3A_441 = arith.index_cast %add3A_440 : i32 to index
            %get3A_442 = arith.constant 80 : index
            %get3A_443 = tpu.vector_load %arg19[%get3A_441, %get3A_442] {strides = array<i32>} : memref<128x128xf32, #tpu.memory_space<vmem>>, vector<16xf32>,
            %mul3A_444 = arith.mulf %get3A_443, %gather3A_184 : vector<16xf32>
            %add3A_445 = arith.constant 2 : i32
            %add3A_446 = arith.addi %mul3A_171, %add3A_445 : i32
            %swap3A_447 = arith.index_cast %add3A_446 : i32 to index
            %swap3A_448 = arith.constant 80 : index
            %swap3A_449 = tpu.vector_load %arg19[%swap3A_447, %swap3A_448] {strides = array<i32>} : memref<128x128xf32, #tpu.memory_space<vmem>>, vector<16xf32>,
            tpu.vector_store %arg19[%swap3A_447, %swap3A_448], %mul3A_444 {strides = array<i32>} : memref<128x128xf32, #tpu.memory_space<vmem>>, vector<16xf32>,
            %add3A_450 = arith.constant 2 : i32
            %add3A_451 = arith.addi %mul3A_171, %add3A_450 : i32
            %get3A_452 = arith.index_cast %add3A_451 : i32 to index
            %get3A_453 = arith.constant 96 : index
            %get3A_454 = tpu.vector_load %arg19[%get3A_452, %get3A_453] {strides = array<i32>} : memref<128x128xf32, #tpu.memory_space<vmem>>, vector<16xf32>,
            %mul3A_455 = arith.mulf %get3A_454, %gather3A_184 : vector<16xf32>
            %add3A_456 = arith.constant 2 : i32
            %add3A_457 = arith.addi %mul3A_171, %add3A_456 : i32
            %swap3A_458 = arith.index_cast %add3A_457 : i32 to index
            %swap3A_459 = arith.constant 96 : index
            %swap3A_460 = tpu.vector_load %arg19[%swap3A_458, %swap3A_459] {strides = array<i32>} : memref<128x128xf32, #tpu.memory_space<vmem>>, vector<16xf32>,
            tpu.vector_store %arg19[%swap3A_458, %swap3A_459], %mul3A_455 {strides = array<i32>} : memref<128x128xf32, #tpu.memory_space<vmem>>, vector<16xf32>,
            %add3A_461 = arith.constant 2 : i32
            %add3A_462 = arith.addi %mul3A_171, %add3A_461 : i32
            %get3A_463 = arith.index_cast %add3A_462 : i32 to index
            %get3A_464 = arith.constant 112 : index
            %get3A_465 = tpu.vector_load %arg19[%get3A_463, %get3A_464] {strides = array<i32>} : memref<128x128xf32, #tpu.memory_space<vmem>>, vector<16xf32>,
            %mul3A_466 = arith.mulf %get3A_465, %gather3A_184 : vector<16xf32>
            %add3A_467 = arith.constant 2 : i32
            %add3A_468 = arith.addi %mul3A_171, %add3A_467 : i32
            %swap3A_469 = arith.index_cast %add3A_468 : i32 to index
            %swap3A_470 = arith.constant 112 : index
            %swap3A_471 = tpu.vector_load %arg19[%swap3A_469, %swap3A_470] {strides = array<i32>} : memref<128x128xf32, #tpu.memory_space<vmem>>, vector<16xf32>,
            tpu.vector_store %arg19[%swap3A_469, %swap3A_470], %mul3A_466 {strides = array<i32>} : memref<128x128xf32, #tpu.memory_space<vmem>>, vector<16xf32>,
            %add3A_472 = arith.constant 3 : i32
            %add3A_473 = arith.addi %mul3A_171, %add3A_472 : i32
            %get3A_474 = arith.index_cast %add3A_473 : i32 to index
            %get3A_475 = arith.constant 0 : index
            %get3A_476 = tpu.vector_load %arg19[%get3A_474, %get3A_475] {strides = array<i32>} : memref<128x128xf32, #tpu.memory_space<vmem>>, vector<16xf32>,
            %mul3A_477 = arith.mulf %get3A_476, %gather3A_189 : vector<16xf32>
            %add3A_478 = arith.constant 3 : i32
            %add3A_479 = arith.addi %mul3A_171, %add3A_478 : i32
            %swap3A_480 = arith.index_cast %add3A_479 : i32 to index
            %swap3A_481 = arith.constant 0 : index
            %swap3A_482 = tpu.vector_load %arg19[%swap3A_480, %swap3A_481] {strides = array<i32>} : memref<128x128xf32, #tpu.memory_space<vmem>>, vector<16xf32>,
            tpu.vector_store %arg19[%swap3A_480, %swap3A_481], %mul3A_477 {strides = array<i32>} : memref<128x128xf32, #tpu.memory_space<vmem>>, vector<16xf32>,
            %add3A_483 = arith.constant 3 : i32
            %add3A_484 = arith.addi %mul3A_171, %add3A_483 : i32
            %get3A_485 = arith.index_cast %add3A_484 : i32 to index
            %get3A_486 = arith.constant 16 : index
            %get3A_487 = tpu.vector_load %arg19[%get3A_485, %get3A_486] {strides = array<i32>} : memref<128x128xf32, #tpu.memory_space<vmem>>, vector<16xf32>,
            %mul3A_488 = arith.mulf %get3A_487, %gather3A_189 : vector<16xf32>
            %add3A_489 = arith.constant 3 : i32
            %add3A_490 = arith.addi %mul3A_171, %add3A_489 : i32
            %swap3A_491 = arith.index_cast %add3A_490 : i32 to index
            %swap3A_492 = arith.constant 16 : index
            %swap3A_493 = tpu.vector_load %arg19[%swap3A_491, %swap3A_492] {strides = array<i32>} : memref<128x128xf32, #tpu.memory_space<vmem>>, vector<16xf32>,
            tpu.vector_store %arg19[%swap3A_491, %swap3A_492], %mul3A_488 {strides = array<i32>} : memref<128x128xf32, #tpu.memory_space<vmem>>, vector<16xf32>,
            %add3A_494 = arith.constant 3 : i32
            %add3A_495 = arith.addi %mul3A_171, %add3A_494 : i32
            %get3A_496 = arith.index_cast %add3A_495 : i32 to index
            %get3A_497 = arith.constant 32 : index
            %get3A_498 = tpu.vector_load %arg19[%get3A_496, %get3A_497] {strides = array<i32>} : memref<128x128xf32, #tpu.memory_space<vmem>>, vector<16xf32>,
            %mul3A_499 = arith.mulf %get3A_498, %gather3A_189 : vector<16xf32>
            %add3A_500 = arith.constant 3 : i32
            %add3A_501 = arith.addi %mul3A_171, %add3A_500 : i32
            %swap3A_502 = arith.index_cast %add3A_501 : i32 to index
            %swap3A_503 = arith.constant 32 : index
            %swap3A_504 = tpu.vector_load %arg19[%swap3A_502, %swap3A_503] {strides = array<i32>} : memref<128x128xf32, #tpu.memory_space<vmem>>, vector<16xf32>,
            tpu.vector_store %arg19[%swap3A_502, %swap3A_503], %mul3A_499 {strides = array<i32>} : memref<128x128xf32, #tpu.memory_space<vmem>>, vector<16xf32>,
            %add3A_505 = arith.constant 3 : i32
            %add3A_506 = arith.addi %mul3A_171, %add3A_505 : i32
            %get3A_507 = arith.index_cast %add3A_506 : i32 to index
            %get3A_508 = arith.constant 48 : index
            %get3A_509 = tpu.vector_load %arg19[%get3A_507, %get3A_508] {strides = array<i32>} : memref<128x128xf32, #tpu.memory_space<vmem>>, vector<16xf32>,
            %mul3A_510 = arith.mulf %get3A_509, %gather3A_189 : vector<16xf32>
            %add3A_511 = arith.constant 3 : i32
            %add3A_512 = arith.addi %mul3A_171, %add3A_511 : i32
            %swap3A_513 = arith.index_cast %add3A_512 : i32 to index
            %swap3A_514 = arith.constant 48 : index
            %swap3A_515 = tpu.vector_load %arg19[%swap3A_513, %swap3A_514] {strides = array<i32>} : memref<128x128xf32, #tpu.memory_space<vmem>>, vector<16xf32>,
            tpu.vector_store %arg19[%swap3A_513, %swap3A_514], %mul3A_510 {strides = array<i32>} : memref<128x128xf32, #tpu.memory_space<vmem>>, vector<16xf32>,
            %add3A_516 = arith.constant 3 : i32
            %add3A_517 = arith.addi %mul3A_171, %add3A_516 : i32
            %get3A_518 = arith.index_cast %add3A_517 : i32 to index
            %get3A_519 = arith.constant 64 : index
            %get3A_520 = tpu.vector_load %arg19[%get3A_518, %get3A_519] {strides = array<i32>} : memref<128x128xf32, #tpu.memory_space<vmem>>, vector<16xf32>,
            %mul3A_521 = arith.mulf %get3A_520, %gather3A_189 : vector<16xf32>
            %add3A_522 = arith.constant 3 : i32
            %add3A_523 = arith.addi %mul3A_171, %add3A_522 : i32
            %swap3A_524 = arith.index_cast %add3A_523 : i32 to index
            %swap3A_525 = arith.constant 64 : index
            %swap3A_526 = tpu.vector_load %arg19[%swap3A_524, %swap3A_525] {strides = array<i32>} : memref<128x128xf32, #tpu.memory_space<vmem>>, vector<16xf32>,
            tpu.vector_store %arg19[%swap3A_524, %swap3A_525], %mul3A_521 {strides = array<i32>} : memref<128x128xf32, #tpu.memory_space<vmem>>, vector<16xf32>,
            %add3A_527 = arith.constant 3 : i32
            %add3A_528 = arith.addi %mul3A_171, %add3A_527 : i32
            %get3A_529 = arith.index_cast %add3A_528 : i32 to index
            %get3A_530 = arith.constant 80 : index
            %get3A_531 = tpu.vector_load %arg19[%get3A_529, %get3A_530] {strides = array<i32>} : memref<128x128xf32, #tpu.memory_space<vmem>>, vector<16xf32>,
            %mul3A_532 = arith.mulf %get3A_531, %gather3A_189 : vector<16xf32>
            %add3A_533 = arith.constant 3 : i32
            %add3A_534 = arith.addi %mul3A_171, %add3A_533 : i32
            %swap3A_535 = arith.index_cast %add3A_534 : i32 to index
            %swap3A_536 = arith.constant 80 : index
            %swap3A_537 = tpu.vector_load %arg19[%swap3A_535, %swap3A_536] {strides = array<i32>} : memref<128x128xf32, #tpu.memory_space<vmem>>, vector<16xf32>,
            tpu.vector_store %arg19[%swap3A_535, %swap3A_536], %mul3A_532 {strides = array<i32>} : memref<128x128xf32, #tpu.memory_space<vmem>>, vector<16xf32>,
            %add3A_538 = arith.constant 3 : i32
            %add3A_539 = arith.addi %mul3A_171, %add3A_538 : i32
            %get3A_540 = arith.index_cast %add3A_539 : i32 to index
            %get3A_541 = arith.constant 96 : index
            %get3A_542 = tpu.vector_load %arg19[%get3A_540, %get3A_541] {strides = array<i32>} : memref<128x128xf32, #tpu.memory_space<vmem>>, vector<16xf32>,
            %mul3A_543 = arith.mulf %get3A_542, %gather3A_189 : vector<16xf32>
            %add3A_544 = arith.constant 3 : i32
            %add3A_545 = arith.addi %mul3A_171, %add3A_544 : i32
            %swap3A_546 = arith.index_cast %add3A_545 : i32 to index
            %swap3A_547 = arith.constant 96 : index
            %swap3A_548 = tpu.vector_load %arg19[%swap3A_546, %swap3A_547] {strides = array<i32>} : memref<128x128xf32, #tpu.memory_space<vmem>>, vector<16xf32>,
            tpu.vector_store %arg19[%swap3A_546, %swap3A_547], %mul3A_543 {strides = array<i32>} : memref<128x128xf32, #tpu.memory_space<vmem>>, vector<16xf32>,
            %add3A_549 = arith.constant 3 : i32
            %add3A_550 = arith.addi %mul3A_171, %add3A_549 : i32
            %get3A_551 = arith.index_cast %add3A_550 : i32 to index
            %get3A_552 = arith.constant 112 : index
            %get3A_553 = tpu.vector_load %arg19[%get3A_551, %get3A_552] {strides = array<i32>} : memref<128x128xf32, #tpu.memory_space<vmem>>, vector<16xf32>,
            %mul3A_554 = arith.mulf %get3A_553, %gather3A_189 : vector<16xf32>
            %add3A_555 = arith.constant 3 : i32
            %add3A_556 = arith.addi %mul3A_171, %add3A_555 : i32
            %swap3A_557 = arith.index_cast %add3A_556 : i32 to index
            %swap3A_558 = arith.constant 112 : index
            %swap3A_559 = tpu.vector_load %arg19[%swap3A_557, %swap3A_558] {strides = array<i32>} : memref<128x128xf32, #tpu.memory_space<vmem>>, vector<16xf32>,
            tpu.vector_store %arg19[%swap3A_557, %swap3A_558], %mul3A_554 {strides = array<i32>} : memref<128x128xf32, #tpu.memory_space<vmem>>, vector<16xf32>,
            %add3A_560 = arith.constant 4 : i32
            %add3A_561 = arith.addi %mul3A_171, %add3A_560 : i32
            %get3A_562 = arith.index_cast %add3A_561 : i32 to index
            %get3A_563 = arith.constant 0 : index
            %get3A_564 = tpu.vector_load %arg19[%get3A_562, %get3A_563] {strides = array<i32>} : memref<128x128xf32, #tpu.memory_space<vmem>>, vector<16xf32>,
            %mul3A_565 = arith.mulf %get3A_564, %gather3A_194 : vector<16xf32>
            %add3A_566 = arith.constant 4 : i32
            %add3A_567 = arith.addi %mul3A_171, %add3A_566 : i32
            %swap3A_568 = arith.index_cast %add3A_567 : i32 to index
            %swap3A_569 = arith.constant 0 : index
            %swap3A_570 = tpu.vector_load %arg19[%swap3A_568, %swap3A_569] {strides = array<i32>} : memref<128x128xf32, #tpu.memory_space<vmem>>, vector<16xf32>,
            tpu.vector_store %arg19[%swap3A_568, %swap3A_569], %mul3A_565 {strides = array<i32>} : memref<128x128xf32, #tpu.memory_space<vmem>>, vector<16xf32>,
            %add3A_571 = arith.constant 4 : i32
            %add3A_572 = arith.addi %mul3A_171, %add3A_571 : i32
            %get3A_573 = arith.index_cast %add3A_572 : i32 to index
            %get3A_574 = arith.constant 16 : index
            %get3A_575 = tpu.vector_load %arg19[%get3A_573, %get3A_574] {strides = array<i32>} : memref<128x128xf32, #tpu.memory_space<vmem>>, vector<16xf32>,
            %mul3A_576 = arith.mulf %get3A_575, %gather3A_194 : vector<16xf32>
            %add3A_577 = arith.constant 4 : i32
            %add3A_578 = arith.addi %mul3A_171, %add3A_577 : i32
            %swap3A_579 = arith.index_cast %add3A_578 : i32 to index
            %swap3A_580 = arith.constant 16 : index
            %swap3A_581 = tpu.vector_load %arg19[%swap3A_579, %swap3A_580] {strides = array<i32>} : memref<128x128xf32, #tpu.memory_space<vmem>>, vector<16xf32>,
            tpu.vector_store %arg19[%swap3A_579, %swap3A_580], %mul3A_576 {strides = array<i32>} : memref<128x128xf32, #tpu.memory_space<vmem>>, vector<16xf32>,
            %add3A_582 = arith.constant 4 : i32
            %add3A_583 = arith.addi %mul3A_171, %add3A_582 : i32
            %get3A_584 = arith.index_cast %add3A_583 : i32 to index
            %get3A_585 = arith.constant 32 : index
            %get3A_586 = tpu.vector_load %arg19[%get3A_584, %get3A_585] {strides = array<i32>} : memref<128x128xf32, #tpu.memory_space<vmem>>, vector<16xf32>,
            %mul3A_587 = arith.mulf %get3A_586, %gather3A_194 : vector<16xf32>
            %add3A_588 = arith.constant 4 : i32
            %add3A_589 = arith.addi %mul3A_171, %add3A_588 : i32
            %swap3A_590 = arith.index_cast %add3A_589 : i32 to index
            %swap3A_591 = arith.constant 32 : index
            %swap3A_592 = tpu.vector_load %arg19[%swap3A_590, %swap3A_591] {strides = array<i32>} : memref<128x128xf32, #tpu.memory_space<vmem>>, vector<16xf32>,
            tpu.vector_store %arg19[%swap3A_590, %swap3A_591], %mul3A_587 {strides = array<i32>} : memref<128x128xf32, #tpu.memory_space<vmem>>, vector<16xf32>,
            %add3A_593 = arith.constant 4 : i32
            %add3A_594 = arith.addi %mul3A_171, %add3A_593 : i32
            %get3A_595 = arith.index_cast %add3A_594 : i32 to index
            %get3A_596 = arith.constant 48 : index
            %get3A_597 = tpu.vector_load %arg19[%get3A_595, %get3A_596] {strides = array<i32>} : memref<128x128xf32, #tpu.memory_space<vmem>>, vector<16xf32>,
            %mul3A_598 = arith.mulf %get3A_597, %gather3A_194 : vector<16xf32>
            %add3A_599 = arith.constant 4 : i32
            %add3A_600 = arith.addi %mul3A_171, %add3A_599 : i32
            %swap3A_601 = arith.index_cast %add3A_600 : i32 to index
            %swap3A_602 = arith.constant 48 : index
            %swap3A_603 = tpu.vector_load %arg19[%swap3A_601, %swap3A_602] {strides = array<i32>} : memref<128x128xf32, #tpu.memory_space<vmem>>, vector<16xf32>,
            tpu.vector_store %arg19[%swap3A_601, %swap3A_602], %mul3A_598 {strides = array<i32>} : memref<128x128xf32, #tpu.memory_space<vmem>>, vector<16xf32>,
            %add3A_604 = arith.constant 4 : i32
            %add3A_605 = arith.addi %mul3A_171, %add3A_604 : i32
            %get3A_606 = arith.index_cast %add3A_605 : i32 to index
            %get3A_607 = arith.constant 64 : index
            %get3A_608 = tpu.vector_load %arg19[%get3A_606, %get3A_607] {strides = array<i32>} : memref<128x128xf32, #tpu.memory_space<vmem>>, vector<16xf32>,
            %mul3A_609 = arith.mulf %get3A_608, %gather3A_194 : vector<16xf32>
            %add3A_610 = arith.constant 4 : i32
            %add3A_611 = arith.addi %mul3A_171, %add3A_610 : i32
            %swap3A_612 = arith.index_cast %add3A_611 : i32 to index
            %swap3A_613 = arith.constant 64 : index
            %swap3A_614 = tpu.vector_load %arg19[%swap3A_612, %swap3A_613] {strides = array<i32>} : memref<128x128xf32, #tpu.memory_space<vmem>>, vector<16xf32>,
            tpu.vector_store %arg19[%swap3A_612, %swap3A_613], %mul3A_609 {strides = array<i32>} : memref<128x128xf32, #tpu.memory_space<vmem>>, vector<16xf32>,
            %add3A_615 = arith.constant 4 : i32
            %add3A_616 = arith.addi %mul3A_171, %add3A_615 : i32
            %get3A_617 = arith.index_cast %add3A_616 : i32 to index
            %get3A_618 = arith.constant 80 : index
            %get3A_619 = tpu.vector_load %arg19[%get3A_617, %get3A_618] {strides = array<i32>} : memref<128x128xf32, #tpu.memory_space<vmem>>, vector<16xf32>,
            %mul3A_620 = arith.mulf %get3A_619, %gather3A_194 : vector<16xf32>
            %add3A_621 = arith.constant 4 : i32
            %add3A_622 = arith.addi %mul3A_171, %add3A_621 : i32
            %swap3A_623 = arith.index_cast %add3A_622 : i32 to index
            %swap3A_624 = arith.constant 80 : index
            %swap3A_625 = tpu.vector_load %arg19[%swap3A_623, %swap3A_624] {strides = array<i32>} : memref<128x128xf32, #tpu.memory_space<vmem>>, vector<16xf32>,
            tpu.vector_store %arg19[%swap3A_623, %swap3A_624], %mul3A_620 {strides = array<i32>} : memref<128x128xf32, #tpu.memory_space<vmem>>, vector<16xf32>,
            %add3A_626 = arith.constant 4 : i32
            %add3A_627 = arith.addi %mul3A_171, %add3A_626 : i32
            %get3A_628 = arith.index_cast %add3A_627 : i32 to index
            %get3A_629 = arith.constant 96 : index
            %get3A_630 = tpu.vector_load %arg19[%get3A_628, %get3A_629] {strides = array<i32>} : memref<128x128xf32, #tpu.memory_space<vmem>>, vector<16xf32>,
            %mul3A_631 = arith.mulf %get3A_630, %gather3A_194 : vector<16xf32>
            %add3A_632 = arith.constant 4 : i32
            %add3A_633 = arith.addi %mul3A_171, %add3A_632 : i32
            %swap3A_634 = arith.index_cast %add3A_633 : i32 to index
            %swap3A_635 = arith.constant 96 : index
            %swap3A_636 = tpu.vector_load %arg19[%swap3A_634, %swap3A_635] {strides = array<i32>} : memref<128x128xf32, #tpu.memory_space<vmem>>, vector<16xf32>,
            tpu.vector_store %arg19[%swap3A_634, %swap3A_635], %mul3A_631 {strides = array<i32>} : memref<128x128xf32, #tpu.memory_space<vmem>>, vector<16xf32>,
            %add3A_637 = arith.constant 4 : i32
            %add3A_638 = arith.addi %mul3A_171, %add3A_637 : i32
            %get3A_639 = arith.index_cast %add3A_638 : i32 to index
            %get3A_640 = arith.constant 112 : index
            %get3A_641 = tpu.vector_load %arg19[%get3A_639, %get3A_640] {strides = array<i32>} : memref<128x128xf32, #tpu.memory_space<vmem>>, vector<16xf32>,
            %mul3A_642 = arith.mulf %get3A_641, %gather3A_194 : vector<16xf32>
            %add3A_643 = arith.constant 4 : i32
            %add3A_644 = arith.addi %mul3A_171, %add3A_643 : i32
            %swap3A_645 = arith.index_cast %add3A_644 : i32 to index
            %swap3A_646 = arith.constant 112 : index
            %swap3A_647 = tpu.vector_load %arg19[%swap3A_645, %swap3A_646] {strides = array<i32>} : memref<128x128xf32, #tpu.memory_space<vmem>>, vector<16xf32>,
            tpu.vector_store %arg19[%swap3A_645, %swap3A_646], %mul3A_642 {strides = array<i32>} : memref<128x128xf32, #tpu.memory_space<vmem>>, vector<16xf32>,
            %add3A_648 = arith.constant 5 : i32
            %add3A_649 = arith.addi %mul3A_171, %add3A_648 : i32
            %get3A_650 = arith.index_cast %add3A_649 : i32 to index
            %get3A_651 = arith.constant 0 : index
            %get3A_652 = tpu.vector_load %arg19[%get3A_650, %get3A_651] {strides = array<i32>} : memref<128x128xf32, #tpu.memory_space<vmem>>, vector<16xf32>,
            %mul3A_653 = arith.mulf %get3A_652, %gather3A_199 : vector<16xf32>
            %add3A_654 = arith.constant 5 : i32
            %add3A_655 = arith.addi %mul3A_171, %add3A_654 : i32
            %swap3A_656 = arith.index_cast %add3A_655 : i32 to index
            %swap3A_657 = arith.constant 0 : index
            %swap3A_658 = tpu.vector_load %arg19[%swap3A_656, %swap3A_657] {strides = array<i32>} : memref<128x128xf32, #tpu.memory_space<vmem>>, vector<16xf32>,
            tpu.vector_store %arg19[%swap3A_656, %swap3A_657], %mul3A_653 {strides = array<i32>} : memref<128x128xf32, #tpu.memory_space<vmem>>, vector<16xf32>,
            %add3A_659 = arith.constant 5 : i32
            %add3A_660 = arith.addi %mul3A_171, %add3A_659 : i32
            %get3A_661 = arith.index_cast %add3A_660 : i32 to index
            %get3A_662 = arith.constant 16 : index
            %get3A_663 = tpu.vector_load %arg19[%get3A_661, %get3A_662] {strides = array<i32>} : memref<128x128xf32, #tpu.memory_space<vmem>>, vector<16xf32>,
            %mul3A_664 = arith.mulf %get3A_663, %gather3A_199 : vector<16xf32>
            %add3A_665 = arith.constant 5 : i32
            %add3A_666 = arith.addi %mul3A_171, %add3A_665 : i32
            %swap3A_667 = arith.index_cast %add3A_666 : i32 to index
            %swap3A_668 = arith.constant 16 : index
            %swap3A_669 = tpu.vector_load %arg19[%swap3A_667, %swap3A_668] {strides = array<i32>} : memref<128x128xf32, #tpu.memory_space<vmem>>, vector<16xf32>,
            tpu.vector_store %arg19[%swap3A_667, %swap3A_668], %mul3A_664 {strides = array<i32>} : memref<128x128xf32, #tpu.memory_space<vmem>>, vector<16xf32>,
            %add3A_670 = arith.constant 5 : i32
            %add3A_671 = arith.addi %mul3A_171, %add3A_670 : i32
            %get3A_672 = arith.index_cast %add3A_671 : i32 to index
            %get3A_673 = arith.constant 32 : index
            %get3A_674 = tpu.vector_load %arg19[%get3A_672, %get3A_673] {strides = array<i32>} : memref<128x128xf32, #tpu.memory_space<vmem>>, vector<16xf32>,
            %mul3A_675 = arith.mulf %get3A_674, %gather3A_199 : vector<16xf32>
            %add3A_676 = arith.constant 5 : i32
            %add3A_677 = arith.addi %mul3A_171, %add3A_676 : i32
            %swap3A_678 = arith.index_cast %add3A_677 : i32 to index
            %swap3A_679 = arith.constant 32 : index
            %swap3A_680 = tpu.vector_load %arg19[%swap3A_678, %swap3A_679] {strides = array<i32>} : memref<128x128xf32, #tpu.memory_space<vmem>>, vector<16xf32>,
            tpu.vector_store %arg19[%swap3A_678, %swap3A_679], %mul3A_675 {strides = array<i32>} : memref<128x128xf32, #tpu.memory_space<vmem>>, vector<16xf32>,
            %add3A_681 = arith.constant 5 : i32
            %add3A_682 = arith.addi %mul3A_171, %add3A_681 : i32
            %get3A_683 = arith.index_cast %add3A_682 : i32 to index
            %get3A_684 = arith.constant 48 : index
            %get3A_685 = tpu.vector_load %arg19[%get3A_683, %get3A_684] {strides = array<i32>} : memref<128x128xf32, #tpu.memory_space<vmem>>, vector<16xf32>,
            %mul3A_686 = arith.mulf %get3A_685, %gather3A_199 : vector<16xf32>
            %add3A_687 = arith.constant 5 : i32
            %add3A_688 = arith.addi %mul3A_171, %add3A_687 : i32
            %swap3A_689 = arith.index_cast %add3A_688 : i32 to index
            %swap3A_690 = arith.constant 48 : index
            %swap3A_691 = tpu.vector_load %arg19[%swap3A_689, %swap3A_690] {strides = array<i32>} : memref<128x128xf32, #tpu.memory_space<vmem>>, vector<16xf32>,
            tpu.vector_store %arg19[%swap3A_689, %swap3A_690], %mul3A_686 {strides = array<i32>} : memref<128x128xf32, #tpu.memory_space<vmem>>, vector<16xf32>,
            %add3A_692 = arith.constant 5 : i32
            %add3A_693 = arith.addi %mul3A_171, %add3A_692 : i32
            %get3A_694 = arith.index_cast %add3A_693 : i32 to index
            %get3A_695 = arith.constant 64 : index
            %get3A_696 = tpu.vector_load %arg19[%get3A_694, %get3A_695] {strides = array<i32>} : memref<128x128xf32, #tpu.memory_space<vmem>>, vector<16xf32>,
            %mul3A_697 = arith.mulf %get3A_696, %gather3A_199 : vector<16xf32>
            %add3A_698 = arith.constant 5 : i32
            %add3A_699 = arith.addi %mul3A_171, %add3A_698 : i32
            %swap3A_700 = arith.index_cast %add3A_699 : i32 to index
            %swap3A_701 = arith.constant 64 : index
            %swap3A_702 = tpu.vector_load %arg19[%swap3A_700, %swap3A_701] {strides = array<i32>} : memref<128x128xf32, #tpu.memory_space<vmem>>, vector<16xf32>,
            tpu.vector_store %arg19[%swap3A_700, %swap3A_701], %mul3A_697 {strides = array<i32>} : memref<128x128xf32, #tpu.memory_space<vmem>>, vector<16xf32>,
            %add3A_703 = arith.constant 5 : i32
            %add3A_704 = arith.addi %mul3A_171, %add3A_703 : i32
            %get3A_705 = arith.index_cast %add3A_704 : i32 to index
            %get3A_706 = arith.constant 80 : index
            %get3A_707 = tpu.vector_load %arg19[%get3A_705, %get3A_706] {strides = array<i32>} : memref<128x128xf32, #tpu.memory_space<vmem>>, vector<16xf32>,
            %mul3A_708 = arith.mulf %get3A_707, %gather3A_199 : vector<16xf32>
            %add3A_709 = arith.constant 5 : i32
            %add3A_710 = arith.addi %mul3A_171, %add3A_709 : i32
            %swap3A_711 = arith.index_cast %add3A_710 : i32 to index
            %swap3A_712 = arith.constant 80 : index
            %swap3A_713 = tpu.vector_load %arg19[%swap3A_711, %swap3A_712] {strides = array<i32>} : memref<128x128xf32, #tpu.memory_space<vmem>>, vector<16xf32>,
            tpu.vector_store %arg19[%swap3A_711, %swap3A_712], %mul3A_708 {strides = array<i32>} : memref<128x128xf32, #tpu.memory_space<vmem>>, vector<16xf32>,
            %add3A_714 = arith.constant 5 : i32
            %add3A_715 = arith.addi %mul3A_171, %add3A_714 : i32
            %get3A_716 = arith.index_cast %add3A_715 : i32 to index
            %get3A_717 = arith.constant 96 : index
            %get3A_718 = tpu.vector_load %arg19[%get3A_716, %get3A_717] {strides = array<i32>} : memref<128x128xf32, #tpu.memory_space<vmem>>, vector<16xf32>,
            %mul3A_719 = arith.mulf %get3A_718, %gather3A_199 : vector<16xf32>
            %add3A_720 = arith.constant 5 : i32
            %add3A_721 = arith.addi %mul3A_171, %add3A_720 : i32
            %swap3A_722 = arith.index_cast %add3A_721 : i32 to index
            %swap3A_723 = arith.constant 96 : index
            %swap3A_724 = tpu.vector_load %arg19[%swap3A_722, %swap3A_723] {strides = array<i32>} : memref<128x128xf32, #tpu.memory_space<vmem>>, vector<16xf32>,
            tpu.vector_store %arg19[%swap3A_722, %swap3A_723], %mul3A_719 {strides = array<i32>} : memref<128x128xf32, #tpu.memory_space<vmem>>, vector<16xf32>,
            %add3A_725 = arith.constant 5 : i32
            %add3A_726 = arith.addi %mul3A_171, %add3A_725 : i32
            %get3A_727 = arith.index_cast %add3A_726 : i32 to index
            %get3A_728 = arith.constant 112 : index
            %get3A_729 = tpu.vector_load %arg19[%get3A_727, %get3A_728] {strides = array<i32>} : memref<128x128xf32, #tpu.memory_space<vmem>>, vector<16xf32>,
            %mul3A_730 = arith.mulf %get3A_729, %gather3A_199 : vector<16xf32>
            %add3A_731 = arith.constant 5 : i32
            %add3A_732 = arith.addi %mul3A_171, %add3A_731 : i32
            %swap3A_733 = arith.index_cast %add3A_732 : i32 to index
            %swap3A_734 = arith.constant 112 : index
            %swap3A_735 = tpu.vector_load %arg19[%swap3A_733, %swap3A_734] {strides = array<i32>} : memref<128x128xf32, #tpu.memory_space<vmem>>, vector<16xf32>,
            tpu.vector_store %arg19[%swap3A_733, %swap3A_734], %mul3A_730 {strides = array<i32>} : memref<128x128xf32, #tpu.memory_space<vmem>>, vector<16xf32>,
            %add3A_736 = arith.constant 6 : i32
            %add3A_737 = arith.addi %mul3A_171, %add3A_736 : i32
            %get3A_738 = arith.index_cast %add3A_737 : i32 to index
            %get3A_739 = arith.constant 0 : index
            %get3A_740 = tpu.vector_load %arg19[%get3A_738, %get3A_739] {strides = array<i32>} : memref<128x128xf32, #tpu.memory_space<vmem>>, vector<16xf32>,
            %mul3A_741 = arith.mulf %get3A_740, %gather3A_204 : vector<16xf32>
            %add3A_742 = arith.constant 6 : i32
            %add3A_743 = arith.addi %mul3A_171, %add3A_742 : i32
            %swap3A_744 = arith.index_cast %add3A_743 : i32 to index
            %swap3A_745 = arith.constant 0 : index
            %swap3A_746 = tpu.vector_load %arg19[%swap3A_744, %swap3A_745] {strides = array<i32>} : memref<128x128xf32, #tpu.memory_space<vmem>>, vector<16xf32>,
            tpu.vector_store %arg19[%swap3A_744, %swap3A_745], %mul3A_741 {strides = array<i32>} : memref<128x128xf32, #tpu.memory_space<vmem>>, vector<16xf32>,
            %add3A_747 = arith.constant 6 : i32
            %add3A_748 = arith.addi %mul3A_171, %add3A_747 : i32
            %get3A_749 = arith.index_cast %add3A_748 : i32 to index
            %get3A_750 = arith.constant 16 : index
            %get3A_751 = tpu.vector_load %arg19[%get3A_749, %get3A_750] {strides = array<i32>} : memref<128x128xf32, #tpu.memory_space<vmem>>, vector<16xf32>,
            %mul3A_752 = arith.mulf %get3A_751, %gather3A_204 : vector<16xf32>
            %add3A_753 = arith.constant 6 : i32
            %add3A_754 = arith.addi %mul3A_171, %add3A_753 : i32
            %swap3A_755 = arith.index_cast %add3A_754 : i32 to index
            %swap3A_756 = arith.constant 16 : index
            %swap3A_757 = tpu.vector_load %arg19[%swap3A_755, %swap3A_756] {strides = array<i32>} : memref<128x128xf32, #tpu.memory_space<vmem>>, vector<16xf32>,
            tpu.vector_store %arg19[%swap3A_755, %swap3A_756], %mul3A_752 {strides = array<i32>} : memref<128x128xf32, #tpu.memory_space<vmem>>, vector<16xf32>,
            %add3A_758 = arith.constant 6 : i32
            %add3A_759 = arith.addi %mul3A_171, %add3A_758 : i32
            %get3A_760 = arith.index_cast %add3A_759 : i32 to index
            %get3A_761 = arith.constant 32 : index
            %get3A_762 = tpu.vector_load %arg19[%get3A_760, %get3A_761] {strides = array<i32>} : memref<128x128xf32, #tpu.memory_space<vmem>>, vector<16xf32>,
            %mul3A_763 = arith.mulf %get3A_762, %gather3A_204 : vector<16xf32>
            %add3A_764 = arith.constant 6 : i32
            %add3A_765 = arith.addi %mul3A_171, %add3A_764 : i32
            %swap3A_766 = arith.index_cast %add3A_765 : i32 to index
            %swap3A_767 = arith.constant 32 : index
            %swap3A_768 = tpu.vector_load %arg19[%swap3A_766, %swap3A_767] {strides = array<i32>} : memref<128x128xf32, #tpu.memory_space<vmem>>, vector<16xf32>,
            tpu.vector_store %arg19[%swap3A_766, %swap3A_767], %mul3A_763 {strides = array<i32>} : memref<128x128xf32, #tpu.memory_space<vmem>>, vector<16xf32>,
            %add3A_769 = arith.constant 6 : i32
            %add3A_770 = arith.addi %mul3A_171, %add3A_769 : i32
            %get3A_771 = arith.index_cast %add3A_770 : i32 to index
            %get3A_772 = arith.constant 48 : index
            %get3A_773 = tpu.vector_load %arg19[%get3A_771, %get3A_772] {strides = array<i32>} : memref<128x128xf32, #tpu.memory_space<vmem>>, vector<16xf32>,
            %mul3A_774 = arith.mulf %get3A_773, %gather3A_204 : vector<16xf32>
            %add3A_775 = arith.constant 6 : i32
            %add3A_776 = arith.addi %mul3A_171, %add3A_775 : i32
            %swap3A_777 = arith.index_cast %add3A_776 : i32 to index
            %swap3A_778 = arith.constant 48 : index
            %swap3A_779 = tpu.vector_load %arg19[%swap3A_777, %swap3A_778] {strides = array<i32>} : memref<128x128xf32, #tpu.memory_space<vmem>>, vector<16xf32>,
            tpu.vector_store %arg19[%swap3A_777, %swap3A_778], %mul3A_774 {strides = array<i32>} : memref<128x128xf32, #tpu.memory_space<vmem>>, vector<16xf32>,
            %add3A_780 = arith.constant 6 : i32
            %add3A_781 = arith.addi %mul3A_171, %add3A_780 : i32
            %get3A_782 = arith.index_cast %add3A_781 : i32 to index
            %get3A_783 = arith.constant 64 : index
            %get3A_784 = tpu.vector_load %arg19[%get3A_782, %get3A_783] {strides = array<i32>} : memref<128x128xf32, #tpu.memory_space<vmem>>, vector<16xf32>,
            %mul3A_785 = arith.mulf %get3A_784, %gather3A_204 : vector<16xf32>
            %add3A_786 = arith.constant 6 : i32
            %add3A_787 = arith.addi %mul3A_171, %add3A_786 : i32
            %swap3A_788 = arith.index_cast %add3A_787 : i32 to index
            %swap3A_789 = arith.constant 64 : index
            %swap3A_790 = tpu.vector_load %arg19[%swap3A_788, %swap3A_789] {strides = array<i32>} : memref<128x128xf32, #tpu.memory_space<vmem>>, vector<16xf32>,
            tpu.vector_store %arg19[%swap3A_788, %swap3A_789], %mul3A_785 {strides = array<i32>} : memref<128x128xf32, #tpu.memory_space<vmem>>, vector<16xf32>,
            %add3A_791 = arith.constant 6 : i32
            %add3A_792 = arith.addi %mul3A_171, %add3A_791 : i32
            %get3A_793 = arith.index_cast %add3A_792 : i32 to index
            %get3A_794 = arith.constant 80 : index
            %get3A_795 = tpu.vector_load %arg19[%get3A_793, %get3A_794] {strides = array<i32>} : memref<128x128xf32, #tpu.memory_space<vmem>>, vector<16xf32>,
            %mul3A_796 = arith.mulf %get3A_795, %gather3A_204 : vector<16xf32>
            %add3A_797 = arith.constant 6 : i32
            %add3A_798 = arith.addi %mul3A_171, %add3A_797 : i32
            %swap3A_799 = arith.index_cast %add3A_798 : i32 to index
            %swap3A_800 = arith.constant 80 : index
            %swap3A_801 = tpu.vector_load %arg19[%swap3A_799, %swap3A_800] {strides = array<i32>} : memref<128x128xf32, #tpu.memory_space<vmem>>, vector<16xf32>,
            tpu.vector_store %arg19[%swap3A_799, %swap3A_800], %mul3A_796 {strides = array<i32>} : memref<128x128xf32, #tpu.memory_space<vmem>>, vector<16xf32>,
            %add3A_802 = arith.constant 6 : i32
            %add3A_803 = arith.addi %mul3A_171, %add3A_802 : i32
            %get3A_804 = arith.index_cast %add3A_803 : i32 to index
            %get3A_805 = arith.constant 96 : index
            %get3A_806 = tpu.vector_load %arg19[%get3A_804, %get3A_805] {strides = array<i32>} : memref<128x128xf32, #tpu.memory_space<vmem>>, vector<16xf32>,
            %mul3A_807 = arith.mulf %get3A_806, %gather3A_204 : vector<16xf32>
            %add3A_808 = arith.constant 6 : i32
            %add3A_809 = arith.addi %mul3A_171, %add3A_808 : i32
            %swap3A_810 = arith.index_cast %add3A_809 : i32 to index
            %swap3A_811 = arith.constant 96 : index
            %swap3A_812 = tpu.vector_load %arg19[%swap3A_810, %swap3A_811] {strides = array<i32>} : memref<128x128xf32, #tpu.memory_space<vmem>>, vector<16xf32>,
            tpu.vector_store %arg19[%swap3A_810, %swap3A_811], %mul3A_807 {strides = array<i32>} : memref<128x128xf32, #tpu.memory_space<vmem>>, vector<16xf32>,
            %add3A_813 = arith.constant 6 : i32
            %add3A_814 = arith.addi %mul3A_171, %add3A_813 : i32
            %get3A_815 = arith.index_cast %add3A_814 : i32 to index
            %get3A_816 = arith.constant 112 : index
            %get3A_817 = tpu.vector_load %arg19[%get3A_815, %get3A_816] {strides = array<i32>} : memref<128x128xf32, #tpu.memory_space<vmem>>, vector<16xf32>,
            %mul3A_818 = arith.mulf %get3A_817, %gather3A_204 : vector<16xf32>
            %add3A_819 = arith.constant 6 : i32
            %add3A_820 = arith.addi %mul3A_171, %add3A_819 : i32
            %swap3A_821 = arith.index_cast %add3A_820 : i32 to index
            %swap3A_822 = arith.constant 112 : index
            %swap3A_823 = tpu.vector_load %arg19[%swap3A_821, %swap3A_822] {strides = array<i32>} : memref<128x128xf32, #tpu.memory_space<vmem>>, vector<16xf32>,
            tpu.vector_store %arg19[%swap3A_821, %swap3A_822], %mul3A_818 {strides = array<i32>} : memref<128x128xf32, #tpu.memory_space<vmem>>, vector<16xf32>,
            %add3A_824 = arith.constant 7 : i32
            %add3A_825 = arith.addi %mul3A_171, %add3A_824 : i32
            %get3A_826 = arith.index_cast %add3A_825 : i32 to index
            %get3A_827 = arith.constant 0 : index
            %get3A_828 = tpu.vector_load %arg19[%get3A_826, %get3A_827] {strides = array<i32>} : memref<128x128xf32, #tpu.memory_space<vmem>>, vector<16xf32>,
            %mul3A_829 = arith.mulf %get3A_828, %gather3A_209 : vector<16xf32>
            %add3A_830 = arith.constant 7 : i32
            %add3A_831 = arith.addi %mul3A_171, %add3A_830 : i32
            %swap3A_832 = arith.index_cast %add3A_831 : i32 to index
            %swap3A_833 = arith.constant 0 : index
            %swap3A_834 = tpu.vector_load %arg19[%swap3A_832, %swap3A_833] {strides = array<i32>} : memref<128x128xf32, #tpu.memory_space<vmem>>, vector<16xf32>,
            tpu.vector_store %arg19[%swap3A_832, %swap3A_833], %mul3A_829 {strides = array<i32>} : memref<128x128xf32, #tpu.memory_space<vmem>>, vector<16xf32>,
            %add3A_835 = arith.constant 7 : i32
            %add3A_836 = arith.addi %mul3A_171, %add3A_835 : i32
            %get3A_837 = arith.index_cast %add3A_836 : i32 to index
            %get3A_838 = arith.constant 16 : index
            %get3A_839 = tpu.vector_load %arg19[%get3A_837, %get3A_838] {strides = array<i32>} : memref<128x128xf32, #tpu.memory_space<vmem>>, vector<16xf32>,
            %mul3A_840 = arith.mulf %get3A_839, %gather3A_209 : vector<16xf32>
            %add3A_841 = arith.constant 7 : i32
            %add3A_842 = arith.addi %mul3A_171, %add3A_841 : i32
            %swap3A_843 = arith.index_cast %add3A_842 : i32 to index
            %swap3A_844 = arith.constant 16 : index
            %swap3A_845 = tpu.vector_load %arg19[%swap3A_843, %swap3A_844] {strides = array<i32>} : memref<128x128xf32, #tpu.memory_space<vmem>>, vector<16xf32>,
            tpu.vector_store %arg19[%swap3A_843, %swap3A_844], %mul3A_840 {strides = array<i32>} : memref<128x128xf32, #tpu.memory_space<vmem>>, vector<16xf32>,
            %add3A_846 = arith.constant 7 : i32
            %add3A_847 = arith.addi %mul3A_171, %add3A_846 : i32
            %get3A_848 = arith.index_cast %add3A_847 : i32 to index
            %get3A_849 = arith.constant 32 : index
            %get3A_850 = tpu.vector_load %arg19[%get3A_848, %get3A_849] {strides = array<i32>} : memref<128x128xf32, #tpu.memory_space<vmem>>, vector<16xf32>,
            %mul3A_851 = arith.mulf %get3A_850, %gather3A_209 : vector<16xf32>
            %add3A_852 = arith.constant 7 : i32
            %add3A_853 = arith.addi %mul3A_171, %add3A_852 : i32
            %swap3A_854 = arith.index_cast %add3A_853 : i32 to index
            %swap3A_855 = arith.constant 32 : index
            %swap3A_856 = tpu.vector_load %arg19[%swap3A_854, %swap3A_855] {strides = array<i32>} : memref<128x128xf32, #tpu.memory_space<vmem>>, vector<16xf32>,
            tpu.vector_store %arg19[%swap3A_854, %swap3A_855], %mul3A_851 {strides = array<i32>} : memref<128x128xf32, #tpu.memory_space<vmem>>, vector<16xf32>,
            %add3A_857 = arith.constant 7 : i32
            %add3A_858 = arith.addi %mul3A_171, %add3A_857 : i32
            %get3A_859 = arith.index_cast %add3A_858 : i32 to index
            %get3A_860 = arith.constant 48 : index
            %get3A_861 = tpu.vector_load %arg19[%get3A_859, %get3A_860] {strides = array<i32>} : memref<128x128xf32, #tpu.memory_space<vmem>>, vector<16xf32>,
            %mul3A_862 = arith.mulf %get3A_861, %gather3A_209 : vector<16xf32>
            %add3A_863 = arith.constant 7 : i32
            %add3A_864 = arith.addi %mul3A_171, %add3A_863 : i32
            %swap3A_865 = arith.index_cast %add3A_864 : i32 to index
            %swap3A_866 = arith.constant 48 : index
            %swap3A_867 = tpu.vector_load %arg19[%swap3A_865, %swap3A_866] {strides = array<i32>} : memref<128x128xf32, #tpu.memory_space<vmem>>, vector<16xf32>,
            tpu.vector_store %arg19[%swap3A_865, %swap3A_866], %mul3A_862 {strides = array<i32>} : memref<128x128xf32, #tpu.memory_space<vmem>>, vector<16xf32>,
            %add3A_868 = arith.constant 7 : i32
            %add3A_869 = arith.addi %mul3A_171, %add3A_868 : i32
            %get3A_870 = arith.index_cast %add3A_869 : i32 to index
            %get3A_871 = arith.constant 64 : index
            %get3A_872 = tpu.vector_load %arg19[%get3A_870, %get3A_871] {strides = array<i32>} : memref<128x128xf32, #tpu.memory_space<vmem>>, vector<16xf32>,
            %mul3A_873 = arith.mulf %get3A_872, %gather3A_209 : vector<16xf32>
            %add3A_874 = arith.constant 7 : i32
            %add3A_875 = arith.addi %mul3A_171, %add3A_874 : i32
            %swap3A_876 = arith.index_cast %add3A_875 : i32 to index
            %swap3A_877 = arith.constant 64 : index
            %swap3A_878 = tpu.vector_load %arg19[%swap3A_876, %swap3A_877] {strides = array<i32>} : memref<128x128xf32, #tpu.memory_space<vmem>>, vector<16xf32>,
            tpu.vector_store %arg19[%swap3A_876, %swap3A_877], %mul3A_873 {strides = array<i32>} : memref<128x128xf32, #tpu.memory_space<vmem>>, vector<16xf32>,
            %add3A_879 = arith.constant 7 : i32
            %add3A_880 = arith.addi %mul3A_171, %add3A_879 : i32
            %get3A_881 = arith.index_cast %add3A_880 : i32 to index
            %get3A_882 = arith.constant 80 : index
            %get3A_883 = tpu.vector_load %arg19[%get3A_881, %get3A_882] {strides = array<i32>} : memref<128x128xf32, #tpu.memory_space<vmem>>, vector<16xf32>,
            %mul3A_884 = arith.mulf %get3A_883, %gather3A_209 : vector<16xf32>
            %add3A_885 = arith.constant 7 : i32
            %add3A_886 = arith.addi %mul3A_171, %add3A_885 : i32
            %swap3A_887 = arith.index_cast %add3A_886 : i32 to index
            %swap3A_888 = arith.constant 80 : index
            %swap3A_889 = tpu.vector_load %arg19[%swap3A_887, %swap3A_888] {strides = array<i32>} : memref<128x128xf32, #tpu.memory_space<vmem>>, vector<16xf32>,
            tpu.vector_store %arg19[%swap3A_887, %swap3A_888], %mul3A_884 {strides = array<i32>} : memref<128x128xf32, #tpu.memory_space<vmem>>, vector<16xf32>,
            %add3A_890 = arith.constant 7 : i32
            %add3A_891 = arith.addi %mul3A_171, %add3A_890 : i32
            %get3A_892 = arith.index_cast %add3A_891 : i32 to index
            %get3A_893 = arith.constant 96 : index
            %get3A_894 = tpu.vector_load %arg19[%get3A_892, %get3A_893] {strides = array<i32>} : memref<128x128xf32, #tpu.memory_space<vmem>>, vector<16xf32>,
            %mul3A_895 = arith.mulf %get3A_894, %gather3A_209 : vector<16xf32>
            %add3A_896 = arith.constant 7 : i32
            %add3A_897 = arith.addi %mul3A_171, %add3A_896 : i32
            %swap3A_898 = arith.index_cast %add3A_897 : i32 to index
            %swap3A_899 = arith.constant 96 : index
            %swap3A_900 = tpu.vector_load %arg19[%swap3A_898, %swap3A_899] {strides = array<i32>} : memref<128x128xf32, #tpu.memory_space<vmem>>, vector<16xf32>,
            tpu.vector_store %arg19[%swap3A_898, %swap3A_899], %mul3A_895 {strides = array<i32>} : memref<128x128xf32, #tpu.memory_space<vmem>>, vector<16xf32>,
            %add3A_901 = arith.constant 7 : i32
            %add3A_902 = arith.addi %mul3A_171, %add3A_901 : i32
            %get3A_903 = arith.index_cast %add3A_902 : i32 to index
            %get3A_904 = arith.constant 112 : index
            %get3A_905 = tpu.vector_load %arg19[%get3A_903, %get3A_904] {strides = array<i32>} : memref<128x128xf32, #tpu.memory_space<vmem>>, vector<16xf32>,
            %mul3A_906 = arith.mulf %get3A_905, %gather3A_209 : vector<16xf32>
            %add3A_907 = arith.constant 7 : i32
            %add3A_908 = arith.addi %mul3A_171, %add3A_907 : i32
            %swap3A_909 = arith.index_cast %add3A_908 : i32 to index
            %swap3A_910 = arith.constant 112 : index
            %swap3A_911 = tpu.vector_load %arg19[%swap3A_909, %swap3A_910] {strides = array<i32>} : memref<128x128xf32, #tpu.memory_space<vmem>>, vector<16xf32>,
            tpu.vector_store %arg19[%swap3A_909, %swap3A_910], %mul3A_906 {strides = array<i32>} : memref<128x128xf32, #tpu.memory_space<vmem>>, vector<16xf32>,
            %scan3A_912 = arith.constant 0 : i32
            scf.yield %scan3A_912 : i32
          }
          %scan3A_166 = arith.constant 16 : i32
          "tpu.region"() ({
            %run_scoped3A = tpu.sem_alloc : memref<!tpu.dma_semaphore, #tpu.memory_space<semaphore_mem>>
            %dma_start3A_168 = arith.constant 0 : i32
            %dma_start3A_169 = tpu.memref_slice %arg12[%while3A_145, %dma_start3A_168] : memref<16x128xi32, #tpu.memory_space<vmem>> -> memref<1x128xi32, #tpu.memory_space<vmem>>
            %dma_start3A_170 = tpu.memref_squeeze %dma_start3A_169 : memref<1x128xi32, #tpu.memory_space<vmem>> -> memref<128xi32, #tpu.memory_space<vmem>>
            %dma_start3A_171 = arith.constant 0 : i32
            %dma_start3A_172 = arith.constant 0 : i32
            %dma_start3A_173 = tpu.memref_slice %arg20[%dma_start3A_171, %dma_start3A_172] : memref<2048x128xf32, #tpu.memory_space<vmem_shared>> -> memref<2048x128xf32, #tpu.memory_space<vmem_shared>>
            tpu.enqueue_indirect_dma source(%arg19 : memref<128x128xf32, #tpu.memory_space<vmem>>) target(%dma_start3A_173 : memref<2048x128xf32, #tpu.memory_space<vmem_shared>>) offsets(%dma_start3A_170 : memref<128xi32, #tpu.memory_space<vmem>>) semaphore(%run_scoped3A : memref<!tpu.dma_semaphore, #tpu.memory_space<semaphore_mem>>) {add = true}
            %dma_wait3A_174 = arith.constant 0 : i32
            %dma_wait3A_175 = tpu.memref_slice %arg12[%while3A_145, %dma_wait3A_174] : memref<16x128xi32, #tpu.memory_space<vmem>> -> memref<1x128xi32, #tpu.memory_space<vmem>>
            %dma_wait3A_176 = tpu.memref_squeeze %dma_wait3A_175 : memref<1x128xi32, #tpu.memory_space<vmem>> -> memref<128xi32, #tpu.memory_space<vmem>>
            %dma_wait3A_177 = arith.constant 0 : i32
            %dma_wait3A_178 = arith.constant 0 : i32
            %dma_wait3A_179 = tpu.memref_slice %arg20[%dma_wait3A_177, %dma_wait3A_178] : memref<2048x128xf32, #tpu.memory_space<vmem_shared>> -> memref<2048x128xf32, #tpu.memory_space<vmem_shared>>
            tpu.wait_indirect_dma semaphore(%run_scoped3A : memref<!tpu.dma_semaphore, #tpu.memory_space<semaphore_mem>>) src(%arg19 : memref<128x128xf32, #tpu.memory_space<vmem>>) dst(%dma_wait3A_179 : memref<2048x128xf32, #tpu.memory_space<vmem_shared>>)
            tpu.yield
          }) : () -> ()
          %while3A_167 = arith.constant 0 : i32
          scf.yield %while3A_167 : i32
        }
        %while3A_142 = arith.constant 1 : i32
        %while3A_143 = scf.for %while3A_145 = %while3A_139 to %while3A_135 step %while3A_142 iter_args(%while3A_146 = %while3A_141) -> (i32)  : i32 {
          %dma_start3A = arith.constant 0 : i32
          %dma_start3A_147 = tpu.memref_slice %arg13[%while3A_145, %dma_start3A] : memref<16x128xi32, #tpu.memory_space<vmem>> -> memref<1x128xi32, #tpu.memory_space<vmem>>
          %dma_start3A_148 = tpu.memref_squeeze %dma_start3A_147 : memref<1x128xi32, #tpu.memory_space<vmem>> -> memref<128xi32, #tpu.memory_space<vmem>>
          %dma_start3A_149 = arith.constant 0 : i32
          %dma_start3A_150 = arith.constant 0 : i32
          %dma_start3A_151 = tpu.memref_slice %arg2[%dma_start3A_149, %dma_start3A_150] : memref<20000x128xf32, #tpu.memory_space<hbm>> -> memref<20000x128xf32, #tpu.memory_space<hbm>>
          tpu.enqueue_indirect_dma source(%dma_start3A_151 : memref<20000x128xf32, #tpu.memory_space<hbm>>) target(%arg19 : memref<128x128xf32, #tpu.memory_space<vmem>>) offsets(%dma_start3A_148 : memref<128xi32, #tpu.memory_space<vmem>>) semaphore(%arg21 : memref<!tpu.dma_semaphore, #tpu.memory_space<semaphore_mem>>)
          %dma_wait3A = arith.constant 0 : i32
          %dma_wait3A_152 = tpu.memref_slice %arg13[%while3A_145, %dma_wait3A] : memref<16x128xi32, #tpu.memory_space<vmem>> -> memref<1x128xi32, #tpu.memory_space<vmem>>
          %dma_wait3A_153 = tpu.memref_squeeze %dma_wait3A_152 : memref<1x128xi32, #tpu.memory_space<vmem>> -> memref<128xi32, #tpu.memory_space<vmem>>
          %dma_wait3A_154 = arith.constant 0 : i32
          %dma_wait3A_155 = arith.constant 0 : i32
          %dma_wait3A_156 = tpu.memref_slice %arg2[%dma_wait3A_154, %dma_wait3A_155] : memref<20000x128xf32, #tpu.memory_space<hbm>> -> memref<20000x128xf32, #tpu.memory_space<hbm>>
          tpu.wait_indirect_dma semaphore(%arg21 : memref<!tpu.dma_semaphore, #tpu.memory_space<semaphore_mem>>) src(%dma_wait3A_156 : memref<20000x128xf32, #tpu.memory_space<hbm>>) dst(%arg19 : memref<128x128xf32, #tpu.memory_space<vmem>>)
          %add3A_157 = arith.addi %mul3A_117, %while3A_145 : i32
          %mul3A_158 = arith.constant 128 : i32
          %mul3A_159 = arith.muli %add3A_157, %mul3A_158 : i32
          %scan3A_160 = arith.constant 0 : i32
          %scan3A_161 = arith.constant 0 : i32
          %scan3A_162 = arith.constant 16 : i32
          %scan3A_163 = arith.addi %scan3A_161, %scan3A_162 : i32
          %scan3A_164 = arith.constant 1 : i32
          %scan3A_165 = scf.for %scan3A_168 = %scan3A_161 to %scan3A_163 step %scan3A_164 iter_args(%scan3A_169 = %scan3A_160) -> (i32)  : i32 {
            %mul3A_170 = arith.constant 8 : i32
            %mul3A_171 = arith.muli %scan3A_168, %mul3A_170 : i32
            %add3A_172 = arith.addi %mul3A_159, %mul3A_171 : i32
            %add3A_173 = arith.constant 0 : i32
            %add3A_174 = arith.addi %add3A_172, %add3A_173 : i32
            %broadcast_in_dim3A = vector.broadcast %add3A_174 : i32 to vector<16xi32>
            %gather3A = tpu.vector_load_idx %arg15[%broadcast_in_dim3A] : memref<10368xf32, #tpu.memory_space<vmem>>[vector<16xi32>], vector<16xf32>,
            %add3A_175 = arith.addi %mul3A_159, %mul3A_171 : i32
            %add3A_176 = arith.constant 1 : i32
            %add3A_177 = arith.addi %add3A_175, %add3A_176 : i32
            %broadcast_in_dim3A_178 = vector.broadcast %add3A_177 : i32 to vector<16xi32>
            %gather3A_179 = tpu.vector_load_idx %arg15[%broadcast_in_dim3A_178] : memref<10368xf32, #tpu.memory_space<vmem>>[vector<16xi32>], vector<16xf32>,
            %add3A_180 = arith.addi %mul3A_159, %mul3A_171 : i32
            %add3A_181 = arith.constant 2 : i32
            %add3A_182 = arith.addi %add3A_180, %add3A_181 : i32
            %broadcast_in_dim3A_183 = vector.broadcast %add3A_182 : i32 to vector<16xi32>
            %gather3A_184 = tpu.vector_load_idx %arg15[%broadcast_in_dim3A_183] : memref<10368xf32, #tpu.memory_space<vmem>>[vector<16xi32>], vector<16xf32>,
            %add3A_185 = arith.addi %mul3A_159, %mul3A_171 : i32
            %add3A_186 = arith.constant 3 : i32
            %add3A_187 = arith.addi %add3A_185, %add3A_186 : i32
            %broadcast_in_dim3A_188 = vector.broadcast %add3A_187 : i32 to vector<16xi32>
            %gather3A_189 = tpu.vector_load_idx %arg15[%broadcast_in_dim3A_188] : memref<10368xf32, #tpu.memory_space<vmem>>[vector<16xi32>], vector<16xf32>,
            %add3A_190 = arith.addi %mul3A_159, %mul3A_171 : i32
            %add3A_191 = arith.constant 4 : i32
            %add3A_192 = arith.addi %add3A_190, %add3A_191 : i32
            %broadcast_in_dim3A_193 = vector.broadcast %add3A_192 : i32 to vector<16xi32>
            %gather3A_194 = tpu.vector_load_idx %arg15[%broadcast_in_dim3A_193] : memref<10368xf32, #tpu.memory_space<vmem>>[vector<16xi32>], vector<16xf32>,
            %add3A_195 = arith.addi %mul3A_159, %mul3A_171 : i32
            %add3A_196 = arith.constant 5 : i32
            %add3A_197 = arith.addi %add3A_195, %add3A_196 : i32
            %broadcast_in_dim3A_198 = vector.broadcast %add3A_197 : i32 to vector<16xi32>
            %gather3A_199 = tpu.vector_load_idx %arg15[%broadcast_in_dim3A_198] : memref<10368xf32, #tpu.memory_space<vmem>>[vector<16xi32>], vector<16xf32>,
            %add3A_200 = arith.addi %mul3A_159, %mul3A_171 : i32
            %add3A_201 = arith.constant 6 : i32
            %add3A_202 = arith.addi %add3A_200, %add3A_201 : i32
            %broadcast_in_dim3A_203 = vector.broadcast %add3A_202 : i32 to vector<16xi32>
            %gather3A_204 = tpu.vector_load_idx %arg15[%broadcast_in_dim3A_203] : memref<10368xf32, #tpu.memory_space<vmem>>[vector<16xi32>], vector<16xf32>,
            %add3A_205 = arith.addi %mul3A_159, %mul3A_171 : i32
            %add3A_206 = arith.constant 7 : i32
            %add3A_207 = arith.addi %add3A_205, %add3A_206 : i32
            %broadcast_in_dim3A_208 = vector.broadcast %add3A_207 : i32 to vector<16xi32>
            %gather3A_209 = tpu.vector_load_idx %arg15[%broadcast_in_dim3A_208] : memref<10368xf32, #tpu.memory_space<vmem>>[vector<16xi32>], vector<16xf32>,
            %add3A_210 = arith.constant 0 : i32
            %add3A_211 = arith.addi %mul3A_171, %add3A_210 : i32
            %get3A = arith.index_cast %add3A_211 : i32 to index
            %get3A_212 = arith.constant 0 : index
            %get3A_213 = tpu.vector_load %arg19[%get3A, %get3A_212] {strides = array<i32>} : memref<128x128xf32, #tpu.memory_space<vmem>>, vector<16xf32>,
            %mul3A_214 = arith.mulf %get3A_213, %gather3A : vector<16xf32>
            %add3A_215 = arith.constant 0 : i32
            %add3A_216 = arith.addi %mul3A_171, %add3A_215 : i32
            %swap3A = arith.index_cast %add3A_216 : i32 to index
            %swap3A_217 = arith.constant 0 : index
            %swap3A_218 = tpu.vector_load %arg19[%swap3A, %swap3A_217] {strides = array<i32>} : memref<128x128xf32, #tpu.memory_space<vmem>>, vector<16xf32>,
            tpu.vector_store %arg19[%swap3A, %swap3A_217], %mul3A_214 {strides = array<i32>} : memref<128x128xf32, #tpu.memory_space<vmem>>, vector<16xf32>,
            %add3A_219 = arith.constant 0 : i32
            %add3A_220 = arith.addi %mul3A_171, %add3A_219 : i32
            %get3A_221 = arith.index_cast %add3A_220 : i32 to index
            %get3A_222 = arith.constant 16 : index
            %get3A_223 = tpu.vector_load %arg19[%get3A_221, %get3A_222] {strides = array<i32>} : memref<128x128xf32, #tpu.memory_space<vmem>>, vector<16xf32>,
            %mul3A_224 = arith.mulf %get3A_223, %gather3A : vector<16xf32>
            %add3A_225 = arith.constant 0 : i32
            %add3A_226 = arith.addi %mul3A_171, %add3A_225 : i32
            %swap3A_227 = arith.index_cast %add3A_226 : i32 to index
            %swap3A_228 = arith.constant 16 : index
            %swap3A_229 = tpu.vector_load %arg19[%swap3A_227, %swap3A_228] {strides = array<i32>} : memref<128x128xf32, #tpu.memory_space<vmem>>, vector<16xf32>,
            tpu.vector_store %arg19[%swap3A_227, %swap3A_228], %mul3A_224 {strides = array<i32>} : memref<128x128xf32, #tpu.memory_space<vmem>>, vector<16xf32>,
            %add3A_230 = arith.constant 0 : i32
            %add3A_231 = arith.addi %mul3A_171, %add3A_230 : i32
            %get3A_232 = arith.index_cast %add3A_231 : i32 to index
            %get3A_233 = arith.constant 32 : index
            %get3A_234 = tpu.vector_load %arg19[%get3A_232, %get3A_233] {strides = array<i32>} : memref<128x128xf32, #tpu.memory_space<vmem>>, vector<16xf32>,
            %mul3A_235 = arith.mulf %get3A_234, %gather3A : vector<16xf32>
            %add3A_236 = arith.constant 0 : i32
            %add3A_237 = arith.addi %mul3A_171, %add3A_236 : i32
            %swap3A_238 = arith.index_cast %add3A_237 : i32 to index
            %swap3A_239 = arith.constant 32 : index
            %swap3A_240 = tpu.vector_load %arg19[%swap3A_238, %swap3A_239] {strides = array<i32>} : memref<128x128xf32, #tpu.memory_space<vmem>>, vector<16xf32>,
            tpu.vector_store %arg19[%swap3A_238, %swap3A_239], %mul3A_235 {strides = array<i32>} : memref<128x128xf32, #tpu.memory_space<vmem>>, vector<16xf32>,
            %add3A_241 = arith.constant 0 : i32
            %add3A_242 = arith.addi %mul3A_171, %add3A_241 : i32
            %get3A_243 = arith.index_cast %add3A_242 : i32 to index
            %get3A_244 = arith.constant 48 : index
            %get3A_245 = tpu.vector_load %arg19[%get3A_243, %get3A_244] {strides = array<i32>} : memref<128x128xf32, #tpu.memory_space<vmem>>, vector<16xf32>,
            %mul3A_246 = arith.mulf %get3A_245, %gather3A : vector<16xf32>
            %add3A_247 = arith.constant 0 : i32
            %add3A_248 = arith.addi %mul3A_171, %add3A_247 : i32
            %swap3A_249 = arith.index_cast %add3A_248 : i32 to index
            %swap3A_250 = arith.constant 48 : index
            %swap3A_251 = tpu.vector_load %arg19[%swap3A_249, %swap3A_250] {strides = array<i32>} : memref<128x128xf32, #tpu.memory_space<vmem>>, vector<16xf32>,
            tpu.vector_store %arg19[%swap3A_249, %swap3A_250], %mul3A_246 {strides = array<i32>} : memref<128x128xf32, #tpu.memory_space<vmem>>, vector<16xf32>,
            %add3A_252 = arith.constant 0 : i32
            %add3A_253 = arith.addi %mul3A_171, %add3A_252 : i32
            %get3A_254 = arith.index_cast %add3A_253 : i32 to index
            %get3A_255 = arith.constant 64 : index
            %get3A_256 = tpu.vector_load %arg19[%get3A_254, %get3A_255] {strides = array<i32>} : memref<128x128xf32, #tpu.memory_space<vmem>>, vector<16xf32>,
            %mul3A_257 = arith.mulf %get3A_256, %gather3A : vector<16xf32>
            %add3A_258 = arith.constant 0 : i32
            %add3A_259 = arith.addi %mul3A_171, %add3A_258 : i32
            %swap3A_260 = arith.index_cast %add3A_259 : i32 to index
            %swap3A_261 = arith.constant 64 : index
            %swap3A_262 = tpu.vector_load %arg19[%swap3A_260, %swap3A_261] {strides = array<i32>} : memref<128x128xf32, #tpu.memory_space<vmem>>, vector<16xf32>,
            tpu.vector_store %arg19[%swap3A_260, %swap3A_261], %mul3A_257 {strides = array<i32>} : memref<128x128xf32, #tpu.memory_space<vmem>>, vector<16xf32>,
            %add3A_263 = arith.constant 0 : i32
            %add3A_264 = arith.addi %mul3A_171, %add3A_263 : i32
            %get3A_265 = arith.index_cast %add3A_264 : i32 to index
            %get3A_266 = arith.constant 80 : index
            %get3A_267 = tpu.vector_load %arg19[%get3A_265, %get3A_266] {strides = array<i32>} : memref<128x128xf32, #tpu.memory_space<vmem>>, vector<16xf32>,
            %mul3A_268 = arith.mulf %get3A_267, %gather3A : vector<16xf32>
            %add3A_269 = arith.constant 0 : i32
            %add3A_270 = arith.addi %mul3A_171, %add3A_269 : i32
            %swap3A_271 = arith.index_cast %add3A_270 : i32 to index
            %swap3A_272 = arith.constant 80 : index
            %swap3A_273 = tpu.vector_load %arg19[%swap3A_271, %swap3A_272] {strides = array<i32>} : memref<128x128xf32, #tpu.memory_space<vmem>>, vector<16xf32>,
            tpu.vector_store %arg19[%swap3A_271, %swap3A_272], %mul3A_268 {strides = array<i32>} : memref<128x128xf32, #tpu.memory_space<vmem>>, vector<16xf32>,
            %add3A_274 = arith.constant 0 : i32
            %add3A_275 = arith.addi %mul3A_171, %add3A_274 : i32
            %get3A_276 = arith.index_cast %add3A_275 : i32 to index
            %get3A_277 = arith.constant 96 : index
            %get3A_278 = tpu.vector_load %arg19[%get3A_276, %get3A_277] {strides = array<i32>} : memref<128x128xf32, #tpu.memory_space<vmem>>, vector<16xf32>,
            %mul3A_279 = arith.mulf %get3A_278, %gather3A : vector<16xf32>
            %add3A_280 = arith.constant 0 : i32
            %add3A_281 = arith.addi %mul3A_171, %add3A_280 : i32
            %swap3A_282 = arith.index_cast %add3A_281 : i32 to index
            %swap3A_283 = arith.constant 96 : index
            %swap3A_284 = tpu.vector_load %arg19[%swap3A_282, %swap3A_283] {strides = array<i32>} : memref<128x128xf32, #tpu.memory_space<vmem>>, vector<16xf32>,
            tpu.vector_store %arg19[%swap3A_282, %swap3A_283], %mul3A_279 {strides = array<i32>} : memref<128x128xf32, #tpu.memory_space<vmem>>, vector<16xf32>,
            %add3A_285 = arith.constant 0 : i32
            %add3A_286 = arith.addi %mul3A_171, %add3A_285 : i32
            %get3A_287 = arith.index_cast %add3A_286 : i32 to index
            %get3A_288 = arith.constant 112 : index
            %get3A_289 = tpu.vector_load %arg19[%get3A_287, %get3A_288] {strides = array<i32>} : memref<128x128xf32, #tpu.memory_space<vmem>>, vector<16xf32>,
            %mul3A_290 = arith.mulf %get3A_289, %gather3A : vector<16xf32>
            %add3A_291 = arith.constant 0 : i32
            %add3A_292 = arith.addi %mul3A_171, %add3A_291 : i32
            %swap3A_293 = arith.index_cast %add3A_292 : i32 to index
            %swap3A_294 = arith.constant 112 : index
            %swap3A_295 = tpu.vector_load %arg19[%swap3A_293, %swap3A_294] {strides = array<i32>} : memref<128x128xf32, #tpu.memory_space<vmem>>, vector<16xf32>,
            tpu.vector_store %arg19[%swap3A_293, %swap3A_294], %mul3A_290 {strides = array<i32>} : memref<128x128xf32, #tpu.memory_space<vmem>>, vector<16xf32>,
            %add3A_296 = arith.constant 1 : i32
            %add3A_297 = arith.addi %mul3A_171, %add3A_296 : i32
            %get3A_298 = arith.index_cast %add3A_297 : i32 to index
            %get3A_299 = arith.constant 0 : index
            %get3A_300 = tpu.vector_load %arg19[%get3A_298, %get3A_299] {strides = array<i32>} : memref<128x128xf32, #tpu.memory_space<vmem>>, vector<16xf32>,
            %mul3A_301 = arith.mulf %get3A_300, %gather3A_179 : vector<16xf32>
            %add3A_302 = arith.constant 1 : i32
            %add3A_303 = arith.addi %mul3A_171, %add3A_302 : i32
            %swap3A_304 = arith.index_cast %add3A_303 : i32 to index
            %swap3A_305 = arith.constant 0 : index
            %swap3A_306 = tpu.vector_load %arg19[%swap3A_304, %swap3A_305] {strides = array<i32>} : memref<128x128xf32, #tpu.memory_space<vmem>>, vector<16xf32>,
            tpu.vector_store %arg19[%swap3A_304, %swap3A_305], %mul3A_301 {strides = array<i32>} : memref<128x128xf32, #tpu.memory_space<vmem>>, vector<16xf32>,
            %add3A_307 = arith.constant 1 : i32
            %add3A_308 = arith.addi %mul3A_171, %add3A_307 : i32
            %get3A_309 = arith.index_cast %add3A_308 : i32 to index
            %get3A_310 = arith.constant 16 : index
            %get3A_311 = tpu.vector_load %arg19[%get3A_309, %get3A_310] {strides = array<i32>} : memref<128x128xf32, #tpu.memory_space<vmem>>, vector<16xf32>,
            %mul3A_312 = arith.mulf %get3A_311, %gather3A_179 : vector<16xf32>
            %add3A_313 = arith.constant 1 : i32
            %add3A_314 = arith.addi %mul3A_171, %add3A_313 : i32
            %swap3A_315 = arith.index_cast %add3A_314 : i32 to index
            %swap3A_316 = arith.constant 16 : index
            %swap3A_317 = tpu.vector_load %arg19[%swap3A_315, %swap3A_316] {strides = array<i32>} : memref<128x128xf32, #tpu.memory_space<vmem>>, vector<16xf32>,
            tpu.vector_store %arg19[%swap3A_315, %swap3A_316], %mul3A_312 {strides = array<i32>} : memref<128x128xf32, #tpu.memory_space<vmem>>, vector<16xf32>,
            %add3A_318 = arith.constant 1 : i32
            %add3A_319 = arith.addi %mul3A_171, %add3A_318 : i32
            %get3A_320 = arith.index_cast %add3A_319 : i32 to index
            %get3A_321 = arith.constant 32 : index
            %get3A_322 = tpu.vector_load %arg19[%get3A_320, %get3A_321] {strides = array<i32>} : memref<128x128xf32, #tpu.memory_space<vmem>>, vector<16xf32>,
            %mul3A_323 = arith.mulf %get3A_322, %gather3A_179 : vector<16xf32>
            %add3A_324 = arith.constant 1 : i32
            %add3A_325 = arith.addi %mul3A_171, %add3A_324 : i32
            %swap3A_326 = arith.index_cast %add3A_325 : i32 to index
            %swap3A_327 = arith.constant 32 : index
            %swap3A_328 = tpu.vector_load %arg19[%swap3A_326, %swap3A_327] {strides = array<i32>} : memref<128x128xf32, #tpu.memory_space<vmem>>, vector<16xf32>,
            tpu.vector_store %arg19[%swap3A_326, %swap3A_327], %mul3A_323 {strides = array<i32>} : memref<128x128xf32, #tpu.memory_space<vmem>>, vector<16xf32>,
            %add3A_329 = arith.constant 1 : i32
            %add3A_330 = arith.addi %mul3A_171, %add3A_329 : i32
            %get3A_331 = arith.index_cast %add3A_330 : i32 to index
            %get3A_332 = arith.constant 48 : index
            %get3A_333 = tpu.vector_load %arg19[%get3A_331, %get3A_332] {strides = array<i32>} : memref<128x128xf32, #tpu.memory_space<vmem>>, vector<16xf32>,
            %mul3A_334 = arith.mulf %get3A_333, %gather3A_179 : vector<16xf32>
            %add3A_335 = arith.constant 1 : i32
            %add3A_336 = arith.addi %mul3A_171, %add3A_335 : i32
            %swap3A_337 = arith.index_cast %add3A_336 : i32 to index
            %swap3A_338 = arith.constant 48 : index
            %swap3A_339 = tpu.vector_load %arg19[%swap3A_337, %swap3A_338] {strides = array<i32>} : memref<128x128xf32, #tpu.memory_space<vmem>>, vector<16xf32>,
            tpu.vector_store %arg19[%swap3A_337, %swap3A_338], %mul3A_334 {strides = array<i32>} : memref<128x128xf32, #tpu.memory_space<vmem>>, vector<16xf32>,
            %add3A_340 = arith.constant 1 : i32
            %add3A_341 = arith.addi %mul3A_171, %add3A_340 : i32
            %get3A_342 = arith.index_cast %add3A_341 : i32 to index
            %get3A_343 = arith.constant 64 : index
            %get3A_344 = tpu.vector_load %arg19[%get3A_342, %get3A_343] {strides = array<i32>} : memref<128x128xf32, #tpu.memory_space<vmem>>, vector<16xf32>,
            %mul3A_345 = arith.mulf %get3A_344, %gather3A_179 : vector<16xf32>
            %add3A_346 = arith.constant 1 : i32
            %add3A_347 = arith.addi %mul3A_171, %add3A_346 : i32
            %swap3A_348 = arith.index_cast %add3A_347 : i32 to index
            %swap3A_349 = arith.constant 64 : index
            %swap3A_350 = tpu.vector_load %arg19[%swap3A_348, %swap3A_349] {strides = array<i32>} : memref<128x128xf32, #tpu.memory_space<vmem>>, vector<16xf32>,
            tpu.vector_store %arg19[%swap3A_348, %swap3A_349], %mul3A_345 {strides = array<i32>} : memref<128x128xf32, #tpu.memory_space<vmem>>, vector<16xf32>,
            %add3A_351 = arith.constant 1 : i32
            %add3A_352 = arith.addi %mul3A_171, %add3A_351 : i32
            %get3A_353 = arith.index_cast %add3A_352 : i32 to index
            %get3A_354 = arith.constant 80 : index
            %get3A_355 = tpu.vector_load %arg19[%get3A_353, %get3A_354] {strides = array<i32>} : memref<128x128xf32, #tpu.memory_space<vmem>>, vector<16xf32>,
            %mul3A_356 = arith.mulf %get3A_355, %gather3A_179 : vector<16xf32>
            %add3A_357 = arith.constant 1 : i32
            %add3A_358 = arith.addi %mul3A_171, %add3A_357 : i32
            %swap3A_359 = arith.index_cast %add3A_358 : i32 to index
            %swap3A_360 = arith.constant 80 : index
            %swap3A_361 = tpu.vector_load %arg19[%swap3A_359, %swap3A_360] {strides = array<i32>} : memref<128x128xf32, #tpu.memory_space<vmem>>, vector<16xf32>,
            tpu.vector_store %arg19[%swap3A_359, %swap3A_360], %mul3A_356 {strides = array<i32>} : memref<128x128xf32, #tpu.memory_space<vmem>>, vector<16xf32>,
            %add3A_362 = arith.constant 1 : i32
            %add3A_363 = arith.addi %mul3A_171, %add3A_362 : i32
            %get3A_364 = arith.index_cast %add3A_363 : i32 to index
            %get3A_365 = arith.constant 96 : index
            %get3A_366 = tpu.vector_load %arg19[%get3A_364, %get3A_365] {strides = array<i32>} : memref<128x128xf32, #tpu.memory_space<vmem>>, vector<16xf32>,
            %mul3A_367 = arith.mulf %get3A_366, %gather3A_179 : vector<16xf32>
            %add3A_368 = arith.constant 1 : i32
            %add3A_369 = arith.addi %mul3A_171, %add3A_368 : i32
            %swap3A_370 = arith.index_cast %add3A_369 : i32 to index
            %swap3A_371 = arith.constant 96 : index
            %swap3A_372 = tpu.vector_load %arg19[%swap3A_370, %swap3A_371] {strides = array<i32>} : memref<128x128xf32, #tpu.memory_space<vmem>>, vector<16xf32>,
            tpu.vector_store %arg19[%swap3A_370, %swap3A_371], %mul3A_367 {strides = array<i32>} : memref<128x128xf32, #tpu.memory_space<vmem>>, vector<16xf32>,
            %add3A_373 = arith.constant 1 : i32
            %add3A_374 = arith.addi %mul3A_171, %add3A_373 : i32
            %get3A_375 = arith.index_cast %add3A_374 : i32 to index
            %get3A_376 = arith.constant 112 : index
            %get3A_377 = tpu.vector_load %arg19[%get3A_375, %get3A_376] {strides = array<i32>} : memref<128x128xf32, #tpu.memory_space<vmem>>, vector<16xf32>,
            %mul3A_378 = arith.mulf %get3A_377, %gather3A_179 : vector<16xf32>
            %add3A_379 = arith.constant 1 : i32
            %add3A_380 = arith.addi %mul3A_171, %add3A_379 : i32
            %swap3A_381 = arith.index_cast %add3A_380 : i32 to index
            %swap3A_382 = arith.constant 112 : index
            %swap3A_383 = tpu.vector_load %arg19[%swap3A_381, %swap3A_382] {strides = array<i32>} : memref<128x128xf32, #tpu.memory_space<vmem>>, vector<16xf32>,
            tpu.vector_store %arg19[%swap3A_381, %swap3A_382], %mul3A_378 {strides = array<i32>} : memref<128x128xf32, #tpu.memory_space<vmem>>, vector<16xf32>,
            %add3A_384 = arith.constant 2 : i32
            %add3A_385 = arith.addi %mul3A_171, %add3A_384 : i32
            %get3A_386 = arith.index_cast %add3A_385 : i32 to index
            %get3A_387 = arith.constant 0 : index
            %get3A_388 = tpu.vector_load %arg19[%get3A_386, %get3A_387] {strides = array<i32>} : memref<128x128xf32, #tpu.memory_space<vmem>>, vector<16xf32>,
            %mul3A_389 = arith.mulf %get3A_388, %gather3A_184 : vector<16xf32>
            %add3A_390 = arith.constant 2 : i32
            %add3A_391 = arith.addi %mul3A_171, %add3A_390 : i32
            %swap3A_392 = arith.index_cast %add3A_391 : i32 to index
            %swap3A_393 = arith.constant 0 : index
            %swap3A_394 = tpu.vector_load %arg19[%swap3A_392, %swap3A_393] {strides = array<i32>} : memref<128x128xf32, #tpu.memory_space<vmem>>, vector<16xf32>,
            tpu.vector_store %arg19[%swap3A_392, %swap3A_393], %mul3A_389 {strides = array<i32>} : memref<128x128xf32, #tpu.memory_space<vmem>>, vector<16xf32>,
            %add3A_395 = arith.constant 2 : i32
            %add3A_396 = arith.addi %mul3A_171, %add3A_395 : i32
            %get3A_397 = arith.index_cast %add3A_396 : i32 to index
            %get3A_398 = arith.constant 16 : index
            %get3A_399 = tpu.vector_load %arg19[%get3A_397, %get3A_398] {strides = array<i32>} : memref<128x128xf32, #tpu.memory_space<vmem>>, vector<16xf32>,
            %mul3A_400 = arith.mulf %get3A_399, %gather3A_184 : vector<16xf32>
            %add3A_401 = arith.constant 2 : i32
            %add3A_402 = arith.addi %mul3A_171, %add3A_401 : i32
            %swap3A_403 = arith.index_cast %add3A_402 : i32 to index
            %swap3A_404 = arith.constant 16 : index
            %swap3A_405 = tpu.vector_load %arg19[%swap3A_403, %swap3A_404] {strides = array<i32>} : memref<128x128xf32, #tpu.memory_space<vmem>>, vector<16xf32>,
            tpu.vector_store %arg19[%swap3A_403, %swap3A_404], %mul3A_400 {strides = array<i32>} : memref<128x128xf32, #tpu.memory_space<vmem>>, vector<16xf32>,
            %add3A_406 = arith.constant 2 : i32
            %add3A_407 = arith.addi %mul3A_171, %add3A_406 : i32
            %get3A_408 = arith.index_cast %add3A_407 : i32 to index
            %get3A_409 = arith.constant 32 : index
            %get3A_410 = tpu.vector_load %arg19[%get3A_408, %get3A_409] {strides = array<i32>} : memref<128x128xf32, #tpu.memory_space<vmem>>, vector<16xf32>,
            %mul3A_411 = arith.mulf %get3A_410, %gather3A_184 : vector<16xf32>
            %add3A_412 = arith.constant 2 : i32
            %add3A_413 = arith.addi %mul3A_171, %add3A_412 : i32
            %swap3A_414 = arith.index_cast %add3A_413 : i32 to index
            %swap3A_415 = arith.constant 32 : index
            %swap3A_416 = tpu.vector_load %arg19[%swap3A_414, %swap3A_415] {strides = array<i32>} : memref<128x128xf32, #tpu.memory_space<vmem>>, vector<16xf32>,
            tpu.vector_store %arg19[%swap3A_414, %swap3A_415], %mul3A_411 {strides = array<i32>} : memref<128x128xf32, #tpu.memory_space<vmem>>, vector<16xf32>,
            %add3A_417 = arith.constant 2 : i32
            %add3A_418 = arith.addi %mul3A_171, %add3A_417 : i32
            %get3A_419 = arith.index_cast %add3A_418 : i32 to index
            %get3A_420 = arith.constant 48 : index
            %get3A_421 = tpu.vector_load %arg19[%get3A_419, %get3A_420] {strides = array<i32>} : memref<128x128xf32, #tpu.memory_space<vmem>>, vector<16xf32>,
            %mul3A_422 = arith.mulf %get3A_421, %gather3A_184 : vector<16xf32>
            %add3A_423 = arith.constant 2 : i32
            %add3A_424 = arith.addi %mul3A_171, %add3A_423 : i32
            %swap3A_425 = arith.index_cast %add3A_424 : i32 to index
            %swap3A_426 = arith.constant 48 : index
            %swap3A_427 = tpu.vector_load %arg19[%swap3A_425, %swap3A_426] {strides = array<i32>} : memref<128x128xf32, #tpu.memory_space<vmem>>, vector<16xf32>,
            tpu.vector_store %arg19[%swap3A_425, %swap3A_426], %mul3A_422 {strides = array<i32>} : memref<128x128xf32, #tpu.memory_space<vmem>>, vector<16xf32>,
            %add3A_428 = arith.constant 2 : i32
            %add3A_429 = arith.addi %mul3A_171, %add3A_428 : i32
            %get3A_430 = arith.index_cast %add3A_429 : i32 to index
            %get3A_431 = arith.constant 64 : index
            %get3A_432 = tpu.vector_load %arg19[%get3A_430, %get3A_431] {strides = array<i32>} : memref<128x128xf32, #tpu.memory_space<vmem>>, vector<16xf32>,
            %mul3A_433 = arith.mulf %get3A_432, %gather3A_184 : vector<16xf32>
            %add3A_434 = arith.constant 2 : i32
            %add3A_435 = arith.addi %mul3A_171, %add3A_434 : i32
            %swap3A_436 = arith.index_cast %add3A_435 : i32 to index
            %swap3A_437 = arith.constant 64 : index
            %swap3A_438 = tpu.vector_load %arg19[%swap3A_436, %swap3A_437] {strides = array<i32>} : memref<128x128xf32, #tpu.memory_space<vmem>>, vector<16xf32>,
            tpu.vector_store %arg19[%swap3A_436, %swap3A_437], %mul3A_433 {strides = array<i32>} : memref<128x128xf32, #tpu.memory_space<vmem>>, vector<16xf32>,
            %add3A_439 = arith.constant 2 : i32
            %add3A_440 = arith.addi %mul3A_171, %add3A_439 : i32
            %get3A_441 = arith.index_cast %add3A_440 : i32 to index
            %get3A_442 = arith.constant 80 : index
            %get3A_443 = tpu.vector_load %arg19[%get3A_441, %get3A_442] {strides = array<i32>} : memref<128x128xf32, #tpu.memory_space<vmem>>, vector<16xf32>,
            %mul3A_444 = arith.mulf %get3A_443, %gather3A_184 : vector<16xf32>
            %add3A_445 = arith.constant 2 : i32
            %add3A_446 = arith.addi %mul3A_171, %add3A_445 : i32
            %swap3A_447 = arith.index_cast %add3A_446 : i32 to index
            %swap3A_448 = arith.constant 80 : index
            %swap3A_449 = tpu.vector_load %arg19[%swap3A_447, %swap3A_448] {strides = array<i32>} : memref<128x128xf32, #tpu.memory_space<vmem>>, vector<16xf32>,
            tpu.vector_store %arg19[%swap3A_447, %swap3A_448], %mul3A_444 {strides = array<i32>} : memref<128x128xf32, #tpu.memory_space<vmem>>, vector<16xf32>,
            %add3A_450 = arith.constant 2 : i32
            %add3A_451 = arith.addi %mul3A_171, %add3A_450 : i32
            %get3A_452 = arith.index_cast %add3A_451 : i32 to index
            %get3A_453 = arith.constant 96 : index
            %get3A_454 = tpu.vector_load %arg19[%get3A_452, %get3A_453] {strides = array<i32>} : memref<128x128xf32, #tpu.memory_space<vmem>>, vector<16xf32>,
            %mul3A_455 = arith.mulf %get3A_454, %gather3A_184 : vector<16xf32>
            %add3A_456 = arith.constant 2 : i32
            %add3A_457 = arith.addi %mul3A_171, %add3A_456 : i32
            %swap3A_458 = arith.index_cast %add3A_457 : i32 to index
            %swap3A_459 = arith.constant 96 : index
            %swap3A_460 = tpu.vector_load %arg19[%swap3A_458, %swap3A_459] {strides = array<i32>} : memref<128x128xf32, #tpu.memory_space<vmem>>, vector<16xf32>,
            tpu.vector_store %arg19[%swap3A_458, %swap3A_459], %mul3A_455 {strides = array<i32>} : memref<128x128xf32, #tpu.memory_space<vmem>>, vector<16xf32>,
            %add3A_461 = arith.constant 2 : i32
            %add3A_462 = arith.addi %mul3A_171, %add3A_461 : i32
            %get3A_463 = arith.index_cast %add3A_462 : i32 to index
            %get3A_464 = arith.constant 112 : index
            %get3A_465 = tpu.vector_load %arg19[%get3A_463, %get3A_464] {strides = array<i32>} : memref<128x128xf32, #tpu.memory_space<vmem>>, vector<16xf32>,
            %mul3A_466 = arith.mulf %get3A_465, %gather3A_184 : vector<16xf32>
            %add3A_467 = arith.constant 2 : i32
            %add3A_468 = arith.addi %mul3A_171, %add3A_467 : i32
            %swap3A_469 = arith.index_cast %add3A_468 : i32 to index
            %swap3A_470 = arith.constant 112 : index
            %swap3A_471 = tpu.vector_load %arg19[%swap3A_469, %swap3A_470] {strides = array<i32>} : memref<128x128xf32, #tpu.memory_space<vmem>>, vector<16xf32>,
            tpu.vector_store %arg19[%swap3A_469, %swap3A_470], %mul3A_466 {strides = array<i32>} : memref<128x128xf32, #tpu.memory_space<vmem>>, vector<16xf32>,
            %add3A_472 = arith.constant 3 : i32
            %add3A_473 = arith.addi %mul3A_171, %add3A_472 : i32
            %get3A_474 = arith.index_cast %add3A_473 : i32 to index
            %get3A_475 = arith.constant 0 : index
            %get3A_476 = tpu.vector_load %arg19[%get3A_474, %get3A_475] {strides = array<i32>} : memref<128x128xf32, #tpu.memory_space<vmem>>, vector<16xf32>,
            %mul3A_477 = arith.mulf %get3A_476, %gather3A_189 : vector<16xf32>
            %add3A_478 = arith.constant 3 : i32
            %add3A_479 = arith.addi %mul3A_171, %add3A_478 : i32
            %swap3A_480 = arith.index_cast %add3A_479 : i32 to index
            %swap3A_481 = arith.constant 0 : index
            %swap3A_482 = tpu.vector_load %arg19[%swap3A_480, %swap3A_481] {strides = array<i32>} : memref<128x128xf32, #tpu.memory_space<vmem>>, vector<16xf32>,
            tpu.vector_store %arg19[%swap3A_480, %swap3A_481], %mul3A_477 {strides = array<i32>} : memref<128x128xf32, #tpu.memory_space<vmem>>, vector<16xf32>,
            %add3A_483 = arith.constant 3 : i32
            %add3A_484 = arith.addi %mul3A_171, %add3A_483 : i32
            %get3A_485 = arith.index_cast %add3A_484 : i32 to index
            %get3A_486 = arith.constant 16 : index
            %get3A_487 = tpu.vector_load %arg19[%get3A_485, %get3A_486] {strides = array<i32>} : memref<128x128xf32, #tpu.memory_space<vmem>>, vector<16xf32>,
            %mul3A_488 = arith.mulf %get3A_487, %gather3A_189 : vector<16xf32>
            %add3A_489 = arith.constant 3 : i32
            %add3A_490 = arith.addi %mul3A_171, %add3A_489 : i32
            %swap3A_491 = arith.index_cast %add3A_490 : i32 to index
            %swap3A_492 = arith.constant 16 : index
            %swap3A_493 = tpu.vector_load %arg19[%swap3A_491, %swap3A_492] {strides = array<i32>} : memref<128x128xf32, #tpu.memory_space<vmem>>, vector<16xf32>,
            tpu.vector_store %arg19[%swap3A_491, %swap3A_492], %mul3A_488 {strides = array<i32>} : memref<128x128xf32, #tpu.memory_space<vmem>>, vector<16xf32>,
            %add3A_494 = arith.constant 3 : i32
            %add3A_495 = arith.addi %mul3A_171, %add3A_494 : i32
            %get3A_496 = arith.index_cast %add3A_495 : i32 to index
            %get3A_497 = arith.constant 32 : index
            %get3A_498 = tpu.vector_load %arg19[%get3A_496, %get3A_497] {strides = array<i32>} : memref<128x128xf32, #tpu.memory_space<vmem>>, vector<16xf32>,
            %mul3A_499 = arith.mulf %get3A_498, %gather3A_189 : vector<16xf32>
            %add3A_500 = arith.constant 3 : i32
            %add3A_501 = arith.addi %mul3A_171, %add3A_500 : i32
            %swap3A_502 = arith.index_cast %add3A_501 : i32 to index
            %swap3A_503 = arith.constant 32 : index
            %swap3A_504 = tpu.vector_load %arg19[%swap3A_502, %swap3A_503] {strides = array<i32>} : memref<128x128xf32, #tpu.memory_space<vmem>>, vector<16xf32>,
            tpu.vector_store %arg19[%swap3A_502, %swap3A_503], %mul3A_499 {strides = array<i32>} : memref<128x128xf32, #tpu.memory_space<vmem>>, vector<16xf32>,
            %add3A_505 = arith.constant 3 : i32
            %add3A_506 = arith.addi %mul3A_171, %add3A_505 : i32
            %get3A_507 = arith.index_cast %add3A_506 : i32 to index
            %get3A_508 = arith.constant 48 : index
            %get3A_509 = tpu.vector_load %arg19[%get3A_507, %get3A_508] {strides = array<i32>} : memref<128x128xf32, #tpu.memory_space<vmem>>, vector<16xf32>,
            %mul3A_510 = arith.mulf %get3A_509, %gather3A_189 : vector<16xf32>
            %add3A_511 = arith.constant 3 : i32
            %add3A_512 = arith.addi %mul3A_171, %add3A_511 : i32
            %swap3A_513 = arith.index_cast %add3A_512 : i32 to index
            %swap3A_514 = arith.constant 48 : index
            %swap3A_515 = tpu.vector_load %arg19[%swap3A_513, %swap3A_514] {strides = array<i32>} : memref<128x128xf32, #tpu.memory_space<vmem>>, vector<16xf32>,
            tpu.vector_store %arg19[%swap3A_513, %swap3A_514], %mul3A_510 {strides = array<i32>} : memref<128x128xf32, #tpu.memory_space<vmem>>, vector<16xf32>,
            %add3A_516 = arith.constant 3 : i32
            %add3A_517 = arith.addi %mul3A_171, %add3A_516 : i32
            %get3A_518 = arith.index_cast %add3A_517 : i32 to index
            %get3A_519 = arith.constant 64 : index
            %get3A_520 = tpu.vector_load %arg19[%get3A_518, %get3A_519] {strides = array<i32>} : memref<128x128xf32, #tpu.memory_space<vmem>>, vector<16xf32>,
            %mul3A_521 = arith.mulf %get3A_520, %gather3A_189 : vector<16xf32>
            %add3A_522 = arith.constant 3 : i32
            %add3A_523 = arith.addi %mul3A_171, %add3A_522 : i32
            %swap3A_524 = arith.index_cast %add3A_523 : i32 to index
            %swap3A_525 = arith.constant 64 : index
            %swap3A_526 = tpu.vector_load %arg19[%swap3A_524, %swap3A_525] {strides = array<i32>} : memref<128x128xf32, #tpu.memory_space<vmem>>, vector<16xf32>,
            tpu.vector_store %arg19[%swap3A_524, %swap3A_525], %mul3A_521 {strides = array<i32>} : memref<128x128xf32, #tpu.memory_space<vmem>>, vector<16xf32>,
            %add3A_527 = arith.constant 3 : i32
            %add3A_528 = arith.addi %mul3A_171, %add3A_527 : i32
            %get3A_529 = arith.index_cast %add3A_528 : i32 to index
            %get3A_530 = arith.constant 80 : index
            %get3A_531 = tpu.vector_load %arg19[%get3A_529, %get3A_530] {strides = array<i32>} : memref<128x128xf32, #tpu.memory_space<vmem>>, vector<16xf32>,
            %mul3A_532 = arith.mulf %get3A_531, %gather3A_189 : vector<16xf32>
            %add3A_533 = arith.constant 3 : i32
            %add3A_534 = arith.addi %mul3A_171, %add3A_533 : i32
            %swap3A_535 = arith.index_cast %add3A_534 : i32 to index
            %swap3A_536 = arith.constant 80 : index
            %swap3A_537 = tpu.vector_load %arg19[%swap3A_535, %swap3A_536] {strides = array<i32>} : memref<128x128xf32, #tpu.memory_space<vmem>>, vector<16xf32>,
            tpu.vector_store %arg19[%swap3A_535, %swap3A_536], %mul3A_532 {strides = array<i32>} : memref<128x128xf32, #tpu.memory_space<vmem>>, vector<16xf32>,
            %add3A_538 = arith.constant 3 : i32
            %add3A_539 = arith.addi %mul3A_171, %add3A_538 : i32
            %get3A_540 = arith.index_cast %add3A_539 : i32 to index
            %get3A_541 = arith.constant 96 : index
            %get3A_542 = tpu.vector_load %arg19[%get3A_540, %get3A_541] {strides = array<i32>} : memref<128x128xf32, #tpu.memory_space<vmem>>, vector<16xf32>,
            %mul3A_543 = arith.mulf %get3A_542, %gather3A_189 : vector<16xf32>
            %add3A_544 = arith.constant 3 : i32
            %add3A_545 = arith.addi %mul3A_171, %add3A_544 : i32
            %swap3A_546 = arith.index_cast %add3A_545 : i32 to index
            %swap3A_547 = arith.constant 96 : index
            %swap3A_548 = tpu.vector_load %arg19[%swap3A_546, %swap3A_547] {strides = array<i32>} : memref<128x128xf32, #tpu.memory_space<vmem>>, vector<16xf32>,
            tpu.vector_store %arg19[%swap3A_546, %swap3A_547], %mul3A_543 {strides = array<i32>} : memref<128x128xf32, #tpu.memory_space<vmem>>, vector<16xf32>,
            %add3A_549 = arith.constant 3 : i32
            %add3A_550 = arith.addi %mul3A_171, %add3A_549 : i32
            %get3A_551 = arith.index_cast %add3A_550 : i32 to index
            %get3A_552 = arith.constant 112 : index
            %get3A_553 = tpu.vector_load %arg19[%get3A_551, %get3A_552] {strides = array<i32>} : memref<128x128xf32, #tpu.memory_space<vmem>>, vector<16xf32>,
            %mul3A_554 = arith.mulf %get3A_553, %gather3A_189 : vector<16xf32>
            %add3A_555 = arith.constant 3 : i32
            %add3A_556 = arith.addi %mul3A_171, %add3A_555 : i32
            %swap3A_557 = arith.index_cast %add3A_556 : i32 to index
            %swap3A_558 = arith.constant 112 : index
            %swap3A_559 = tpu.vector_load %arg19[%swap3A_557, %swap3A_558] {strides = array<i32>} : memref<128x128xf32, #tpu.memory_space<vmem>>, vector<16xf32>,
            tpu.vector_store %arg19[%swap3A_557, %swap3A_558], %mul3A_554 {strides = array<i32>} : memref<128x128xf32, #tpu.memory_space<vmem>>, vector<16xf32>,
            %add3A_560 = arith.constant 4 : i32
            %add3A_561 = arith.addi %mul3A_171, %add3A_560 : i32
            %get3A_562 = arith.index_cast %add3A_561 : i32 to index
            %get3A_563 = arith.constant 0 : index
            %get3A_564 = tpu.vector_load %arg19[%get3A_562, %get3A_563] {strides = array<i32>} : memref<128x128xf32, #tpu.memory_space<vmem>>, vector<16xf32>,
            %mul3A_565 = arith.mulf %get3A_564, %gather3A_194 : vector<16xf32>
            %add3A_566 = arith.constant 4 : i32
            %add3A_567 = arith.addi %mul3A_171, %add3A_566 : i32
            %swap3A_568 = arith.index_cast %add3A_567 : i32 to index
            %swap3A_569 = arith.constant 0 : index
            %swap3A_570 = tpu.vector_load %arg19[%swap3A_568, %swap3A_569] {strides = array<i32>} : memref<128x128xf32, #tpu.memory_space<vmem>>, vector<16xf32>,
            tpu.vector_store %arg19[%swap3A_568, %swap3A_569], %mul3A_565 {strides = array<i32>} : memref<128x128xf32, #tpu.memory_space<vmem>>, vector<16xf32>,
            %add3A_571 = arith.constant 4 : i32
            %add3A_572 = arith.addi %mul3A_171, %add3A_571 : i32
            %get3A_573 = arith.index_cast %add3A_572 : i32 to index
            %get3A_574 = arith.constant 16 : index
            %get3A_575 = tpu.vector_load %arg19[%get3A_573, %get3A_574] {strides = array<i32>} : memref<128x128xf32, #tpu.memory_space<vmem>>, vector<16xf32>,
            %mul3A_576 = arith.mulf %get3A_575, %gather3A_194 : vector<16xf32>
            %add3A_577 = arith.constant 4 : i32
            %add3A_578 = arith.addi %mul3A_171, %add3A_577 : i32
            %swap3A_579 = arith.index_cast %add3A_578 : i32 to index
            %swap3A_580 = arith.constant 16 : index
            %swap3A_581 = tpu.vector_load %arg19[%swap3A_579, %swap3A_580] {strides = array<i32>} : memref<128x128xf32, #tpu.memory_space<vmem>>, vector<16xf32>,
            tpu.vector_store %arg19[%swap3A_579, %swap3A_580], %mul3A_576 {strides = array<i32>} : memref<128x128xf32, #tpu.memory_space<vmem>>, vector<16xf32>,
            %add3A_582 = arith.constant 4 : i32
            %add3A_583 = arith.addi %mul3A_171, %add3A_582 : i32
            %get3A_584 = arith.index_cast %add3A_583 : i32 to index
            %get3A_585 = arith.constant 32 : index
            %get3A_586 = tpu.vector_load %arg19[%get3A_584, %get3A_585] {strides = array<i32>} : memref<128x128xf32, #tpu.memory_space<vmem>>, vector<16xf32>,
            %mul3A_587 = arith.mulf %get3A_586, %gather3A_194 : vector<16xf32>
            %add3A_588 = arith.constant 4 : i32
            %add3A_589 = arith.addi %mul3A_171, %add3A_588 : i32
            %swap3A_590 = arith.index_cast %add3A_589 : i32 to index
            %swap3A_591 = arith.constant 32 : index
            %swap3A_592 = tpu.vector_load %arg19[%swap3A_590, %swap3A_591] {strides = array<i32>} : memref<128x128xf32, #tpu.memory_space<vmem>>, vector<16xf32>,
            tpu.vector_store %arg19[%swap3A_590, %swap3A_591], %mul3A_587 {strides = array<i32>} : memref<128x128xf32, #tpu.memory_space<vmem>>, vector<16xf32>,
            %add3A_593 = arith.constant 4 : i32
            %add3A_594 = arith.addi %mul3A_171, %add3A_593 : i32
            %get3A_595 = arith.index_cast %add3A_594 : i32 to index
            %get3A_596 = arith.constant 48 : index
            %get3A_597 = tpu.vector_load %arg19[%get3A_595, %get3A_596] {strides = array<i32>} : memref<128x128xf32, #tpu.memory_space<vmem>>, vector<16xf32>,
            %mul3A_598 = arith.mulf %get3A_597, %gather3A_194 : vector<16xf32>
            %add3A_599 = arith.constant 4 : i32
            %add3A_600 = arith.addi %mul3A_171, %add3A_599 : i32
            %swap3A_601 = arith.index_cast %add3A_600 : i32 to index
            %swap3A_602 = arith.constant 48 : index
            %swap3A_603 = tpu.vector_load %arg19[%swap3A_601, %swap3A_602] {strides = array<i32>} : memref<128x128xf32, #tpu.memory_space<vmem>>, vector<16xf32>,
            tpu.vector_store %arg19[%swap3A_601, %swap3A_602], %mul3A_598 {strides = array<i32>} : memref<128x128xf32, #tpu.memory_space<vmem>>, vector<16xf32>,
            %add3A_604 = arith.constant 4 : i32
            %add3A_605 = arith.addi %mul3A_171, %add3A_604 : i32
            %get3A_606 = arith.index_cast %add3A_605 : i32 to index
            %get3A_607 = arith.constant 64 : index
            %get3A_608 = tpu.vector_load %arg19[%get3A_606, %get3A_607] {strides = array<i32>} : memref<128x128xf32, #tpu.memory_space<vmem>>, vector<16xf32>,
            %mul3A_609 = arith.mulf %get3A_608, %gather3A_194 : vector<16xf32>
            %add3A_610 = arith.constant 4 : i32
            %add3A_611 = arith.addi %mul3A_171, %add3A_610 : i32
            %swap3A_612 = arith.index_cast %add3A_611 : i32 to index
            %swap3A_613 = arith.constant 64 : index
            %swap3A_614 = tpu.vector_load %arg19[%swap3A_612, %swap3A_613] {strides = array<i32>} : memref<128x128xf32, #tpu.memory_space<vmem>>, vector<16xf32>,
            tpu.vector_store %arg19[%swap3A_612, %swap3A_613], %mul3A_609 {strides = array<i32>} : memref<128x128xf32, #tpu.memory_space<vmem>>, vector<16xf32>,
            %add3A_615 = arith.constant 4 : i32
            %add3A_616 = arith.addi %mul3A_171, %add3A_615 : i32
            %get3A_617 = arith.index_cast %add3A_616 : i32 to index
            %get3A_618 = arith.constant 80 : index
            %get3A_619 = tpu.vector_load %arg19[%get3A_617, %get3A_618] {strides = array<i32>} : memref<128x128xf32, #tpu.memory_space<vmem>>, vector<16xf32>,
            %mul3A_620 = arith.mulf %get3A_619, %gather3A_194 : vector<16xf32>
            %add3A_621 = arith.constant 4 : i32
            %add3A_622 = arith.addi %mul3A_171, %add3A_621 : i32
            %swap3A_623 = arith.index_cast %add3A_622 : i32 to index
            %swap3A_624 = arith.constant 80 : index
            %swap3A_625 = tpu.vector_load %arg19[%swap3A_623, %swap3A_624] {strides = array<i32>} : memref<128x128xf32, #tpu.memory_space<vmem>>, vector<16xf32>,
            tpu.vector_store %arg19[%swap3A_623, %swap3A_624], %mul3A_620 {strides = array<i32>} : memref<128x128xf32, #tpu.memory_space<vmem>>, vector<16xf32>,
            %add3A_626 = arith.constant 4 : i32
            %add3A_627 = arith.addi %mul3A_171, %add3A_626 : i32
            %get3A_628 = arith.index_cast %add3A_627 : i32 to index
            %get3A_629 = arith.constant 96 : index
            %get3A_630 = tpu.vector_load %arg19[%get3A_628, %get3A_629] {strides = array<i32>} : memref<128x128xf32, #tpu.memory_space<vmem>>, vector<16xf32>,
            %mul3A_631 = arith.mulf %get3A_630, %gather3A_194 : vector<16xf32>
            %add3A_632 = arith.constant 4 : i32
            %add3A_633 = arith.addi %mul3A_171, %add3A_632 : i32
            %swap3A_634 = arith.index_cast %add3A_633 : i32 to index
            %swap3A_635 = arith.constant 96 : index
            %swap3A_636 = tpu.vector_load %arg19[%swap3A_634, %swap3A_635] {strides = array<i32>} : memref<128x128xf32, #tpu.memory_space<vmem>>, vector<16xf32>,
            tpu.vector_store %arg19[%swap3A_634, %swap3A_635], %mul3A_631 {strides = array<i32>} : memref<128x128xf32, #tpu.memory_space<vmem>>, vector<16xf32>,
            %add3A_637 = arith.constant 4 : i32
            %add3A_638 = arith.addi %mul3A_171, %add3A_637 : i32
            %get3A_639 = arith.index_cast %add3A_638 : i32 to index
            %get3A_640 = arith.constant 112 : index
            %get3A_641 = tpu.vector_load %arg19[%get3A_639, %get3A_640] {strides = array<i32>} : memref<128x128xf32, #tpu.memory_space<vmem>>, vector<16xf32>,
            %mul3A_642 = arith.mulf %get3A_641, %gather3A_194 : vector<16xf32>
            %add3A_643 = arith.constant 4 : i32
            %add3A_644 = arith.addi %mul3A_171, %add3A_643 : i32
            %swap3A_645 = arith.index_cast %add3A_644 : i32 to index
            %swap3A_646 = arith.constant 112 : index
            %swap3A_647 = tpu.vector_load %arg19[%swap3A_645, %swap3A_646] {strides = array<i32>} : memref<128x128xf32, #tpu.memory_space<vmem>>, vector<16xf32>,
            tpu.vector_store %arg19[%swap3A_645, %swap3A_646], %mul3A_642 {strides = array<i32>} : memref<128x128xf32, #tpu.memory_space<vmem>>, vector<16xf32>,
            %add3A_648 = arith.constant 5 : i32
            %add3A_649 = arith.addi %mul3A_171, %add3A_648 : i32
            %get3A_650 = arith.index_cast %add3A_649 : i32 to index
            %get3A_651 = arith.constant 0 : index
            %get3A_652 = tpu.vector_load %arg19[%get3A_650, %get3A_651] {strides = array<i32>} : memref<128x128xf32, #tpu.memory_space<vmem>>, vector<16xf32>,
            %mul3A_653 = arith.mulf %get3A_652, %gather3A_199 : vector<16xf32>
            %add3A_654 = arith.constant 5 : i32
            %add3A_655 = arith.addi %mul3A_171, %add3A_654 : i32
            %swap3A_656 = arith.index_cast %add3A_655 : i32 to index
            %swap3A_657 = arith.constant 0 : index
            %swap3A_658 = tpu.vector_load %arg19[%swap3A_656, %swap3A_657] {strides = array<i32>} : memref<128x128xf32, #tpu.memory_space<vmem>>, vector<16xf32>,
            tpu.vector_store %arg19[%swap3A_656, %swap3A_657], %mul3A_653 {strides = array<i32>} : memref<128x128xf32, #tpu.memory_space<vmem>>, vector<16xf32>,
            %add3A_659 = arith.constant 5 : i32
            %add3A_660 = arith.addi %mul3A_171, %add3A_659 : i32
            %get3A_661 = arith.index_cast %add3A_660 : i32 to index
            %get3A_662 = arith.constant 16 : index
            %get3A_663 = tpu.vector_load %arg19[%get3A_661, %get3A_662] {strides = array<i32>} : memref<128x128xf32, #tpu.memory_space<vmem>>, vector<16xf32>,
            %mul3A_664 = arith.mulf %get3A_663, %gather3A_199 : vector<16xf32>
            %add3A_665 = arith.constant 5 : i32
            %add3A_666 = arith.addi %mul3A_171, %add3A_665 : i32
            %swap3A_667 = arith.index_cast %add3A_666 : i32 to index
            %swap3A_668 = arith.constant 16 : index
            %swap3A_669 = tpu.vector_load %arg19[%swap3A_667, %swap3A_668] {strides = array<i32>} : memref<128x128xf32, #tpu.memory_space<vmem>>, vector<16xf32>,
            tpu.vector_store %arg19[%swap3A_667, %swap3A_668], %mul3A_664 {strides = array<i32>} : memref<128x128xf32, #tpu.memory_space<vmem>>, vector<16xf32>,
            %add3A_670 = arith.constant 5 : i32
            %add3A_671 = arith.addi %mul3A_171, %add3A_670 : i32
            %get3A_672 = arith.index_cast %add3A_671 : i32 to index
            %get3A_673 = arith.constant 32 : index
            %get3A_674 = tpu.vector_load %arg19[%get3A_672, %get3A_673] {strides = array<i32>} : memref<128x128xf32, #tpu.memory_space<vmem>>, vector<16xf32>,
            %mul3A_675 = arith.mulf %get3A_674, %gather3A_199 : vector<16xf32>
            %add3A_676 = arith.constant 5 : i32
            %add3A_677 = arith.addi %mul3A_171, %add3A_676 : i32
            %swap3A_678 = arith.index_cast %add3A_677 : i32 to index
            %swap3A_679 = arith.constant 32 : index
            %swap3A_680 = tpu.vector_load %arg19[%swap3A_678, %swap3A_679] {strides = array<i32>} : memref<128x128xf32, #tpu.memory_space<vmem>>, vector<16xf32>,
            tpu.vector_store %arg19[%swap3A_678, %swap3A_679], %mul3A_675 {strides = array<i32>} : memref<128x128xf32, #tpu.memory_space<vmem>>, vector<16xf32>,
            %add3A_681 = arith.constant 5 : i32
            %add3A_682 = arith.addi %mul3A_171, %add3A_681 : i32
            %get3A_683 = arith.index_cast %add3A_682 : i32 to index
            %get3A_684 = arith.constant 48 : index
            %get3A_685 = tpu.vector_load %arg19[%get3A_683, %get3A_684] {strides = array<i32>} : memref<128x128xf32, #tpu.memory_space<vmem>>, vector<16xf32>,
            %mul3A_686 = arith.mulf %get3A_685, %gather3A_199 : vector<16xf32>
            %add3A_687 = arith.constant 5 : i32
            %add3A_688 = arith.addi %mul3A_171, %add3A_687 : i32
            %swap3A_689 = arith.index_cast %add3A_688 : i32 to index
            %swap3A_690 = arith.constant 48 : index
            %swap3A_691 = tpu.vector_load %arg19[%swap3A_689, %swap3A_690] {strides = array<i32>} : memref<128x128xf32, #tpu.memory_space<vmem>>, vector<16xf32>,
            tpu.vector_store %arg19[%swap3A_689, %swap3A_690], %mul3A_686 {strides = array<i32>} : memref<128x128xf32, #tpu.memory_space<vmem>>, vector<16xf32>,
            %add3A_692 = arith.constant 5 : i32
            %add3A_693 = arith.addi %mul3A_171, %add3A_692 : i32
            %get3A_694 = arith.index_cast %add3A_693 : i32 to index
            %get3A_695 = arith.constant 64 : index
            %get3A_696 = tpu.vector_load %arg19[%get3A_694, %get3A_695] {strides = array<i32>} : memref<128x128xf32, #tpu.memory_space<vmem>>, vector<16xf32>,
            %mul3A_697 = arith.mulf %get3A_696, %gather3A_199 : vector<16xf32>
            %add3A_698 = arith.constant 5 : i32
            %add3A_699 = arith.addi %mul3A_171, %add3A_698 : i32
            %swap3A_700 = arith.index_cast %add3A_699 : i32 to index
            %swap3A_701 = arith.constant 64 : index
            %swap3A_702 = tpu.vector_load %arg19[%swap3A_700, %swap3A_701] {strides = array<i32>} : memref<128x128xf32, #tpu.memory_space<vmem>>, vector<16xf32>,
            tpu.vector_store %arg19[%swap3A_700, %swap3A_701], %mul3A_697 {strides = array<i32>} : memref<128x128xf32, #tpu.memory_space<vmem>>, vector<16xf32>,
            %add3A_703 = arith.constant 5 : i32
            %add3A_704 = arith.addi %mul3A_171, %add3A_703 : i32
            %get3A_705 = arith.index_cast %add3A_704 : i32 to index
            %get3A_706 = arith.constant 80 : index
            %get3A_707 = tpu.vector_load %arg19[%get3A_705, %get3A_706] {strides = array<i32>} : memref<128x128xf32, #tpu.memory_space<vmem>>, vector<16xf32>,
            %mul3A_708 = arith.mulf %get3A_707, %gather3A_199 : vector<16xf32>
            %add3A_709 = arith.constant 5 : i32
            %add3A_710 = arith.addi %mul3A_171, %add3A_709 : i32
            %swap3A_711 = arith.index_cast %add3A_710 : i32 to index
            %swap3A_712 = arith.constant 80 : index
            %swap3A_713 = tpu.vector_load %arg19[%swap3A_711, %swap3A_712] {strides = array<i32>} : memref<128x128xf32, #tpu.memory_space<vmem>>, vector<16xf32>,
            tpu.vector_store %arg19[%swap3A_711, %swap3A_712], %mul3A_708 {strides = array<i32>} : memref<128x128xf32, #tpu.memory_space<vmem>>, vector<16xf32>,
            %add3A_714 = arith.constant 5 : i32
            %add3A_715 = arith.addi %mul3A_171, %add3A_714 : i32
            %get3A_716 = arith.index_cast %add3A_715 : i32 to index
            %get3A_717 = arith.constant 96 : index
            %get3A_718 = tpu.vector_load %arg19[%get3A_716, %get3A_717] {strides = array<i32>} : memref<128x128xf32, #tpu.memory_space<vmem>>, vector<16xf32>,
            %mul3A_719 = arith.mulf %get3A_718, %gather3A_199 : vector<16xf32>
            %add3A_720 = arith.constant 5 : i32
            %add3A_721 = arith.addi %mul3A_171, %add3A_720 : i32
            %swap3A_722 = arith.index_cast %add3A_721 : i32 to index
            %swap3A_723 = arith.constant 96 : index
            %swap3A_724 = tpu.vector_load %arg19[%swap3A_722, %swap3A_723] {strides = array<i32>} : memref<128x128xf32, #tpu.memory_space<vmem>>, vector<16xf32>,
            tpu.vector_store %arg19[%swap3A_722, %swap3A_723], %mul3A_719 {strides = array<i32>} : memref<128x128xf32, #tpu.memory_space<vmem>>, vector<16xf32>,
            %add3A_725 = arith.constant 5 : i32
            %add3A_726 = arith.addi %mul3A_171, %add3A_725 : i32
            %get3A_727 = arith.index_cast %add3A_726 : i32 to index
            %get3A_728 = arith.constant 112 : index
            %get3A_729 = tpu.vector_load %arg19[%get3A_727, %get3A_728] {strides = array<i32>} : memref<128x128xf32, #tpu.memory_space<vmem>>, vector<16xf32>,
            %mul3A_730 = arith.mulf %get3A_729, %gather3A_199 : vector<16xf32>
            %add3A_731 = arith.constant 5 : i32
            %add3A_732 = arith.addi %mul3A_171, %add3A_731 : i32
            %swap3A_733 = arith.index_cast %add3A_732 : i32 to index
            %swap3A_734 = arith.constant 112 : index
            %swap3A_735 = tpu.vector_load %arg19[%swap3A_733, %swap3A_734] {strides = array<i32>} : memref<128x128xf32, #tpu.memory_space<vmem>>, vector<16xf32>,
            tpu.vector_store %arg19[%swap3A_733, %swap3A_734], %mul3A_730 {strides = array<i32>} : memref<128x128xf32, #tpu.memory_space<vmem>>, vector<16xf32>,
            %add3A_736 = arith.constant 6 : i32
            %add3A_737 = arith.addi %mul3A_171, %add3A_736 : i32
            %get3A_738 = arith.index_cast %add3A_737 : i32 to index
            %get3A_739 = arith.constant 0 : index
            %get3A_740 = tpu.vector_load %arg19[%get3A_738, %get3A_739] {strides = array<i32>} : memref<128x128xf32, #tpu.memory_space<vmem>>, vector<16xf32>,
            %mul3A_741 = arith.mulf %get3A_740, %gather3A_204 : vector<16xf32>
            %add3A_742 = arith.constant 6 : i32
            %add3A_743 = arith.addi %mul3A_171, %add3A_742 : i32
            %swap3A_744 = arith.index_cast %add3A_743 : i32 to index
            %swap3A_745 = arith.constant 0 : index
            %swap3A_746 = tpu.vector_load %arg19[%swap3A_744, %swap3A_745] {strides = array<i32>} : memref<128x128xf32, #tpu.memory_space<vmem>>, vector<16xf32>,
            tpu.vector_store %arg19[%swap3A_744, %swap3A_745], %mul3A_741 {strides = array<i32>} : memref<128x128xf32, #tpu.memory_space<vmem>>, vector<16xf32>,
            %add3A_747 = arith.constant 6 : i32
            %add3A_748 = arith.addi %mul3A_171, %add3A_747 : i32
            %get3A_749 = arith.index_cast %add3A_748 : i32 to index
            %get3A_750 = arith.constant 16 : index
            %get3A_751 = tpu.vector_load %arg19[%get3A_749, %get3A_750] {strides = array<i32>} : memref<128x128xf32, #tpu.memory_space<vmem>>, vector<16xf32>,
            %mul3A_752 = arith.mulf %get3A_751, %gather3A_204 : vector<16xf32>
            %add3A_753 = arith.constant 6 : i32
            %add3A_754 = arith.addi %mul3A_171, %add3A_753 : i32
            %swap3A_755 = arith.index_cast %add3A_754 : i32 to index
            %swap3A_756 = arith.constant 16 : index
            %swap3A_757 = tpu.vector_load %arg19[%swap3A_755, %swap3A_756] {strides = array<i32>} : memref<128x128xf32, #tpu.memory_space<vmem>>, vector<16xf32>,
            tpu.vector_store %arg19[%swap3A_755, %swap3A_756], %mul3A_752 {strides = array<i32>} : memref<128x128xf32, #tpu.memory_space<vmem>>, vector<16xf32>,
            %add3A_758 = arith.constant 6 : i32
            %add3A_759 = arith.addi %mul3A_171, %add3A_758 : i32
            %get3A_760 = arith.index_cast %add3A_759 : i32 to index
            %get3A_761 = arith.constant 32 : index
            %get3A_762 = tpu.vector_load %arg19[%get3A_760, %get3A_761] {strides = array<i32>} : memref<128x128xf32, #tpu.memory_space<vmem>>, vector<16xf32>,
            %mul3A_763 = arith.mulf %get3A_762, %gather3A_204 : vector<16xf32>
            %add3A_764 = arith.constant 6 : i32
            %add3A_765 = arith.addi %mul3A_171, %add3A_764 : i32
            %swap3A_766 = arith.index_cast %add3A_765 : i32 to index
            %swap3A_767 = arith.constant 32 : index
            %swap3A_768 = tpu.vector_load %arg19[%swap3A_766, %swap3A_767] {strides = array<i32>} : memref<128x128xf32, #tpu.memory_space<vmem>>, vector<16xf32>,
            tpu.vector_store %arg19[%swap3A_766, %swap3A_767], %mul3A_763 {strides = array<i32>} : memref<128x128xf32, #tpu.memory_space<vmem>>, vector<16xf32>,
            %add3A_769 = arith.constant 6 : i32
            %add3A_770 = arith.addi %mul3A_171, %add3A_769 : i32
            %get3A_771 = arith.index_cast %add3A_770 : i32 to index
            %get3A_772 = arith.constant 48 : index
            %get3A_773 = tpu.vector_load %arg19[%get3A_771, %get3A_772] {strides = array<i32>} : memref<128x128xf32, #tpu.memory_space<vmem>>, vector<16xf32>,
            %mul3A_774 = arith.mulf %get3A_773, %gather3A_204 : vector<16xf32>
            %add3A_775 = arith.constant 6 : i32
            %add3A_776 = arith.addi %mul3A_171, %add3A_775 : i32
            %swap3A_777 = arith.index_cast %add3A_776 : i32 to index
            %swap3A_778 = arith.constant 48 : index
            %swap3A_779 = tpu.vector_load %arg19[%swap3A_777, %swap3A_778] {strides = array<i32>} : memref<128x128xf32, #tpu.memory_space<vmem>>, vector<16xf32>,
            tpu.vector_store %arg19[%swap3A_777, %swap3A_778], %mul3A_774 {strides = array<i32>} : memref<128x128xf32, #tpu.memory_space<vmem>>, vector<16xf32>,
            %add3A_780 = arith.constant 6 : i32
            %add3A_781 = arith.addi %mul3A_171, %add3A_780 : i32
            %get3A_782 = arith.index_cast %add3A_781 : i32 to index
            %get3A_783 = arith.constant 64 : index
            %get3A_784 = tpu.vector_load %arg19[%get3A_782, %get3A_783] {strides = array<i32>} : memref<128x128xf32, #tpu.memory_space<vmem>>, vector<16xf32>,
            %mul3A_785 = arith.mulf %get3A_784, %gather3A_204 : vector<16xf32>
            %add3A_786 = arith.constant 6 : i32
            %add3A_787 = arith.addi %mul3A_171, %add3A_786 : i32
            %swap3A_788 = arith.index_cast %add3A_787 : i32 to index
            %swap3A_789 = arith.constant 64 : index
            %swap3A_790 = tpu.vector_load %arg19[%swap3A_788, %swap3A_789] {strides = array<i32>} : memref<128x128xf32, #tpu.memory_space<vmem>>, vector<16xf32>,
            tpu.vector_store %arg19[%swap3A_788, %swap3A_789], %mul3A_785 {strides = array<i32>} : memref<128x128xf32, #tpu.memory_space<vmem>>, vector<16xf32>,
            %add3A_791 = arith.constant 6 : i32
            %add3A_792 = arith.addi %mul3A_171, %add3A_791 : i32
            %get3A_793 = arith.index_cast %add3A_792 : i32 to index
            %get3A_794 = arith.constant 80 : index
            %get3A_795 = tpu.vector_load %arg19[%get3A_793, %get3A_794] {strides = array<i32>} : memref<128x128xf32, #tpu.memory_space<vmem>>, vector<16xf32>,
            %mul3A_796 = arith.mulf %get3A_795, %gather3A_204 : vector<16xf32>
            %add3A_797 = arith.constant 6 : i32
            %add3A_798 = arith.addi %mul3A_171, %add3A_797 : i32
            %swap3A_799 = arith.index_cast %add3A_798 : i32 to index
            %swap3A_800 = arith.constant 80 : index
            %swap3A_801 = tpu.vector_load %arg19[%swap3A_799, %swap3A_800] {strides = array<i32>} : memref<128x128xf32, #tpu.memory_space<vmem>>, vector<16xf32>,
            tpu.vector_store %arg19[%swap3A_799, %swap3A_800], %mul3A_796 {strides = array<i32>} : memref<128x128xf32, #tpu.memory_space<vmem>>, vector<16xf32>,
            %add3A_802 = arith.constant 6 : i32
            %add3A_803 = arith.addi %mul3A_171, %add3A_802 : i32
            %get3A_804 = arith.index_cast %add3A_803 : i32 to index
            %get3A_805 = arith.constant 96 : index
            %get3A_806 = tpu.vector_load %arg19[%get3A_804, %get3A_805] {strides = array<i32>} : memref<128x128xf32, #tpu.memory_space<vmem>>, vector<16xf32>,
            %mul3A_807 = arith.mulf %get3A_806, %gather3A_204 : vector<16xf32>
            %add3A_808 = arith.constant 6 : i32
            %add3A_809 = arith.addi %mul3A_171, %add3A_808 : i32
            %swap3A_810 = arith.index_cast %add3A_809 : i32 to index
            %swap3A_811 = arith.constant 96 : index
            %swap3A_812 = tpu.vector_load %arg19[%swap3A_810, %swap3A_811] {strides = array<i32>} : memref<128x128xf32, #tpu.memory_space<vmem>>, vector<16xf32>,
            tpu.vector_store %arg19[%swap3A_810, %swap3A_811], %mul3A_807 {strides = array<i32>} : memref<128x128xf32, #tpu.memory_space<vmem>>, vector<16xf32>,
            %add3A_813 = arith.constant 6 : i32
            %add3A_814 = arith.addi %mul3A_171, %add3A_813 : i32
            %get3A_815 = arith.index_cast %add3A_814 : i32 to index
            %get3A_816 = arith.constant 112 : index
            %get3A_817 = tpu.vector_load %arg19[%get3A_815, %get3A_816] {strides = array<i32>} : memref<128x128xf32, #tpu.memory_space<vmem>>, vector<16xf32>,
            %mul3A_818 = arith.mulf %get3A_817, %gather3A_204 : vector<16xf32>
            %add3A_819 = arith.constant 6 : i32
            %add3A_820 = arith.addi %mul3A_171, %add3A_819 : i32
            %swap3A_821 = arith.index_cast %add3A_820 : i32 to index
            %swap3A_822 = arith.constant 112 : index
            %swap3A_823 = tpu.vector_load %arg19[%swap3A_821, %swap3A_822] {strides = array<i32>} : memref<128x128xf32, #tpu.memory_space<vmem>>, vector<16xf32>,
            tpu.vector_store %arg19[%swap3A_821, %swap3A_822], %mul3A_818 {strides = array<i32>} : memref<128x128xf32, #tpu.memory_space<vmem>>, vector<16xf32>,
            %add3A_824 = arith.constant 7 : i32
            %add3A_825 = arith.addi %mul3A_171, %add3A_824 : i32
            %get3A_826 = arith.index_cast %add3A_825 : i32 to index
            %get3A_827 = arith.constant 0 : index
            %get3A_828 = tpu.vector_load %arg19[%get3A_826, %get3A_827] {strides = array<i32>} : memref<128x128xf32, #tpu.memory_space<vmem>>, vector<16xf32>,
            %mul3A_829 = arith.mulf %get3A_828, %gather3A_209 : vector<16xf32>
            %add3A_830 = arith.constant 7 : i32
            %add3A_831 = arith.addi %mul3A_171, %add3A_830 : i32
            %swap3A_832 = arith.index_cast %add3A_831 : i32 to index
            %swap3A_833 = arith.constant 0 : index
            %swap3A_834 = tpu.vector_load %arg19[%swap3A_832, %swap3A_833] {strides = array<i32>} : memref<128x128xf32, #tpu.memory_space<vmem>>, vector<16xf32>,
            tpu.vector_store %arg19[%swap3A_832, %swap3A_833], %mul3A_829 {strides = array<i32>} : memref<128x128xf32, #tpu.memory_space<vmem>>, vector<16xf32>,
            %add3A_835 = arith.constant 7 : i32
            %add3A_836 = arith.addi %mul3A_171, %add3A_835 : i32
            %get3A_837 = arith.index_cast %add3A_836 : i32 to index
            %get3A_838 = arith.constant 16 : index
            %get3A_839 = tpu.vector_load %arg19[%get3A_837, %get3A_838] {strides = array<i32>} : memref<128x128xf32, #tpu.memory_space<vmem>>, vector<16xf32>,
            %mul3A_840 = arith.mulf %get3A_839, %gather3A_209 : vector<16xf32>
            %add3A_841 = arith.constant 7 : i32
            %add3A_842 = arith.addi %mul3A_171, %add3A_841 : i32
            %swap3A_843 = arith.index_cast %add3A_842 : i32 to index
            %swap3A_844 = arith.constant 16 : index
            %swap3A_845 = tpu.vector_load %arg19[%swap3A_843, %swap3A_844] {strides = array<i32>} : memref<128x128xf32, #tpu.memory_space<vmem>>, vector<16xf32>,
            tpu.vector_store %arg19[%swap3A_843, %swap3A_844], %mul3A_840 {strides = array<i32>} : memref<128x128xf32, #tpu.memory_space<vmem>>, vector<16xf32>,
            %add3A_846 = arith.constant 7 : i32
            %add3A_847 = arith.addi %mul3A_171, %add3A_846 : i32
            %get3A_848 = arith.index_cast %add3A_847 : i32 to index
            %get3A_849 = arith.constant 32 : index
            %get3A_850 = tpu.vector_load %arg19[%get3A_848, %get3A_849] {strides = array<i32>} : memref<128x128xf32, #tpu.memory_space<vmem>>, vector<16xf32>,
            %mul3A_851 = arith.mulf %get3A_850, %gather3A_209 : vector<16xf32>
            %add3A_852 = arith.constant 7 : i32
            %add3A_853 = arith.addi %mul3A_171, %add3A_852 : i32
            %swap3A_854 = arith.index_cast %add3A_853 : i32 to index
            %swap3A_855 = arith.constant 32 : index
            %swap3A_856 = tpu.vector_load %arg19[%swap3A_854, %swap3A_855] {strides = array<i32>} : memref<128x128xf32, #tpu.memory_space<vmem>>, vector<16xf32>,
            tpu.vector_store %arg19[%swap3A_854, %swap3A_855], %mul3A_851 {strides = array<i32>} : memref<128x128xf32, #tpu.memory_space<vmem>>, vector<16xf32>,
            %add3A_857 = arith.constant 7 : i32
            %add3A_858 = arith.addi %mul3A_171, %add3A_857 : i32
            %get3A_859 = arith.index_cast %add3A_858 : i32 to index
            %get3A_860 = arith.constant 48 : index
            %get3A_861 = tpu.vector_load %arg19[%get3A_859, %get3A_860] {strides = array<i32>} : memref<128x128xf32, #tpu.memory_space<vmem>>, vector<16xf32>,
            %mul3A_862 = arith.mulf %get3A_861, %gather3A_209 : vector<16xf32>
            %add3A_863 = arith.constant 7 : i32
            %add3A_864 = arith.addi %mul3A_171, %add3A_863 : i32
            %swap3A_865 = arith.index_cast %add3A_864 : i32 to index
            %swap3A_866 = arith.constant 48 : index
            %swap3A_867 = tpu.vector_load %arg19[%swap3A_865, %swap3A_866] {strides = array<i32>} : memref<128x128xf32, #tpu.memory_space<vmem>>, vector<16xf32>,
            tpu.vector_store %arg19[%swap3A_865, %swap3A_866], %mul3A_862 {strides = array<i32>} : memref<128x128xf32, #tpu.memory_space<vmem>>, vector<16xf32>,
            %add3A_868 = arith.constant 7 : i32
            %add3A_869 = arith.addi %mul3A_171, %add3A_868 : i32
            %get3A_870 = arith.index_cast %add3A_869 : i32 to index
            %get3A_871 = arith.constant 64 : index
            %get3A_872 = tpu.vector_load %arg19[%get3A_870, %get3A_871] {strides = array<i32>} : memref<128x128xf32, #tpu.memory_space<vmem>>, vector<16xf32>,
            %mul3A_873 = arith.mulf %get3A_872, %gather3A_209 : vector<16xf32>
            %add3A_874 = arith.constant 7 : i32
            %add3A_875 = arith.addi %mul3A_171, %add3A_874 : i32
            %swap3A_876 = arith.index_cast %add3A_875 : i32 to index
            %swap3A_877 = arith.constant 64 : index
            %swap3A_878 = tpu.vector_load %arg19[%swap3A_876, %swap3A_877] {strides = array<i32>} : memref<128x128xf32, #tpu.memory_space<vmem>>, vector<16xf32>,
            tpu.vector_store %arg19[%swap3A_876, %swap3A_877], %mul3A_873 {strides = array<i32>} : memref<128x128xf32, #tpu.memory_space<vmem>>, vector<16xf32>,
            %add3A_879 = arith.constant 7 : i32
            %add3A_880 = arith.addi %mul3A_171, %add3A_879 : i32
            %get3A_881 = arith.index_cast %add3A_880 : i32 to index
            %get3A_882 = arith.constant 80 : index
            %get3A_883 = tpu.vector_load %arg19[%get3A_881, %get3A_882] {strides = array<i32>} : memref<128x128xf32, #tpu.memory_space<vmem>>, vector<16xf32>,
            %mul3A_884 = arith.mulf %get3A_883, %gather3A_209 : vector<16xf32>
            %add3A_885 = arith.constant 7 : i32
            %add3A_886 = arith.addi %mul3A_171, %add3A_885 : i32
            %swap3A_887 = arith.index_cast %add3A_886 : i32 to index
            %swap3A_888 = arith.constant 80 : index
            %swap3A_889 = tpu.vector_load %arg19[%swap3A_887, %swap3A_888] {strides = array<i32>} : memref<128x128xf32, #tpu.memory_space<vmem>>, vector<16xf32>,
            tpu.vector_store %arg19[%swap3A_887, %swap3A_888], %mul3A_884 {strides = array<i32>} : memref<128x128xf32, #tpu.memory_space<vmem>>, vector<16xf32>,
            %add3A_890 = arith.constant 7 : i32
            %add3A_891 = arith.addi %mul3A_171, %add3A_890 : i32
            %get3A_892 = arith.index_cast %add3A_891 : i32 to index
            %get3A_893 = arith.constant 96 : index
            %get3A_894 = tpu.vector_load %arg19[%get3A_892, %get3A_893] {strides = array<i32>} : memref<128x128xf32, #tpu.memory_space<vmem>>, vector<16xf32>,
            %mul3A_895 = arith.mulf %get3A_894, %gather3A_209 : vector<16xf32>
            %add3A_896 = arith.constant 7 : i32
            %add3A_897 = arith.addi %mul3A_171, %add3A_896 : i32
            %swap3A_898 = arith.index_cast %add3A_897 : i32 to index
            %swap3A_899 = arith.constant 96 : index
            %swap3A_900 = tpu.vector_load %arg19[%swap3A_898, %swap3A_899] {strides = array<i32>} : memref<128x128xf32, #tpu.memory_space<vmem>>, vector<16xf32>,
            tpu.vector_store %arg19[%swap3A_898, %swap3A_899], %mul3A_895 {strides = array<i32>} : memref<128x128xf32, #tpu.memory_space<vmem>>, vector<16xf32>,
            %add3A_901 = arith.constant 7 : i32
            %add3A_902 = arith.addi %mul3A_171, %add3A_901 : i32
            %get3A_903 = arith.index_cast %add3A_902 : i32 to index
            %get3A_904 = arith.constant 112 : index
            %get3A_905 = tpu.vector_load %arg19[%get3A_903, %get3A_904] {strides = array<i32>} : memref<128x128xf32, #tpu.memory_space<vmem>>, vector<16xf32>,
            %mul3A_906 = arith.mulf %get3A_905, %gather3A_209 : vector<16xf32>
            %add3A_907 = arith.constant 7 : i32
            %add3A_908 = arith.addi %mul3A_171, %add3A_907 : i32
            %swap3A_909 = arith.index_cast %add3A_908 : i32 to index
            %swap3A_910 = arith.constant 112 : index
            %swap3A_911 = tpu.vector_load %arg19[%swap3A_909, %swap3A_910] {strides = array<i32>} : memref<128x128xf32, #tpu.memory_space<vmem>>, vector<16xf32>,
            tpu.vector_store %arg19[%swap3A_909, %swap3A_910], %mul3A_906 {strides = array<i32>} : memref<128x128xf32, #tpu.memory_space<vmem>>, vector<16xf32>,
            %scan3A_912 = arith.constant 0 : i32
            scf.yield %scan3A_912 : i32
          }
          %scan3A_166 = arith.constant 16 : i32
          "tpu.region"() ({
            %run_scoped3A = tpu.sem_alloc : memref<!tpu.dma_semaphore, #tpu.memory_space<semaphore_mem>>
            %dma_start3A_168 = arith.constant 0 : i32
            %dma_start3A_169 = tpu.memref_slice %arg12[%while3A_145, %dma_start3A_168] : memref<16x128xi32, #tpu.memory_space<vmem>> -> memref<1x128xi32, #tpu.memory_space<vmem>>
            %dma_start3A_170 = tpu.memref_squeeze %dma_start3A_169 : memref<1x128xi32, #tpu.memory_space<vmem>> -> memref<128xi32, #tpu.memory_space<vmem>>
            %dma_start3A_171 = arith.constant 0 : i32
            %dma_start3A_172 = arith.constant 0 : i32
            %dma_start3A_173 = tpu.memref_slice %arg20[%dma_start3A_171, %dma_start3A_172] : memref<2048x128xf32, #tpu.memory_space<vmem_shared>> -> memref<2048x128xf32, #tpu.memory_space<vmem_shared>>
            tpu.enqueue_indirect_dma source(%arg19 : memref<128x128xf32, #tpu.memory_space<vmem>>) target(%dma_start3A_173 : memref<2048x128xf32, #tpu.memory_space<vmem_shared>>) offsets(%dma_start3A_170 : memref<128xi32, #tpu.memory_space<vmem>>) semaphore(%run_scoped3A : memref<!tpu.dma_semaphore, #tpu.memory_space<semaphore_mem>>) {add = true}
            %dma_wait3A_174 = arith.constant 0 : i32
            %dma_wait3A_175 = tpu.memref_slice %arg12[%while3A_145, %dma_wait3A_174] : memref<16x128xi32, #tpu.memory_space<vmem>> -> memref<1x128xi32, #tpu.memory_space<vmem>>
            %dma_wait3A_176 = tpu.memref_squeeze %dma_wait3A_175 : memref<1x128xi32, #tpu.memory_space<vmem>> -> memref<128xi32, #tpu.memory_space<vmem>>
            %dma_wait3A_177 = arith.constant 0 : i32
            %dma_wait3A_178 = arith.constant 0 : i32
            %dma_wait3A_179 = tpu.memref_slice %arg20[%dma_wait3A_177, %dma_wait3A_178] : memref<2048x128xf32, #tpu.memory_space<vmem_shared>> -> memref<2048x128xf32, #tpu.memory_space<vmem_shared>>
            tpu.wait_indirect_dma semaphore(%run_scoped3A : memref<!tpu.dma_semaphore, #tpu.memory_space<semaphore_mem>>) src(%arg19 : memref<128x128xf32, #tpu.memory_space<vmem>>) dst(%dma_wait3A_179 : memref<2048x128xf32, #tpu.memory_space<vmem_shared>>)
            tpu.yield
          }) : () -> ()
          %while3A_167 = arith.constant 0 : i32
          scf.yield %while3A_167 : i32
        }
        %while3A_144 = arith.constant 0 : i32
        scf.yield %while3A_144 : i32
      }
      %barrier3A_102 = arith.constant 0 : index
      tpu.barrier barrier_id(%barrier3A_102)
      %mul3A_103 = arith.constant 128 : i32
      %mul3A_104 = arith.muli %arg1, %mul3A_103 : i32
      %scan3A_105 = arith.constant 0 : i32
      %scan3A_106 = arith.constant 0 : i32
      %scan3A_107 = arith.constant 4 : i32
      %scan3A_108 = arith.addi %scan3A_106, %scan3A_107 : i32
      %scan3A_109 = arith.constant 1 : i32
      %scan3A_110 = scf.for %scan3A_114 = %scan3A_106 to %scan3A_108 step %scan3A_109 iter_args(%scan3A_115 = %scan3A_105) -> (i32)  : i32 {
        %mul3A_116 = arith.constant 32 : i32
        %mul3A_117 = arith.muli %scan3A_114, %mul3A_116 : i32
        %add3A_118 = arith.addi %mul3A_104, %mul3A_117 : i32
        %mul3A_119 = arith.constant 2048 : i32
        %mul3A_120 = arith.muli %scan3A_13, %mul3A_119 : i32
        %add3A_121 = arith.addi %mul3A_120, %mul3A_104 : i32
        %mul3A_122 = arith.constant 32 : i32
        %mul3A_123 = arith.muli %scan3A_114, %mul3A_122 : i32
        %add3A_124 = arith.addi %add3A_121, %mul3A_123 : i32
        "tpu.region"() ({
          %run_scoped3A = tpu.sem_alloc : memref<!tpu.dma_semaphore, #tpu.memory_space<semaphore_mem>>
          %dma_start3A = arith.constant 0 : i32
          %dma_start3A_126 = tpu.memref_slice %arg7[%arg0, %add3A_124, %dma_start3A] : memref<2x10240x128xf32, #tpu.memory_space<hbm>> -> memref<1x32x128xf32, #tpu.memory_space<hbm>>
          %dma_start3A_127 = tpu.memref_squeeze %dma_start3A_126 : memref<1x32x128xf32, #tpu.memory_space<hbm>> -> memref<32x128xf32, #tpu.memory_space<hbm>>
          %dma_start3A_128 = arith.constant 0 : i32
          %dma_start3A_129 = tpu.memref_slice %arg20[%add3A_118, %dma_start3A_128] : memref<2048x128xf32, #tpu.memory_space<vmem_shared>> -> memref<32x128xf32, #tpu.memory_space<vmem_shared>>
          tpu.enqueue_dma source(%dma_start3A_129 : memref<32x128xf32, #tpu.memory_space<vmem_shared>>) target(%dma_start3A_127 : memref<32x128xf32, #tpu.memory_space<hbm>>) target_semaphore(%run_scoped3A : memref<!tpu.dma_semaphore, #tpu.memory_space<semaphore_mem>>)
          %dma_wait3A = arith.constant 0 : i32
          %dma_wait3A_130 = tpu.memref_slice %arg7[%arg0, %add3A_124, %dma_wait3A] : memref<2x10240x128xf32, #tpu.memory_space<hbm>> -> memref<1x32x128xf32, #tpu.memory_space<hbm>>
          %dma_wait3A_131 = tpu.memref_squeeze %dma_wait3A_130 : memref<1x32x128xf32, #tpu.memory_space<hbm>> -> memref<32x128xf32, #tpu.memory_space<hbm>>
          %dma_wait3A_132 = arith.constant 0 : i32
          %dma_wait3A_133 = tpu.memref_slice %arg20[%add3A_118, %dma_wait3A_132] : memref<2048x128xf32, #tpu.memory_space<vmem_shared>> -> memref<32x128xf32, #tpu.memory_space<vmem_shared>>
          tpu.wait_dma2 semaphore(%run_scoped3A : memref<!tpu.dma_semaphore, #tpu.memory_space<semaphore_mem>>) src(%dma_wait3A_133 : memref<32x128xf32, #tpu.memory_space<vmem_shared>>) dst(%dma_wait3A_131 : memref<32x128xf32, #tpu.memory_space<hbm>>)
          tpu.yield
        }) : () -> ()
        %scan3A_125 = arith.constant 0 : i32
        scf.yield %scan3A_125 : i32
      }
      %scan3A_111 = arith.constant 4 : i32
      %barrier3A_112 = arith.constant 0 : index
      tpu.barrier barrier_id(%barrier3A_112)
      %scan3A_113 = arith.constant 0 : i32
      scf.yield %scan3A_113 : i32
    }
    %scan3A_12 = arith.constant 5 : i32
    return
  }
}

module attributes {stable_mosaic.version = 14 : i64} {
  func.func @_dinv_body(%arg0: memref<10000x128xf32, #tpu.memory_space<vmem>>, %arg1: memref<10000x1xf32, #tpu.memory_space<vmem>>, %arg2: memref<10000x1xf32, #tpu.memory_space<vmem>>) attributes {dimension_semantics = [], scalar_prefetch = 0 : i64, scratch_operands = 0 : i64, tpu.core_type = #tpu.core_type<tc>} {
    %get3A = arith.constant 0 : index
    %get3A_0 = arith.constant 0 : index
    %get3A_1 = vector.load %arg0[%get3A, %get3A_0] : memref<10000x128xf32, #tpu.memory_space<vmem>>, vector<10000x128xf32>
    %slice3A = vector.extract_strided_slice %get3A_1 {offsets = [0, 0], sizes = [10000, 1], strides = [1, 1]} : vector<10000x128xf32> to vector<10000x1xf32>
    %add3A = arith.constant 1.000000e+00 : f32
    %add3A_2 = vector.broadcast %add3A : f32 to vector<10000x1xf32>
    %add3A_3 = arith.addf %add3A_2, %slice3A : vector<10000x1xf32>
    %rsqrt3A = math.rsqrt %add3A_3 : vector<10000x1xf32>
    %swap3A = arith.constant 0 : index
    %swap3A_4 = arith.constant 0 : index
    %swap3A_5 = vector.load %arg1[%swap3A, %swap3A_4] : memref<10000x1xf32, #tpu.memory_space<vmem>>, vector<10000x1xf32>
    tpu.vector_store %arg1[%swap3A, %swap3A_4], %rsqrt3A {strides = array<i32>} : memref<10000x1xf32, #tpu.memory_space<vmem>>, vector<10000x1xf32>,
    %mul3A = arith.mulf %rsqrt3A, %rsqrt3A : vector<10000x1xf32>
    %swap3A_6 = arith.constant 0 : index
    %swap3A_7 = arith.constant 0 : index
    %swap3A_8 = vector.load %arg2[%swap3A_6, %swap3A_7] : memref<10000x1xf32, #tpu.memory_space<vmem>>, vector<10000x1xf32>
    tpu.vector_store %arg2[%swap3A_6, %swap3A_7], %mul3A {strides = array<i32>} : memref<10000x1xf32, #tpu.memory_space<vmem>>, vector<10000x1xf32>,
    return
  }
}

module attributes {stable_mosaic.version = 14 : i64} {
  func.func @_mm2_body(%arg0: i32, %arg1: memref<1x1xi32, #tpu.memory_space<vmem>>, %arg2: memref<1000x128xf32, #tpu.memory_space<vmem>>, %arg3: memref<1000x128xf32, #tpu.memory_space<vmem>>, %arg4: memref<1000x256xf32, #tpu.memory_space<vmem>>, %arg5: memref<1000x1xf32, #tpu.memory_space<vmem>>, %arg6: memref<1x256xf32, #tpu.memory_space<vmem>>, %arg7: memref<1x8xf32, #tpu.memory_space<vmem>>, %arg8: memref<1x8xf32, #tpu.memory_space<vmem>>, %arg9: memref<1x1x1000xi32, #tpu.memory_space<vmem>>, %arg10: memref<64x256xf32, #tpu.memory_space<vmem>>, %arg11: memref<64x256xf32, #tpu.memory_space<vmem>>, %arg12: memref<64x128xf32, #tpu.memory_space<vmem>>) attributes {dimension_semantics = [#tpu.dimension_semantics<arbitrary>], iteration_bounds = array<i64: 10>, scalar_prefetch = 0 : i64, scratch_operands = 2 : i64, tpu.core_type = #tpu.core_type<tc>, window_params = [{pipeline_mode = #tpu.pipeline_mode<synchronous>, transform_indices = @transform_0, window_bounds = array<i64: 1, 1>}, {transform_indices = @transform_1, window_bounds = array<i64: 1000, 128>}, {transform_indices = @transform_2, window_bounds = array<i64: 1000, 128>}, {transform_indices = @transform_3, window_bounds = array<i64: 1000, 256>}, {transform_indices = @transform_4, window_bounds = array<i64: 1000, 1>}, {pipeline_mode = #tpu.pipeline_mode<synchronous>, transform_indices = @transform_5, window_bounds = array<i64: 1, 256>}, {pipeline_mode = #tpu.pipeline_mode<synchronous>, transform_indices = @transform_6, window_bounds = array<i64: 1, 8>}, {pipeline_mode = #tpu.pipeline_mode<synchronous>, transform_indices = @transform_7, window_bounds = array<i64: 1, 8>}, {transform_indices = @transform_8, window_bounds = array<i64: 1, 1, 1000>}, {pipeline_mode = #tpu.pipeline_mode<synchronous>, transform_indices = @transform_9, window_bounds = array<i64: 64, 256>}]} {
    %get3A = arith.constant 0 : index
    %get3A_0 = arith.constant 0 : index
    %get3A_1 = vector.load %arg1[%get3A, %get3A_0] : memref<1x1xi32, #tpu.memory_space<vmem>>, vector<1x1xi32>
    %get3A_2 = vector.extract %get3A_1[0, 0] : i32 from vector<1x1xi32>
    %ne3A = arith.constant 0 : i32
    %ne3A_3 = arith.cmpi ne, %get3A_2, %ne3A : i32
    %convert_element_type3A = arith.extui %ne3A_3 : i1 to i32
    %cond3A = arith.constant 0 : i32
    %cond3A_4 = arith.cmpi ne, %convert_element_type3A, %cond3A : i32
    scf.if %cond3A_4 {
      %get3A_5 = arith.constant 0 : index
      %get3A_6 = arith.constant 0 : index
      %get3A_7 = vector.load %arg2[%get3A_5, %get3A_6] : memref<1000x128xf32, #tpu.memory_space<vmem>>, vector<1000x128xf32>
      %get3A_8 = arith.constant 0 : index
      %get3A_9 = arith.constant 0 : index
      %get3A_10 = vector.load %arg3[%get3A_8, %get3A_9] : memref<1000x128xf32, #tpu.memory_space<vmem>>, vector<1000x128xf32>
      %concatenate3A = tpu.concatenate %get3A_7, %get3A_10 in 1 : vector<1000x128xf32>, vector<1000x128xf32> -> vector<1000x256xf32>
      %get3A_11 = arith.constant 0 : index
      %get3A_12 = arith.constant 0 : index
      %get3A_13 = vector.load %arg5[%get3A_11, %get3A_12] : memref<1000x1xf32, #tpu.memory_space<vmem>>, vector<1000x1xf32>
      %get3A_14 = arith.constant 0 : index
      %get3A_15 = arith.constant 0 : index
      %get3A_16 = vector.load %arg4[%get3A_14, %get3A_15] : memref<1000x256xf32, #tpu.memory_space<vmem>>, vector<1000x256xf32>
      %mul3A = vector.broadcast %get3A_13 : vector<1000x1xf32> to vector<1000x256xf32>
      %mul3A_17 = arith.mulf %mul3A, %get3A_16 : vector<1000x256xf32>
      %add3A = arith.addf %concatenate3A, %mul3A_17 : vector<1000x256xf32>
      %get3A_18 = arith.constant 0 : index
      %get3A_19 = arith.constant 0 : index
      %get3A_20 = vector.load %arg6[%get3A_18, %get3A_19] : memref<1x256xf32, #tpu.memory_space<vmem>>, vector<1x256xf32>
      %add3A_21 = vector.broadcast %get3A_20 : vector<1x256xf32> to vector<1000x256xf32>
      %add3A_22 = arith.addf %add3A, %add3A_21 : vector<1000x256xf32>
      %max3A = arith.constant 0.000000e+00 : f32
      %max3A_23 = vector.broadcast %max3A : f32 to vector<1000x256xf32>
      %max3A_24 = arith.maximumf %add3A_22, %max3A_23 : vector<1000x256xf32>
      %broadcast_in_dim3A = arith.constant 0.000000e+00 : f32
      %broadcast_in_dim3A_25 = vector.broadcast %broadcast_in_dim3A : f32 to vector<1000x1xf32>
      %concatenate3A_26 = tpu.concatenate %broadcast_in_dim3A_25, %max3A_24, %broadcast_in_dim3A_25 in 1 : vector<1000x1xf32>, vector<1000x256xf32>, vector<1000x1xf32> -> vector<1000x258xf32>
      %get3A_27 = arith.constant 0 : index
      %get3A_28 = arith.constant 0 : index
      %get3A_29 = vector.load %arg8[%get3A_27, %get3A_28] : memref<1x8xf32, #tpu.memory_space<vmem>>, vector<1x1xf32>
      %broadcast_in_dim3A_30 = vector.shape_cast %get3A_29 : vector<1x1xf32> to vector<1x1xf32>
      %broadcast_in_dim3A_31 = vector.broadcast %broadcast_in_dim3A_30 : vector<1x1xf32> to vector<1000x256xf32>
      %slice3A = vector.extract_strided_slice %concatenate3A_26 {offsets = [0, 0], sizes = [1000, 256], strides = [1, 1]} : vector<1000x258xf32> to vector<1000x256xf32>
      %get3A_32 = arith.constant 0 : index
      %get3A_33 = arith.constant 0 : index
      %get3A_34 = vector.load %arg7[%get3A_32, %get3A_33] : memref<1x8xf32, #tpu.memory_space<vmem>>, vector<1x1xf32>
      %mul3A_35 = vector.broadcast %get3A_34 : vector<1x1xf32> to vector<1000x256xf32>
      %mul3A_36 = arith.mulf %slice3A, %mul3A_35 : vector<1000x256xf32>
      %add3A_37 = arith.addf %broadcast_in_dim3A_31, %mul3A_36 : vector<1000x256xf32>
      %slice3A_38 = vector.extract_strided_slice %concatenate3A_26 {offsets = [0, 1], sizes = [1000, 256], strides = [1, 1]} : vector<1000x258xf32> to vector<1000x256xf32>
      %get3A_39 = arith.constant 0 : index
      %get3A_40 = arith.constant 1 : index
      %get3A_41 = vector.load %arg7[%get3A_39, %get3A_40] : memref<1x8xf32, #tpu.memory_space<vmem>>, vector<1x1xf32>
      %mul3A_42 = vector.broadcast %get3A_41 : vector<1x1xf32> to vector<1000x256xf32>
      %mul3A_43 = arith.mulf %slice3A_38, %mul3A_42 : vector<1000x256xf32>
      %add3A_44 = arith.addf %add3A_37, %mul3A_43 : vector<1000x256xf32>
      %slice3A_45 = vector.extract_strided_slice %concatenate3A_26 {offsets = [0, 2], sizes = [1000, 256], strides = [1, 1]} : vector<1000x258xf32> to vector<1000x256xf32>
      %get3A_46 = arith.constant 0 : index
      %get3A_47 = arith.constant 2 : index
      %get3A_48 = vector.load %arg7[%get3A_46, %get3A_47] : memref<1x8xf32, #tpu.memory_space<vmem>>, vector<1x1xf32>
      %mul3A_49 = vector.broadcast %get3A_48 : vector<1x1xf32> to vector<1000x256xf32>
      %mul3A_50 = arith.mulf %slice3A_45, %mul3A_49 : vector<1000x256xf32>
      %add3A_51 = arith.addf %add3A_44, %mul3A_50 : vector<1000x256xf32>
      %max3A_52 = arith.constant 0.000000e+00 : f32
      %max3A_53 = vector.broadcast %max3A_52 : f32 to vector<1000x256xf32>
      %max3A_54 = arith.maximumf %add3A_51, %max3A_53 : vector<1000x256xf32>
      %iota3A = tpu.iota {dimensions = array<i32: 0>} : vector<64x1000xi32>
      %get3A_55 = arith.constant 0 : index
      %get3A_56 = arith.constant 0 : index
      %get3A_57 = arith.constant 0 : index
      %get3A_58 = vector.load %arg9[%get3A_55, %get3A_56, %get3A_57] : memref<1x1x1000xi32, #tpu.memory_space<vmem>>, vector<1x1x1000xi32>
      %get3A_59 = vector.shape_cast %get3A_58 : vector<1x1x1000xi32> to vector<1x1000xi32>
      %eq3A = vector.broadcast %get3A_59 : vector<1x1000xi32> to vector<64x1000xi32>
      %eq3A_60 = arith.cmpi eq, %iota3A, %eq3A : vector<64x1000xi32>
      %convert_element_type3A_61 = arith.extui %eq3A_60 : vector<64x1000xi1> to vector<64x1000xi32>
      %convert_element_type3A_62 = arith.sitofp %convert_element_type3A_61 : vector<64x1000xi32> to vector<64x1000xf32>
      %eq3A_63 = arith.constant 0 : i32
      %eq3A_64 = arith.cmpi eq, %arg0, %eq3A_63 : i32
      %convert_element_type3A_65 = arith.extui %eq3A_64 : i1 to i32
      %cond3A_66 = arith.constant 0 : i32
      %cond3A_67 = arith.cmpi ne, %convert_element_type3A_65, %cond3A_66 : i32
      scf.if %cond3A_67 {
        %broadcast_in_dim3A_90 = arith.constant 0.000000e+00 : f32
        %broadcast_in_dim3A_91 = vector.broadcast %broadcast_in_dim3A_90 : f32 to vector<64x256xf32>
        %swap3A_92 = arith.constant 0 : index
        %swap3A_93 = arith.constant 0 : index
        %swap3A_94 = vector.load %arg11[%swap3A_92, %swap3A_93] : memref<64x256xf32, #tpu.memory_space<vmem>>, vector<64x256xf32>
        tpu.vector_store %arg11[%swap3A_92, %swap3A_93], %broadcast_in_dim3A_91 {strides = array<i32>} : memref<64x256xf32, #tpu.memory_space<vmem>>, vector<64x256xf32>,
        %broadcast_in_dim3A_95 = arith.constant 0.000000e+00 : f32
        %broadcast_in_dim3A_96 = vector.broadcast %broadcast_in_dim3A_95 : f32 to vector<64x128xf32>
        %swap3A_97 = arith.constant 0 : index
        %swap3A_98 = arith.constant 0 : index
        %swap3A_99 = vector.load %arg12[%swap3A_97, %swap3A_98] : memref<64x128xf32, #tpu.memory_space<vmem>>, vector<64x128xf32>
        tpu.vector_store %arg12[%swap3A_97, %swap3A_98], %broadcast_in_dim3A_96 {strides = array<i32>} : memref<64x128xf32, #tpu.memory_space<vmem>>, vector<64x128xf32>,
      } else {
      }
      %get3A_68 = arith.constant 0 : index
      %get3A_69 = arith.constant 0 : index
      %get3A_70 = vector.load %arg11[%get3A_68, %get3A_69] : memref<64x256xf32, #tpu.memory_space<vmem>>, vector<64x256xf32>
      %dot_general3A = arith.constant dense<0.000000e+00> : vector<64x256xf32>
      %dot_general3A_71 = tpu.matmul %convert_element_type3A_62, %max3A_54, %dot_general3A {dimension_numbers = #tpu.dot_dimension_numbers<[1], [0], [0], [1], [0, 0, 1, 1], [], []>, transpose_lhs_hint = false} : vector<64x1000xf32>, vector<1000x256xf32>, vector<64x256xf32> -> vector<64x256xf32>
      %add3A_72 = arith.addf %get3A_70, %dot_general3A_71 : vector<64x256xf32>
      %swap3A = arith.constant 0 : index
      %swap3A_73 = arith.constant 0 : index
      %swap3A_74 = vector.load %arg11[%swap3A, %swap3A_73] : memref<64x256xf32, #tpu.memory_space<vmem>>, vector<64x256xf32>
      tpu.vector_store %arg11[%swap3A, %swap3A_73], %add3A_72 {strides = array<i32>} : memref<64x256xf32, #tpu.memory_space<vmem>>, vector<64x256xf32>,
      %get3A_75 = arith.constant 0 : index
      %get3A_76 = arith.constant 0 : index
      %get3A_77 = vector.load %arg12[%get3A_75, %get3A_76] : memref<64x128xf32, #tpu.memory_space<vmem>>, vector<64x128xf32>
      %reduce_sum3A = arith.constant dense<0.000000e+00> : vector<64xf32>
      %reduce_sum3A_78 = vector.multi_reduction <add>, %convert_element_type3A_62, %reduce_sum3A [1] : vector<64x1000xf32> to vector<64xf32>
      %broadcast_in_dim3A_79 = vector.shape_cast %reduce_sum3A_78 : vector<64xf32> to vector<64x1xf32>
      %add3A_80 = vector.broadcast %broadcast_in_dim3A_79 : vector<64x1xf32> to vector<64x128xf32>
      %add3A_81 = arith.addf %get3A_77, %add3A_80 : vector<64x128xf32>
      %swap3A_82 = arith.constant 0 : index
      %swap3A_83 = arith.constant 0 : index
      %swap3A_84 = vector.load %arg12[%swap3A_82, %swap3A_83] : memref<64x128xf32, #tpu.memory_space<vmem>>, vector<64x128xf32>
      tpu.vector_store %arg12[%swap3A_82, %swap3A_83], %add3A_81 {strides = array<i32>} : memref<64x128xf32, #tpu.memory_space<vmem>>, vector<64x128xf32>,
      %eq3A_85 = arith.constant 9 : i32
      %eq3A_86 = arith.cmpi eq, %arg0, %eq3A_85 : i32
      %convert_element_type3A_87 = arith.extui %eq3A_86 : i1 to i32
      %cond3A_88 = arith.constant 0 : i32
      %cond3A_89 = arith.cmpi ne, %convert_element_type3A_87, %cond3A_88 : i32
      scf.if %cond3A_89 {
        %get3A_90 = arith.constant 0 : index
        %get3A_91 = arith.constant 0 : index
        %get3A_92 = vector.load %arg11[%get3A_90, %get3A_91] : memref<64x256xf32, #tpu.memory_space<vmem>>, vector<64x256xf32>
        %get3A_93 = arith.constant 0 : index
        %get3A_94 = arith.constant 0 : index
        %get3A_95 = vector.load %arg12[%get3A_93, %get3A_94] : memref<64x128xf32, #tpu.memory_space<vmem>>, vector<64x1xf32>
        %max3A_96 = arith.constant 1.000000e+00 : f32
        %max3A_97 = vector.broadcast %max3A_96 : f32 to vector<64x1xf32>
        %max3A_98 = arith.maximumf %get3A_95, %max3A_97 : vector<64x1xf32>
        %div3A = vector.broadcast %max3A_98 : vector<64x1xf32> to vector<64x256xf32>
        %div3A_99 = arith.divf %get3A_92, %div3A : vector<64x256xf32>
        %swap3A_100 = arith.constant 0 : index
        %swap3A_101 = arith.constant 0 : index
        %swap3A_102 = vector.load %arg10[%swap3A_100, %swap3A_101] : memref<64x256xf32, #tpu.memory_space<vmem>>, vector<64x256xf32>
        tpu.vector_store %arg10[%swap3A_100, %swap3A_101], %div3A_99 {strides = array<i32>} : memref<64x256xf32, #tpu.memory_space<vmem>>, vector<64x256xf32>,
      } else {
      }
    } else {
    }
    return
  }
  func.func @transform_0(%arg0: i32) -> (i32, i32) {
    %c0_i32 = arith.constant 0 : i32
    %c0_i32_0 = arith.constant 0 : i32
    %c0_i32_1 = arith.constant 0 : i32
    return %c0_i32, %c0_i32_0 : i32, i32
  }
  func.func @transform_1(%arg0: i32) -> (i32, i32) {
    %c0_i32 = arith.constant 0 : i32
    %c0_i32_0 = arith.constant 0 : i32
    return %arg0, %c0_i32 : i32, i32
  }
  func.func @transform_2(%arg0: i32) -> (i32, i32) {
    %c0_i32 = arith.constant 0 : i32
    %c0_i32_0 = arith.constant 0 : i32
    return %arg0, %c0_i32 : i32, i32
  }
  func.func @transform_3(%arg0: i32) -> (i32, i32) {
    %c0_i32 = arith.constant 0 : i32
    %c0_i32_0 = arith.constant 0 : i32
    return %arg0, %c0_i32 : i32, i32
  }
  func.func @transform_4(%arg0: i32) -> (i32, i32) {
    %c0_i32 = arith.constant 0 : i32
    %c0_i32_0 = arith.constant 0 : i32
    return %arg0, %c0_i32 : i32, i32
  }
  func.func @transform_5(%arg0: i32) -> (i32, i32) {
    %c0_i32 = arith.constant 0 : i32
    %c0_i32_0 = arith.constant 0 : i32
    %c0_i32_1 = arith.constant 0 : i32
    return %c0_i32, %c0_i32_0 : i32, i32
  }
  func.func @transform_6(%arg0: i32) -> (i32, i32) {
    %c0_i32 = arith.constant 0 : i32
    %c0_i32_0 = arith.constant 0 : i32
    %c0_i32_1 = arith.constant 0 : i32
    return %c0_i32, %c0_i32_0 : i32, i32
  }
  func.func @transform_7(%arg0: i32) -> (i32, i32) {
    %c0_i32 = arith.constant 0 : i32
    %c0_i32_0 = arith.constant 0 : i32
    %c0_i32_1 = arith.constant 0 : i32
    return %c0_i32, %c0_i32_0 : i32, i32
  }
  func.func @transform_8(%arg0: i32) -> (i32, i32, i32) {
    %c0_i32 = arith.constant 0 : i32
    %c0_i32_0 = arith.constant 0 : i32
    %c0_i32_1 = arith.constant 0 : i32
    return %arg0, %c0_i32, %c0_i32_0 : i32, i32, i32
  }
  func.func @transform_9(%arg0: i32) -> (i32, i32) {
    %c0_i32 = arith.constant 0 : i32
    %c0_i32_0 = arith.constant 0 : i32
    %c0_i32_1 = arith.constant 0 : i32
    return %c0_i32, %c0_i32_0 : i32, i32
  }
}

module attributes {stable_mosaic.version = 14 : i64} {
  func.func @_mm1_body(%arg0: i32, %arg1: memref<1x1xi32, #tpu.memory_space<vmem>>, %arg2: memref<1000x128xf32, #tpu.memory_space<vmem>>, %arg3: memref<1000x128xf32, #tpu.memory_space<vmem>>, %arg4: memref<1000x256xf32, #tpu.memory_space<vmem>>, %arg5: memref<1000x1xf32, #tpu.memory_space<vmem>>, %arg6: memref<256x512xf32, #tpu.memory_space<vmem>>, %arg7: memref<1x512xf32, #tpu.memory_space<vmem>>, %arg8: memref<1x8xf32, #tpu.memory_space<vmem>>, %arg9: memref<1x8xf32, #tpu.memory_space<vmem>>, %arg10: memref<512x256xf32, #tpu.memory_space<vmem>>, %arg11: memref<1000x256xf32, #tpu.memory_space<vmem>>) attributes {dimension_semantics = [#tpu.dimension_semantics<arbitrary>], iteration_bounds = array<i64: 10>, scalar_prefetch = 0 : i64, scratch_operands = 0 : i64, tpu.core_type = #tpu.core_type<tc>, window_params = [{pipeline_mode = #tpu.pipeline_mode<synchronous>, transform_indices = @transform_0, window_bounds = array<i64: 1, 1>}, {transform_indices = @transform_1, window_bounds = array<i64: 1000, 128>}, {transform_indices = @transform_2, window_bounds = array<i64: 1000, 128>}, {transform_indices = @transform_3, window_bounds = array<i64: 1000, 256>}, {transform_indices = @transform_4, window_bounds = array<i64: 1000, 1>}, {pipeline_mode = #tpu.pipeline_mode<synchronous>, transform_indices = @transform_5, window_bounds = array<i64: 256, 512>}, {pipeline_mode = #tpu.pipeline_mode<synchronous>, transform_indices = @transform_6, window_bounds = array<i64: 1, 512>}, {pipeline_mode = #tpu.pipeline_mode<synchronous>, transform_indices = @transform_7, window_bounds = array<i64: 1, 8>}, {pipeline_mode = #tpu.pipeline_mode<synchronous>, transform_indices = @transform_8, window_bounds = array<i64: 1, 8>}, {pipeline_mode = #tpu.pipeline_mode<synchronous>, transform_indices = @transform_9, window_bounds = array<i64: 512, 256>}, {transform_indices = @transform_10, window_bounds = array<i64: 1000, 256>}]} {
    %get3A = arith.constant 0 : index
    %get3A_0 = arith.constant 0 : index
    %get3A_1 = vector.load %arg1[%get3A, %get3A_0] : memref<1x1xi32, #tpu.memory_space<vmem>>, vector<1x1xi32>
    %get3A_2 = vector.extract %get3A_1[0, 0] : i32 from vector<1x1xi32>
    %ne3A = arith.constant 0 : i32
    %ne3A_3 = arith.cmpi ne, %get3A_2, %ne3A : i32
    %convert_element_type3A = arith.extui %ne3A_3 : i1 to i32
    %cond3A = arith.constant 0 : i32
    %cond3A_4 = arith.cmpi ne, %convert_element_type3A, %cond3A : i32
    scf.if %cond3A_4 {
      %get3A_5 = arith.constant 0 : index
      %get3A_6 = arith.constant 0 : index
      %get3A_7 = vector.load %arg2[%get3A_5, %get3A_6] : memref<1000x128xf32, #tpu.memory_space<vmem>>, vector<1000x128xf32>
      %get3A_8 = arith.constant 0 : index
      %get3A_9 = arith.constant 0 : index
      %get3A_10 = vector.load %arg3[%get3A_8, %get3A_9] : memref<1000x128xf32, #tpu.memory_space<vmem>>, vector<1000x128xf32>
      %concatenate3A = tpu.concatenate %get3A_7, %get3A_10 in 1 : vector<1000x128xf32>, vector<1000x128xf32> -> vector<1000x256xf32>
      %get3A_11 = arith.constant 0 : index
      %get3A_12 = arith.constant 0 : index
      %get3A_13 = vector.load %arg5[%get3A_11, %get3A_12] : memref<1000x1xf32, #tpu.memory_space<vmem>>, vector<1000x1xf32>
      %get3A_14 = arith.constant 0 : index
      %get3A_15 = arith.constant 0 : index
      %get3A_16 = vector.load %arg4[%get3A_14, %get3A_15] : memref<1000x256xf32, #tpu.memory_space<vmem>>, vector<1000x256xf32>
      %mul3A = vector.broadcast %get3A_13 : vector<1000x1xf32> to vector<1000x256xf32>
      %mul3A_17 = arith.mulf %mul3A, %get3A_16 : vector<1000x256xf32>
      %add3A = arith.addf %concatenate3A, %mul3A_17 : vector<1000x256xf32>
      %get3A_18 = arith.constant 0 : index
      %get3A_19 = arith.constant 0 : index
      %get3A_20 = vector.load %arg6[%get3A_18, %get3A_19] : memref<256x512xf32, #tpu.memory_space<vmem>>, vector<256x512xf32>
      %dot_general3A = arith.constant dense<0.000000e+00> : vector<1000x512xf32>
      %dot_general3A_21 = tpu.matmul %add3A, %get3A_20, %dot_general3A {dimension_numbers = #tpu.dot_dimension_numbers<[1], [0], [0], [1], [0, 0, 1, 1], [], []>, transpose_lhs_hint = false} : vector<1000x256xf32>, vector<256x512xf32>, vector<1000x512xf32> -> vector<1000x512xf32>
      %get3A_22 = arith.constant 0 : index
      %get3A_23 = arith.constant 0 : index
      %get3A_24 = vector.load %arg7[%get3A_22, %get3A_23] : memref<1x512xf32, #tpu.memory_space<vmem>>, vector<1x512xf32>
      %add3A_25 = vector.broadcast %get3A_24 : vector<1x512xf32> to vector<1000x512xf32>
      %add3A_26 = arith.addf %dot_general3A_21, %add3A_25 : vector<1000x512xf32>
      %max3A = arith.constant 0.000000e+00 : f32
      %max3A_27 = vector.broadcast %max3A : f32 to vector<1000x512xf32>
      %max3A_28 = arith.maximumf %add3A_26, %max3A_27 : vector<1000x512xf32>
      %broadcast_in_dim3A = arith.constant 0.000000e+00 : f32
      %broadcast_in_dim3A_29 = vector.broadcast %broadcast_in_dim3A : f32 to vector<1000x2xf32>
      %concatenate3A_30 = tpu.concatenate %broadcast_in_dim3A_29, %max3A_28, %broadcast_in_dim3A_29 in 1 : vector<1000x2xf32>, vector<1000x512xf32>, vector<1000x2xf32> -> vector<1000x516xf32>
      %get3A_31 = arith.constant 0 : index
      %get3A_32 = arith.constant 0 : index
      %get3A_33 = vector.load %arg9[%get3A_31, %get3A_32] : memref<1x8xf32, #tpu.memory_space<vmem>>, vector<1x1xf32>
      %broadcast_in_dim3A_34 = vector.shape_cast %get3A_33 : vector<1x1xf32> to vector<1x1xf32>
      %broadcast_in_dim3A_35 = vector.broadcast %broadcast_in_dim3A_34 : vector<1x1xf32> to vector<1000x512xf32>
      %slice3A = vector.extract_strided_slice %concatenate3A_30 {offsets = [0, 0], sizes = [1000, 512], strides = [1, 1]} : vector<1000x516xf32> to vector<1000x512xf32>
      %get3A_36 = arith.constant 0 : index
      %get3A_37 = arith.constant 0 : index
      %get3A_38 = vector.load %arg8[%get3A_36, %get3A_37] : memref<1x8xf32, #tpu.memory_space<vmem>>, vector<1x1xf32>
      %mul3A_39 = vector.broadcast %get3A_38 : vector<1x1xf32> to vector<1000x512xf32>
      %mul3A_40 = arith.mulf %slice3A, %mul3A_39 : vector<1000x512xf32>
      %add3A_41 = arith.addf %broadcast_in_dim3A_35, %mul3A_40 : vector<1000x512xf32>
      %slice3A_42 = vector.extract_strided_slice %concatenate3A_30 {offsets = [0, 1], sizes = [1000, 512], strides = [1, 1]} : vector<1000x516xf32> to vector<1000x512xf32>
      %get3A_43 = arith.constant 0 : index
      %get3A_44 = arith.constant 1 : index
      %get3A_45 = vector.load %arg8[%get3A_43, %get3A_44] : memref<1x8xf32, #tpu.memory_space<vmem>>, vector<1x1xf32>
      %mul3A_46 = vector.broadcast %get3A_45 : vector<1x1xf32> to vector<1000x512xf32>
      %mul3A_47 = arith.mulf %slice3A_42, %mul3A_46 : vector<1000x512xf32>
      %add3A_48 = arith.addf %add3A_41, %mul3A_47 : vector<1000x512xf32>
      %slice3A_49 = vector.extract_strided_slice %concatenate3A_30 {offsets = [0, 2], sizes = [1000, 512], strides = [1, 1]} : vector<1000x516xf32> to vector<1000x512xf32>
      %get3A_50 = arith.constant 0 : index
      %get3A_51 = arith.constant 2 : index
      %get3A_52 = vector.load %arg8[%get3A_50, %get3A_51] : memref<1x8xf32, #tpu.memory_space<vmem>>, vector<1x1xf32>
      %mul3A_53 = vector.broadcast %get3A_52 : vector<1x1xf32> to vector<1000x512xf32>
      %mul3A_54 = arith.mulf %slice3A_49, %mul3A_53 : vector<1000x512xf32>
      %add3A_55 = arith.addf %add3A_48, %mul3A_54 : vector<1000x512xf32>
      %slice3A_56 = vector.extract_strided_slice %concatenate3A_30 {offsets = [0, 3], sizes = [1000, 512], strides = [1, 1]} : vector<1000x516xf32> to vector<1000x512xf32>
      %get3A_57 = arith.constant 0 : index
      %get3A_58 = arith.constant 3 : index
      %get3A_59 = vector.load %arg8[%get3A_57, %get3A_58] : memref<1x8xf32, #tpu.memory_space<vmem>>, vector<1x1xf32>
      %mul3A_60 = vector.broadcast %get3A_59 : vector<1x1xf32> to vector<1000x512xf32>
      %mul3A_61 = arith.mulf %slice3A_56, %mul3A_60 : vector<1000x512xf32>
      %add3A_62 = arith.addf %add3A_55, %mul3A_61 : vector<1000x512xf32>
      %slice3A_63 = vector.extract_strided_slice %concatenate3A_30 {offsets = [0, 4], sizes = [1000, 512], strides = [1, 1]} : vector<1000x516xf32> to vector<1000x512xf32>
      %get3A_64 = arith.constant 0 : index
      %get3A_65 = arith.constant 4 : index
      %get3A_66 = vector.load %arg8[%get3A_64, %get3A_65] : memref<1x8xf32, #tpu.memory_space<vmem>>, vector<1x1xf32>
      %mul3A_67 = vector.broadcast %get3A_66 : vector<1x1xf32> to vector<1000x512xf32>
      %mul3A_68 = arith.mulf %slice3A_63, %mul3A_67 : vector<1000x512xf32>
      %add3A_69 = arith.addf %add3A_62, %mul3A_68 : vector<1000x512xf32>
      %max3A_70 = arith.constant 0.000000e+00 : f32
      %max3A_71 = vector.broadcast %max3A_70 : f32 to vector<1000x512xf32>
      %max3A_72 = arith.maximumf %add3A_69, %max3A_71 : vector<1000x512xf32>
      %get3A_73 = arith.constant 0 : index
      %get3A_74 = arith.constant 0 : index
      %get3A_75 = vector.load %arg10[%get3A_73, %get3A_74] : memref<512x256xf32, #tpu.memory_space<vmem>>, vector<512x256xf32>
      %dot_general3A_76 = arith.constant dense<0.000000e+00> : vector<1000x256xf32>
      %dot_general3A_77 = tpu.matmul %max3A_72, %get3A_75, %dot_general3A_76 {dimension_numbers = #tpu.dot_dimension_numbers<[1], [0], [0], [1], [0, 0, 1, 1], [], []>, transpose_lhs_hint = false} : vector<1000x512xf32>, vector<512x256xf32>, vector<1000x256xf32> -> vector<1000x256xf32>
      %swap3A = arith.constant 0 : index
      %swap3A_78 = arith.constant 0 : index
      %swap3A_79 = vector.load %arg11[%swap3A, %swap3A_78] : memref<1000x256xf32, #tpu.memory_space<vmem>>, vector<1000x256xf32>
      tpu.vector_store %arg11[%swap3A, %swap3A_78], %dot_general3A_77 {strides = array<i32>} : memref<1000x256xf32, #tpu.memory_space<vmem>>, vector<1000x256xf32>,
    } else {
    }
    return
  }
  func.func @transform_0(%arg0: i32) -> (i32, i32) {
    %c0_i32 = arith.constant 0 : i32
    %c0_i32_0 = arith.constant 0 : i32
    %c0_i32_1 = arith.constant 0 : i32
    return %c0_i32, %c0_i32_0 : i32, i32
  }
  func.func @transform_1(%arg0: i32) -> (i32, i32) {
    %c0_i32 = arith.constant 0 : i32
    %c0_i32_0 = arith.constant 0 : i32
    return %arg0, %c0_i32 : i32, i32
  }
  func.func @transform_2(%arg0: i32) -> (i32, i32) {
    %c0_i32 = arith.constant 0 : i32
    %c0_i32_0 = arith.constant 0 : i32
    return %arg0, %c0_i32 : i32, i32
  }
  func.func @transform_3(%arg0: i32) -> (i32, i32) {
    %c0_i32 = arith.constant 0 : i32
    %c0_i32_0 = arith.constant 0 : i32
    return %arg0, %c0_i32 : i32, i32
  }
  func.func @transform_4(%arg0: i32) -> (i32, i32) {
    %c0_i32 = arith.constant 0 : i32
    %c0_i32_0 = arith.constant 0 : i32
    return %arg0, %c0_i32 : i32, i32
  }
  func.func @transform_5(%arg0: i32) -> (i32, i32) {
    %c0_i32 = arith.constant 0 : i32
    %c0_i32_0 = arith.constant 0 : i32
    %c0_i32_1 = arith.constant 0 : i32
    return %c0_i32, %c0_i32_0 : i32, i32
  }
  func.func @transform_6(%arg0: i32) -> (i32, i32) {
    %c0_i32 = arith.constant 0 : i32
    %c0_i32_0 = arith.constant 0 : i32
    %c0_i32_1 = arith.constant 0 : i32
    return %c0_i32, %c0_i32_0 : i32, i32
  }
  func.func @transform_7(%arg0: i32) -> (i32, i32) {
    %c0_i32 = arith.constant 0 : i32
    %c0_i32_0 = arith.constant 0 : i32
    %c0_i32_1 = arith.constant 0 : i32
    return %c0_i32, %c0_i32_0 : i32, i32
  }
  func.func @transform_8(%arg0: i32) -> (i32, i32) {
    %c0_i32 = arith.constant 0 : i32
    %c0_i32_0 = arith.constant 0 : i32
    %c0_i32_1 = arith.constant 0 : i32
    return %c0_i32, %c0_i32_0 : i32, i32
  }
  func.func @transform_9(%arg0: i32) -> (i32, i32) {
    %c0_i32 = arith.constant 0 : i32
    %c0_i32_0 = arith.constant 0 : i32
    %c0_i32_1 = arith.constant 0 : i32
    return %c0_i32, %c0_i32_0 : i32, i32
  }
  func.func @transform_10(%arg0: i32) -> (i32, i32) {
    %c0_i32 = arith.constant 0 : i32
    %c0_i32_0 = arith.constant 0 : i32
    return %arg0, %c0_i32 : i32, i32
  }
}

</mosaic_0001>

<sc_bundles>
// kernel: body.18.cloned.1.call-start
scs
__scs_entry_jumppad:
0x0: {  	(pc) =	sbr.rel $0x88, $3  }
0x1: {  	(tag) =	ssettag $0x0;
	lr =	simm.s32 $0x1  }
0x2: {  	[smem:$0x3F95] =	sst lr;
	_ =	strace $0xD0000000  }
0x3: {  	_ = 	snop  }
0x4: {  	_ = 	snop  }
0x5: {  	_ = 	snop  }
0x6: {  	_ = 	snop  }
0x7: {  	_ = 	snop  }
__scs_overlays_trampoline_lowered:
0x8: {  	[smem:$0x3FA4] =	sst s0  }
0x9: {  	[smem:$0x3FA5] =	sst s1  }
0xa: {  	[smem:$0x3FA6] =	sst s2  }
0xb: {  	[smem:$0x3FA7] =	sst s3  }
0xc: {  	[smem:$0x3FA8] =	sst s4  }
0xd: {  	[smem:$0x3FA9] =	sst s5  }
0xe: {  	[smem:$0x3FAA] =	sst s6  }
0xf: {  	[smem:$0x3FAB] =	sst s7  }
0x10: {  	[smem:$0x3FAC] =	sst s8  }
0x11: {  	[smem:$0x3FAD] =	sst s9;
	s0 =	simm.s32 @!p0 $0x0  }
0x12: {  	s1 =	sld [smem:$0x3F93];
	s0 =	simm.s32 @p0 $0x1  }
0x13: {  	[smem:$0x3FAE] =	sst s0;
	s0 =	simm.s32 @!p1 $0x0  }
0x14: {  	s2 =	sld [smem:$0x3F92];
	s0 =	simm.s32 @p1 $0x1  }
0x15: {  	[smem:$0x3FAF] =	sst s0;
	s0 =	simm.s32 @!p2 $0x0  }
0x16: {  	s3 =	sld [smem:$0x3FDB];
	s0 =	simm.s32 @p2 $0x1  }
0x17: {  	s4 =	simm.s32 $0x1BF5;
	[smem:$0x3FB1] =	sst s0  }
0x18: {  	s0 =	sld [smem:$0x3F94];
	_ =	swait.ge [sflag:s4], $0x0  }
0x19: {  	s7 =	sld [smem:$0x3F95]  }
0x1a: {  	s8 =	sadd.s32 $0xFFFFE003, lr  }
0x1b: {  	s9 =	sadd.s32 $0xFFFFFEF7, lr;
	s5 =	simm.s32 $0xFFFFFFFF;
	p2 =	slt.u32 s8, $0xFFFFF086  }
0x1c: {  	p1 =	slt.u32 s9, $0xF7A;
	s5 =	simm.s32 @!p2 $0x0  }
0x1d: {  	s5 =	simm.s32 @p1 $0x1;
	p0 =	seq.s32 s7, s2  }
0x1e: {  	s7 =	smul.u32 @!p0 $0xF7A, s2;
	p2 =	seq.s32 @!p0 s5, $0x0  }
0x1f: {  	s9 =	smul.u32 $0xF7A, s1;
	s8 =	simm.s32 @!p0 $0x1BF5;
	p2 =	por !p2, p0  }
0x20: {  	[sflag:s8] =	ssyncset.s32 @!p0 $0xFFFFF086;
	s6 =	sadd.s32 @!p0 s3, s7;
	s7 =	simm.s32 @!p0 $0x108  }
0x21: {  	s3 =	sadd.s32 s3, s9;
	s6 =	sadd.s32 @!p0 $0x88, s6;
	s7 =	simm.s32 @p2 $0x1082  }
0x22: {  	[simem:s7], [sflag:s8] =	dma.local @!p0 [hbm:s6], $0xF7A  }
0x23: {  	s9 =	sor.u32 $0xD0000000, s2;
	s6 =	simm.s32 $0x108;
	_ =	swait.ge @!p0 [sflag:s8], $0x0  }
0x24: {  	s3 =	sadd.s32 $0x88, s3;
	s6 =	simm.s32 @!p1 $0x1082;
	[sflag:s4] =	ssyncset.s32 $0xFFFFF086  }
0x25: {  	[simem:s6], [sflag:s4] =	dma.local [hbm:s3], $0xF7A  }
0x26: {  	[smem:$0x3F95] =	sst s1;
	(tag) =	ssettag s2;
	_ =	strace s9  }
0x27: {  	s1 =	sld [smem:$0x3FA5]  }
0x28: {  	s2 =	sld [smem:$0x3FA6]  }
0x29: {  	s4 =	sld [smem:$0x3FA8]  }
0x2a: {  	p0 =	seq.s32 s5, $0x0;
	s5 =	sld [smem:$0x3FA9]  }
0x2b: {  	s6 =	sld [smem:$0x3FAA]  }
0x2c: {  	s7 =	sld [smem:$0x3FAB]  }
0x2d: {  	s3 =	simm.s32 $0x108;
	s8 =	sld [smem:$0x3FAC]  }
0x2e: {  	s3 =	simm.s32 @!p0 $0x1082;
	s9 =	sld [smem:$0x3FAD]  }
0x2f: {  	lr =	sadd.s32 s0, s3;
	s0 =	sld [smem:$0x3FA4]  }
0x30: {  	s3 =	sld [smem:$0x3FA7]  }
0x31: {  	[smem:$0x3FB0] =	sst s10  }
0x32: {  	s10 =	sld [smem:$0x3FAE];
	_ =	sdelay $0x3  }
0x33: {  	p0 =	seq.s32 s10, $0x1;
	s10 =	sld [smem:$0x3FB0];
	_ =	sdelay $0x3  }
0x34: {  	[smem:$0x3FB0] =	sst s10  }
0x35: {  	s10 =	sld [smem:$0x3FAF];
	_ =	sdelay $0x3  }
0x36: {  	p1 =	seq.s32 s10, $0x1;
	s10 =	sld [smem:$0x3FB0];
	_ =	sdelay $0x3  }
0x37: {  	[smem:$0x3FB0] =	sst s10  }
0x38: {  	s10 =	sld [smem:$0x3FB1]  }
0x39: {  	_ = 	snop;
	(pc) =	sbr.ind lr, $3  }
0x3a: {  	_ = 	snop  }
0x3b: {  	_ = 	snop  }
0x3c: {  	p2 =	seq.s32 s10, $0x1;
	s10 =	sld [smem:$0x3FB0]  }
0x3d: {  	_ =	shalt  }
0x3e: {  	_ =	shalt  }
0x3f: {  	_ =	shalt  }
0x40: {  	_ =	shalt  }
0x41: {  	_ =	shalt  }
0x42: {  	_ =	shalt  }
0x43: {  	_ =	shalt  }
0x44: {  	_ =	shalt  }
0x45: {  	_ =	shalt  }
0x46: {  	_ =	shalt  }
0x47: {  	_ =	shalt  }
0x48: {  	_ =	shalt  }
0x49: {  	_ =	shalt  }
0x4a: {  	_ =	shalt  }
0x4b: {  	_ =	shalt  }
0x4c: {  	_ =	shalt  }
0x4d: {  	_ =	shalt  }
0x4e: {  	_ =	shalt  }
0x4f: {  	_ =	shalt  }
0x50: {  	_ =	shalt  }
0x51: {  	_ =	shalt  }
0x52: {  	_ =	shalt  }
0x53: {  	_ =	shalt  }
0x54: {  	_ =	shalt  }
0x55: {  	_ =	shalt  }
0x56: {  	_ =	shalt  }
0x57: {  	_ =	shalt  }
0x58: {  	_ =	shalt  }
0x59: {  	_ =	shalt  }
0x5a: {  	_ =	shalt  }
0x5b: {  	_ =	shalt  }
0x5c: {  	_ =	shalt  }
0x5d: {  	_ =	shalt  }
0x5e: {  	_ =	shalt  }
0x5f: {  	_ =	shalt  }
0x60: {  	_ =	shalt  }
0x61: {  	_ =	shalt  }
0x62: {  	_ =	shalt  }
0x63: {  	_ =	shalt  }
0x64: {  	_ =	shalt  }
0x65: {  	_ =	shalt  }
0x66: {  	_ =	shalt  }
0x67: {  	_ =	shalt  }
0x68: {  	_ =	shalt  }
0x69: {  	_ =	shalt  }
0x6a: {  	_ =	shalt  }
0x6b: {  	_ =	shalt  }
0x6c: {  	_ =	shalt  }
0x6d: {  	_ =	shalt  }
0x6e: {  	_ =	shalt  }
0x6f: {  	_ =	shalt  }
0x70: {  	_ =	shalt  }
0x71: {  	_ =	shalt  }
0x72: {  	_ =	shalt  }
0x73: {  	_ =	shalt  }
0x74: {  	_ =	shalt  }
0x75: {  	_ =	shalt  }
0x76: {  	_ =	shalt  }
0x77: {  	_ =	shalt  }
0x78: {  	_ =	shalt  }
0x79: {  	_ =	shalt  }
0x7a: {  	_ =	shalt  }
0x7b: {  	_ =	shalt  }
0x7c: {  	_ =	shalt  }
0x7d: {  	_ =	shalt  }
0x7e: {  	_ =	shalt  }
0x7f: {  	_ =	shalt  }
0x80: {  	_ =	shalt  }
0x81: {  	_ =	shalt  }
0x82: {  	_ =	shalt  }
0x83: {  	_ =	shalt  }
0x84: {  	_ =	shalt  }
0x85: {  	_ =	shalt  }
0x86: {  	_ =	shalt  }
0x87: {  	_ =	shalt  }
.Lfunc_end0:
.L_simem_size_0:
called_computation_lowered:
.L_overlay_start_0:
0x88: {  	s2 =	sld [smem:$0x3FD9]  }
0x89: {  	s3 =	sld [smem:$0x3FFE];
	_ =	sdelay $0x1  }
0x8a: {  	s1 =	srdreg.scid  }
0x8b: {  	s0 =	sand.u32 $0x1, s1  }
0x8c: {  	s17 =	sshll.u32 s0, $0xA;
	s2 =	sadd.s32 s3, s2  }
0x8d: {  	s2 =	sadd.s32 s2, s17  }
0x8e: {  	[smem:$0x3FBC] =	sst s2  }
0x8f: {  	_ = 	snop  }
0x90: {  	s2 =	sld [smem:$0x3FD0];
	(tm) =	ssettm $0x1  }
0x91: {  	s18 =	sld [smem:$0x3FFB];
	_ =	sdelay $0x3  }
0x92: {  	_ =	strace s18  }
0x93: {  	s3 =	sld [smem:$0x3FFC];
	_ =	sdelay $0x3  }
0x94: {  	_ =	strace s3  }
0x95: {  	s3 =	sld [smem:$0x3FFD];
	_ =	sdelay $0x3  }
0x96: {  	_ =	strace s3  }
0x97: {  	_ =	strace $0x8FFFFFFF  }
0x98: {  	s19 =	sld [smem:$0x3FDB];
	_ =	sdelay $0x1  }
0x99: {  	s4 =	simm.s32 $_scs_section_size  }
0x9a: {  	s5 =	simm.s32 $_size__tile_overlayer_lowered;
	s6 =	simm.s32 $_tile_overlayer_lowered  }
0x9b: {  	s22 =	simm.s32 $0x1BFF;
	s21 =	sshll.u32 s6, $0x1;
	s3 =	sadd.s32 s4, s19  }
0x9c: {  	s7 =	simm.s32 $0x0;
	s20 =	sshll.u32 s5, $0x1;
	s5 =	sadd.s32 s21, s3  }
0x9d: {  	[timem:s7], [sflag:s22] =	dma.local [hbm:s5], s20  }
0x9e: {  	_ =	swait.ge [sflag:s22], s20  }
0x9f: {  	s4 =	ssub.s32 $0x0, s20;
	[sflag:s22] =	ssyncset.done $0x0  }
0xa0: {  	[sflag:s22] =	ssyncadd.s32 s4;
	_ =	sdelay $0x1  }
0xa1: {  	s23 =	simm.s32 $0x1B8B  }
0xa2: {  	_ =	swait.ge [sflag:s23], $0x1  }
0xa3: {  	[sflag:s23] =	ssyncset.done $0x0  }
0xa4: {  	s25 =	simm.s32 $0x1B8E;
	s24 =	sld [smem:$0x3FFE];
	[sflag:s23] =	ssyncadd.s32 $0xFFFFFFFF  }
0xa5: {  	s26 =	simm.s32 $execute0_lowered;
	[smem:$0x3FD2] =	sst s25  }
0xa6: {  	s5 =	sshll.u32 s26, $0x1;
	_ =	strace $0x80000046;
	[dreg:$0x1] =	wrdreg $0xFFFFFFFF  }
0xa7: {  	s28 =	simm.s32 $_size_execute0_lowered;
	s3 =	sadd.s32 s3, s5;
	[dreg:$0x0] =	wrdreg $0x0  }
0xa8: {  	s5 =	sshll.u32 s28, $0x1;
	[dreg:$0x2] =	wrdreg s3  }
0xa9: {  	[dreg:$0x3] =	wrdreg s5  }
0xaa: {  	[dreg:$0x4] =	wrdreg $0xC0  }
0xab: {  	_ =	task [dreg:s7], $0x5FFFF  }
0xac: {  	[dreg:$0x1] =	wrdreg $0xFFFFFFFF  }
0xad: {  	[dreg:$0x0] =	wrdreg $0x60  }
0xae: {  	[dreg:$0x2] =	wrdreg s24  }
0xaf: {  	[dreg:$0x3] =	wrdreg s2  }
0xb0: {  	[dreg:$0x4] =	wrdreg $0x1B9000  }
0xb1: {  	[dreg:$0x5] =	wrdreg $0x9  }
0xb2: {  	_ =	task.clear_ibuf [dreg:s7], $0x6FFFF;
	_ =	strace $0x90000046  }
0xb3: {  	s29 =	simm.s32 $0x9;
	_ =	strace $0x80000048  }
0xb4: {  	_ =	swait.ge [sflag:s29], $0x1  }
0xb5: {  	[sflag:s29] =	ssyncadd.s32 $0xFFFFFFFF  }
0xb6: {  	_ =	strace $0x90000048  }
0xb7: {  	_ =	sfence  }
0xb8: {  	s30 =	sld [smem:$0x0];
	_ =	sdelay $0x2  }
0xb9: {  	s31 =	sshll.u32 s1, $0xD;
	s1 =	sshrl.u32 s1, $0x2  }
0xba: {  	s3 =	sand.u32 $0x4000, s31;
	s1 =	sadd.s32 s1, s30  }
0xbb: {  	s0 =	sor.u32 s3, s0;
	s1 =	sshll.u32 s1, $0x11  }
0xbc: {  	s0 =	sor.u32 s1, s0  }
0xbd: {  	s0 =	sadd.s32 $0x8F2B, s0  }
0xbe: {  	[sflag:s0] =	ssyncadd.remote.s32 $0x1  }
0xbf: {  	_ =	sfence.sel $0xFFFF  }
0xc0: {  	[dreg:$0x0] =	wrdreg $0xFFFFFFFF;
	(pc) =	sbr.abs _section_cstart, $3  }
0xc1: {  	[dreg:$0x1] =	wrdreg $0xFFFFFFFF  }
0xc2: {  	_ =	task.clear_ibuf [dreg:s7], $0x2FFFF;
	_ =	strace $0x9FFFFFFF  }
0xc3: {  	(tm) =	ssettm $0x7FFFFFFF  }
tec
execute0_lowered:
.L_overlay_start_1:
0x0: {  	(tag) =	ssettag $0x1  }
0x1: {  	s0 =	rddreg [dreg:$0x0]  }
0x2: {  	s3 =	rddreg [dreg:$0x2];
	s2 =	simm.s32 $0x0  }
0x3: {  	s8 =	stileid.u32;
	s1 =	srdreg.scid;
	s17 =	simm.s32 $0x2  }
0x4: {  	s20 =	simm.s32 $0x15180;
	[smem:$0x7FF] =	sst s2;
	s25 =	smul.u32 $0x500, s8  }
0x5: {  	s1 =	sand.u32 $0x1, s1;
	s5 =	sadd.s32 $0x60000, s0;
	s6 =	sadd.s32 $0xAE200, s0  }
0x6: {  	s30 =	sshll.u32 s8, $0xE;
	_ =	strace $0x80000047;
	s31 =	smul.u32 $0x140000, s1  }
0x7: {  	s4 =	ssub.s32 $0x2, s1;
	[dreg:$0x7] =	wrdreg s30;
	s2 =	sadd.s32 s25, s0  }
0x8: {  	s7 =	sshrl.u32 s4, $0x1;
	s28 =	sadd.s32 $0x50A00, s2;
	[dreg:$0x8] =	wrdreg s31  }
0x9: {  	s26 =	ssub.s32 s4, s7;
	s29 =	sadd.s32 $0x55A00, s2;
	[dreg:$0x4] =	wrdreg s28  }
0xa: {  	s2 =	sadd.s32 $0x5AA00, s2;
	s7 =	sadd.s32 s30, s3;
	[dreg:$0x5] =	wrdreg s29  }
.Ltmp0:
0xb: {  	[dreg:$0x6] =	wrdreg s2;
	s0 =	smax.u32 s26, $0x1;
	(pc) =	sbr.rel .LBB2_1-.Ltmp0, $4  }
0xc: {  	s21 =	simm.s32 $0x17900;
	s8 =	sadd.s32 $0x1000, s7;
	[dreg:$0x9] =	wrdreg s0  }
0xd: {  	s22 =	simm.s32 $0x1;
	s9 =	sadd.s32 $0x2000, s7;
	[dreg:$0xa] =	wrdreg s8  }
0xe: {  	s23 =	simm.s32 $0x80;
	s10 =	sadd.s32 $0x3000, s7;
	[dreg:$0xb] =	wrdreg s9  }
0xf: {  	v1 =	vimm.s32 $0x0;
	v2 =	vimm.f32 $0.0e+00;
	s24 =	simm.s32 $0xD800;
	v0 =	vmov s1;
	s1 =	simm.s32 $0x0;
	[dreg:$0xc] =	wrdreg s10  }
.LBB2_22:
0x10: {  	s1 =	rddreg [dreg:$0xd]  }
0x11: {  	s0 =	rddreg [dreg:$0x9];
	s1 =	sadd.s32 $0x1, s1  }
0x12: {  	p0 =	sne.s32 s1, s0  }
.Ltmp1:
0x13: {  	_ = 	snop;
	(pc) =	sbr.rel @!p0 .LBB2_23-.Ltmp1, $1  }
0x14: {  	_ =	sdelay $0x3  }
.LBB2_1:
0x15: {  	[dreg:$0xd] =	wrdreg s1  }
0x16: {  	s26 =	simm.s32 $0x0;
	s0 =	rddreg [dreg:$0x4]  }
0x17: {  	[tilespmem:s26], [sflag:$0x2] =	stream.linear.gather [hbm4b:s0+s26], $0x2800, $0x38;
	[tilespmem:$0x1F900] =	vst v63  }
0x18: {  	_ =	swait.ge [sflag:s17], $0x2800  }
0x19: {  	[sflag:s17] =	ssyncset.done $0x0  }
0x1a: {  	s2 =	simm.s32 $0x2800;
	s28 =	rddreg [dreg:$0x5];
	[sflag:s17] =	ssyncadd.s32 $0xFFFFD800  }
0x1b: {  	[tilespmem:s2], [sflag:$0x2] =	stream.linear.gather [hbm4b:s28+s26], $0x2800, $0x38;
	[tilespmem:$0x1F900] =	vst v63  }
0x1c: {  	_ =	swait.ge [sflag:s17], $0x2800  }
0x1d: {  	[sflag:s17] =	ssyncset.done $0x0  }
0x1e: {  	s30 =	simm.s32 $0x5000;
	s29 =	rddreg [dreg:$0x6];
	[sflag:s17] =	ssyncadd.s32 $0xFFFFD800  }
0x1f: {  	[tilespmem:s30], [sflag:$0x2] =	stream.linear.gather [hbm4b:s29+s26], $0x2800, $0x38;
	[tilespmem:$0x1F900] =	vst v63  }
0x20: {  	_ =	swait.ge [sflag:s17], $0x2800  }
0x21: {  	[sflag:s17] =	ssyncset.done $0x0  }
0x22: {  	[sflag:s17] =	ssyncadd.s32 $0xFFFFD800  }
0x23: {  	s31 =	rddreg [dreg:$0x1]  }
0x24: {  	[tilespmem:s20], [sflag:$0x2] =	stream.linear.gather [hbm4b:s31+s26], $0x2780, $0x38;
	[tilespmem:$0x1F900] =	vst v63  }
0x25: {  	_ =	swait.ge [sflag:s17], $0x2780  }
0x26: {  	[sflag:s17] =	ssyncset.done $0x0  }
0x27: {  	s0 =	simm.s32 $0x0;
	[sflag:s17] =	ssyncadd.s32 $0xFFFFD880  }
0x28: {  	v3 =	vld [tilespmem:s0+$0x0];
	_ =	sdelay $0x1  }
0x29: {  	v4 =	vld [tilespmem:s0+$0x2800];
	_ =	sdelay $0x4  }
0x2a: {  	v6 =	vld [tilespmem:s0+$0x5000]  }
0x2b: {  	v5 =	vld.idx.msk [tilespmem:v3+s20+$0x0], $0xffff  }
0x2c: {  	v7 =	vld [tilespmem:s0+$0x10]  }
0x2d: {  	v4 =	vld.idx.msk [tilespmem:v4+s20+$0x0], $0xffff;
	_ =	sdelay $0x1  }
0x2e: {  	v8 =	vld [tilespmem:s0+$0x2810]  }
0x2f: {  	v5 =	vmul.f32 v5, v6  }
0x30: {  	v3 =	vshll.u32 v3, $0x1  }
0x31: {  	v3 =	vor.u32 v0, v3;
	v4 =	vmul.f32 v4, v5  }
0x32: {  	[tilespmem:s0+$0x7800] =	vst v3  }
0x33: {  	[tilespmem:s0+$0xB000] =	vst v4;
	v4 =	vld [tilespmem:s0+$0x5010]  }
0x34: {  	v3 =	vld.idx.msk [tilespmem:v7+s20+$0x0], $0xffff  }
0x35: {  	v6 =	vld [tilespmem:s0+$0x20]  }
0x36: {  	v5 =	vld.idx.msk [tilespmem:v8+s20+$0x0], $0xffff;
	_ =	sdelay $0x1  }
0x37: {  	v8 =	vld [tilespmem:s0+$0x2820]  }
0x38: {  	v3 =	vmul.f32 v3, v4  }
0x39: {  	v4 =	vshll.u32 v7, $0x1  }
0x3a: {  	v4 =	vor.u32 v0, v4;
	v3 =	vmul.f32 v5, v3  }
0x3b: {  	[tilespmem:s0+$0x7810] =	vst v4  }
0x3c: {  	v4 =	vld [tilespmem:s0+$0x5020];
	[tilespmem:s0+$0xB010] =	vst v3  }
0x3d: {  	v3 =	vld.idx.msk [tilespmem:v6+s20+$0x0], $0xffff  }
0x3e: {  	v7 =	vld [tilespmem:s0+$0x30]  }
0x3f: {  	v5 =	vld.idx.msk [tilespmem:v8+s20+$0x0], $0xffff  }
0x40: {  	v8 =	vld [tilespmem:s0+$0x2830];
	_ =	sdelay $0x1  }
0x41: {  	v3 =	vmul.f32 v3, v4  }
0x42: {  	v4 =	vshll.u32 v6, $0x1  }
0x43: {  	v4 =	vor.u32 v0, v4;
	v3 =	vmul.f32 v5, v3  }
0x44: {  	[tilespmem:s0+$0x7820] =	vst v4  }
0x45: {  	v5 =	vld [tilespmem:s0+$0x5030];
	[tilespmem:s0+$0xB020] =	vst v3  }
0x46: {  	v4 =	vshll.u32 v7, $0x1;
	v3 =	vld.idx.msk [tilespmem:v7+s20+$0x0], $0xffff  }
0x47: {  	v4 =	vor.u32 v0, v4;
	v6 =	vld.idx.msk [tilespmem:v8+s20+$0x0], $0xffff  }
0x48: {  	[tilespmem:s0+$0x7830] =	vst v4;
	v4 =	vld [tilespmem:s0+$0x40]  }
0x49: {  	v7 =	vld [tilespmem:s0+$0x2840];
	_ =	sdelay $0x1  }
0x4a: {  	v3 =	vmul.f32 v3, v5;
	_ =	sdelay $0x1  }
0x4b: {  	v3 =	vmul.f32 v6, v3;
	_ =	sdelay $0x1  }
0x4c: {  	v5 =	vld [tilespmem:s0+$0x5040];
	[tilespmem:s0+$0xB030] =	vst v3  }
0x4d: {  	v3 =	vld.idx.msk [tilespmem:v4+s20+$0x0], $0xffff;
	v4 =	vshll.u32 v4, $0x1  }
0x4e: {  	v6 =	vld.idx.msk [tilespmem:v7+s20+$0x0], $0xffff;
	v4 =	vor.u32 v0, v4  }
0x4f: {  	[tilespmem:s0+$0x7840] =	vst v4;
	v4 =	vld [tilespmem:s0+$0x50]  }
0x50: {  	v7 =	vld [tilespmem:s0+$0x2850];
	_ =	sdelay $0x1  }
0x51: {  	v3 =	vmul.f32 v3, v5;
	_ =	sdelay $0x1  }
0x52: {  	v3 =	vmul.f32 v6, v3;
	_ =	sdelay $0x1  }
0x53: {  	[tilespmem:s0+$0xB040] =	vst v3;
	v3 =	vld [tilespmem:s0+$0x5050]  }
0x54: {  	v5 =	vld.idx.msk [tilespmem:v4+s20+$0x0], $0xffff;
	v4 =	vshll.u32 v4, $0x1  }
0x55: {  	v6 =	vld.idx.msk [tilespmem:v7+s20+$0x0], $0xffff;
	v4 =	vor.u32 v0, v4  }
0x56: {  	[tilespmem:s0+$0x7850] =	vst v4;
	v4 =	vld [tilespmem:s0+$0x60]  }
0x57: {  	v7 =	vld [tilespmem:s0+$0x2860];
	_ =	sdelay $0x1  }
0x58: {  	v3 =	vmul.f32 v5, v3;
	_ =	sdelay $0x1  }
0x59: {  	v3 =	vmul.f32 v6, v3;
	_ =	sdelay $0x1  }
0x5a: {  	[tilespmem:s0+$0xB050] =	vst v3;
	v3 =	vld [tilespmem:s0+$0x5060]  }
0x5b: {  	v5 =	vshll.u32 v4, $0x1;
	v4 =	vld.idx.msk [tilespmem:v4+s20+$0x0], $0xffff  }
0x5c: {  	v5 =	vor.u32 v0, v5;
	v6 =	vld.idx.msk [tilespmem:v7+s20+$0x0], $0xffff  }
0x5d: {  	[tilespmem:s0+$0x7860] =	vst v5;
	v5 =	vld [tilespmem:s0+$0x70]  }
0x5e: {  	v7 =	vld [tilespmem:s0+$0x2870];
	_ =	sdelay $0x1  }
0x5f: {  	v3 =	vmul.f32 v4, v3;
	_ =	sdelay $0x1  }
0x60: {  	v3 =	vmul.f32 v6, v3;
	_ =	sdelay $0x1  }
0x61: {  	v4 =	vshll.u32 v5, $0x1;
	[tilespmem:s0+$0xB060] =	vst v3;
	v3 =	vld [tilespmem:s0+$0x5070]  }
0x62: {  	v4 =	vor.u32 v0, v4;
	v6 =	vld.idx.msk [tilespmem:v5+s20+$0x0], $0xffff  }
0x63: {  	s4 =	simm.s32 $0x80;
	v7 =	vld.idx.msk [tilespmem:v7+s20+$0x0], $0xffff;
	[tilespmem:s0+$0x7870] =	vst v4  }
0x64: {  	v5 =	vld [tilespmem:s4+$0x0];
	_ =	sdelay $0x1  }
0x65: {  	v4 =	vld [tilespmem:s4+$0x2800]  }
0x66: {  	v6 =	vmul.f32 v6, v3;
	_ =	sdelay $0x1  }
0x67: {  	s1 =	simm.s32 $0x400;
	v3 =	vshll.u32 v5, $0x1;
	v6 =	vmul.f32 v7, v6  }
.LBB2_2:
0x68: {  	p0 =	sne.s32 s1, $0x9E00  }
0x69: {  	s2 =	smov.u32 s1;
	s1 =	sadd.s32 $0x200, s1;
	[tilespmem:s0+$0xB070] =	vst v6;
	s0 =	smov.u32 s4  }
0x6a: {  	v5 =	vld.idx.msk [tilespmem:v5+s20+$0x0], $0xffff  }
0x6b: {  	v6 =	vld [tilespmem:s0+$0x5000]  }
0x6c: {  	v4 =	vld.idx.msk [tilespmem:v4+s20+$0x0], $0xffff  }
0x6d: {  	v7 =	vld [tilespmem:s0+$0x10];
	_ =	sdelay $0x1  }
0x6e: {  	v8 =	vld [tilespmem:s0+$0x2810]  }
0x6f: {  	v5 =	vmul.f32 v5, v6;
	_ =	sdelay $0x1  }
0x70: {  	v3 =	vor.u32 v0, v3;
	v4 =	vmul.f32 v4, v5  }
0x71: {  	[tilespmem:s0+$0x7800] =	vst v3  }
0x72: {  	[tilespmem:s0+$0xB000] =	vst v4  }
0x73: {  	v3 =	vld.idx.msk [tilespmem:v7+s20+$0x0], $0xffff  }
0x74: {  	v4 =	vld [tilespmem:s0+$0x5010]  }
0x75: {  	v5 =	vld.idx.msk [tilespmem:v8+s20+$0x0], $0xffff  }
0x76: {  	v6 =	vld [tilespmem:s0+$0x20];
	_ =	sdelay $0x1  }
0x77: {  	v8 =	vld [tilespmem:s0+$0x2820]  }
0x78: {  	v3 =	vmul.f32 v3, v4  }
0x79: {  	v4 =	vshll.u32 v7, $0x1  }
0x7a: {  	v4 =	vor.u32 v0, v4;
	v3 =	vmul.f32 v5, v3;
	v5 =	vshll.u32 v6, $0x1  }
0x7b: {  	[tilespmem:s0+$0x7810] =	vst v4  }
0x7c: {  	[tilespmem:s0+$0xB010] =	vst v3  }
0x7d: {  	v3 =	vld.idx.msk [tilespmem:v6+s20+$0x0], $0xffff  }
0x7e: {  	v4 =	vld [tilespmem:s0+$0x5020]  }
0x7f: {  	v6 =	vld.idx.msk [tilespmem:v8+s20+$0x0], $0xffff  }
0x80: {  	v7 =	vld [tilespmem:s0+$0x30];
	_ =	sdelay $0x1  }
0x81: {  	v8 =	vld [tilespmem:s0+$0x2830]  }
0x82: {  	v3 =	vmul.f32 v3, v4;
	_ =	sdelay $0x1  }
0x83: {  	v4 =	vor.u32 v0, v5;
	v3 =	vmul.f32 v6, v3;
	v5 =	vshll.u32 v7, $0x1  }
0x84: {  	[tilespmem:s0+$0x7820] =	vst v4  }
0x85: {  	[tilespmem:s0+$0xB020] =	vst v3  }
0x86: {  	v3 =	vld.idx.msk [tilespmem:v7+s20+$0x0], $0xffff  }
0x87: {  	v4 =	vld [tilespmem:s0+$0x5030]  }
0x88: {  	v5 =	vor.u32 v0, v5;
	v6 =	vld.idx.msk [tilespmem:v8+s20+$0x0], $0xffff  }
0x89: {  	[tilespmem:s0+$0x7830] =	vst v5;
	v5 =	vld [tilespmem:s0+$0x40];
	_ =	sdelay $0x1  }
0x8a: {  	v7 =	vld [tilespmem:s0+$0x2840]  }
0x8b: {  	v3 =	vmul.f32 v3, v4;
	_ =	sdelay $0x1  }
0x8c: {  	v3 =	vmul.f32 v6, v3;
	v4 =	vshll.u32 v5, $0x1;
	_ =	sdelay $0x1  }
0x8d: {  	[tilespmem:s0+$0xB030] =	vst v3  }
0x8e: {  	v3 =	vld.idx.msk [tilespmem:v5+s20+$0x0], $0xffff  }
0x8f: {  	v5 =	vld [tilespmem:s0+$0x5040]  }
0x90: {  	v4 =	vor.u32 v0, v4;
	v6 =	vld.idx.msk [tilespmem:v7+s20+$0x0], $0xffff  }
0x91: {  	[tilespmem:s0+$0x7840] =	vst v4;
	v4 =	vld [tilespmem:s0+$0x50]  }
0x92: {  	v7 =	vld [tilespmem:s0+$0x2850];
	_ =	sdelay $0x1  }
0x93: {  	v3 =	vmul.f32 v3, v5;
	_ =	sdelay $0x1  }
0x94: {  	v3 =	vmul.f32 v6, v3;
	_ =	sdelay $0x1  }
0x95: {  	[tilespmem:s0+$0xB040] =	vst v3;
	v3 =	vld [tilespmem:s0+$0x5050]  }
0x96: {  	v5 =	vld.idx.msk [tilespmem:v4+s20+$0x0], $0xffff;
	v4 =	vshll.u32 v4, $0x1  }
0x97: {  	v6 =	vld.idx.msk [tilespmem:v7+s20+$0x0], $0xffff;
	v4 =	vor.u32 v0, v4  }
0x98: {  	[tilespmem:s0+$0x7850] =	vst v4  }
0x99: {  	v4 =	vld [tilespmem:s0+$0x60]  }
0x9a: {  	v7 =	vld [tilespmem:s0+$0x2860];
	_ =	sdelay $0x1  }
0x9b: {  	v3 =	vmul.f32 v5, v3;
	_ =	sdelay $0x1  }
0x9c: {  	v3 =	vmul.f32 v6, v3;
	v5 =	vshll.u32 v4, $0x1;
	_ =	sdelay $0x1  }
0x9d: {  	[tilespmem:s0+$0xB050] =	vst v3;
	v3 =	vld [tilespmem:s0+$0x5060]  }
0x9e: {  	v4 =	vld.idx.msk [tilespmem:v4+s20+$0x0], $0xffff  }
0x9f: {  	v5 =	vor.u32 v0, v5;
	v6 =	vld.idx.msk [tilespmem:v7+s20+$0x0], $0xffff  }
0xa0: {  	[tilespmem:s0+$0x7860] =	vst v5  }
0xa1: {  	v5 =	vld [tilespmem:s0+$0x70]  }
0xa2: {  	v7 =	vld [tilespmem:s0+$0x2870];
	_ =	sdelay $0x1  }
0xa3: {  	v3 =	vmul.f32 v4, v3;
	_ =	sdelay $0x1  }
0xa4: {  	v3 =	vmul.f32 v6, v3;
	v4 =	vshll.u32 v5, $0x1;
	_ =	sdelay $0x1  }
0xa5: {  	[tilespmem:s0+$0xB060] =	vst v3;
	v3 =	vld [tilespmem:s0+$0x5070]  }
0xa6: {  	v6 =	vld.idx.msk [tilespmem:v5+s20+$0x0], $0xffff  }
0xa7: {  	v4 =	vor.u32 v0, v4;
	v7 =	vld.idx.msk [tilespmem:v7+s20+$0x0], $0xffff  }
0xa8: {  	s4 =	sshra.s32 s2, $0x2;
	[tilespmem:s0+$0x7870] =	vst v4  }
0xa9: {  	v5 =	vld [tilespmem:s4+$0x0]  }
.Ltmp2:
0xaa: {  	v4 =	vld [tilespmem:s4+$0x2800];
	(pc) =	sbr.rel @p0 .LBB2_2-.Ltmp2, $3  }
0xab: {  	_ = 	snop  }
0xac: {  	v6 =	vmul.f32 v6, v3;
	_ =	sdelay $0x1  }
0xad: {  	v6 =	vmul.f32 v7, v6;
	v3 =	vshll.u32 v5, $0x1  }
0xae: {  	_ =	sdelay $0x2  }
0xaf: {  	[tilespmem:s0+$0xB070] =	vst v6  }
0xb0: {  	v5 =	vld.idx.msk [tilespmem:v5+s20+$0x0], $0xffff  }
0xb1: {  	v6 =	vld [tilespmem:s4+$0x5000]  }
0xb2: {  	v4 =	vld.idx.msk [tilespmem:v4+s20+$0x0], $0xffff  }
0xb3: {  	v7 =	vld [tilespmem:s4+$0x10];
	_ =	sdelay $0x1  }
0xb4: {  	v8 =	vld [tilespmem:s4+$0x2810]  }
0xb5: {  	v5 =	vmul.f32 v5, v6;
	_ =	sdelay $0x1  }
0xb6: {  	v3 =	vor.u32 v0, v3;
	v4 =	vmul.f32 v4, v5  }
0xb7: {  	[tilespmem:s4+$0x7800] =	vst v3  }
0xb8: {  	v34 =	vld [tilespmem:s4+$0x5010];
	[tilespmem:s4+$0xB000] =	vst v4  }
0xb9: {  	v3 =	vld.idx.msk [tilespmem:v7+s20+$0x0], $0xffff  }
0xba: {  	v36 =	vld [tilespmem:s4+$0x20]  }
0xbb: {  	v35 =	vld.idx.msk [tilespmem:v8+s20+$0x0], $0xffff;
	_ =	sdelay $0x1  }
0xbc: {  	v37 =	vld [tilespmem:s4+$0x2820]  }
0xbd: {  	v3 =	vmul.f32 v3, v34  }
0xbe: {  	v38 =	vshll.u32 v7, $0x1  }
0xbf: {  	v4 =	vor.u32 v0, v38;
	v3 =	vmul.f32 v35, v3  }
0xc0: {  	[tilespmem:s4+$0x7810] =	vst v4  }
0xc1: {  	v39 =	vld [tilespmem:s4+$0x5020];
	[tilespmem:s4+$0xB010] =	vst v3  }
0xc2: {  	v3 =	vld.idx.msk [tilespmem:v36+s20+$0x0], $0xffff  }
0xc3: {  	v41 =	vld [tilespmem:s4+$0x30]  }
0xc4: {  	v40 =	vld.idx.msk [tilespmem:v37+s20+$0x0], $0xffff;
	_ =	sdelay $0x1  }
0xc5: {  	v42 =	vld [tilespmem:s4+$0x2830]  }
0xc6: {  	v3 =	vmul.f32 v3, v39  }
0xc7: {  	v43 =	vshll.u32 v36, $0x1  }
0xc8: {  	v4 =	vor.u32 v0, v43;
	v3 =	vmul.f32 v40, v3  }
0xc9: {  	[tilespmem:s4+$0x7820] =	vst v4  }
0xca: {  	v45 =	vld [tilespmem:s4+$0x5030];
	[tilespmem:s4+$0xB020] =	vst v3  }
0xcb: {  	v3 =	vld.idx.msk [tilespmem:v41+s20+$0x0], $0xffff  }
0xcc: {  	v47 =	vld [tilespmem:s4+$0x40]  }
0xcd: {  	v46 =	vld.idx.msk [tilespmem:v42+s20+$0x0], $0xffff;
	_ =	sdelay $0x1  }
0xce: {  	v48 =	vld [tilespmem:s4+$0x2840]  }
0xcf: {  	v3 =	vmul.f32 v3, v45  }
0xd0: {  	v44 =	vshll.u32 v41, $0x1  }
0xd1: {  	v4 =	vor.u32 v0, v44;
	v3 =	vmul.f32 v46, v3  }
0xd2: {  	[tilespmem:s4+$0x7830] =	vst v4  }
0xd3: {  	v49 =	vld [tilespmem:s4+$0x5040];
	[tilespmem:s4+$0xB030] =	vst v3  }
0xd4: {  	v3 =	vld.idx.msk [tilespmem:v47+s20+$0x0], $0xffff  }
0xd5: {  	v51 =	vld [tilespmem:s4+$0x50]  }
0xd6: {  	v50 =	vld.idx.msk [tilespmem:v48+s20+$0x0], $0xffff;
	_ =	sdelay $0x1  }
0xd7: {  	v52 =	vld [tilespmem:s4+$0x2850]  }
0xd8: {  	v3 =	vmul.f32 v3, v49  }
0xd9: {  	v4 =	vshll.u32 v47, $0x1  }
0xda: {  	v4 =	vor.u32 v0, v4;
	v3 =	vmul.f32 v50, v3  }
0xdb: {  	[tilespmem:s4+$0x7840] =	vst v4  }
0xdc: {  	[tilespmem:s4+$0xB040] =	vst v3;
	v3 =	vld [tilespmem:s4+$0x5050]  }
0xdd: {  	v53 =	vld.idx.msk [tilespmem:v51+s20+$0x0], $0xffff  }
0xde: {  	v55 =	vld [tilespmem:s4+$0x60]  }
0xdf: {  	v54 =	vld.idx.msk [tilespmem:v52+s20+$0x0], $0xffff;
	_ =	sdelay $0x1  }
0xe0: {  	v56 =	vld [tilespmem:s4+$0x2860]  }
0xe1: {  	v3 =	vmul.f32 v53, v3  }
0xe2: {  	v4 =	vshll.u32 v51, $0x1  }
0xe3: {  	v4 =	vor.u32 v0, v4;
	v3 =	vmul.f32 v54, v3  }
0xe4: {  	[tilespmem:s4+$0x7850] =	vst v4  }
0xe5: {  	[tilespmem:s4+$0xB050] =	vst v3;
	v3 =	vld [tilespmem:s4+$0x5060]  }
0xe6: {  	v4 =	vld.idx.msk [tilespmem:v55+s20+$0x0], $0xffff  }
0xe7: {  	v59 =	vld [tilespmem:s4+$0x70]  }
0xe8: {  	v58 =	vld.idx.msk [tilespmem:v56+s20+$0x0], $0xffff;
	_ =	sdelay $0x1  }
0xe9: {  	v60 =	vld [tilespmem:s4+$0x2870]  }
0xea: {  	v3 =	vmul.f32 v4, v3  }
0xeb: {  	v57 =	vshll.u32 v55, $0x1  }
0xec: {  	v5 =	vor.u32 v0, v57;
	v3 =	vmul.f32 v58, v3  }
0xed: {  	[tilespmem:s4+$0x7860] =	vst v5  }
0xee: {  	[tilespmem:s4+$0xB060] =	vst v3;
	v3 =	vld [tilespmem:s4+$0x5070]  }
0xef: {  	v61 =	vld.idx.msk [tilespmem:v59+s20+$0x0], $0xffff;
	_ =	sdelay $0x1  }
0xf0: {  	v62 =	vld.idx.msk [tilespmem:v60+s20+$0x0], $0xffff;
	_ =	sdelay $0x2  }
.Ltmp3:
0xf1: {  	v3 =	vmul.f32 v61, v3;
	(pc) =	sbr.rel .LBB2_4-.Ltmp3, $4  }
0xf2: {  	v63 =	vshll.u32 v59, $0x1  }
0xf3: {  	v4 =	vor.u32 v0, v63;
	v3 =	vmul.f32 v62, v3  }
0xf4: {  	[tilespmem:s4+$0x7870] =	vst v4  }
0xf5: {  	s28 =	simm.s32 $0x0;
	[tilespmem:s4+$0xB070] =	vst v3  }
.LBB2_21:
0xf6: {  	s0 =	sshll.u32 s28, $0x12;
	s1 =	rddreg [dreg:$0x7]  }
0xf7: {  	s19 =	rddreg [dreg:$0x8];
	s0 =	sor.u32 s0, s1  }
0xf8: {  	s2 =	stileid.u32;
	s0 =	sadd.s32 s19, s0  }
0xf9: {  	[bflag:$0x0] =	sbarrier.arrive $0xFFFF;
	s2 =	sshll.u32 s2, $0x6;
	s1 =	sshrl.u32 s0, $0x3  }
0xfa: {  	s4 =	sshrl.u32 s26, $0x3;
	s2 =	sor.u32 $0x1C02, s2;
	s1 =	sadd.s32 s6, s1  }
0xfb: {  	[hbm:s1], [sflag:s2] =	dma.local [spmem:s4], $0x200  }
0xfc: {  	s7 =	smov.u32 s26;
	s25 =	sadd.s32 $0x1000, s0;
	_ =	swait.ge [sflag:s17], $0x200  }
0xfd: {  	s1 =	sshrl.u32 s25, $0x3;
	[sflag:s17] =	ssyncset.done $0x0;
	s8 =	rddreg [dreg:$0xa]  }
0xfe: {  	s1 =	sadd.s32 s6, s1;
	[sflag:s17] =	ssyncadd.s32 $0xFFFFFE00;
	s26 =	sshrl.u32 s8, $0x3  }
0xff: {  	[hbm:s1], [sflag:s2] =	dma.local [spmem:s26], $0x200  }
0x100: {  	s28 =	sadd.s32 $0x1, s28;
	s29 =	sadd.s32 $0x2000, s0;
	_ =	swait.ge [sflag:s17], $0x200  }
0x101: {  	s1 =	sshrl.u32 s29, $0x3;
	[sflag:s17] =	ssyncset.done $0x0;
	s9 =	rddreg [dreg:$0xb]  }
0x102: {  	s1 =	sadd.s32 s6, s1;
	[sflag:s17] =	ssyncadd.s32 $0xFFFFFE00;
	s30 =	sshrl.u32 s9, $0x3  }
0x103: {  	[hbm:s1], [sflag:s2] =	dma.local [spmem:s30], $0x200  }
0x104: {  	p0 =	sne.s32 s28, $0x5;
	s0 =	sadd.s32 $0x3000, s0;
	_ =	swait.ge [sflag:s17], $0x200  }
0x105: {  	s0 =	sshrl.u32 s0, $0x3;
	[sflag:s17] =	ssyncset.done $0x0;
	s10 =	rddreg [dreg:$0xc]  }
0x106: {  	s0 =	sadd.s32 s6, s0;
	[sflag:s17] =	ssyncadd.s32 $0xFFFFFE00;
	s31 =	sshrl.u32 s10, $0x3  }
0x107: {  	[hbm:s0], [sflag:s2] =	dma.local [spmem:s31], $0x200  }
.Ltmp4:
0x108: {  	_ =	swait.ge [sflag:s17], $0x200;
	(pc) =	sbr.rel @!p0 .LBB2_22-.Ltmp4, $3  }
0x109: {  	[sflag:s17] =	ssyncset.done $0x0  }
0x10a: {  	[sflag:s17] =	ssyncadd.s32 $0xFFFFFE00  }
0x10b: {  	[bflag:$0x0] =	sbarrier.arrive $0xFFFF;
	_ =	sdelay $0x1  }
.LBB2_4:
0x10c: {  	s0 =	simm.s32 $0x0  }
0x10d: {  	v4 =	vld [tilespmem:s0+$0x2800];
	_ =	sdelay $0x2  }
0x10e: {  	s1 =	sshll.u32 s28, $0xB  }
0x10f: {  	v3 =	vmov s1  }
0x110: {  	v4 =	vsub.s32 v4, v3  }
0x111: {  	vm0 =	vlt.u32 v4, $0x800  }
0x112: {  	v5 =	vmpcnt.ones.xlane vm0;
	_ =	sdelay $0x1  }
0x113: {  	v5 =	vxor.u32 $0x80000000, v5  }
0x114: {  	s31 =	simm.s32 $0x0;
	(xrf0) =	vmax.scan.msk.u32 $0xffff, v5  }
0x115: {  	[tilespmem:s31+$0x12900] =	vst.msk vm0, v4  }
0x116: {  	v4 =	vld [tilespmem:s0+$0x7800];
	_ =	sdelay $0x3  }
0x117: {  	v5, _, _ =	vpop (xrf0)  }
0x118: {  	[tilespmem:s31+$0x10080] =	vst.msk vm0, v4;
	(v2sf) =	vpush v5, $0xF  }
0x119: {  	v4 =	vld [tilespmem:s0+$0xB000];
	_ =	sdelay $0x4  }
0x11a: {  	s2 =	simm.s32 $0x80;
	s1 =	simm.s32 $0x0;
	s0 =	simm.s32 $0x10;
	[tilespmem:s31+$0xD800] =	vst.msk vm0, v4  }
.LBB2_5:
0x11b: {  	p0 =	sne.s32 s2, $0x9FC0;
	v4 =	vld [tilespmem:s0+$0x2800];
	_ =	sdelay $0x4  }
0x11c: {  	v4 =	vsub.s32 v4, v3  }
0x11d: {  	vm0 =	vlt.u32 v4, $0x800  }
0x11e: {  	v5 =	vmpcnt.ones.xlane vm0  }
0x11f: {  	s4 =	spop (v2sf)  }
0x120: {  	v5 =	vxor.u32 $0x80000000, v5;
	s1 =	sadd.s32 s4, s1  }
0x121: {  	(xrf0) =	vmax.scan.msk.u32 $0xffff, v5;
	s1 =	sadd.s32 $0x80000000, s1  }
0x122: {  	[tilespmem:s1+$0x12900] =	vst.msk vm0, v4  }
0x123: {  	v4 =	vld [tilespmem:s0+$0x7800];
	_ =	sdelay $0x3  }
0x124: {  	v5, _, _ =	vpop (xrf0)  }
0x125: {  	[tilespmem:s1+$0x10080] =	vst.msk vm0, v4;
	(v2sf) =	vpush v5, $0xF  }
0x126: {  	v4 =	vld [tilespmem:s0+$0xB000]  }
.Ltmp5:
0x127: {  	(pc) =	sbr.rel @p0 .LBB2_5-.Ltmp5, $2  }
0x128: {  	_ =	sdelay $0x2  }
0x129: {  	s0 =	sshra.s32 s2, $0x2;
	s2 =	sadd.s32 $0x40, s2;
	[tilespmem:s1+$0xD800] =	vst.msk vm0, v4  }
0x12a: {  	v4 =	vld [tilespmem:s0+$0x2800];
	_ =	sdelay $0x4  }
0x12b: {  	v3 =	vsub.s32 v4, v3  }
0x12c: {  	vm0 =	vlt.u32 v3, $0x800  }
0x12d: {  	v63 =	vmpcnt.ones.xlane vm0;
	_ =	sdelay $0x1  }
0x12e: {  	v4 =	vxor.u32 $0x80000000, v63  }
0x12f: {  	(xrf0) =	vmax.scan.msk.u32 $0xffff, v4;
	_ =	sdelay $0x5  }
0x130: {  	v4, _, _ =	vpop (xrf0)  }
0x131: {  	(v2sf) =	vpush v4, $0xF;
	_ =	sdelay $0x1  }
0x132: {  	s2 =	spop (v2sf)  }
0x133: {  	s1 =	sadd.s32 s2, s1  }
0x134: {  	s1 =	sadd.s32 $0x80000000, s1  }
0x135: {  	[tilespmem:s1+$0x12900] =	vst.msk vm0, v3  }
0x136: {  	v3 =	vld [tilespmem:s0+$0x7800];
	_ =	sdelay $0x4  }
0x137: {  	[tilespmem:s1+$0x10080] =	vst.msk vm0, v3  }
0x138: {  	v3 =	vld [tilespmem:s0+$0xB000];
	_ =	sdelay $0x2  }
0x139: {  	s31 =	spop (v2sf)  }
0x13a: {  	s0 =	sadd.s32 s31, s1  }
0x13b: {  	[tilespmem:s1+$0xD800] =	vst.msk vm0, v3;
	s0 =	sadd.s32 $0x80000000, s0  }
0x13c: {  	[tilespmem:s0+$0x10080] =	vst v1  }
0x13d: {  	[tilespmem:s0+$0xD800] =	vst v2  }
0x13e: {  	[tilespmem:s0+$0x12900] =	vst v1  }
0x13f: {  	[tilespmem:s0+$0x10090] =	vst v1  }
0x140: {  	[tilespmem:s0+$0xD810] =	vst v2  }
0x141: {  	[tilespmem:s0+$0x12910] =	vst v1  }
0x142: {  	[tilespmem:s0+$0x100A0] =	vst v1  }
0x143: {  	[tilespmem:s0+$0xD820] =	vst v2  }
0x144: {  	[tilespmem:s0+$0x12920] =	vst v1  }
0x145: {  	[tilespmem:s0+$0x100B0] =	vst v1  }
0x146: {  	[tilespmem:s0+$0xD830] =	vst v2  }
0x147: {  	[tilespmem:s0+$0x12930] =	vst v1  }
0x148: {  	[tilespmem:s0+$0x100C0] =	vst v1  }
0x149: {  	[tilespmem:s0+$0xD840] =	vst v2  }
0x14a: {  	[tilespmem:s0+$0x12940] =	vst v1  }
0x14b: {  	[tilespmem:s0+$0x100D0] =	vst v1  }
0x14c: {  	[tilespmem:s0+$0xD850] =	vst v2  }
0x14d: {  	[tilespmem:s0+$0x12950] =	vst v1  }
0x14e: {  	[tilespmem:s0+$0x100E0] =	vst v1  }
0x14f: {  	[tilespmem:s0+$0xD860] =	vst v2  }
0x150: {  	[tilespmem:s0+$0x12960] =	vst v1  }
0x151: {  	[tilespmem:s0+$0x100F0] =	vst v1  }
0x152: {  	[tilespmem:s0+$0xD870] =	vst v2  }
0x153: {  	s2 =	simm.s32 $0x200;
	s1 =	simm.s32 $0x0;
	[tilespmem:s0+$0x12970] =	vst v1  }
.LBB2_7:
0x154: {  	p0 =	sne.s32 s2, $0x3E00;
	[tilespmem:s1+$0x17970] =	vst v2  }
0x155: {  	[tilespmem:s1+$0x17900] =	vst v2  }
0x156: {  	[tilespmem:s1+$0x17910] =	vst v2  }
.Ltmp6:
0x157: {  	[tilespmem:s1+$0x17920] =	vst v2;
	(pc) =	sbr.rel @p0 .LBB2_7-.Ltmp6, $4  }
0x158: {  	[tilespmem:s1+$0x17930] =	vst v2  }
0x159: {  	[tilespmem:s1+$0x17940] =	vst v2  }
0x15a: {  	[tilespmem:s1+$0x17950] =	vst v2  }
0x15b: {  	[tilespmem:s1+$0x17960] =	vst v2;
	s1 =	sshra.s32 s2, $0x2;
	s2 =	sadd.s32 $0x200, s2  }
0x15c: {  	[tilespmem:s1+$0x17970] =	vst v2  }
0x15d: {  	[tilespmem:s1+$0x17900] =	vst v2  }
0x15e: {  	[tilespmem:s1+$0x17910] =	vst v2  }
0x15f: {  	[tilespmem:s1+$0x17920] =	vst v2  }
0x160: {  	[tilespmem:s1+$0x17930] =	vst v2  }
0x161: {  	[tilespmem:s1+$0x17940] =	vst v2  }
0x162: {  	[tilespmem:s1+$0x17950] =	vst v2  }
0x163: {  	[tilespmem:s1+$0x17960] =	vst v2;
	s0 =	sadd.s32 $0x7F, s0  }
0x164: {  	[spmem:s7] =	stream.linear.scatter [tilespmem:s21], [sflag:$0x2], $0x1000, $0x38;
	[tilespmem:$0x1F900] =	vst v63  }
0x165: {  	s1 =	simm.s32 $0x1;
	s19 =	sand.u32 $0x7F, s0;
	s2 =	sshra.s32 s0, $0x1F  }
0x166: {  	p0 =	slt.s32 s0, $0x1;
	_ =	swait.ge [sflag:s17], $0x1000;
	p1 =	sne.s32 s19, $0x0  }
0x167: {  	s25 =	sshrl.u32 s2, $0x19;
	[sflag:s17] =	ssyncset.done $0x0;
	p0 =	por !p0, !p1  }
0x168: {  	s0 =	sadd.s32 s25, s0;
	[sflag:s17] =	ssyncadd.s32 $0xFFFFF000;
	p0 =	por !p0, !p0  }
0x169: {  	[spmem:s8] =	stream.linear.scatter [tilespmem:s21], [sflag:$0x2], $0x1000, $0x38;
	[tilespmem:$0x1F900] =	vst v63  }
0x16a: {  	s0 =	sshra.s32 s0, $0x7;
	s1 =	simm.s32 @!p0 $0x0  }
0x16b: {  	_ =	swait.ge [sflag:s17], $0x1000;
	s18 =	ssub.s32 s0, s1  }
0x16c: {  	[sflag:s17] =	ssyncset.done $0x0;
	s0 =	sadd.s32 $0xF, s18  }
0x16d: {  	[sflag:s17] =	ssyncadd.s32 $0xFFFFF000;
	s29 =	sand.u32 $0xF, s0  }
0x16e: {  	[spmem:s9] =	stream.linear.scatter [tilespmem:s21], [sflag:$0x2], $0x1000, $0x38;
	[tilespmem:$0x1F900] =	vst v63  }
0x16f: {  	s1 =	simm.s32 $0x1;
	p5 =	slt.s32 s18, $0xFFFFFFF2;
	p6 =	sne.s32 s29, $0x0  }
0x170: {  	s31 =	sshrl.u32 s0, $0x1C;
	_ =	swait.ge [sflag:s17], $0x1000;
	p0 =	por !p5, !p6  }
0x171: {  	s0 =	sadd.s32 s31, s0;
	[sflag:s17] =	ssyncset.done $0x0;
	p0 =	por !p0, !p0  }
0x172: {  	s0 =	sshra.s32 s0, $0x4;
	[sflag:s17] =	ssyncadd.s32 $0xFFFFF000;
	s1 =	simm.s32 @!p0 $0x0  }
0x173: {  	[spmem:s10] =	stream.linear.scatter [tilespmem:s21], [sflag:$0x2], $0x1000, $0x38;
	[tilespmem:$0x1F900] =	vst v63  }
0x174: {  	s30 =	ssub.s32 s0, s1  }
0x175: {  	p0 =	slt.s32 s30, $0x1  }
.Ltmp7:
0x176: {  	_ =	swait.ge [sflag:s17], $0x1000;
	(pc) =	sbr.rel @p0 .LBB2_21-.Ltmp7, $4  }
0x177: {  	[sflag:s17] =	ssyncset.done $0x0  }
0x178: {  	[sflag:s17] =	ssyncadd.s32 $0xFFFFF000  }
0x179: {  	[bflag:$0x0] =	sbarrier.arrive $0xFFFF  }
0x17a: {  	s26 =	smov.u32 s7  }
.Ltmp8:
0x17b: {  	(pc) =	sbr.rel .LBB2_10-.Ltmp8, $3  }
0x17c: {  	_ =	sdelay $0x1  }
0x17d: {  	s31 =	simm.s32 $0x100C0;
	s0 =	simm.s32 $0x12940  }
0x17e: {  	s9 =	simm.s32 $0x0;
	s29 =	smov.u32 s18;
	s19 =	simm.s32 $0x0  }
.LBB2_20:
0x17f: {  	s19 =	sadd.s32 $0x1, s19  }
0x180: {  	p0 =	sne.s32 s19, s30  }
.Ltmp9:
0x181: {  	_ = 	snop;
	(pc) =	sbr.rel @!p0 .LBB2_21-.Ltmp9, $3  }
0x182: {  	_ =	sdelay $0x1  }
0x183: {  	s29 =	sadd.s32 $0xFFFFFFF0, s29  }
0x184: {  	s31 =	sadd.s32 $0x800, s31;
	s0 =	sadd.s32 $0x800, s0;
	s9 =	sadd.s32 $0x800, s9  }
.LBB2_10:
0x185: {  	s1 =	sshll.u32 s19, $0x4  }
0x186: {  	p0 =	sle.s32 s18, s1  }
.Ltmp10:
0x187: {  	_ = 	snop;
	(pc) =	sbr.rel @p0 .LBB2_20-.Ltmp10, $1  }
0x188: {  	_ =	sdelay $0x3  }
0x189: {  	p0 =	sgt.s32 s29, $0x1;
	s1 =	smov.u32 s29  }
0x18a: {  	s1 =	simm.s32 @!p0 $0x1  }
0x18b: {  	s7 =	smin.u32 s1, $0x10  }
0x18c: {  	s4 =	sshll.u32 s7, $0x9  }
0x18d: {  	p1 =	sne.s32 s4, $0x200  }
.Ltmp11:
0x18e: {  	_ = 	snop;
	(pc) =	sbr.rel @!p1 .LBB2_12-.Ltmp11, $3  }
0x18f: {  	_ =	sdelay $0x1  }
0x190: {  	s2 =	simm.s32 $0xA040  }
0x191: {  	v3 =	vld [tilespmem:s0+$0xFFFFFFC0];
	p0 =	por $0x0, $0x0;
	s1 =	simm.s32 $0xA840;
	s8 =	sadd.s32 $0xFFFFFE00, s4  }
0x192: {  	_ =	sdelay $0x3  }
0x193: {  	[tilespmem:s2+$0xFFFFFFC0] =	vst v3  }
0x194: {  	v3 =	vld [tilespmem:s31+$0xFFFFFFC0];
	_ =	sdelay $0x4  }
0x195: {  	[tilespmem:s1+$0xFFFFFFC0] =	vst v3  }
0x196: {  	v3 =	vld [tilespmem:s0+$0xFFFFFFD0];
	_ =	sdelay $0x4  }
0x197: {  	[tilespmem:s2+$0xFFFFFFD0] =	vst v3  }
0x198: {  	v3 =	vld [tilespmem:s31+$0xFFFFFFD0];
	_ =	sdelay $0x4  }
0x199: {  	[tilespmem:s1+$0xFFFFFFD0] =	vst v3  }
0x19a: {  	v3 =	vld [tilespmem:s0+$0xFFFFFFE0];
	_ =	sdelay $0x4  }
0x19b: {  	[tilespmem:s2+$0xFFFFFFE0] =	vst v3  }
0x19c: {  	v3 =	vld [tilespmem:s31+$0xFFFFFFE0];
	_ =	sdelay $0x4  }
0x19d: {  	[tilespmem:s1+$0xFFFFFFE0] =	vst v3  }
0x19e: {  	v3 =	vld [tilespmem:s0+$0xFFFFFFF0];
	_ =	sdelay $0x4  }
0x19f: {  	[tilespmem:s2+$0xFFFFFFF0] =	vst v3  }
0x1a0: {  	v3 =	vld [tilespmem:s31+$0xFFFFFFF0];
	_ =	sdelay $0x4  }
0x1a1: {  	[tilespmem:s1+$0xFFFFFFF0] =	vst v3  }
0x1a2: {  	v3 =	vld [tilespmem:s0+$0x0];
	_ =	sdelay $0x4  }
0x1a3: {  	[tilespmem:s2+$0x0] =	vst v3  }
0x1a4: {  	v3 =	vld [tilespmem:s31+$0x0];
	_ =	sdelay $0x4  }
0x1a5: {  	[tilespmem:s1+$0x0] =	vst v3  }
0x1a6: {  	v3 =	vld [tilespmem:s0+$0x10];
	_ =	sdelay $0x4  }
0x1a7: {  	[tilespmem:s2+$0x10] =	vst v3  }
0x1a8: {  	v3 =	vld [tilespmem:s31+$0x10];
	_ =	sdelay $0x4  }
0x1a9: {  	[tilespmem:s1+$0x10] =	vst v3  }
0x1aa: {  	v3 =	vld [tilespmem:s0+$0x20];
	_ =	sdelay $0x4  }
0x1ab: {  	[tilespmem:s2+$0x20] =	vst v3  }
0x1ac: {  	v3 =	vld [tilespmem:s31+$0x20];
	_ =	sdelay $0x4  }
0x1ad: {  	[tilespmem:s1+$0x20] =	vst v3  }
0x1ae: {  	v3 =	vld [tilespmem:s0+$0x30];
	_ =	sdelay $0x4  }
0x1af: {  	[tilespmem:s2+$0x30] =	vst v3  }
0x1b0: {  	v3 =	vld [tilespmem:s31+$0x30]  }
0x1b1: {  	p1 =	sne.s32 s8, $0x200  }
.Ltmp12:
0x1b2: {  	_ = 	snop;
	(pc) =	sbr.rel @!p1 .LBB2_14-.Ltmp12, $3  }
0x1b3: {  	_ =	sdelay $0x1  }
0x1b4: {  	s4 =	sadd.s32 $0x80, s0;
	s10 =	sadd.s32 $0xFFFFFE00, s8;
	p0 =	por $0x1, $0x1;
	[tilespmem:s1+$0x30] =	vst v3  }
0x1b5: {  	s13 =	simm.s32 $0xA040;
	s25 =	smov.u32 s31;
	s8 =	simm.s32 $0xA840;
	v3 =	vld [tilespmem:s4+$0xFFFFFFC0]  }
.LBB2_15:
0x1b6: {  	p1 =	sne.s32 s10, $0x200;
	_ =	sdelay $0x2  }
0x1b7: {  	s13 =	sadd.s32 $0x80, s13  }
0x1b8: {  	s25 =	sadd.s32 $0x80, s25;
	[tilespmem:s13+$0xFFFFFFC0] =	vst v3  }
0x1b9: {  	v3 =	vld [tilespmem:s25+$0xFFFFFFC0];
	_ =	sdelay $0x3  }
0x1ba: {  	s8 =	sadd.s32 $0x80, s8  }
0x1bb: {  	[tilespmem:s8+$0xFFFFFFC0] =	vst v3  }
0x1bc: {  	v3 =	vld [tilespmem:s4+$0xFFFFFFD0];
	_ =	sdelay $0x4  }
0x1bd: {  	[tilespmem:s13+$0xFFFFFFD0] =	vst v3  }
0x1be: {  	v3 =	vld [tilespmem:s25+$0xFFFFFFD0];
	_ =	sdelay $0x4  }
0x1bf: {  	[tilespmem:s8+$0xFFFFFFD0] =	vst v3  }
0x1c0: {  	v3 =	vld [tilespmem:s4+$0xFFFFFFE0];
	_ =	sdelay $0x4  }
0x1c1: {  	[tilespmem:s13+$0xFFFFFFE0] =	vst v3  }
0x1c2: {  	v3 =	vld [tilespmem:s25+$0xFFFFFFE0];
	_ =	sdelay $0x4  }
0x1c3: {  	[tilespmem:s8+$0xFFFFFFE0] =	vst v3  }
0x1c4: {  	v3 =	vld [tilespmem:s4+$0xFFFFFFF0];
	_ =	sdelay $0x4  }
0x1c5: {  	[tilespmem:s13+$0xFFFFFFF0] =	vst v3  }
0x1c6: {  	v3 =	vld [tilespmem:s25+$0xFFFFFFF0];
	_ =	sdelay $0x4  }
0x1c7: {  	[tilespmem:s8+$0xFFFFFFF0] =	vst v3  }
0x1c8: {  	v3 =	vld [tilespmem:s4+$0x0];
	_ =	sdelay $0x4  }
0x1c9: {  	[tilespmem:s13+$0x0] =	vst v3  }
0x1ca: {  	v3 =	vld [tilespmem:s25+$0x0];
	_ =	sdelay $0x4  }
0x1cb: {  	[tilespmem:s8+$0x0] =	vst v3  }
0x1cc: {  	v3 =	vld [tilespmem:s4+$0x10];
	_ =	sdelay $0x4  }
0x1cd: {  	[tilespmem:s13+$0x10] =	vst v3  }
0x1ce: {  	v3 =	vld [tilespmem:s25+$0x10];
	_ =	sdelay $0x4  }
0x1cf: {  	[tilespmem:s8+$0x10] =	vst v3  }
0x1d0: {  	v3 =	vld [tilespmem:s4+$0x20];
	_ =	sdelay $0x4  }
0x1d1: {  	[tilespmem:s13+$0x20] =	vst v3  }
0x1d2: {  	v3 =	vld [tilespmem:s25+$0x20];
	_ =	sdelay $0x4  }
0x1d3: {  	[tilespmem:s8+$0x20] =	vst v3  }
0x1d4: {  	v3 =	vld [tilespmem:s4+$0x30];
	_ =	sdelay $0x4  }
0x1d5: {  	[tilespmem:s13+$0x30] =	vst v3  }
0x1d6: {  	v3 =	vld [tilespmem:s25+$0x30];
	_ =	sdelay $0x1  }
.Ltmp13:
0x1d7: {  	(pc) =	sbr.rel @p1 .LBB2_15-.Ltmp13, $3  }
0x1d8: {  	_ =	sdelay $0x1  }
0x1d9: {  	s4 =	sadd.s32 $0x80, s4;
	[tilespmem:s8+$0x30] =	vst v3  }
0x1da: {  	s10 =	sadd.s32 $0xFFFFFE00, s10;
	v3 =	vld [tilespmem:s4+$0xFFFFFFC0]  }
.LBB2_16:
0x1db: {  	_ =	sdelay $0x1  }
0x1dc: {  	s10 =	sadd.s32 @p0 $0x80, s13  }
0x1dd: {  	s13 =	smov.u32 s31;
	s2 =	smov.u32 @p0 s10;
	s10 =	sadd.s32 @p0 $0x80, s25  }
0x1de: {  	s13 =	smov.u32 @p0 s10;
	[tilespmem:s2+$0xFFFFFFC0] =	vst v3  }
0x1df: {  	v3 =	vld [tilespmem:s13+$0xFFFFFFC0];
	_ =	sdelay $0x2  }
0x1e0: {  	s8 =	sadd.s32 @p0 $0x80, s8  }
0x1e1: {  	s1 =	smov.u32 @p0 s8  }
0x1e2: {  	[tilespmem:s1+$0xFFFFFFC0] =	vst v3  }
0x1e3: {  	v3 =	vld [tilespmem:s4+$0xFFFFFFD0];
	_ =	sdelay $0x4  }
0x1e4: {  	[tilespmem:s2+$0xFFFFFFD0] =	vst v3  }
0x1e5: {  	v3 =	vld [tilespmem:s13+$0xFFFFFFD0];
	_ =	sdelay $0x4  }
0x1e6: {  	[tilespmem:s1+$0xFFFFFFD0] =	vst v3  }
0x1e7: {  	v3 =	vld [tilespmem:s4+$0xFFFFFFE0];
	_ =	sdelay $0x4  }
0x1e8: {  	[tilespmem:s2+$0xFFFFFFE0] =	vst v3  }
0x1e9: {  	v3 =	vld [tilespmem:s13+$0xFFFFFFE0];
	_ =	sdelay $0x4  }
0x1ea: {  	[tilespmem:s1+$0xFFFFFFE0] =	vst v3  }
0x1eb: {  	v3 =	vld [tilespmem:s4+$0xFFFFFFF0];
	_ =	sdelay $0x4  }
0x1ec: {  	[tilespmem:s2+$0xFFFFFFF0] =	vst v3  }
0x1ed: {  	v3 =	vld [tilespmem:s13+$0xFFFFFFF0];
	_ =	sdelay $0x4  }
0x1ee: {  	[tilespmem:s1+$0xFFFFFFF0] =	vst v3  }
0x1ef: {  	v3 =	vld [tilespmem:s4+$0x0];
	_ =	sdelay $0x4  }
0x1f0: {  	[tilespmem:s2+$0x0] =	vst v3  }
0x1f1: {  	v3 =	vld [tilespmem:s13+$0x0];
	_ =	sdelay $0x4  }
0x1f2: {  	[tilespmem:s1+$0x0] =	vst v3  }
0x1f3: {  	v3 =	vld [tilespmem:s4+$0x10];
	_ =	sdelay $0x4  }
0x1f4: {  	[tilespmem:s2+$0x10] =	vst v3  }
0x1f5: {  	v3 =	vld [tilespmem:s13+$0x10];
	_ =	sdelay $0x4  }
0x1f6: {  	[tilespmem:s1+$0x10] =	vst v3  }
0x1f7: {  	v3 =	vld [tilespmem:s4+$0x20];
	_ =	sdelay $0x4  }
0x1f8: {  	[tilespmem:s2+$0x20] =	vst v3  }
0x1f9: {  	v3 =	vld [tilespmem:s13+$0x20];
	_ =	sdelay $0x4  }
0x1fa: {  	[tilespmem:s1+$0x20] =	vst v3  }
0x1fb: {  	v3 =	vld [tilespmem:s4+$0x30];
	_ =	sdelay $0x4  }
0x1fc: {  	[tilespmem:s2+$0x30] =	vst v3  }
0x1fd: {  	v3 =	vld [tilespmem:s13+$0x30];
	_ =	sdelay $0x4  }
0x1fe: {  	s8 =	simm.s32 $0x0;
	s2 =	smov.u32 s9;
	[tilespmem:s1+$0x30] =	vst v3  }
.LBB2_17:
0x1ff: {  	s13 =	sshll.u32 s8, $0x7  }
0x200: {  	s1 =	sadd.s32 $0xA800, s13  }
0x201: {  	[tilespmem:s21], [sflag:$0x1] =	stream.indirect.gather [hbm4b:s5+s23], $0x80, s1, s23, $0xb8;
	[tilespmem:$0x1F900] =	vst v63  }
0x202: {  	_ =	swait.ge [sflag:s22], $0x4000  }
0x203: {  	[sflag:s22] =	ssyncset.done $0x0  }
0x204: {  	s4 =	simm.s32 $0x17B00;
	[sflag:s22] =	ssyncadd.s32 $0xFFFFC000  }
0x205: {  	v6 =	vld [tilespmem:s4+$0x160]  }
0x206: {  	v7 =	vld [tilespmem:s4+$0x170]  }
0x207: {  	v8 =	vld [tilespmem:s4+$0x140]  }
0x208: {  	v9 =	vld [tilespmem:s4+$0x130]  }
0x209: {  	v10 =	vld [tilespmem:s4+$0x120]  }
0x20a: {  	v11 =	vld [tilespmem:s4+$0x110]  }
0x20b: {  	v12 =	vld [tilespmem:s4+$0x100]  }
0x20c: {  	v13 =	vld [tilespmem:s4+$0xF0]  }
0x20d: {  	s12 =	sadd.s32 $0x0, s2;
	v14 =	vld [tilespmem:s4+$0xE0]  }
0x20e: {  	s10 =	sadd.s32 $0x3, s12;
	v4 =	vmov s12;
	v15 =	vld [tilespmem:s4+$0x80]  }
0x20f: {  	s14 =	sadd.s32 $0x4, s12;
	v3 =	vmov s10;
	v4 =	vand.u32 $0xFFFFFFF8, v4;
	v18 =	vld [tilespmem:s4+$0x70]  }
0x210: {  	s15 =	sadd.s32 $0x5, s12;
	v5 =	vmov s14;
	v3 =	vand.u32 $0xFFFFFFFB, v3;
	v4 =	vbroadcast v4, $0x0;
	v19 =	vld [tilespmem:s4+$0x60]  }
0x211: {  	s16 =	sadd.s32 $0x6, s12;
	v17 =	vmov s15;
	v5 =	vand.u32 $0xFFFFFFFC, v5;
	v3 =	vbroadcast v3, $0x0;
	v21 =	vld [tilespmem:s4+$0x1F0]  }
0x212: {  	v20 =	vmov s16;
	v17 =	vand.u32 $0xFFFFFFFD, v17;
	v5 =	vbroadcast v5, $0x0;
	v23 =	vld [tilespmem:s4+$0x1E0]  }
0x213: {  	v20 =	vand.u32 $0xFFFFFFFE, v20;
	v22 =	vbroadcast v17, $0x0;
	v25 =	vld [tilespmem:s4+$0x1D0]  }
0x214: {  	v24 =	vbroadcast v20, $0x0;
	v26 =	vld [tilespmem:s4+$0x1C0]  }
0x215: {  	v27 =	vld [tilespmem:s4+$0x1B0]  }
0x216: {  	s25 =	sadd.s32 $0x2, s12;
	v17 =	vld.idx.msk [tilespmem:v4+s24+$0x0], $0xffff  }
0x217: {  	v16 =	vmov s25;
	v20 =	vld.idx.msk [tilespmem:v3+s24+$0x0], $0xffff  }
0x218: {  	s25 =	sadd.s32 $0x1, s12;
	v16 =	vand.u32 $0xFFFFFFFA, v16;
	v3 =	vld.idx.msk [tilespmem:v5+s24+$0x0], $0xffff  }
0x219: {  	v16 =	vbroadcast v16, $0x0;
	v5 =	vmov s25;
	v4 =	vld.idx.msk [tilespmem:v22+s24+$0x0], $0xffff  }
0x21a: {  	s1 =	sadd.s32 $0x7, s12;
	v22 =	vand.u32 $0xFFFFFFF9, v5;
	v5 =	vld.idx.msk [tilespmem:v24+s24+$0x0], $0xffff  }
0x21b: {  	v28 =	vld [tilespmem:s4+$0x180];
	v24 =	vmov s1;
	v22 =	vbroadcast v22, $0x0  }
0x21c: {  	v29 =	vld [tilespmem:s4+$0x1A0]  }
0x21d: {  	v30 =	vld [tilespmem:s4+$0x190]  }
0x21e: {  	v31 =	vld [tilespmem:s4+$0x10]  }
0x21f: {  	v16 =	vld.idx.msk [tilespmem:v16+s24+$0x0], $0xffff;
	v6 =	vmul.f32 v6, v5  }
0x220: {  	v24 =	vld.idx.msk [tilespmem:v24+s24+$0x0], $0xffff;
	v7 =	vmul.f32 v7, v5  }
0x221: {  	v8 =	vmul.f32 v8, v5;
	v22 =	vld.idx.msk [tilespmem:v22+s24+$0x0], $0xffff;
	[tilespmem:s4+$0x160] =	vst v6  }
0x222: {  	v32 =	vld [tilespmem:s4+$0x0];
	v6 =	vmul.f32 v9, v5;
	[tilespmem:s4+$0x170] =	vst v7  }
0x223: {  	v33 =	vld [tilespmem:s4+$0xFFFFFFF0];
	v7 =	vmul.f32 v10, v5;
	[tilespmem:s4+$0x140] =	vst v8  }
0x224: {  	v34 =	vld [tilespmem:s4+$0xFFFFFFE0];
	v8 =	vmul.f32 v11, v5;
	[tilespmem:s4+$0x130] =	vst v6  }
0x225: {  	v9 =	vld [tilespmem:s4+$0xFFFFFFB0];
	v6 =	vmul.f32 v12, v5;
	[tilespmem:s4+$0x120] =	vst v7  }
0x226: {  	v10 =	vld [tilespmem:s4+$0xFFFFFFA0];
	v7 =	vmul.f32 v13, v4;
	[tilespmem:s4+$0x110] =	vst v8  }
0x227: {  	v11 =	vld [tilespmem:s4+$0xFFFFFF80];
	v8 =	vmul.f32 v14, v4;
	[tilespmem:s4+$0x100] =	vst v6  }
0x228: {  	v35 =	vld [tilespmem:s4+$0xFFFFFFD0];
	v6 =	vmul.f32 v15, v4;
	[tilespmem:s4+$0xF0] =	vst v7  }
0x229: {  	v12 =	vld [tilespmem:s4+$0xFFFFFF70];
	[tilespmem:s4+$0xE0] =	vst v8;
	v8 =	vmul.f32 v25, v24  }
0x22a: {  	v13 =	vld [tilespmem:s4+$0xFFFFFF60];
	v9 =	vmul.f32 v9, v20;
	[tilespmem:s4+$0x80] =	vst v6  }
0x22b: {  	v14 =	vld [tilespmem:s4+$0xFFFFFE90];
	v10 =	vmul.f32 v10, v20;
	[tilespmem:s4+$0x1D0] =	vst v8  }
0x22c: {  	v7 =	vld [tilespmem:s4+$0xFFFFFF90];
	v11 =	vmul.f32 v11, v20;
	[tilespmem:s4+$0xFFFFFFB0] =	vst v9  }
0x22d: {  	v6 =	vmul.f32 v23, v24;
	v8 =	vmul.f32 v21, v24;
	v21 =	vld [tilespmem:s4+$0xFFFFFE20];
	[tilespmem:s4+$0xFFFFFFA0] =	vst v10  }
0x22e: {  	v9 =	vld [tilespmem:s4+$0xFFFFFF30];
	[tilespmem:s4+$0xFFFFFF80] =	vst v11  }
0x22f: {  	v10 =	vld [tilespmem:s4+$0xFFFFFF20];
	v12 =	vmul.f32 v12, v16;
	[tilespmem:s4+$0x1E0] =	vst v6  }
0x230: {  	v13 =	vmul.f32 v13, v16;
	v11 =	vld [tilespmem:s4+$0xFFFFFF00];
	[tilespmem:s4+$0x1F0] =	vst v8  }
0x231: {  	v14 =	vmul.f32 v14, v22;
	v6 =	vld [tilespmem:s4+$0xFFFFFF50];
	[tilespmem:s4+$0xFFFFFF70] =	vst v12  }
0x232: {  	v8 =	vld [tilespmem:s4+$0xFFFFFF40];
	v7 =	vmul.f32 v7, v20;
	[tilespmem:s4+$0xFFFFFF60] =	vst v13  }
0x233: {  	v12 =	vld [tilespmem:s4+$0xFFFFFEF0];
	[tilespmem:s4+$0xFFFFFE90] =	vst v14;
	v9 =	vmul.f32 v9, v16  }
0x234: {  	[tilespmem:s4+$0xFFFFFF90] =	vst v7;
	v7 =	vld [tilespmem:s4+$0xFFFFFF10];
	v10 =	vmul.f32 v10, v16  }
0x235: {  	v13 =	vld [tilespmem:s4+$0xFFFFFEE0];
	v11 =	vmul.f32 v11, v16;
	[tilespmem:s4+$0xFFFFFF30] =	vst v9  }
0x236: {  	v6 =	vmul.f32 v6, v16;
	v9 =	vld [tilespmem:s4+$0xFFFFFEB0];
	[tilespmem:s4+$0xFFFFFF20] =	vst v10  }
0x237: {  	v8 =	vmul.f32 v8, v16;
	v10 =	vld [tilespmem:s4+$0xFFFFFEA0];
	[tilespmem:s4+$0xFFFFFF00] =	vst v11  }
0x238: {  	v12 =	vmul.f32 v12, v22;
	[tilespmem:s4+$0xFFFFFF50] =	vst v6;
	v6 =	vld [tilespmem:s4+$0xFFFFFED0]  }
0x239: {  	[tilespmem:s4+$0xFFFFFF40] =	vst v8;
	v8 =	vld [tilespmem:s4+$0xFFFFFEC0];
	v7 =	vmul.f32 v7, v16  }
0x23a: {  	v21 =	vmul.f32 v21, v17;
	v11 =	vld [tilespmem:s4+$0xFFFFFE80];
	[tilespmem:s4+$0xFFFFFEF0] =	vst v12  }
0x23b: {  	v12 =	vld [tilespmem:s4+$0xFFFFFE70];
	[tilespmem:s4+$0xFFFFFF10] =	vst v7;
	v7 =	vmul.f32 v13, v22  }
0x23c: {  	[tilespmem:s4+$0xFFFFFE20] =	vst v21;
	v16 =	vld [tilespmem:s4+$0xFFFFFE50];
	v15 =	vmul.f32 v9, v22;
	v9 =	vmul.f32 v18, v3  }
0x23d: {  	v13 =	vld [tilespmem:s4+$0xFFFFFE60];
	v10 =	vmul.f32 v10, v22;
	v6 =	vmul.f32 v6, v22;
	[tilespmem:s4+$0xFFFFFEE0] =	vst v7  }
0x23e: {  	v36 =	vld [tilespmem:s4+$0xFFFFFFC0];
	v8 =	vmul.f32 v8, v22;
	v7 =	vmul.f32 v19, v3;
	[tilespmem:s4+$0xFFFFFEB0] =	vst v15  }
0x23f: {  	v18 =	vld [tilespmem:s4+$0xFFFFFE40];
	v15 =	vmul.f32 v11, v22;
	[tilespmem:s4+$0xFFFFFEA0] =	vst v10;
	v10 =	vmul.f32 v31, v3  }
0x240: {  	v19 =	vld [tilespmem:s4+$0xFFFFFE30];
	v12 =	vmul.f32 v12, v17;
	v11 =	vmul.f32 v28, v24;
	[tilespmem:s4+$0xFFFFFED0] =	vst v6  }
0x241: {  	v22 =	vld [tilespmem:s4+$0xFFFFFE10];
	v16 =	vmul.f32 v16, v17;
	[tilespmem:s4+$0xFFFFFEC0] =	vst v8;
	v8 =	vmul.f32 v30, v24  }
0x242: {  	v63 =	vld [tilespmem:s4+$0xFFFFFE00];
	v6 =	vmul.f32 v29, v24;
	v14 =	vmul.f32 v13, v17;
	[tilespmem:s4+$0xFFFFFE80] =	vst v15  }
0x243: {  	p0 =	por $0x1, $0x1;
	v13 =	vmul.f32 v32, v3;
	[tilespmem:s4+$0xFFFFFE70] =	vst v12;
	v12 =	vmul.f32 v27, v24;
	v27 =	vld [tilespmem:s4+$0x90]  }
.Ltmp14:
0x244: {  	v25 =	vld [tilespmem:s4+$0xC0];
	v15 =	vmul.f32 v33, v20;
	[tilespmem:s4+$0xFFFFFE50] =	vst v16;
	v23 =	vmul.f32 v18, v17;
	(pc) =	sbr.rel @!p0 .LBB2_19-.Ltmp14, $4  }
0x245: {  	v16 =	vmul.f32 v34, v20;
	v18 =	vld [tilespmem:s4+$0xD0];
	[tilespmem:s4+$0xFFFFFE60] =	vst v14;
	v19 =	vmul.f32 v19, v17  }
0x246: {  	v14 =	vmul.f32 v26, v24;
	[tilespmem:s4+$0xFFFFFE40] =	vst v23;
	v22 =	vmul.f32 v22, v17;
	v23 =	vld [tilespmem:s4+$0x150]  }
0x247: {  	v24 =	vld [tilespmem:s4+$0xB0];
	[tilespmem:s4+$0xFFFFFE30] =	vst v19;
	v19 =	vmul.f32 v35, v20;
	v20 =	vmul.f32 v36, v20  }
0x248: {  	s25 =	simm.s32 $0x8;
	s1 =	simm.s32 $0x17F00;
	v17 =	vmul.f32 v63, v17;
	[tilespmem:s4+$0xFFFFFE10] =	vst v22;
	v26 =	vmul.f32 v27, v4;
	v22 =	vld [tilespmem:s4+$0xA0]  }
.LBB2_18:
0x249: {  	s12 =	sadd.s32 s25, s2;
	v21 =	vld [tilespmem:s1+$0x160];
	p0 =	sne.s32 s25, $0x78;
	s25 =	sadd.s32 $0x8, s25;
	[tilespmem:s4+$0xFFFFFFC0] =	vst v20  }
0x24a: {  	v20 =	vmov s12;
	s11 =	sadd.s32 $0x1, s12;
	s14 =	sadd.s32 $0x6, s12;
	s10 =	sadd.s32 $0x7, s12;
	v27 =	vld [tilespmem:s1+$0x170];
	[tilespmem:s4+$0x90] =	vst v26;
	v25 =	vmul.f32 v25, v4  }
0x24b: {  	s15 =	sadd.s32 $0x3, s12;
	s16 =	sadd.s32 $0x4, s12;
	v26 =	vmov s11;
	s11 =	sadd.s32 $0x2, s12;
	v28 =	vmov s14;
	v29 =	vld [tilespmem:s1+$0x140];
	[tilespmem:s4+$0xFFFFFFD0] =	vst v19;
	v5 =	vmul.f32 v23, v5  }
0x24c: {  	v19 =	vand.u32 $0xFFFFFFF8, v20;
	s12 =	sadd.s32 $0x5, s12;
	v20 =	vand.u32 $0xFFFFFFFE, v28;
	v23 =	vld [tilespmem:s1+$0x130];
	v24 =	vmul.f32 v24, v4;
	[tilespmem:s4+$0xC0] =	vst v25  }
0x24d: {  	v25 =	vand.u32 $0xFFFFFFF9, v26;
	v26 =	vmov s11;
	v28 =	vmov s15;
	v30 =	vld [tilespmem:s1+$0x120];
	[tilespmem:s4+$0x150] =	vst v5  }
0x24e: {  	v31 =	vmov s12;
	v5 =	vand.u32 $0xFFFFFFFB, v28;
	v28 =	vmov s16;
	v32 =	vld [tilespmem:s1+$0x110];
	[tilespmem:s4+$0xB0] =	vst v24  }
0x24f: {  	v19 =	vbroadcast v19, $0x0;
	v5 =	vbroadcast v5, $0x0;
	v24 =	vand.u32 $0xFFFFFFFC, v28;
	v28 =	vld [tilespmem:s1+$0x100];
	[tilespmem:s4+$0xFFFFFFE0] =	vst v16  }
0x250: {  	v16 =	vbroadcast v24, $0x0;
	v24 =	vand.u32 $0xFFFFFFFD, v31;
	v31 =	vld [tilespmem:s1+$0xF0];
	[tilespmem:s4+$0x70] =	vst v9;
	v9 =	vmul.f32 v22, v4  }
0x251: {  	v22 =	vbroadcast v24, $0x0;
	v24 =	vld [tilespmem:s1+$0xE0];
	[tilespmem:s4+$0xFFFFFFF0] =	vst v15  }
0x252: {  	v20 =	vbroadcast v20, $0x0;
	v15 =	vand.u32 $0xFFFFFFFA, v26;
	[tilespmem:s4+$0xA0] =	vst v9  }
0x253: {  	v9 =	vbroadcast v15, $0x0;
	v15 =	vld [tilespmem:s4+$0x50];
	[tilespmem:s4+$0x1C0] =	vst v14  }
0x254: {  	v14 =	vld [tilespmem:s4+$0x40];
	[tilespmem:s4+$0x60] =	vst v7  }
0x255: {  	[tilespmem:s4+$0x0] =	vst v13;
	v7 =	vld [tilespmem:s4+$0x30]  }
0x256: {  	v13 =	vld [tilespmem:s4+$0x20];
	[tilespmem:s4+$0x1B0] =	vst v12  }
0x257: {  	v12 =	vld [tilespmem:s1+$0x80];
	[tilespmem:s4+$0x10] =	vst v10  }
0x258: {  	v10 =	vld [tilespmem:s1+$0x70];
	v15 =	vmul.f32 v15, v3;
	[tilespmem:s4+$0x180] =	vst v11  }
0x259: {  	v11 =	vld [tilespmem:s1+$0x60];
	v14 =	vmul.f32 v14, v3;
	[tilespmem:s4+$0x190] =	vst v8  }
0x25a: {  	v7 =	vmul.f32 v7, v3;
	[tilespmem:s4+$0x50] =	vst v15  }
0x25b: {  	v3 =	vmul.f32 v13, v3;
	[tilespmem:s4+$0x40] =	vst v14  }
0x25c: {  	v4 =	vmul.f32 v18, v4;
	[tilespmem:s4+$0x30] =	vst v7  }
0x25d: {  	[tilespmem:s4+$0x20] =	vst v3  }
0x25e: {  	v26 =	vld [tilespmem:s1+$0x1F0];
	[tilespmem:s4+$0xD0] =	vst v4  }
0x25f: {  	v33 =	vld [tilespmem:s1+$0x1E0];
	[tilespmem:s4+$0x1A0] =	vst v6  }
0x260: {  	v34 =	vld [tilespmem:s1+$0x1D0];
	[tilespmem:s4+$0xFFFFFE00] =	vst v17;
	s4 =	smov.u32 s1  }
0x261: {  	v35 =	vld.idx.msk [tilespmem:v5+s24+$0x0], $0xffff  }
0x262: {  	v17 =	vld.idx.msk [tilespmem:v19+s24+$0x0], $0xffff  }
0x263: {  	v3 =	vld.idx.msk [tilespmem:v16+s24+$0x0], $0xffff  }
0x264: {  	v36 =	vld.idx.msk [tilespmem:v9+s24+$0x0], $0xffff  }
0x265: {  	v4 =	vld.idx.msk [tilespmem:v22+s24+$0x0], $0xffff  }
0x266: {  	v5 =	vld.idx.msk [tilespmem:v20+s24+$0x0], $0xffff  }
0x267: {  	v8 =	vmov s10;
	v6 =	vbroadcast v25, $0x0;
	v14 =	vld [tilespmem:s1+$0x1C0]  }
0x268: {  	v15 =	vld [tilespmem:s1+$0x1B0]  }
0x269: {  	v7 =	vmul.f32 v11, v3;
	v9 =	vmul.f32 v10, v3;
	v11 =	vld [tilespmem:s1+$0x180]  }
0x26a: {  	v10 =	vld [tilespmem:s1+$0x1A0]  }
0x26b: {  	v13 =	vld [tilespmem:s1+$0x190]  }
0x26c: {  	v16 =	vmul.f32 v27, v5;
	v22 =	vld.idx.msk [tilespmem:v8+s24+$0x0], $0xffff;
	v8 =	vmul.f32 v21, v5  }
0x26d: {  	v19 =	vmul.f32 v31, v4;
	v18 =	vld.idx.msk [tilespmem:v6+s24+$0x0], $0xffff;
	v6 =	vmul.f32 v29, v5  }
0x26e: {  	v24 =	vmul.f32 v24, v4;
	v21 =	vmul.f32 v12, v4;
	v20 =	vld [tilespmem:s1+$0x10];
	[tilespmem:s1+$0x160] =	vst v8  }
0x26f: {  	v23 =	vmul.f32 v23, v5;
	v8 =	vmul.f32 v30, v5;
	v12 =	vld [tilespmem:s1+$0x0];
	[tilespmem:s1+$0x170] =	vst v16  }
0x270: {  	v25 =	vmul.f32 v28, v5;
	v27 =	vmul.f32 v32, v5;
	v16 =	vld [tilespmem:s1+$0xFFFFFFF0];
	[tilespmem:s1+$0x140] =	vst v6  }
0x271: {  	v28 =	vld [tilespmem:s1+$0xFFFFFFE0];
	[tilespmem:s1+$0x130] =	vst v23  }
0x272: {  	v6 =	vmul.f32 v10, v22;
	v23 =	vld [tilespmem:s1+$0xFFFFFFD0];
	[tilespmem:s1+$0x120] =	vst v8;
	v8 =	vmul.f32 v13, v22  }
0x273: {  	v11 =	vmul.f32 v11, v22;
	v29 =	vld [tilespmem:s1+$0xFFFFFFC0];
	v10 =	vmul.f32 v20, v3;
	[tilespmem:s1+$0x110] =	vst v27  }
0x274: {  	v27 =	vld [tilespmem:s1+$0xFFFFFFB0];
	v13 =	vmul.f32 v12, v3;
	[tilespmem:s1+$0x100] =	vst v25;
	v12 =	vmul.f32 v15, v22  }
0x275: {  	v14 =	vmul.f32 v14, v22;
	v25 =	vld [tilespmem:s1+$0xFFFFFFA0];
	v15 =	vmul.f32 v16, v35;
	[tilespmem:s1+$0xF0] =	vst v19  }
0x276: {  	v30 =	vld [tilespmem:s1+$0xFFFFFF90];
	v16 =	vmul.f32 v28, v35;
	[tilespmem:s1+$0xE0] =	vst v24;
	v24 =	vmul.f32 v34, v22  }
0x277: {  	v28 =	vld [tilespmem:s1+$0xFFFFFF80];
	v19 =	vmul.f32 v23, v35;
	[tilespmem:s1+$0x80] =	vst v21;
	v21 =	vmul.f32 v33, v22  }
0x278: {  	v22 =	vmul.f32 v26, v22;
	v23 =	vld [tilespmem:s1+$0xFFFFFF70];
	v20 =	vmul.f32 v29, v35;
	[tilespmem:s1+$0x1D0] =	vst v24  }
0x279: {  	v24 =	vld [tilespmem:s1+$0xFFFFFF60];
	v26 =	vmul.f32 v27, v35;
	[tilespmem:s1+$0x1E0] =	vst v21  }
0x27a: {  	v21 =	vld [tilespmem:s1+$0xFFFFFF50];
	v25 =	vmul.f32 v25, v35;
	[tilespmem:s1+$0x1F0] =	vst v22  }
0x27b: {  	v22 =	vld [tilespmem:s1+$0xFFFFFF40];
	v27 =	vmul.f32 v30, v35;
	[tilespmem:s1+$0xFFFFFFB0] =	vst v26  }
0x27c: {  	v26 =	vld [tilespmem:s1+$0xFFFFFF30];
	v28 =	vmul.f32 v28, v35;
	[tilespmem:s1+$0xFFFFFFA0] =	vst v25  }
0x27d: {  	v25 =	vld [tilespmem:s1+$0xFFFFFF20];
	v23 =	vmul.f32 v23, v36;
	[tilespmem:s1+$0xFFFFFF90] =	vst v27  }
0x27e: {  	v27 =	vld [tilespmem:s1+$0xFFFFFF10];
	v24 =	vmul.f32 v24, v36;
	[tilespmem:s1+$0xFFFFFF80] =	vst v28  }
0x27f: {  	v28 =	vld [tilespmem:s1+$0xFFFFFF00];
	v21 =	vmul.f32 v21, v36;
	[tilespmem:s1+$0xFFFFFF70] =	vst v23  }
0x280: {  	v23 =	vld [tilespmem:s1+$0xFFFFFEF0];
	v22 =	vmul.f32 v22, v36;
	[tilespmem:s1+$0xFFFFFF60] =	vst v24  }
0x281: {  	v24 =	vld [tilespmem:s1+$0xFFFFFEE0];
	v26 =	vmul.f32 v26, v36;
	[tilespmem:s1+$0xFFFFFF50] =	vst v21  }
0x282: {  	v21 =	vld [tilespmem:s1+$0xFFFFFED0];
	v25 =	vmul.f32 v25, v36;
	[tilespmem:s1+$0xFFFFFF40] =	vst v22  }
0x283: {  	v22 =	vld [tilespmem:s1+$0xFFFFFEC0];
	v27 =	vmul.f32 v27, v36;
	[tilespmem:s1+$0xFFFFFF30] =	vst v26  }
0x284: {  	v26 =	vld [tilespmem:s1+$0xFFFFFEB0];
	v28 =	vmul.f32 v28, v36;
	[tilespmem:s1+$0xFFFFFF20] =	vst v25  }
0x285: {  	v25 =	vld [tilespmem:s1+$0xFFFFFEA0];
	v23 =	vmul.f32 v23, v18;
	[tilespmem:s1+$0xFFFFFF10] =	vst v27  }
0x286: {  	v27 =	vld [tilespmem:s1+$0xFFFFFE90];
	v24 =	vmul.f32 v24, v18;
	[tilespmem:s1+$0xFFFFFF00] =	vst v28  }
0x287: {  	v28 =	vld [tilespmem:s1+$0xFFFFFE80];
	v21 =	vmul.f32 v21, v18;
	[tilespmem:s1+$0xFFFFFEF0] =	vst v23  }
0x288: {  	v23 =	vld [tilespmem:s1+$0xFFFFFE70];
	v22 =	vmul.f32 v22, v18;
	[tilespmem:s1+$0xFFFFFEE0] =	vst v24  }
0x289: {  	v24 =	vld [tilespmem:s1+$0xFFFFFE60];
	v26 =	vmul.f32 v26, v18;
	[tilespmem:s1+$0xFFFFFED0] =	vst v21  }
0x28a: {  	v21 =	vld [tilespmem:s1+$0xFFFFFE50];
	v25 =	vmul.f32 v25, v18;
	[tilespmem:s1+$0xFFFFFEC0] =	vst v22  }
0x28b: {  	v22 =	vld [tilespmem:s1+$0xFFFFFE40];
	v27 =	vmul.f32 v27, v18;
	[tilespmem:s1+$0xFFFFFEB0] =	vst v26  }
0x28c: {  	v26 =	vld [tilespmem:s1+$0xFFFFFE30];
	v18 =	vmul.f32 v28, v18;
	[tilespmem:s1+$0xFFFFFEA0] =	vst v25  }
0x28d: {  	v25 =	vld [tilespmem:s1+$0xFFFFFE20];
	v23 =	vmul.f32 v23, v17;
	[tilespmem:s1+$0xFFFFFE90] =	vst v27  }
0x28e: {  	v27 =	vld [tilespmem:s1+$0xFFFFFE10];
	v24 =	vmul.f32 v24, v17;
	[tilespmem:s1+$0xFFFFFE80] =	vst v18  }
0x28f: {  	v28 =	vld [tilespmem:s1+$0xFFFFFE00];
	v18 =	vmul.f32 v21, v17;
	[tilespmem:s1+$0xFFFFFE70] =	vst v23  }
0x290: {  	v21 =	vmul.f32 v22, v17;
	[tilespmem:s1+$0xFFFFFE60] =	vst v24;
	v22 =	vld [tilespmem:s1+$0x90]  }
.Ltmp15:
0x291: {  	v23 =	vmul.f32 v26, v17;
	[tilespmem:s1+$0xFFFFFE50] =	vst v18;
	v18 =	vld [tilespmem:s1+$0xD0];
	(pc) =	sbr.rel @p0 .LBB2_18-.Ltmp15, $4  }
0x292: {  	v24 =	vmul.f32 v25, v17;
	[tilespmem:s1+$0xFFFFFE40] =	vst v21;
	v25 =	vld [tilespmem:s1+$0xC0]  }
0x293: {  	v21 =	vmul.f32 v27, v17;
	[tilespmem:s1+$0xFFFFFE30] =	vst v23;
	v23 =	vld [tilespmem:s1+$0x150]  }
0x294: {  	v17 =	vmul.f32 v28, v17;
	[tilespmem:s1+$0xFFFFFE20] =	vst v24;
	v24 =	vld [tilespmem:s1+$0xB0]  }
0x295: {  	s1 =	sadd.s32 $0x400, s1;
	[tilespmem:s4+$0xFFFFFE10] =	vst v21;
	v26 =	vmul.f32 v22, v4;
	v22 =	vld [tilespmem:s4+$0xA0]  }
.LBB2_19:
0x296: {  	[tilespmem:s4+$0xFFFFFFC0] =	vst v20  }
0x297: {  	[tilespmem:s4+$0xFFFFFFD0] =	vst v19  }
0x298: {  	[tilespmem:s4+$0xFFFFFFE0] =	vst v16  }
0x299: {  	[tilespmem:s4+$0x70] =	vst v9  }
0x29a: {  	[tilespmem:s4+$0xFFFFFFF0] =	vst v15  }
0x29b: {  	[tilespmem:s4+$0x60] =	vst v7  }
0x29c: {  	[tilespmem:s4+$0x0] =	vst v13  }
0x29d: {  	[tilespmem:s4+$0x1C0] =	vst v14  }
0x29e: {  	[tilespmem:s4+$0x1B0] =	vst v12  }
0x29f: {  	[tilespmem:s4+$0x10] =	vst v10  }
0x2a0: {  	[tilespmem:s4+$0x180] =	vst v11  }
0x2a1: {  	[tilespmem:s4+$0x190] =	vst v8  }
0x2a2: {  	[tilespmem:s4+$0x1A0] =	vst v6  }
0x2a3: {  	v59 =	vld [tilespmem:s4+$0x50];
	[tilespmem:s4+$0x90] =	vst v26;
	v56 =	vmul.f32 v25, v4  }
0x2a4: {  	v60 =	vld [tilespmem:s4+$0x40];
	v63 =	vmul.f32 v18, v4;
	[tilespmem:s4+$0xFFFFFE00] =	vst v17  }
0x2a5: {  	v61 =	vld [tilespmem:s4+$0x30];
	v5 =	vmul.f32 v23, v5;
	[tilespmem:s4+$0xC0] =	vst v56  }
0x2a6: {  	v62 =	vld [tilespmem:s4+$0x20];
	v57 =	vmul.f32 v24, v4;
	[tilespmem:s4+$0xD0] =	vst v63  }
0x2a7: {  	[tilespmem:s4+$0x150] =	vst v5;
	v58 =	vmul.f32 v22, v4  }
0x2a8: {  	[tilespmem:s4+$0xB0] =	vst v57;
	v9 =	vmul.f32 v59, v3  }
0x2a9: {  	v5 =	vmul.f32 v60, v3;
	[tilespmem:s4+$0xA0] =	vst v58  }
0x2aa: {  	v7 =	vmul.f32 v61, v3;
	[tilespmem:s4+$0x50] =	vst v9  }
0x2ab: {  	v3 =	vmul.f32 v62, v3;
	[tilespmem:s4+$0x40] =	vst v5  }
0x2ac: {  	s8 =	sadd.s32 $0x1, s8;
	[tilespmem:s4+$0x30] =	vst v7  }
0x2ad: {  	s1 =	sadd.s32 $0xA000, s13;
	p0 =	sne.s32 s8, s7;
	[tilespmem:s4+$0x20] =	vst v3  }
0x2ae: {  	[spmem:s3] =	stream.indirect.scatter.add.f32 [tilespmem:s21], [sflag:$0x2], $0x80, s1, s23, $0xb8;
	[tilespmem:$0x1F900] =	vst v63  }
.Ltmp16:
0x2af: {  	_ = 	snop;
	(pc) =	sbr.rel @p0 .LBB2_17-.Ltmp16, $4  }
.Ltmp17:
0x2b0: {  	_ = 	snop;
	(pc) =	sbr.rel @!p0 .LBB2_20-.Ltmp17, $4  }
0x2b1: {  	_ =	swait.ge [sflag:s17], $0x4000  }
0x2b2: {  	[sflag:s17] =	ssyncset.done $0x0  }
0x2b3: {  	s2 =	sadd.s32 $0x80, s2;
	[sflag:s17] =	ssyncadd.s32 $0xFFFFC000  }
0x2b4: {  	_ = 	snop  }
.LBB2_12:
.Ltmp18:
0x2b5: {  	(pc) =	sbr.rel .LBB2_16-.Ltmp18, $3  }
0x2b6: {  	_ =	sdelay $0x1  }
0x2b7: {  	s13 =	simm.s32 $0xA040  }
0x2b8: {  	s25 =	smov.u32 s31;
	s8 =	simm.s32 $0xA840;
	s4 =	smov.u32 s0  }
.LBB2_14:
.Ltmp19:
0x2b9: {  	(pc) =	sbr.rel .LBB2_16-.Ltmp19, $2  }
0x2ba: {  	_ =	sdelay $0x2  }
0x2bb: {  	s13 =	simm.s32 $0xA040;
	s25 =	smov.u32 s31;
	s8 =	simm.s32 $0xA840  }
.LBB2_23:
0x2bc: {  	_ =	sfence.sel $0x180000  }
0x2bd: {  	[bflag:$0x0] =	sbarrier.arrive $0xFFFF  }
0x2be: {  	_ =	strace $0x90000047  }
0x2bf: {  	s0 =	stileid.u32;
	[bflag:$0x2] =	sbarrier.arrive $0xFFFF  }
0x2c0: {  	p0 =	sne.s32 s0, $0x0;
	s0 =	rddreg [dreg:$0x3]  }
0x2c1: {  	s0 =	sadd.s32 @!p0 $0x100000, s0  }
0x2c2: {  	[sflag:s0] =	ssyncadd.tile.s32 @!p0 $0x1;
	_ =	shalt  }
.Lfunc_end2:
_tile_overlayer_lowered:
.L_overlay_start_2:
0x2c3: {  	(tag) =	ssettag $0x2  }
0x2c4: {  	s0 =	rddreg [dreg:$0x0];
	s2 =	stileid.u32  }
0x2c5: {  	s1 =	rddreg [dreg:$0x1];
	p0 =	sne.s32 s2, $0x0  }
0x2c6: {  	s3 =	rddreg [dreg:$0x2];
	[bflag:$0x3] =	sbarrier.arrive $0xFFFF;
	s2 =	simm.s32 @!p0 $0x1C02  }
0x2c7: {  	[timem:s3], [sflag:s2] =	dma.local @!p0 [hbm:s0], s1  }
0x2c8: {  	s0 =	simm.s32 @!p0 $0x2  }
0x2c9: {  	_ =	swait.ge @!p0 [sflag:s0], s1  }
0x2ca: {  	s1 =	ssub.s32 @!p0 $0x0, s1;
	[sflag:s0] =	ssyncset.done @!p0 $0x0  }
0x2cb: {  	[sflag:s0] =	ssyncadd.s32 @!p0 s1  }
0x2cc: {  	[bflag:$0x3] =	sbarrier.arrive $0xFFFF  }
0x2cd: {  	_ =	shalt  }

</sc_bundles>
